<compile_context>
chip_gen: v7x
topology: tpu7x:2x2x1
jax: 0.10.2.dev20260603
libtpu: 0.0.44.dev20260713+nightly
codegen_flags: <defaults>
</compile_context>

<pallas_src>
import jax
import jax.numpy as jnp
import numpy as np
from jax import lax
from jax.experimental import pallas as pl
from jax.experimental.pallas import tpu as pltpu
from jax.experimental.pallas import tpu_sc as plsc

_CFGS = [
    [[32, 32], [64, 64], [128, 128]],
    [[64, 64], [128, 128], [256, 256]],
    [[48, 48], [96, 96], [192, 192]],
    [[64, 64, 64], [128, 128], [256]],
    [[96, 96], [192, 192], [384, 384]],
    [[64], [128, 128, 128], [256, 256]],
    [[80, 80], [160, 160], [320, 320]],
    [[64, 64], [128, 128, 128], [256]],
]
_ALPHA = 0.1
_BN = float(1.0 / np.sqrt(1.0 + 1e-5))
_B = 16
_G = 48
_NCLS = 100
_STAGE_H = (32, 16, 8)


_WP = {32: 40, 16: 24, 8: 16}
_S = 1


def _npad(H):
    return (H + 2) * _WP[H]


def _ntot(H):
    return _npad(H) + 2 * _G


def _mk_mask(H):
    Hp, Wp = H + 2, _WP[H]
    per = np.zeros((Hp, Wp), np.float32)
    per[1:1 + H, 1:1 + H] = 1.0
    per = np.concatenate([np.zeros((_G, 1), np.float32),
                          per.reshape(Hp * Wp, 1),
                          np.zeros((_G, 1), np.float32)], axis=0)
    full = np.tile(per, (_S, 1))
    return full[_G:-_G]


_MASKS = {H: _mk_mask(H) for H in _STAGE_H}


def _mk_head_mask():
    Hp, Wp = 10, _WP[8]
    m = np.zeros((Hp, Wp), np.float32)
    m[1:9, 1:9] = 1.0
    return m.reshape(Hp * Wp, 1)


_HEAD_MASK = _mk_head_mask()


def _gate_body(l_hbm, out_hbm, lv, gv):
    c = lax.axis_index("c")
    s = lax.axis_index("s")

    @pl.when(c == 0)
    def _():
        b = s
        pltpu.sync_copy(l_hbm.at[b], lv)
        lane = lax.iota(jnp.int32, 16)
        lvec = lv[...]
        logits = [lvec[e] for e in range(8)]
        m1 = logits[0]
        i1 = jnp.int32(0)
        for e in range(1, 8):
            gt = logits[e] > m1
            m1 = jnp.where(gt, logits[e], m1)
            i1 = jnp.where(gt, jnp.int32(e), i1)
        m2 = jnp.float32(-1e30)
        i2 = jnp.int32(0)
        for e in range(8):
            cand = jnp.logical_and(logits[e] > m2, jnp.int32(e) != i1)
            m2 = jnp.where(cand, logits[e], m2)
            i2 = jnp.where(cand, jnp.int32(e), i2)
        ev = jnp.exp(jnp.full((16,), 1.0, jnp.float32) * (m2 - m1))
        g1 = 1.0 / (1.0 + ev)
        g2 = 1.0 - g1
        gvec = (jnp.where(lane == i1, g1, 0.0)
                + jnp.where(lane == i2, g2, 0.0))
        gv[...] = gvec
        pltpu.sync_copy(gv, out_hbm.at[b])


def _gate_sc(logits16):
    mesh = plsc.VectorSubcoreMesh(core_axis_name="c", subcore_axis_name="s")
    f = pl.kernel(
        _gate_body,
        mesh=mesh,
        out_type=jax.ShapeDtypeStruct((_B, 16), jnp.float32),
        scratch_types=[
            pltpu.VMEM((16,), jnp.float32),
            pltpu.VMEM((16,), jnp.float32),
        ],
    )
    return f(logits16)


def _leaky_bn(y):
    v = y * _BN
    return jnp.where(v >= 0, v, _ALPHA * v)


def _pool(h, H, C):
    Hp, Wp = H + 2, _WP[H]
    H2 = H // 2
    Hp2, Wp2 = H2 + 2, _WP[H2]
    h4 = h.reshape(_S, _ntot(H), C)[:, _G:_G + Hp * Wp, :]
    h4 = h4.reshape(_S, Hp, Wp, C)
    hi = h4[:, 1:1 + H, 1:1 + H, :]
    r = hi.reshape(_S, H2, 2, H, C)
    rm = jnp.maximum(r[:, :, 0, :, :], r[:, :, 1, :, :])
    cp = rm.reshape(_S, H2, H2, 2, C)
    pm = jnp.maximum(cp[:, :, :, 0, :], cp[:, :, :, 1, :])
    zl = jnp.zeros((_S, H2, 1, C), h.dtype)
    zr = jnp.zeros((_S, H2, Wp2 - 1 - H2, C), h.dtype)
    p = jnp.concatenate([zl, pm, zr], axis=2)
    zt = jnp.zeros((_S, 1, Wp2, C), h.dtype)
    p = jnp.concatenate([zt, p, zt], axis=1)
    flat = p.reshape(_S, Hp2 * Wp2, C)
    zg = jnp.zeros((_S, _G, C), h.dtype)
    return jnp.concatenate([zg, flat, zg], axis=1).reshape(_S * _ntot(H2), C)


def _expert_compute(cfg, h, masks, mh_ref, wrefs, ow_ref):
    li = 0
    for si, stage in enumerate(cfg):
        H = _STAGE_H[si]
        Wp = _WP[H]
        span = _S * _ntot(H) - 2 * _G
        for j in range(len(stage)):
            pw = (len(stage) > 1) and ((j + 1) % 2 == 1)
            w = wrefs[li]
            li += 1
            if pw:
                h = _leaky_bn(
                    jnp.dot(h, w[...],
                            preferred_element_type=jnp.float32))
            else:
                xc = h
                xp1 = h[1:, :]
                xm7 = h[7:, :]
                y = None
                for di in range(3):
                    row = (di - 1) * Wp
                    for dj, (src, base) in enumerate(
                            ((xm7, _G - 8), (xc, _G), (xp1, _G))):
                        off = base + row
                        t = jnp.dot(src[off:off + span, :],
                                    w[di, dj],
                                    preferred_element_type=jnp.float32)
                        y = t if y is None else y + t
                v = _leaky_bn(y * masks[si][...])
                oc = v.shape[1]
                zg = jnp.zeros((_G, oc), jnp.float32)
                h = jnp.concatenate([zg, v, zg], axis=0)
        if si != len(cfg) - 1:
            h = _pool(h, H, h.shape[1])
    c3 = h.shape[1]
    hh = h.reshape(_S, _ntot(8), c3)[:, _G:_G + _npad(8), :]
    y = jnp.dot(hh.reshape(_S * _npad(8), c3), ow_ref[...],
                preferred_element_type=jnp.float32)
    y = jnp.where(y >= 0, y, _ALPHA * y)
    y = y.reshape(_S, _npad(8), _NCLS)
    return jnp.sum(y, axis=1) * (1.0 / 64.0)


def _make_moe(cfgs, nw_per_expert):
    def body(x_ref, g_ref, m1_ref, m2_ref, m3_ref, mh_ref, *rest):
        out_ref = rest[-1]
        wflat = rest[:-1]
        masks = (m1_ref, m2_ref, m3_ref)
        out_ref[...] = jnp.zeros((1, 1, _NCLS), jnp.float32)
        idx = 0
        for e, cfg in enumerate(cfgs):
            nw = nw_per_expert[e]
            wrefs = wflat[idx:idx + nw]
            ow_ref = wflat[idx + nw]
            idx += nw + 1
            g = g_ref[0, e, 0]

            @pl.when(g != 0.0)
            def _(cfg=cfg, wrefs=wrefs, ow_ref=ow_ref, g=g):
                m = _expert_compute(cfg, x_ref[0], masks, mh_ref,
                                    wrefs, ow_ref)
                out_ref[...] = out_ref[...] + (m * g).reshape(1, 1, _NCLS)
    return body


def kernel(x, params):
    gate = params['gate']
    pooled = x.reshape(_B, 3, 4, 8, 4, 8).mean(axis=(3, 5))
    gh = pooled.reshape(_B, -1) @ gate['w1'].T + gate['b1']
    gh = jnp.maximum(gh, 0.0)
    logits = gh @ gate['w2'].T + gate['b2']
    gates = _gate_sc(jnp.pad(logits, ((0, 0), (0, 8))))

    xt = jnp.transpose(x, (0, 2, 3, 1))
    xp4 = jnp.pad(xt, ((0, 0), (1, 1), (1, 7), (0, 0)))
    xp = jnp.pad(xp4.reshape(_B, _npad(32), 3),
                 ((0, 0), (_G, _G), (0, 0)))

    wall = []
    nw_per_expert = []
    for i, cfg in enumerate(_CFGS):
        ep = params['experts'][i]
        nw_per_expert.append(len(ep['units']))
        for w in ep['units']:
            if w.shape[2] == 1:
                wall.append(w[:, :, 0, 0].T)
            else:
                wall.append(jnp.transpose(w, (2, 3, 1, 0)))
        wall.append(ep['out_w'][:, :, 0, 0].T)
    gall = gates[:, :8].reshape(_B, 8, 1)

    in_specs = [
        pl.BlockSpec((1, _ntot(32), 3), lambda b: (b, 0, 0)),
        pl.BlockSpec((1, 8, 1), lambda b: (b, 0, 0)),
        pl.BlockSpec(_MASKS[32].shape, lambda b: (0, 0)),
        pl.BlockSpec(_MASKS[16].shape, lambda b: (0, 0)),
        pl.BlockSpec(_MASKS[8].shape, lambda b: (0, 0)),
        pl.BlockSpec(_HEAD_MASK.shape, lambda b: (0, 0)),
    ]
    for warr in wall:
        nd = warr.ndim
        in_specs.append(pl.BlockSpec(warr.shape, lambda b, _n=nd: (0,) * _n))
    o = pl.pallas_call(
        _make_moe(_CFGS, nw_per_expert),
        grid=(_B,),
        in_specs=in_specs,
        out_specs=pl.BlockSpec((1, 1, _NCLS), lambda b: (b, 0, 0)),
        out_shape=jax.ShapeDtypeStruct((_B, 1, _NCLS), jnp.float32),
    )(xp, gall, _MASKS[32], _MASKS[16], _MASKS[8], _HEAD_MASK, *wall)
    return o.reshape(_B, _NCLS)

# --- scband reference (transcript-rebuilt; emitter-appended) ---
"""Pipeline reference for scband-net-86689619902655 (READ-ONLY COPY).

The authoritative reference and input builder live on the scoring server;
editing this copy changes nothing except your own understanding.
"""

import jax, jax.numpy as jnp
import numpy as np
from jax import lax

EXPERT_CONFIGS = [
    [[32, 32], [64, 64], [128, 128]],
    [[64, 64], [128, 128], [256, 256]],
    [[48, 48], [96, 96], [192, 192]],
    [[64, 64, 64], [128, 128], [256]],
    [[96, 96], [192, 192], [384, 384]],
    [[64], [128, 128, 128], [256, 256]],
    [[80, 80], [160, 160], [320, 320]],
    [[64, 64], [128, 128, 128], [256]],
]
IN_CH = 3
NUM_CLASSES = 100
ALPHA = 0.1
BN_EPS = 1e-5
N_EXPERTS = 8
TOP_K = 2
GATE_HIDDEN = 64
BATCH = 16
IMG = 32


def _conv(x, w, pad):
    return lax.conv_general_dilated(x, w, window_strides=(1, 1), padding=[(pad, pad), (pad, pad)], dimension_numbers=('NCHW', 'OIHW', 'NCHW'))


def _leaky(x):
    return jnp.where(x >= 0, x, ALPHA * x)


def _maxpool2(x):
    return lax.reduce_window(x, -jnp.inf, lax.max, (1, 1, 2, 2), (1, 1, 2, 2), 'VALID')


def _expert_fwd(x, ep, cfg):
    # DenseNetExpert.forward in eval mode: conv -> BN(eval, default stats: scale by 1/sqrt(1+eps)) -> LeakyReLU
    bn_scale = 1.0 / np.sqrt(1.0 + BN_EPS)
    h = x
    idx = 0
    n_stages = len(cfg)
    for si, stage in enumerate(cfg):
        for j in range(len(stage)):
            w = ep['units'][idx]
            idx += 1
            pad = (w.shape[2] - 1) // 2
            h = _conv(h, w, pad)
            h = h * bn_scale
            h = _leaky(h)
        if si != n_stages - 1:
            h = _maxpool2(h)
    h = _conv(h, ep['out_w'], 0) + ep['out_b'][None, :, None, None]
    h = _leaky(h)
    return jnp.mean(h, axis=(2, 3))


def _forward(x, params):
    B = x.shape[0]
    C, H, W = x.shape[1], x.shape[2], x.shape[3]
    # Gate: AdaptiveAvgPool2d((4,4)) -> flatten -> Linear -> ReLU -> (Dropout eval=identity) -> Linear
    ph, pw = H // 4, W // 4
    pooled = x.reshape(B, C, 4, ph, 4, pw).mean(axis=(3, 5))
    g = pooled.reshape(B, -1)
    g = g @ params['gate']['w1'].T + params['gate']['b1']
    g = jnp.maximum(g, 0.0)
    logits = g @ params['gate']['w2'].T + params['gate']['b2']
    # eval mode: no gaussian noise
    topv, topi = lax.top_k(logits, TOP_K)
    topg = jax.nn.softmax(topv, axis=-1)
    gates = jnp.zeros_like(logits).at[jnp.arange(B)[:, None], topi].set(topg)
    # experts not in any sample's top-k have gate weight exactly 0, so the dense
    # sum over all experts is mathematically identical to the masked torch loop
    out = jnp.zeros((B, NUM_CLASSES), dtype=x.dtype)
    for i, cfg in enumerate(EXPERT_CONFIGS):
        eo = _expert_fwd(x, params['experts'][i], cfg)
        out = out + eo * gates[:, i][:, None]
    return out


def _make_params(key):
    cnt = [0]

    def nk():
        cnt[0] += 1
        return jax.random.fold_in(key, cnt[0])

    experts = []
    for cfg in EXPERT_CONFIGS:
        in_ch = IN_CH
        units = []
        for stage in cfg:
            for j, oc in enumerate(stage):
                # pointwise = len(stage)>1 and (not ((j+1)%2==1) ^ True) == len(stage)>1 and ((j+1)%2==1)
                pointwise = (len(stage) > 1) and ((j + 1) % 2 == 1)
                k = 1 if pointwise else 3
                fan_in = in_ch * k * k
                w = jax.random.normal(nk(), (oc, in_ch, k, k), dtype=jnp.float32) * np.sqrt(2.0 / fan_in)
                units.append(w)
                in_ch = oc
        out_w = jax.random.normal(nk(), (NUM_CLASSES, in_ch, 1, 1), dtype=jnp.float32) * np.sqrt(2.0 / in_ch)
        out_b = jnp.zeros((NUM_CLASSES,), dtype=jnp.float32)
        experts.append({'units': units, 'out_w': out_w, 'out_b': out_b})
    gate_in = IN_CH * 16
    gate = {
        'w1': jax.random.normal(nk(), (GATE_HIDDEN, gate_in), dtype=jnp.float32) * np.sqrt(1.0 / gate_in),
        'b1': jnp.zeros((GATE_HIDDEN,), dtype=jnp.float32),
        'w2': jax.random.normal(nk(), (N_EXPERTS, GATE_HIDDEN), dtype=jnp.float32) * np.sqrt(1.0 / GATE_HIDDEN),
        'b2': jnp.zeros((N_EXPERTS,), dtype=jnp.float32),
    }
    return {'experts': experts, 'gate': gate}


def setup_inputs(seed: int = 0) -> dict:
    key = jax.random.key(seed)
    x = jax.random.normal(jax.random.fold_in(key, 0), (BATCH, IN_CH, IMG, IMG), dtype=jnp.float32)
    params = _make_params(jax.random.fold_in(key, 1))
    return {'x': x, 'params': params}


def reference(x, params):
    return _forward(x, params)

if __name__ == "__main__":
    import jax
    _d = setup_inputs()
    print(jax.jit(kernel)(*tuple(_d.values())))

</pallas_src>

<mosaic_0001>
#map = affine_map<(d0, d1) -> (0, 0)>
module attributes {stable_mosaic.version = 14 : i64} {
  func.func @_gate_body(%arg0: i32, %arg1: i32, %arg2: memref<16x16xf32, #tpu.memory_space<hbm>>, %arg3: memref<16x16xf32, #tpu.memory_space<hbm>>, %arg4: memref<16xf32, #tpu.memory_space<vmem>>, %arg5: memref<16xf32, #tpu.memory_space<vmem>>) attributes {dimension_semantics = [#tpu.dimension_semantics<core_parallel>, #tpu.dimension_semantics<subcore_parallel>], iteration_bounds = array<i64: 2, 16>, scalar_prefetch = 0 : i64, scratch_operands = 2 : i64, tpu.core_type = #tpu.core_type<sc_vector_subcore>, window_params = [{transform_indices = #map}, {transform_indices = #map}]} {
    %eq3A = arith.constant 0 : i32
    %eq3A_0 = arith.cmpi eq, %arg0, %eq3A : i32
    %convert_element_type3A = arith.extui %eq3A_0 : i1 to i32
    %cond3A = arith.constant 0 : i32
    %cond3A_1 = arith.cmpi ne, %convert_element_type3A, %cond3A : i32
    scf.if %cond3A_1 {
      "tpu.region"() ({
        %run_scoped3A = tpu.sem_alloc : memref<!tpu.dma_semaphore, #tpu.memory_space<semaphore_mem>>
        %dma_start3A = arith.constant 0 : i32
        %dma_start3A_124 = tpu.memref_slice %arg2[%arg1, %dma_start3A] : memref<16x16xf32, #tpu.memory_space<hbm>> -> memref<1x16xf32, #tpu.memory_space<hbm>>
        %dma_start3A_125 = tpu.memref_squeeze %dma_start3A_124 : memref<1x16xf32, #tpu.memory_space<hbm>> -> memref<16xf32, #tpu.memory_space<hbm>>
        %dma_start3A_126 = arith.constant 0 : i32
        %dma_start3A_127 = tpu.memref_slice %arg2[%arg1, %dma_start3A_126] : memref<16x16xf32, #tpu.memory_space<hbm>> -> memref<1x16xf32, #tpu.memory_space<hbm>>
        %dma_start3A_128 = tpu.memref_squeeze %dma_start3A_127 : memref<1x16xf32, #tpu.memory_space<hbm>> -> memref<16xf32, #tpu.memory_space<hbm>>
        tpu.enqueue_dma source(%dma_start3A_128 : memref<16xf32, #tpu.memory_space<hbm>>) target(%arg4 : memref<16xf32, #tpu.memory_space<vmem>>) target_semaphore(%run_scoped3A : memref<!tpu.dma_semaphore, #tpu.memory_space<semaphore_mem>>)
        %dma_wait3A = arith.constant 0 : i32
        %dma_wait3A_129 = tpu.memref_slice %arg2[%arg1, %dma_wait3A] : memref<16x16xf32, #tpu.memory_space<hbm>> -> memref<1x16xf32, #tpu.memory_space<hbm>>
        %dma_wait3A_130 = tpu.memref_squeeze %dma_wait3A_129 : memref<1x16xf32, #tpu.memory_space<hbm>> -> memref<16xf32, #tpu.memory_space<hbm>>
        %dma_wait3A_131 = arith.constant 0 : i32
        %dma_wait3A_132 = tpu.memref_slice %arg2[%arg1, %dma_wait3A_131] : memref<16x16xf32, #tpu.memory_space<hbm>> -> memref<1x16xf32, #tpu.memory_space<hbm>>
        %dma_wait3A_133 = tpu.memref_squeeze %dma_wait3A_132 : memref<1x16xf32, #tpu.memory_space<hbm>> -> memref<16xf32, #tpu.memory_space<hbm>>
        tpu.wait_dma2 semaphore(%run_scoped3A : memref<!tpu.dma_semaphore, #tpu.memory_space<semaphore_mem>>) src(%dma_wait3A_133 : memref<16xf32, #tpu.memory_space<hbm>>) dst(%arg4 : memref<16xf32, #tpu.memory_space<vmem>>)
        tpu.yield
      }) : () -> ()
      %iota3A = tpu.iota {dimensions = array<i32: 0>} : vector<16xi32>
      %get3A = arith.constant 0 : index
      %get3A_2 = tpu.vector_load %arg4[%get3A] {strides = array<i32>} : memref<16xf32, #tpu.memory_space<vmem>>, vector<16xf32>,
      %get3A_3 = vector.shape_cast %get3A_2 : vector<16xf32> to vector<16xf32>
      %slice3A = vector.extract_strided_slice %get3A_3 {offsets = [0], sizes = [1], strides = [1]} : vector<16xf32> to vector<1xf32>
      %squeeze3A = vector.extract %slice3A[0] : f32 from vector<1xf32>
      %slice3A_4 = vector.extract_strided_slice %get3A_3 {offsets = [1], sizes = [1], strides = [1]} : vector<16xf32> to vector<1xf32>
      %squeeze3A_5 = vector.extract %slice3A_4[0] : f32 from vector<1xf32>
      %slice3A_6 = vector.extract_strided_slice %get3A_3 {offsets = [2], sizes = [1], strides = [1]} : vector<16xf32> to vector<1xf32>
      %squeeze3A_7 = vector.extract %slice3A_6[0] : f32 from vector<1xf32>
      %slice3A_8 = vector.extract_strided_slice %get3A_3 {offsets = [3], sizes = [1], strides = [1]} : vector<16xf32> to vector<1xf32>
      %squeeze3A_9 = vector.extract %slice3A_8[0] : f32 from vector<1xf32>
      %slice3A_10 = vector.extract_strided_slice %get3A_3 {offsets = [4], sizes = [1], strides = [1]} : vector<16xf32> to vector<1xf32>
      %squeeze3A_11 = vector.extract %slice3A_10[0] : f32 from vector<1xf32>
      %slice3A_12 = vector.extract_strided_slice %get3A_3 {offsets = [5], sizes = [1], strides = [1]} : vector<16xf32> to vector<1xf32>
      %squeeze3A_13 = vector.extract %slice3A_12[0] : f32 from vector<1xf32>
      %slice3A_14 = vector.extract_strided_slice %get3A_3 {offsets = [6], sizes = [1], strides = [1]} : vector<16xf32> to vector<1xf32>
      %squeeze3A_15 = vector.extract %slice3A_14[0] : f32 from vector<1xf32>
      %slice3A_16 = vector.extract_strided_slice %get3A_3 {offsets = [7], sizes = [1], strides = [1]} : vector<16xf32> to vector<1xf32>
      %squeeze3A_17 = vector.extract %slice3A_16[0] : f32 from vector<1xf32>
      %gt3A = arith.cmpf ogt, %squeeze3A_5, %squeeze3A : f32
      %select_n3A = arith.select %gt3A, %squeeze3A_5, %squeeze3A : f32
      %jit3A = arith.constant 1 : i32
      %jit3A_18 = arith.constant 0 : i32
      %select_n3A_19 = arith.select %gt3A, %jit3A, %jit3A_18 : i32
      %gt3A_20 = arith.cmpf ogt, %squeeze3A_7, %select_n3A : f32
      %select_n3A_21 = arith.select %gt3A_20, %squeeze3A_7, %select_n3A : f32
      %jit3A_22 = arith.constant 2 : i32
      %select_n3A_23 = arith.select %gt3A_20, %jit3A_22, %select_n3A_19 : i32
      %gt3A_24 = arith.cmpf ogt, %squeeze3A_9, %select_n3A_21 : f32
      %select_n3A_25 = arith.select %gt3A_24, %squeeze3A_9, %select_n3A_21 : f32
      %jit3A_26 = arith.constant 3 : i32
      %select_n3A_27 = arith.select %gt3A_24, %jit3A_26, %select_n3A_23 : i32
      %gt3A_28 = arith.cmpf ogt, %squeeze3A_11, %select_n3A_25 : f32
      %select_n3A_29 = arith.select %gt3A_28, %squeeze3A_11, %select_n3A_25 : f32
      %jit3A_30 = arith.constant 4 : i32
      %select_n3A_31 = arith.select %gt3A_28, %jit3A_30, %select_n3A_27 : i32
      %gt3A_32 = arith.cmpf ogt, %squeeze3A_13, %select_n3A_29 : f32
      %select_n3A_33 = arith.select %gt3A_32, %squeeze3A_13, %select_n3A_29 : f32
      %jit3A_34 = arith.constant 5 : i32
      %select_n3A_35 = arith.select %gt3A_32, %jit3A_34, %select_n3A_31 : i32
      %gt3A_36 = arith.cmpf ogt, %squeeze3A_15, %select_n3A_33 : f32
      %select_n3A_37 = arith.select %gt3A_36, %squeeze3A_15, %select_n3A_33 : f32
      %jit3A_38 = arith.constant 6 : i32
      %select_n3A_39 = arith.select %gt3A_36, %jit3A_38, %select_n3A_35 : i32
      %gt3A_40 = arith.cmpf ogt, %squeeze3A_17, %select_n3A_37 : f32
      %select_n3A_41 = arith.select %gt3A_40, %squeeze3A_17, %select_n3A_37 : f32
      %jit3A_42 = arith.constant 7 : i32
      %select_n3A_43 = arith.select %gt3A_40, %jit3A_42, %select_n3A_39 : i32
      %gt3A_44 = arith.constant -1.000000e+30 : f32
      %gt3A_45 = arith.cmpf ogt, %squeeze3A, %gt3A_44 : f32
      %ne3A = arith.constant 0 : i32
      %ne3A_46 = arith.cmpi ne, %ne3A, %select_n3A_43 : i32
      %and3A = arith.andi %gt3A_45, %ne3A_46 : i1
      %jit3A_47 = arith.constant -1.000000e+30 : f32
      %select_n3A_48 = arith.select %and3A, %squeeze3A, %jit3A_47 : f32
      %jit3A_49 = arith.constant 0 : i32
      %jit3A_50 = arith.constant 0 : i32
      %select_n3A_51 = arith.select %and3A, %jit3A_49, %jit3A_50 : i32
      %gt3A_52 = arith.cmpf ogt, %squeeze3A_5, %select_n3A_48 : f32
      %ne3A_53 = arith.constant 1 : i32
      %ne3A_54 = arith.cmpi ne, %ne3A_53, %select_n3A_43 : i32
      %and3A_55 = arith.andi %gt3A_52, %ne3A_54 : i1
      %select_n3A_56 = arith.select %and3A_55, %squeeze3A_5, %select_n3A_48 : f32
      %jit3A_57 = arith.constant 1 : i32
      %select_n3A_58 = arith.select %and3A_55, %jit3A_57, %select_n3A_51 : i32
      %gt3A_59 = arith.cmpf ogt, %squeeze3A_7, %select_n3A_56 : f32
      %ne3A_60 = arith.constant 2 : i32
      %ne3A_61 = arith.cmpi ne, %ne3A_60, %select_n3A_43 : i32
      %and3A_62 = arith.andi %gt3A_59, %ne3A_61 : i1
      %select_n3A_63 = arith.select %and3A_62, %squeeze3A_7, %select_n3A_56 : f32
      %jit3A_64 = arith.constant 2 : i32
      %select_n3A_65 = arith.select %and3A_62, %jit3A_64, %select_n3A_58 : i32
      %gt3A_66 = arith.cmpf ogt, %squeeze3A_9, %select_n3A_63 : f32
      %ne3A_67 = arith.constant 3 : i32
      %ne3A_68 = arith.cmpi ne, %ne3A_67, %select_n3A_43 : i32
      %and3A_69 = arith.andi %gt3A_66, %ne3A_68 : i1
      %select_n3A_70 = arith.select %and3A_69, %squeeze3A_9, %select_n3A_63 : f32
      %jit3A_71 = arith.constant 3 : i32
      %select_n3A_72 = arith.select %and3A_69, %jit3A_71, %select_n3A_65 : i32
      %gt3A_73 = arith.cmpf ogt, %squeeze3A_11, %select_n3A_70 : f32
      %ne3A_74 = arith.constant 4 : i32
      %ne3A_75 = arith.cmpi ne, %ne3A_74, %select_n3A_43 : i32
      %and3A_76 = arith.andi %gt3A_73, %ne3A_75 : i1
      %select_n3A_77 = arith.select %and3A_76, %squeeze3A_11, %select_n3A_70 : f32
      %jit3A_78 = arith.constant 4 : i32
      %select_n3A_79 = arith.select %and3A_76, %jit3A_78, %select_n3A_72 : i32
      %gt3A_80 = arith.cmpf ogt, %squeeze3A_13, %select_n3A_77 : f32
      %ne3A_81 = arith.constant 5 : i32
      %ne3A_82 = arith.cmpi ne, %ne3A_81, %select_n3A_43 : i32
      %and3A_83 = arith.andi %gt3A_80, %ne3A_82 : i1
      %select_n3A_84 = arith.select %and3A_83, %squeeze3A_13, %select_n3A_77 : f32
      %jit3A_85 = arith.constant 5 : i32
      %select_n3A_86 = arith.select %and3A_83, %jit3A_85, %select_n3A_79 : i32
      %gt3A_87 = arith.cmpf ogt, %squeeze3A_15, %select_n3A_84 : f32
      %ne3A_88 = arith.constant 6 : i32
      %ne3A_89 = arith.cmpi ne, %ne3A_88, %select_n3A_43 : i32
      %and3A_90 = arith.andi %gt3A_87, %ne3A_89 : i1
      %select_n3A_91 = arith.select %and3A_90, %squeeze3A_15, %select_n3A_84 : f32
      %jit3A_92 = arith.constant 6 : i32
      %select_n3A_93 = arith.select %and3A_90, %jit3A_92, %select_n3A_86 : i32
      %gt3A_94 = arith.cmpf ogt, %squeeze3A_17, %select_n3A_91 : f32
      %ne3A_95 = arith.constant 7 : i32
      %ne3A_96 = arith.cmpi ne, %ne3A_95, %select_n3A_43 : i32
      %and3A_97 = arith.andi %gt3A_94, %ne3A_96 : i1
      %select_n3A_98 = arith.select %and3A_97, %squeeze3A_17, %select_n3A_91 : f32
      %jit3A_99 = arith.constant 7 : i32
      %select_n3A_100 = arith.select %and3A_97, %jit3A_99, %select_n3A_93 : i32
      %broadcast_in_dim3A = arith.constant 1.000000e+00 : f32
      %broadcast_in_dim3A_101 = vector.broadcast %broadcast_in_dim3A : f32 to vector<16xf32>
      %sub3A = arith.subf %select_n3A_98, %select_n3A_41 : f32
      %mul3A = vector.broadcast %sub3A : f32 to vector<16xf32>
      %mul3A_102 = arith.mulf %broadcast_in_dim3A_101, %mul3A : vector<16xf32>
      %exp3A = math.exp %mul3A_102 : vector<16xf32>
      %add3A = arith.constant 1.000000e+00 : f32
      %add3A_103 = vector.broadcast %add3A : f32 to vector<16xf32>
      %add3A_104 = arith.addf %add3A_103, %exp3A : vector<16xf32>
      %div3A = arith.constant 1.000000e+00 : f32
      %div3A_105 = vector.broadcast %div3A : f32 to vector<16xf32>
      %div3A_106 = arith.divf %div3A_105, %add3A_104 : vector<16xf32>
      %sub3A_107 = arith.constant 1.000000e+00 : f32
      %sub3A_108 = vector.broadcast %sub3A_107 : f32 to vector<16xf32>
      %sub3A_109 = arith.subf %sub3A_108, %div3A_106 : vector<16xf32>
      %eq3A_110 = vector.broadcast %select_n3A_43 : i32 to vector<16xi32>
      %eq3A_111 = arith.cmpi eq, %iota3A, %eq3A_110 : vector<16xi32>
      %jit3A_112 = arith.constant 0.000000e+00 : f32
      %broadcast_in_dim3A_113 = vector.broadcast %jit3A_112 : f32 to vector<16xf32>
      %select_n3A_114 = arith.select %eq3A_111, %div3A_106, %broadcast_in_dim3A_113 : vector<16xi1>, vector<16xf32>
      %eq3A_115 = vector.broadcast %select_n3A_100 : i32 to vector<16xi32>
      %eq3A_116 = arith.cmpi eq, %iota3A, %eq3A_115 : vector<16xi32>
      %jit3A_117 = arith.constant 0.000000e+00 : f32
      %broadcast_in_dim3A_118 = vector.broadcast %jit3A_117 : f32 to vector<16xf32>
      %select_n3A_119 = arith.select %eq3A_116, %sub3A_109, %broadcast_in_dim3A_118 : vector<16xi1>, vector<16xf32>
      %add3A_120 = arith.addf %select_n3A_114, %select_n3A_119 : vector<16xf32>
      %swap3A = arith.constant 0 : index
      %swap3A_121 = tpu.vector_load %arg5[%swap3A] {strides = array<i32>} : memref<16xf32, #tpu.memory_space<vmem>>, vector<16xf32>,
      %swap3A_122 = vector.shape_cast %swap3A_121 : vector<16xf32> to vector<16xf32>
      %swap3A_123 = vector.shape_cast %add3A_120 : vector<16xf32> to vector<16xf32>
      tpu.vector_store %arg5[%swap3A], %swap3A_123 {strides = array<i32>} : memref<16xf32, #tpu.memory_space<vmem>>, vector<16xf32>,
      "tpu.region"() ({
        %run_scoped3A = tpu.sem_alloc : memref<!tpu.dma_semaphore, #tpu.memory_space<semaphore_mem>>
        %dma_start3A = arith.constant 0 : i32
        %dma_start3A_124 = tpu.memref_slice %arg3[%arg1, %dma_start3A] : memref<16x16xf32, #tpu.memory_space<hbm>> -> memref<1x16xf32, #tpu.memory_space<hbm>>
        %dma_start3A_125 = tpu.memref_squeeze %dma_start3A_124 : memref<1x16xf32, #tpu.memory_space<hbm>> -> memref<16xf32, #tpu.memory_space<hbm>>
        %dma_start3A_126 = arith.constant 0 : i32
        %dma_start3A_127 = tpu.memref_slice %arg3[%arg1, %dma_start3A_126] : memref<16x16xf32, #tpu.memory_space<hbm>> -> memref<1x16xf32, #tpu.memory_space<hbm>>
        %dma_start3A_128 = tpu.memref_squeeze %dma_start3A_127 : memref<1x16xf32, #tpu.memory_space<hbm>> -> memref<16xf32, #tpu.memory_space<hbm>>
        tpu.enqueue_dma source(%arg5 : memref<16xf32, #tpu.memory_space<vmem>>) target(%dma_start3A_128 : memref<16xf32, #tpu.memory_space<hbm>>) target_semaphore(%run_scoped3A : memref<!tpu.dma_semaphore, #tpu.memory_space<semaphore_mem>>)
        %dma_wait3A = arith.constant 0 : i32
        %dma_wait3A_129 = tpu.memref_slice %arg3[%arg1, %dma_wait3A] : memref<16x16xf32, #tpu.memory_space<hbm>> -> memref<1x16xf32, #tpu.memory_space<hbm>>
        %dma_wait3A_130 = tpu.memref_squeeze %dma_wait3A_129 : memref<1x16xf32, #tpu.memory_space<hbm>> -> memref<16xf32, #tpu.memory_space<hbm>>
        %dma_wait3A_131 = arith.constant 0 : i32
        %dma_wait3A_132 = tpu.memref_slice %arg3[%arg1, %dma_wait3A_131] : memref<16x16xf32, #tpu.memory_space<hbm>> -> memref<1x16xf32, #tpu.memory_space<hbm>>
        %dma_wait3A_133 = tpu.memref_squeeze %dma_wait3A_132 : memref<1x16xf32, #tpu.memory_space<hbm>> -> memref<16xf32, #tpu.memory_space<hbm>>
        tpu.wait_dma2 semaphore(%run_scoped3A : memref<!tpu.dma_semaphore, #tpu.memory_space<semaphore_mem>>) src(%arg5 : memref<16xf32, #tpu.memory_space<vmem>>) dst(%dma_wait3A_133 : memref<16xf32, #tpu.memory_space<hbm>>)
        tpu.yield
      }) : () -> ()
    } else {
    }
    return
  }
}

module attributes {stable_mosaic.version = 14 : i64} {
  func.func @body(%arg0: i32, %arg1: memref<1x1456x3xf32, #tpu.memory_space<vmem>>, %arg2: memref<1x8x1xf32, #tpu.memory_space<vmem>>, %arg3: memref<1360x1xf32, #tpu.memory_space<vmem>>, %arg4: memref<432x1xf32, #tpu.memory_space<vmem>>, %arg5: memref<160x1xf32, #tpu.memory_space<vmem>>, %arg6: memref<160x1xf32, #tpu.memory_space<vmem>>, %arg7: memref<3x32xf32, #tpu.memory_space<vmem>>, %arg8: memref<3x3x32x32xf32, #tpu.memory_space<vmem>>, %arg9: memref<32x64xf32, #tpu.memory_space<vmem>>, %arg10: memref<3x3x64x64xf32, #tpu.memory_space<vmem>>, %arg11: memref<64x128xf32, #tpu.memory_space<vmem>>, %arg12: memref<3x3x128x128xf32, #tpu.memory_space<vmem>>, %arg13: memref<128x100xf32, #tpu.memory_space<vmem>>, %arg14: memref<3x64xf32, #tpu.memory_space<vmem>>, %arg15: memref<3x3x64x64xf32, #tpu.memory_space<vmem>>, %arg16: memref<64x128xf32, #tpu.memory_space<vmem>>, %arg17: memref<3x3x128x128xf32, #tpu.memory_space<vmem>>, %arg18: memref<128x256xf32, #tpu.memory_space<vmem>>, %arg19: memref<3x3x256x256xf32, #tpu.memory_space<vmem>>, %arg20: memref<256x100xf32, #tpu.memory_space<vmem>>, %arg21: memref<3x48xf32, #tpu.memory_space<vmem>>, %arg22: memref<3x3x48x48xf32, #tpu.memory_space<vmem>>, %arg23: memref<48x96xf32, #tpu.memory_space<vmem>>, %arg24: memref<3x3x96x96xf32, #tpu.memory_space<vmem>>, %arg25: memref<96x192xf32, #tpu.memory_space<vmem>>, %arg26: memref<3x3x192x192xf32, #tpu.memory_space<vmem>>, %arg27: memref<192x100xf32, #tpu.memory_space<vmem>>, %arg28: memref<3x64xf32, #tpu.memory_space<vmem>>, %arg29: memref<3x3x64x64xf32, #tpu.memory_space<vmem>>, %arg30: memref<64x64xf32, #tpu.memory_space<vmem>>, %arg31: memref<64x128xf32, #tpu.memory_space<vmem>>, %arg32: memref<3x3x128x128xf32, #tpu.memory_space<vmem>>, %arg33: memref<3x3x128x256xf32, #tpu.memory_space<vmem>>, %arg34: memref<256x100xf32, #tpu.memory_space<vmem>>, %arg35: memref<3x96xf32, #tpu.memory_space<vmem>>, %arg36: memref<3x3x96x96xf32, #tpu.memory_space<vmem>>, %arg37: memref<96x192xf32, #tpu.memory_space<vmem>>, %arg38: memref<3x3x192x192xf32, #tpu.memory_space<vmem>>, %arg39: memref<192x384xf32, #tpu.memory_space<vmem>>, %arg40: memref<3x3x384x384xf32, #tpu.memory_space<vmem>>, %arg41: memref<384x100xf32, #tpu.memory_space<vmem>>, %arg42: memref<3x3x3x64xf32, #tpu.memory_space<vmem>>, %arg43: memref<64x128xf32, #tpu.memory_space<vmem>>, %arg44: memref<3x3x128x128xf32, #tpu.memory_space<vmem>>, %arg45: memref<128x128xf32, #tpu.memory_space<vmem>>, %arg46: memref<128x256xf32, #tpu.memory_space<vmem>>, %arg47: memref<3x3x256x256xf32, #tpu.memory_space<vmem>>, %arg48: memref<256x100xf32, #tpu.memory_space<vmem>>, %arg49: memref<3x80xf32, #tpu.memory_space<vmem>>, %arg50: memref<3x3x80x80xf32, #tpu.memory_space<vmem>>, %arg51: memref<80x160xf32, #tpu.memory_space<vmem>>, %arg52: memref<3x3x160x160xf32, #tpu.memory_space<vmem>>, %arg53: memref<160x320xf32, #tpu.memory_space<vmem>>, %arg54: memref<3x3x320x320xf32, #tpu.memory_space<vmem>>, %arg55: memref<320x100xf32, #tpu.memory_space<vmem>>, %arg56: memref<3x64xf32, #tpu.memory_space<vmem>>, %arg57: memref<3x3x64x64xf32, #tpu.memory_space<vmem>>, %arg58: memref<64x128xf32, #tpu.memory_space<vmem>>, %arg59: memref<3x3x128x128xf32, #tpu.memory_space<vmem>>, %arg60: memref<128x128xf32, #tpu.memory_space<vmem>>, %arg61: memref<3x3x128x256xf32, #tpu.memory_space<vmem>>, %arg62: memref<256x100xf32, #tpu.memory_space<vmem>>, %arg63: memref<1x1x100xf32, #tpu.memory_space<vmem>>) attributes {dimension_semantics = [#tpu.dimension_semantics<arbitrary>], iteration_bounds = array<i64: 16>, scalar_prefetch = 0 : i64, scratch_operands = 0 : i64, tpu.core_type = #tpu.core_type<tc>, window_params = [{transform_indices = @transform_0, window_bounds = array<i64: 1, 1456, 3>}, {transform_indices = @transform_1, window_bounds = array<i64: 1, 8, 1>}, {pipeline_mode = #tpu.pipeline_mode<synchronous>, transform_indices = @transform_2, window_bounds = array<i64: 1360, 1>}, {pipeline_mode = #tpu.pipeline_mode<synchronous>, transform_indices = @transform_3, window_bounds = array<i64: 432, 1>}, {pipeline_mode = #tpu.pipeline_mode<synchronous>, transform_indices = @transform_4, window_bounds = array<i64: 160, 1>}, {pipeline_mode = #tpu.pipeline_mode<synchronous>, transform_indices = @transform_5, window_bounds = array<i64: 160, 1>}, {pipeline_mode = #tpu.pipeline_mode<synchronous>, transform_indices = @transform_6, window_bounds = array<i64: 3, 32>}, {pipeline_mode = #tpu.pipeline_mode<synchronous>, transform_indices = @transform_7, window_bounds = array<i64: 3, 3, 32, 32>}, {pipeline_mode = #tpu.pipeline_mode<synchronous>, transform_indices = @transform_8, window_bounds = array<i64: 32, 64>}, {pipeline_mode = #tpu.pipeline_mode<synchronous>, transform_indices = @transform_9, window_bounds = array<i64: 3, 3, 64, 64>}, {pipeline_mode = #tpu.pipeline_mode<synchronous>, transform_indices = @transform_10, window_bounds = array<i64: 64, 128>}, {pipeline_mode = #tpu.pipeline_mode<synchronous>, transform_indices = @transform_11, window_bounds = array<i64: 3, 3, 128, 128>}, {pipeline_mode = #tpu.pipeline_mode<synchronous>, transform_indices = @transform_12, window_bounds = array<i64: 128, 100>}, {pipeline_mode = #tpu.pipeline_mode<synchronous>, transform_indices = @transform_13, window_bounds = array<i64: 3, 64>}, {pipeline_mode = #tpu.pipeline_mode<synchronous>, transform_indices = @transform_14, window_bounds = array<i64: 3, 3, 64, 64>}, {pipeline_mode = #tpu.pipeline_mode<synchronous>, transform_indices = @transform_15, window_bounds = array<i64: 64, 128>}, {pipeline_mode = #tpu.pipeline_mode<synchronous>, transform_indices = @transform_16, window_bounds = array<i64: 3, 3, 128, 128>}, {pipeline_mode = #tpu.pipeline_mode<synchronous>, transform_indices = @transform_17, window_bounds = array<i64: 128, 256>}, {pipeline_mode = #tpu.pipeline_mode<synchronous>, transform_indices = @transform_18, window_bounds = array<i64: 3, 3, 256, 256>}, {pipeline_mode = #tpu.pipeline_mode<synchronous>, transform_indices = @transform_19, window_bounds = array<i64: 256, 100>}, {pipeline_mode = #tpu.pipeline_mode<synchronous>, transform_indices = @transform_20, window_bounds = array<i64: 3, 48>}, {pipeline_mode = #tpu.pipeline_mode<synchronous>, transform_indices = @transform_21, window_bounds = array<i64: 3, 3, 48, 48>}, {pipeline_mode = #tpu.pipeline_mode<synchronous>, transform_indices = @transform_22, window_bounds = array<i64: 48, 96>}, {pipeline_mode = #tpu.pipeline_mode<synchronous>, transform_indices = @transform_23, window_bounds = array<i64: 3, 3, 96, 96>}, {pipeline_mode = #tpu.pipeline_mode<synchronous>, transform_indices = @transform_24, window_bounds = array<i64: 96, 192>}, {pipeline_mode = #tpu.pipeline_mode<synchronous>, transform_indices = @transform_25, window_bounds = array<i64: 3, 3, 192, 192>}, {pipeline_mode = #tpu.pipeline_mode<synchronous>, transform_indices = @transform_26, window_bounds = array<i64: 192, 100>}, {pipeline_mode = #tpu.pipeline_mode<synchronous>, transform_indices = @transform_27, window_bounds = array<i64: 3, 64>}, {pipeline_mode = #tpu.pipeline_mode<synchronous>, transform_indices = @transform_28, window_bounds = array<i64: 3, 3, 64, 64>}, {pipeline_mode = #tpu.pipeline_mode<synchronous>, transform_indices = @transform_29, window_bounds = array<i64: 64, 64>}, {pipeline_mode = #tpu.pipeline_mode<synchronous>, transform_indices = @transform_30, window_bounds = array<i64: 64, 128>}, {pipeline_mode = #tpu.pipeline_mode<synchronous>, transform_indices = @transform_31, window_bounds = array<i64: 3, 3, 128, 128>}, {pipeline_mode = #tpu.pipeline_mode<synchronous>, transform_indices = @transform_32, window_bounds = array<i64: 3, 3, 128, 256>}, {pipeline_mode = #tpu.pipeline_mode<synchronous>, transform_indices = @transform_33, window_bounds = array<i64: 256, 100>}, {pipeline_mode = #tpu.pipeline_mode<synchronous>, transform_indices = @transform_34, window_bounds = array<i64: 3, 96>}, {pipeline_mode = #tpu.pipeline_mode<synchronous>, transform_indices = @transform_35, window_bounds = array<i64: 3, 3, 96, 96>}, {pipeline_mode = #tpu.pipeline_mode<synchronous>, transform_indices = @transform_36, window_bounds = array<i64: 96, 192>}, {pipeline_mode = #tpu.pipeline_mode<synchronous>, transform_indices = @transform_37, window_bounds = array<i64: 3, 3, 192, 192>}, {pipeline_mode = #tpu.pipeline_mode<synchronous>, transform_indices = @transform_38, window_bounds = array<i64: 192, 384>}, {pipeline_mode = #tpu.pipeline_mode<synchronous>, transform_indices = @transform_39, window_bounds = array<i64: 3, 3, 384, 384>}, {pipeline_mode = #tpu.pipeline_mode<synchronous>, transform_indices = @transform_40, window_bounds = array<i64: 384, 100>}, {pipeline_mode = #tpu.pipeline_mode<synchronous>, transform_indices = @transform_41, window_bounds = array<i64: 3, 3, 3, 64>}, {pipeline_mode = #tpu.pipeline_mode<synchronous>, transform_indices = @transform_42, window_bounds = array<i64: 64, 128>}, {pipeline_mode = #tpu.pipeline_mode<synchronous>, transform_indices = @transform_43, window_bounds = array<i64: 3, 3, 128, 128>}, {pipeline_mode = #tpu.pipeline_mode<synchronous>, transform_indices = @transform_44, window_bounds = array<i64: 128, 128>}, {pipeline_mode = #tpu.pipeline_mode<synchronous>, transform_indices = @transform_45, window_bounds = array<i64: 128, 256>}, {pipeline_mode = #tpu.pipeline_mode<synchronous>, transform_indices = @transform_46, window_bounds = array<i64: 3, 3, 256, 256>}, {pipeline_mode = #tpu.pipeline_mode<synchronous>, transform_indices = @transform_47, window_bounds = array<i64: 256, 100>}, {pipeline_mode = #tpu.pipeline_mode<synchronous>, transform_indices = @transform_48, window_bounds = array<i64: 3, 80>}, {pipeline_mode = #tpu.pipeline_mode<synchronous>, transform_indices = @transform_49, window_bounds = array<i64: 3, 3, 80, 80>}, {pipeline_mode = #tpu.pipeline_mode<synchronous>, transform_indices = @transform_50, window_bounds = array<i64: 80, 160>}, {pipeline_mode = #tpu.pipeline_mode<synchronous>, transform_indices = @transform_51, window_bounds = array<i64: 3, 3, 160, 160>}, {pipeline_mode = #tpu.pipeline_mode<synchronous>, transform_indices = @transform_52, window_bounds = array<i64: 160, 320>}, {pipeline_mode = #tpu.pipeline_mode<synchronous>, transform_indices = @transform_53, window_bounds = array<i64: 3, 3, 320, 320>}, {pipeline_mode = #tpu.pipeline_mode<synchronous>, transform_indices = @transform_54, window_bounds = array<i64: 320, 100>}, {pipeline_mode = #tpu.pipeline_mode<synchronous>, transform_indices = @transform_55, window_bounds = array<i64: 3, 64>}, {pipeline_mode = #tpu.pipeline_mode<synchronous>, transform_indices = @transform_56, window_bounds = array<i64: 3, 3, 64, 64>}, {pipeline_mode = #tpu.pipeline_mode<synchronous>, transform_indices = @transform_57, window_bounds = array<i64: 64, 128>}, {pipeline_mode = #tpu.pipeline_mode<synchronous>, transform_indices = @transform_58, window_bounds = array<i64: 3, 3, 128, 128>}, {pipeline_mode = #tpu.pipeline_mode<synchronous>, transform_indices = @transform_59, window_bounds = array<i64: 128, 128>}, {pipeline_mode = #tpu.pipeline_mode<synchronous>, transform_indices = @transform_60, window_bounds = array<i64: 3, 3, 128, 256>}, {pipeline_mode = #tpu.pipeline_mode<synchronous>, transform_indices = @transform_61, window_bounds = array<i64: 256, 100>}, {transform_indices = @transform_62, window_bounds = array<i64: 1, 1, 100>}]} {
    %broadcast_in_dim3A = arith.constant 0.000000e+00 : f32
    %broadcast_in_dim3A_0 = vector.broadcast %broadcast_in_dim3A : f32 to vector<1x1x100xf32>
    %swap3A = arith.constant 0 : index
    %swap3A_1 = arith.constant 0 : index
    %swap3A_2 = arith.constant 0 : index
    %swap3A_3 = vector.load %arg63[%swap3A, %swap3A_1, %swap3A_2] : memref<1x1x100xf32, #tpu.memory_space<vmem>>, vector<1x1x100xf32>
    tpu.vector_store %arg63[%swap3A, %swap3A_1, %swap3A_2], %broadcast_in_dim3A_0 {strides = array<i32>} : memref<1x1x100xf32, #tpu.memory_space<vmem>>, vector<1x1x100xf32>,
    %get3A = arith.constant 0 : index
    %get3A_4 = arith.constant 0 : index
    %get3A_5 = arith.constant 0 : index
    %get3A_6 = vector.load %arg2[%get3A, %get3A_4, %get3A_5] : memref<1x8x1xf32, #tpu.memory_space<vmem>>, vector<1x1x1xf32>
    %get3A_7 = vector.extract %get3A_6[0, 0, 0] : f32 from vector<1x1x1xf32>
    %ne3A = arith.constant 0.000000e+00 : f32
    %ne3A_8 = arith.cmpf one, %get3A_7, %ne3A : f32
    %convert_element_type3A = arith.extui %ne3A_8 : i1 to i32
    %cond3A = arith.constant 0 : i32
    %cond3A_9 = arith.cmpi ne, %convert_element_type3A, %cond3A : i32
    scf.if %cond3A_9 {
      %get3A_80 = arith.constant 0 : index
      %get3A_81 = arith.constant 0 : index
      %get3A_82 = arith.constant 0 : index
      %get3A_83 = vector.load %arg1[%get3A_80, %get3A_81, %get3A_82] : memref<1x1456x3xf32, #tpu.memory_space<vmem>>, vector<1x1456x3xf32>
      %get3A_84 = vector.shape_cast %get3A_83 : vector<1x1456x3xf32> to vector<1456x3xf32>
      %get3A_85 = arith.constant 0 : index
      %get3A_86 = arith.constant 0 : index
      %get3A_87 = vector.load %arg7[%get3A_85, %get3A_86] : memref<3x32xf32, #tpu.memory_space<vmem>>, vector<3x32xf32>
      %dot_general3A = arith.constant dense<0.000000e+00> : vector<1456x32xf32>
      %dot_general3A_88 = tpu.matmul %get3A_84, %get3A_87, %dot_general3A {dimension_numbers = #tpu.dot_dimension_numbers<[1], [0], [0], [1], [0, 0, 1, 1], [], []>, transpose_lhs_hint = false} : vector<1456x3xf32>, vector<3x32xf32>, vector<1456x32xf32> -> vector<1456x32xf32>
      %mul3A = arith.constant 0.999994993 : f32
      %mul3A_89 = vector.broadcast %mul3A : f32 to vector<1456x32xf32>
      %mul3A_90 = arith.mulf %dot_general3A_88, %mul3A_89 : vector<1456x32xf32>
      %ge3A = arith.constant 0.000000e+00 : f32
      %ge3A_91 = vector.broadcast %ge3A : f32 to vector<1456x32xf32>
      %ge3A_92 = arith.cmpf oge, %mul3A_90, %ge3A_91 : vector<1456x32xf32>
      %mul3A_93 = arith.constant 1.000000e-01 : f32
      %mul3A_94 = vector.broadcast %mul3A_93 : f32 to vector<1456x32xf32>
      %mul3A_95 = arith.mulf %mul3A_94, %mul3A_90 : vector<1456x32xf32>
      %select_n3A = arith.select %ge3A_92, %mul3A_90, %mul3A_95 : vector<1456x32xi1>, vector<1456x32xf32>
      %slice3A = vector.extract_strided_slice %select_n3A {offsets = [1, 0], sizes = [1455, 32], strides = [1, 1]} : vector<1456x32xf32> to vector<1455x32xf32>
      %slice3A_96 = vector.extract_strided_slice %select_n3A {offsets = [7, 0], sizes = [1449, 32], strides = [1, 1]} : vector<1456x32xf32> to vector<1449x32xf32>
      %slice3A_97 = vector.extract_strided_slice %slice3A_96 {offsets = [0, 0], sizes = [1360, 32], strides = [1, 1]} : vector<1449x32xf32> to vector<1360x32xf32>
      %get3A_98 = arith.constant 0 : index
      %get3A_99 = arith.constant 0 : index
      %get3A_100 = arith.constant 0 : index
      %get3A_101 = arith.constant 0 : index
      %get3A_102 = vector.load %arg8[%get3A_98, %get3A_99, %get3A_100, %get3A_101] : memref<3x3x32x32xf32, #tpu.memory_space<vmem>>, vector<1x1x32x32xf32>
      %get3A_103 = vector.shape_cast %get3A_102 : vector<1x1x32x32xf32> to vector<32x32xf32>
      %dot_general3A_104 = arith.constant dense<0.000000e+00> : vector<1360x32xf32>
      %dot_general3A_105 = tpu.matmul %slice3A_97, %get3A_103, %dot_general3A_104 {dimension_numbers = #tpu.dot_dimension_numbers<[1], [0], [0], [1], [0, 0, 1, 1], [], []>, transpose_lhs_hint = false} : vector<1360x32xf32>, vector<32x32xf32>, vector<1360x32xf32> -> vector<1360x32xf32>
      %slice3A_106 = vector.extract_strided_slice %select_n3A {offsets = [8, 0], sizes = [1360, 32], strides = [1, 1]} : vector<1456x32xf32> to vector<1360x32xf32>
      %get3A_107 = arith.constant 0 : index
      %get3A_108 = arith.constant 1 : index
      %get3A_109 = arith.constant 0 : index
      %get3A_110 = arith.constant 0 : index
      %get3A_111 = vector.load %arg8[%get3A_107, %get3A_108, %get3A_109, %get3A_110] : memref<3x3x32x32xf32, #tpu.memory_space<vmem>>, vector<1x1x32x32xf32>
      %get3A_112 = vector.shape_cast %get3A_111 : vector<1x1x32x32xf32> to vector<32x32xf32>
      %dot_general3A_113 = arith.constant dense<0.000000e+00> : vector<1360x32xf32>
      %dot_general3A_114 = tpu.matmul %slice3A_106, %get3A_112, %dot_general3A_113 {dimension_numbers = #tpu.dot_dimension_numbers<[1], [0], [0], [1], [0, 0, 1, 1], [], []>, transpose_lhs_hint = false} : vector<1360x32xf32>, vector<32x32xf32>, vector<1360x32xf32> -> vector<1360x32xf32>
      %add3A = arith.addf %dot_general3A_105, %dot_general3A_114 : vector<1360x32xf32>
      %slice3A_115 = vector.extract_strided_slice %slice3A {offsets = [8, 0], sizes = [1360, 32], strides = [1, 1]} : vector<1455x32xf32> to vector<1360x32xf32>
      %get3A_116 = arith.constant 0 : index
      %get3A_117 = arith.constant 2 : index
      %get3A_118 = arith.constant 0 : index
      %get3A_119 = arith.constant 0 : index
      %get3A_120 = vector.load %arg8[%get3A_116, %get3A_117, %get3A_118, %get3A_119] : memref<3x3x32x32xf32, #tpu.memory_space<vmem>>, vector<1x1x32x32xf32>
      %get3A_121 = vector.shape_cast %get3A_120 : vector<1x1x32x32xf32> to vector<32x32xf32>
      %dot_general3A_122 = arith.constant dense<0.000000e+00> : vector<1360x32xf32>
      %dot_general3A_123 = tpu.matmul %slice3A_115, %get3A_121, %dot_general3A_122 {dimension_numbers = #tpu.dot_dimension_numbers<[1], [0], [0], [1], [0, 0, 1, 1], [], []>, transpose_lhs_hint = false} : vector<1360x32xf32>, vector<32x32xf32>, vector<1360x32xf32> -> vector<1360x32xf32>
      %add3A_124 = arith.addf %add3A, %dot_general3A_123 : vector<1360x32xf32>
      %slice3A_125 = vector.extract_strided_slice %slice3A_96 {offsets = [40, 0], sizes = [1360, 32], strides = [1, 1]} : vector<1449x32xf32> to vector<1360x32xf32>
      %get3A_126 = arith.constant 1 : index
      %get3A_127 = arith.constant 0 : index
      %get3A_128 = arith.constant 0 : index
      %get3A_129 = arith.constant 0 : index
      %get3A_130 = vector.load %arg8[%get3A_126, %get3A_127, %get3A_128, %get3A_129] : memref<3x3x32x32xf32, #tpu.memory_space<vmem>>, vector<1x1x32x32xf32>
      %get3A_131 = vector.shape_cast %get3A_130 : vector<1x1x32x32xf32> to vector<32x32xf32>
      %dot_general3A_132 = arith.constant dense<0.000000e+00> : vector<1360x32xf32>
      %dot_general3A_133 = tpu.matmul %slice3A_125, %get3A_131, %dot_general3A_132 {dimension_numbers = #tpu.dot_dimension_numbers<[1], [0], [0], [1], [0, 0, 1, 1], [], []>, transpose_lhs_hint = false} : vector<1360x32xf32>, vector<32x32xf32>, vector<1360x32xf32> -> vector<1360x32xf32>
      %add3A_134 = arith.addf %add3A_124, %dot_general3A_133 : vector<1360x32xf32>
      %slice3A_135 = vector.extract_strided_slice %select_n3A {offsets = [48, 0], sizes = [1360, 32], strides = [1, 1]} : vector<1456x32xf32> to vector<1360x32xf32>
      %get3A_136 = arith.constant 1 : index
      %get3A_137 = arith.constant 1 : index
      %get3A_138 = arith.constant 0 : index
      %get3A_139 = arith.constant 0 : index
      %get3A_140 = vector.load %arg8[%get3A_136, %get3A_137, %get3A_138, %get3A_139] : memref<3x3x32x32xf32, #tpu.memory_space<vmem>>, vector<1x1x32x32xf32>
      %get3A_141 = vector.shape_cast %get3A_140 : vector<1x1x32x32xf32> to vector<32x32xf32>
      %dot_general3A_142 = arith.constant dense<0.000000e+00> : vector<1360x32xf32>
      %dot_general3A_143 = tpu.matmul %slice3A_135, %get3A_141, %dot_general3A_142 {dimension_numbers = #tpu.dot_dimension_numbers<[1], [0], [0], [1], [0, 0, 1, 1], [], []>, transpose_lhs_hint = false} : vector<1360x32xf32>, vector<32x32xf32>, vector<1360x32xf32> -> vector<1360x32xf32>
      %add3A_144 = arith.addf %add3A_134, %dot_general3A_143 : vector<1360x32xf32>
      %slice3A_145 = vector.extract_strided_slice %slice3A {offsets = [48, 0], sizes = [1360, 32], strides = [1, 1]} : vector<1455x32xf32> to vector<1360x32xf32>
      %get3A_146 = arith.constant 1 : index
      %get3A_147 = arith.constant 2 : index
      %get3A_148 = arith.constant 0 : index
      %get3A_149 = arith.constant 0 : index
      %get3A_150 = vector.load %arg8[%get3A_146, %get3A_147, %get3A_148, %get3A_149] : memref<3x3x32x32xf32, #tpu.memory_space<vmem>>, vector<1x1x32x32xf32>
      %get3A_151 = vector.shape_cast %get3A_150 : vector<1x1x32x32xf32> to vector<32x32xf32>
      %dot_general3A_152 = arith.constant dense<0.000000e+00> : vector<1360x32xf32>
      %dot_general3A_153 = tpu.matmul %slice3A_145, %get3A_151, %dot_general3A_152 {dimension_numbers = #tpu.dot_dimension_numbers<[1], [0], [0], [1], [0, 0, 1, 1], [], []>, transpose_lhs_hint = false} : vector<1360x32xf32>, vector<32x32xf32>, vector<1360x32xf32> -> vector<1360x32xf32>
      %add3A_154 = arith.addf %add3A_144, %dot_general3A_153 : vector<1360x32xf32>
      %slice3A_155 = vector.extract_strided_slice %slice3A_96 {offsets = [80, 0], sizes = [1360, 32], strides = [1, 1]} : vector<1449x32xf32> to vector<1360x32xf32>
      %get3A_156 = arith.constant 2 : index
      %get3A_157 = arith.constant 0 : index
      %get3A_158 = arith.constant 0 : index
      %get3A_159 = arith.constant 0 : index
      %get3A_160 = vector.load %arg8[%get3A_156, %get3A_157, %get3A_158, %get3A_159] : memref<3x3x32x32xf32, #tpu.memory_space<vmem>>, vector<1x1x32x32xf32>
      %get3A_161 = vector.shape_cast %get3A_160 : vector<1x1x32x32xf32> to vector<32x32xf32>
      %dot_general3A_162 = arith.constant dense<0.000000e+00> : vector<1360x32xf32>
      %dot_general3A_163 = tpu.matmul %slice3A_155, %get3A_161, %dot_general3A_162 {dimension_numbers = #tpu.dot_dimension_numbers<[1], [0], [0], [1], [0, 0, 1, 1], [], []>, transpose_lhs_hint = false} : vector<1360x32xf32>, vector<32x32xf32>, vector<1360x32xf32> -> vector<1360x32xf32>
      %add3A_164 = arith.addf %add3A_154, %dot_general3A_163 : vector<1360x32xf32>
      %slice3A_165 = vector.extract_strided_slice %select_n3A {offsets = [88, 0], sizes = [1360, 32], strides = [1, 1]} : vector<1456x32xf32> to vector<1360x32xf32>
      %get3A_166 = arith.constant 2 : index
      %get3A_167 = arith.constant 1 : index
      %get3A_168 = arith.constant 0 : index
      %get3A_169 = arith.constant 0 : index
      %get3A_170 = vector.load %arg8[%get3A_166, %get3A_167, %get3A_168, %get3A_169] : memref<3x3x32x32xf32, #tpu.memory_space<vmem>>, vector<1x1x32x32xf32>
      %get3A_171 = vector.shape_cast %get3A_170 : vector<1x1x32x32xf32> to vector<32x32xf32>
      %dot_general3A_172 = arith.constant dense<0.000000e+00> : vector<1360x32xf32>
      %dot_general3A_173 = tpu.matmul %slice3A_165, %get3A_171, %dot_general3A_172 {dimension_numbers = #tpu.dot_dimension_numbers<[1], [0], [0], [1], [0, 0, 1, 1], [], []>, transpose_lhs_hint = false} : vector<1360x32xf32>, vector<32x32xf32>, vector<1360x32xf32> -> vector<1360x32xf32>
      %add3A_174 = arith.addf %add3A_164, %dot_general3A_173 : vector<1360x32xf32>
      %slice3A_175 = vector.extract_strided_slice %slice3A {offsets = [88, 0], sizes = [1360, 32], strides = [1, 1]} : vector<1455x32xf32> to vector<1360x32xf32>
      %get3A_176 = arith.constant 2 : index
      %get3A_177 = arith.constant 2 : index
      %get3A_178 = arith.constant 0 : index
      %get3A_179 = arith.constant 0 : index
      %get3A_180 = vector.load %arg8[%get3A_176, %get3A_177, %get3A_178, %get3A_179] : memref<3x3x32x32xf32, #tpu.memory_space<vmem>>, vector<1x1x32x32xf32>
      %get3A_181 = vector.shape_cast %get3A_180 : vector<1x1x32x32xf32> to vector<32x32xf32>
      %dot_general3A_182 = arith.constant dense<0.000000e+00> : vector<1360x32xf32>
      %dot_general3A_183 = tpu.matmul %slice3A_175, %get3A_181, %dot_general3A_182 {dimension_numbers = #tpu.dot_dimension_numbers<[1], [0], [0], [1], [0, 0, 1, 1], [], []>, transpose_lhs_hint = false} : vector<1360x32xf32>, vector<32x32xf32>, vector<1360x32xf32> -> vector<1360x32xf32>
      %add3A_184 = arith.addf %add3A_174, %dot_general3A_183 : vector<1360x32xf32>
      %get3A_185 = arith.constant 0 : index
      %get3A_186 = arith.constant 0 : index
      %get3A_187 = vector.load %arg3[%get3A_185, %get3A_186] : memref<1360x1xf32, #tpu.memory_space<vmem>>, vector<1360x1xf32>
      %mul3A_188 = vector.broadcast %get3A_187 : vector<1360x1xf32> to vector<1360x32xf32>
      %mul3A_189 = arith.mulf %add3A_184, %mul3A_188 : vector<1360x32xf32>
      %mul3A_190 = arith.constant 0.999994993 : f32
      %mul3A_191 = vector.broadcast %mul3A_190 : f32 to vector<1360x32xf32>
      %mul3A_192 = arith.mulf %mul3A_189, %mul3A_191 : vector<1360x32xf32>
      %ge3A_193 = arith.constant 0.000000e+00 : f32
      %ge3A_194 = vector.broadcast %ge3A_193 : f32 to vector<1360x32xf32>
      %ge3A_195 = arith.cmpf oge, %mul3A_192, %ge3A_194 : vector<1360x32xf32>
      %mul3A_196 = arith.constant 1.000000e-01 : f32
      %mul3A_197 = vector.broadcast %mul3A_196 : f32 to vector<1360x32xf32>
      %mul3A_198 = arith.mulf %mul3A_197, %mul3A_192 : vector<1360x32xf32>
      %select_n3A_199 = arith.select %ge3A_195, %mul3A_192, %mul3A_198 : vector<1360x32xi1>, vector<1360x32xf32>
      %broadcast_in_dim3A_200 = arith.constant 0.000000e+00 : f32
      %broadcast_in_dim3A_201 = vector.broadcast %broadcast_in_dim3A_200 : f32 to vector<48x32xf32>
      %concatenate3A = tpu.concatenate %broadcast_in_dim3A_201, %select_n3A_199, %broadcast_in_dim3A_201 in 0 : vector<48x32xf32>, vector<1360x32xf32>, vector<48x32xf32> -> vector<1456x32xf32>
      %reshape3A = vector.shape_cast %concatenate3A : vector<1456x32xf32> to vector<1x1456x32xf32>
      %slice3A_202 = vector.extract_strided_slice %reshape3A {offsets = [0, 48, 0], sizes = [1, 1360, 32], strides = [1, 1, 1]} : vector<1x1456x32xf32> to vector<1x1360x32xf32>
      %reshape3A_203 = vector.shape_cast %slice3A_202 : vector<1x1360x32xf32> to vector<1x34x40x32xf32>
      %slice3A_204 = vector.extract_strided_slice %reshape3A_203 {offsets = [0, 1, 1, 0], sizes = [1, 32, 32, 32], strides = [1, 1, 1, 1]} : vector<1x34x40x32xf32> to vector<1x32x32x32xf32>
      %reshape3A_205 = vector.shape_cast %slice3A_204 : vector<1x32x32x32xf32> to vector<1x16x2x32x32xf32>
      %slice3A_206 = vector.extract_strided_slice %reshape3A_205 {offsets = [0, 0, 0, 0, 0], sizes = [1, 16, 1, 32, 32], strides = [1, 1, 1, 1, 1]} : vector<1x16x2x32x32xf32> to vector<1x16x1x32x32xf32>
      %squeeze3A = vector.shape_cast %slice3A_206 : vector<1x16x1x32x32xf32> to vector<1x16x32x32xf32>
      %slice3A_207 = vector.extract_strided_slice %reshape3A_205 {offsets = [0, 0, 1, 0, 0], sizes = [1, 16, 1, 32, 32], strides = [1, 1, 1, 1, 1]} : vector<1x16x2x32x32xf32> to vector<1x16x1x32x32xf32>
      %squeeze3A_208 = vector.shape_cast %slice3A_207 : vector<1x16x1x32x32xf32> to vector<1x16x32x32xf32>
      %max3A = arith.maximumf %squeeze3A, %squeeze3A_208 : vector<1x16x32x32xf32>
      %reshape3A_209 = vector.shape_cast %max3A : vector<1x16x32x32xf32> to vector<1x16x16x2x32xf32>
      %slice3A_210 = vector.extract_strided_slice %reshape3A_209 {offsets = [0, 0, 0, 0, 0], sizes = [1, 16, 16, 1, 32], strides = [1, 1, 1, 1, 1]} : vector<1x16x16x2x32xf32> to vector<1x16x16x1x32xf32>
      %squeeze3A_211 = vector.shape_cast %slice3A_210 : vector<1x16x16x1x32xf32> to vector<1x16x16x32xf32>
      %slice3A_212 = vector.extract_strided_slice %reshape3A_209 {offsets = [0, 0, 0, 1, 0], sizes = [1, 16, 16, 1, 32], strides = [1, 1, 1, 1, 1]} : vector<1x16x16x2x32xf32> to vector<1x16x16x1x32xf32>
      %squeeze3A_213 = vector.shape_cast %slice3A_212 : vector<1x16x16x1x32xf32> to vector<1x16x16x32xf32>
      %max3A_214 = arith.maximumf %squeeze3A_211, %squeeze3A_213 : vector<1x16x16x32xf32>
      %broadcast_in_dim3A_215 = arith.constant 0.000000e+00 : f32
      %broadcast_in_dim3A_216 = vector.broadcast %broadcast_in_dim3A_215 : f32 to vector<1x16x1x32xf32>
      %broadcast_in_dim3A_217 = arith.constant 0.000000e+00 : f32
      %broadcast_in_dim3A_218 = vector.broadcast %broadcast_in_dim3A_217 : f32 to vector<1x16x7x32xf32>
      %concatenate3A_219 = tpu.concatenate %broadcast_in_dim3A_216, %max3A_214, %broadcast_in_dim3A_218 in 2 : vector<1x16x1x32xf32>, vector<1x16x16x32xf32>, vector<1x16x7x32xf32> -> vector<1x16x24x32xf32>
      %broadcast_in_dim3A_220 = arith.constant 0.000000e+00 : f32
      %broadcast_in_dim3A_221 = vector.broadcast %broadcast_in_dim3A_220 : f32 to vector<1x1x24x32xf32>
      %concatenate3A_222 = tpu.concatenate %broadcast_in_dim3A_221, %concatenate3A_219, %broadcast_in_dim3A_221 in 1 : vector<1x1x24x32xf32>, vector<1x16x24x32xf32>, vector<1x1x24x32xf32> -> vector<1x18x24x32xf32>
      %reshape3A_223 = vector.shape_cast %concatenate3A_222 : vector<1x18x24x32xf32> to vector<1x432x32xf32>
      %broadcast_in_dim3A_224 = arith.constant 0.000000e+00 : f32
      %broadcast_in_dim3A_225 = vector.broadcast %broadcast_in_dim3A_224 : f32 to vector<1x48x32xf32>
      %concatenate3A_226 = tpu.concatenate %broadcast_in_dim3A_225, %reshape3A_223, %broadcast_in_dim3A_225 in 1 : vector<1x48x32xf32>, vector<1x432x32xf32>, vector<1x48x32xf32> -> vector<1x528x32xf32>
      %reshape3A_227 = vector.shape_cast %concatenate3A_226 : vector<1x528x32xf32> to vector<528x32xf32>
      %get3A_228 = arith.constant 0 : index
      %get3A_229 = arith.constant 0 : index
      %get3A_230 = vector.load %arg9[%get3A_228, %get3A_229] : memref<32x64xf32, #tpu.memory_space<vmem>>, vector<32x64xf32>
      %dot_general3A_231 = arith.constant dense<0.000000e+00> : vector<528x64xf32>
      %dot_general3A_232 = tpu.matmul %reshape3A_227, %get3A_230, %dot_general3A_231 {dimension_numbers = #tpu.dot_dimension_numbers<[1], [0], [0], [1], [0, 0, 1, 1], [], []>, transpose_lhs_hint = false} : vector<528x32xf32>, vector<32x64xf32>, vector<528x64xf32> -> vector<528x64xf32>
      %mul3A_233 = arith.constant 0.999994993 : f32
      %mul3A_234 = vector.broadcast %mul3A_233 : f32 to vector<528x64xf32>
      %mul3A_235 = arith.mulf %dot_general3A_232, %mul3A_234 : vector<528x64xf32>
      %ge3A_236 = arith.constant 0.000000e+00 : f32
      %ge3A_237 = vector.broadcast %ge3A_236 : f32 to vector<528x64xf32>
      %ge3A_238 = arith.cmpf oge, %mul3A_235, %ge3A_237 : vector<528x64xf32>
      %mul3A_239 = arith.constant 1.000000e-01 : f32
      %mul3A_240 = vector.broadcast %mul3A_239 : f32 to vector<528x64xf32>
      %mul3A_241 = arith.mulf %mul3A_240, %mul3A_235 : vector<528x64xf32>
      %select_n3A_242 = arith.select %ge3A_238, %mul3A_235, %mul3A_241 : vector<528x64xi1>, vector<528x64xf32>
      %slice3A_243 = vector.extract_strided_slice %select_n3A_242 {offsets = [1, 0], sizes = [527, 64], strides = [1, 1]} : vector<528x64xf32> to vector<527x64xf32>
      %slice3A_244 = vector.extract_strided_slice %select_n3A_242 {offsets = [7, 0], sizes = [521, 64], strides = [1, 1]} : vector<528x64xf32> to vector<521x64xf32>
      %slice3A_245 = vector.extract_strided_slice %slice3A_244 {offsets = [16, 0], sizes = [432, 64], strides = [1, 1]} : vector<521x64xf32> to vector<432x64xf32>
      %get3A_246 = arith.constant 0 : index
      %get3A_247 = arith.constant 0 : index
      %get3A_248 = arith.constant 0 : index
      %get3A_249 = arith.constant 0 : index
      %get3A_250 = vector.load %arg10[%get3A_246, %get3A_247, %get3A_248, %get3A_249] : memref<3x3x64x64xf32, #tpu.memory_space<vmem>>, vector<1x1x64x64xf32>
      %get3A_251 = vector.shape_cast %get3A_250 : vector<1x1x64x64xf32> to vector<64x64xf32>
      %dot_general3A_252 = arith.constant dense<0.000000e+00> : vector<432x64xf32>
      %dot_general3A_253 = tpu.matmul %slice3A_245, %get3A_251, %dot_general3A_252 {dimension_numbers = #tpu.dot_dimension_numbers<[1], [0], [0], [1], [0, 0, 1, 1], [], []>, transpose_lhs_hint = false} : vector<432x64xf32>, vector<64x64xf32>, vector<432x64xf32> -> vector<432x64xf32>
      %slice3A_254 = vector.extract_strided_slice %select_n3A_242 {offsets = [24, 0], sizes = [432, 64], strides = [1, 1]} : vector<528x64xf32> to vector<432x64xf32>
      %get3A_255 = arith.constant 0 : index
      %get3A_256 = arith.constant 1 : index
      %get3A_257 = arith.constant 0 : index
      %get3A_258 = arith.constant 0 : index
      %get3A_259 = vector.load %arg10[%get3A_255, %get3A_256, %get3A_257, %get3A_258] : memref<3x3x64x64xf32, #tpu.memory_space<vmem>>, vector<1x1x64x64xf32>
      %get3A_260 = vector.shape_cast %get3A_259 : vector<1x1x64x64xf32> to vector<64x64xf32>
      %dot_general3A_261 = arith.constant dense<0.000000e+00> : vector<432x64xf32>
      %dot_general3A_262 = tpu.matmul %slice3A_254, %get3A_260, %dot_general3A_261 {dimension_numbers = #tpu.dot_dimension_numbers<[1], [0], [0], [1], [0, 0, 1, 1], [], []>, transpose_lhs_hint = false} : vector<432x64xf32>, vector<64x64xf32>, vector<432x64xf32> -> vector<432x64xf32>
      %add3A_263 = arith.addf %dot_general3A_253, %dot_general3A_262 : vector<432x64xf32>
      %slice3A_264 = vector.extract_strided_slice %slice3A_243 {offsets = [24, 0], sizes = [432, 64], strides = [1, 1]} : vector<527x64xf32> to vector<432x64xf32>
      %get3A_265 = arith.constant 0 : index
      %get3A_266 = arith.constant 2 : index
      %get3A_267 = arith.constant 0 : index
      %get3A_268 = arith.constant 0 : index
      %get3A_269 = vector.load %arg10[%get3A_265, %get3A_266, %get3A_267, %get3A_268] : memref<3x3x64x64xf32, #tpu.memory_space<vmem>>, vector<1x1x64x64xf32>
      %get3A_270 = vector.shape_cast %get3A_269 : vector<1x1x64x64xf32> to vector<64x64xf32>
      %dot_general3A_271 = arith.constant dense<0.000000e+00> : vector<432x64xf32>
      %dot_general3A_272 = tpu.matmul %slice3A_264, %get3A_270, %dot_general3A_271 {dimension_numbers = #tpu.dot_dimension_numbers<[1], [0], [0], [1], [0, 0, 1, 1], [], []>, transpose_lhs_hint = false} : vector<432x64xf32>, vector<64x64xf32>, vector<432x64xf32> -> vector<432x64xf32>
      %add3A_273 = arith.addf %add3A_263, %dot_general3A_272 : vector<432x64xf32>
      %slice3A_274 = vector.extract_strided_slice %slice3A_244 {offsets = [40, 0], sizes = [432, 64], strides = [1, 1]} : vector<521x64xf32> to vector<432x64xf32>
      %get3A_275 = arith.constant 1 : index
      %get3A_276 = arith.constant 0 : index
      %get3A_277 = arith.constant 0 : index
      %get3A_278 = arith.constant 0 : index
      %get3A_279 = vector.load %arg10[%get3A_275, %get3A_276, %get3A_277, %get3A_278] : memref<3x3x64x64xf32, #tpu.memory_space<vmem>>, vector<1x1x64x64xf32>
      %get3A_280 = vector.shape_cast %get3A_279 : vector<1x1x64x64xf32> to vector<64x64xf32>
      %dot_general3A_281 = arith.constant dense<0.000000e+00> : vector<432x64xf32>
      %dot_general3A_282 = tpu.matmul %slice3A_274, %get3A_280, %dot_general3A_281 {dimension_numbers = #tpu.dot_dimension_numbers<[1], [0], [0], [1], [0, 0, 1, 1], [], []>, transpose_lhs_hint = false} : vector<432x64xf32>, vector<64x64xf32>, vector<432x64xf32> -> vector<432x64xf32>
      %add3A_283 = arith.addf %add3A_273, %dot_general3A_282 : vector<432x64xf32>
      %slice3A_284 = vector.extract_strided_slice %select_n3A_242 {offsets = [48, 0], sizes = [432, 64], strides = [1, 1]} : vector<528x64xf32> to vector<432x64xf32>
      %get3A_285 = arith.constant 1 : index
      %get3A_286 = arith.constant 1 : index
      %get3A_287 = arith.constant 0 : index
      %get3A_288 = arith.constant 0 : index
      %get3A_289 = vector.load %arg10[%get3A_285, %get3A_286, %get3A_287, %get3A_288] : memref<3x3x64x64xf32, #tpu.memory_space<vmem>>, vector<1x1x64x64xf32>
      %get3A_290 = vector.shape_cast %get3A_289 : vector<1x1x64x64xf32> to vector<64x64xf32>
      %dot_general3A_291 = arith.constant dense<0.000000e+00> : vector<432x64xf32>
      %dot_general3A_292 = tpu.matmul %slice3A_284, %get3A_290, %dot_general3A_291 {dimension_numbers = #tpu.dot_dimension_numbers<[1], [0], [0], [1], [0, 0, 1, 1], [], []>, transpose_lhs_hint = false} : vector<432x64xf32>, vector<64x64xf32>, vector<432x64xf32> -> vector<432x64xf32>
      %add3A_293 = arith.addf %add3A_283, %dot_general3A_292 : vector<432x64xf32>
      %slice3A_294 = vector.extract_strided_slice %slice3A_243 {offsets = [48, 0], sizes = [432, 64], strides = [1, 1]} : vector<527x64xf32> to vector<432x64xf32>
      %get3A_295 = arith.constant 1 : index
      %get3A_296 = arith.constant 2 : index
      %get3A_297 = arith.constant 0 : index
      %get3A_298 = arith.constant 0 : index
      %get3A_299 = vector.load %arg10[%get3A_295, %get3A_296, %get3A_297, %get3A_298] : memref<3x3x64x64xf32, #tpu.memory_space<vmem>>, vector<1x1x64x64xf32>
      %get3A_300 = vector.shape_cast %get3A_299 : vector<1x1x64x64xf32> to vector<64x64xf32>
      %dot_general3A_301 = arith.constant dense<0.000000e+00> : vector<432x64xf32>
      %dot_general3A_302 = tpu.matmul %slice3A_294, %get3A_300, %dot_general3A_301 {dimension_numbers = #tpu.dot_dimension_numbers<[1], [0], [0], [1], [0, 0, 1, 1], [], []>, transpose_lhs_hint = false} : vector<432x64xf32>, vector<64x64xf32>, vector<432x64xf32> -> vector<432x64xf32>
      %add3A_303 = arith.addf %add3A_293, %dot_general3A_302 : vector<432x64xf32>
      %slice3A_304 = vector.extract_strided_slice %slice3A_244 {offsets = [64, 0], sizes = [432, 64], strides = [1, 1]} : vector<521x64xf32> to vector<432x64xf32>
      %get3A_305 = arith.constant 2 : index
      %get3A_306 = arith.constant 0 : index
      %get3A_307 = arith.constant 0 : index
      %get3A_308 = arith.constant 0 : index
      %get3A_309 = vector.load %arg10[%get3A_305, %get3A_306, %get3A_307, %get3A_308] : memref<3x3x64x64xf32, #tpu.memory_space<vmem>>, vector<1x1x64x64xf32>
      %get3A_310 = vector.shape_cast %get3A_309 : vector<1x1x64x64xf32> to vector<64x64xf32>
      %dot_general3A_311 = arith.constant dense<0.000000e+00> : vector<432x64xf32>
      %dot_general3A_312 = tpu.matmul %slice3A_304, %get3A_310, %dot_general3A_311 {dimension_numbers = #tpu.dot_dimension_numbers<[1], [0], [0], [1], [0, 0, 1, 1], [], []>, transpose_lhs_hint = false} : vector<432x64xf32>, vector<64x64xf32>, vector<432x64xf32> -> vector<432x64xf32>
      %add3A_313 = arith.addf %add3A_303, %dot_general3A_312 : vector<432x64xf32>
      %slice3A_314 = vector.extract_strided_slice %select_n3A_242 {offsets = [72, 0], sizes = [432, 64], strides = [1, 1]} : vector<528x64xf32> to vector<432x64xf32>
      %get3A_315 = arith.constant 2 : index
      %get3A_316 = arith.constant 1 : index
      %get3A_317 = arith.constant 0 : index
      %get3A_318 = arith.constant 0 : index
      %get3A_319 = vector.load %arg10[%get3A_315, %get3A_316, %get3A_317, %get3A_318] : memref<3x3x64x64xf32, #tpu.memory_space<vmem>>, vector<1x1x64x64xf32>
      %get3A_320 = vector.shape_cast %get3A_319 : vector<1x1x64x64xf32> to vector<64x64xf32>
      %dot_general3A_321 = arith.constant dense<0.000000e+00> : vector<432x64xf32>
      %dot_general3A_322 = tpu.matmul %slice3A_314, %get3A_320, %dot_general3A_321 {dimension_numbers = #tpu.dot_dimension_numbers<[1], [0], [0], [1], [0, 0, 1, 1], [], []>, transpose_lhs_hint = false} : vector<432x64xf32>, vector<64x64xf32>, vector<432x64xf32> -> vector<432x64xf32>
      %add3A_323 = arith.addf %add3A_313, %dot_general3A_322 : vector<432x64xf32>
      %slice3A_324 = vector.extract_strided_slice %slice3A_243 {offsets = [72, 0], sizes = [432, 64], strides = [1, 1]} : vector<527x64xf32> to vector<432x64xf32>
      %get3A_325 = arith.constant 2 : index
      %get3A_326 = arith.constant 2 : index
      %get3A_327 = arith.constant 0 : index
      %get3A_328 = arith.constant 0 : index
      %get3A_329 = vector.load %arg10[%get3A_325, %get3A_326, %get3A_327, %get3A_328] : memref<3x3x64x64xf32, #tpu.memory_space<vmem>>, vector<1x1x64x64xf32>
      %get3A_330 = vector.shape_cast %get3A_329 : vector<1x1x64x64xf32> to vector<64x64xf32>
      %dot_general3A_331 = arith.constant dense<0.000000e+00> : vector<432x64xf32>
      %dot_general3A_332 = tpu.matmul %slice3A_324, %get3A_330, %dot_general3A_331 {dimension_numbers = #tpu.dot_dimension_numbers<[1], [0], [0], [1], [0, 0, 1, 1], [], []>, transpose_lhs_hint = false} : vector<432x64xf32>, vector<64x64xf32>, vector<432x64xf32> -> vector<432x64xf32>
      %add3A_333 = arith.addf %add3A_323, %dot_general3A_332 : vector<432x64xf32>
      %get3A_334 = arith.constant 0 : index
      %get3A_335 = arith.constant 0 : index
      %get3A_336 = vector.load %arg4[%get3A_334, %get3A_335] : memref<432x1xf32, #tpu.memory_space<vmem>>, vector<432x1xf32>
      %mul3A_337 = vector.broadcast %get3A_336 : vector<432x1xf32> to vector<432x64xf32>
      %mul3A_338 = arith.mulf %add3A_333, %mul3A_337 : vector<432x64xf32>
      %mul3A_339 = arith.constant 0.999994993 : f32
      %mul3A_340 = vector.broadcast %mul3A_339 : f32 to vector<432x64xf32>
      %mul3A_341 = arith.mulf %mul3A_338, %mul3A_340 : vector<432x64xf32>
      %ge3A_342 = arith.constant 0.000000e+00 : f32
      %ge3A_343 = vector.broadcast %ge3A_342 : f32 to vector<432x64xf32>
      %ge3A_344 = arith.cmpf oge, %mul3A_341, %ge3A_343 : vector<432x64xf32>
      %mul3A_345 = arith.constant 1.000000e-01 : f32
      %mul3A_346 = vector.broadcast %mul3A_345 : f32 to vector<432x64xf32>
      %mul3A_347 = arith.mulf %mul3A_346, %mul3A_341 : vector<432x64xf32>
      %select_n3A_348 = arith.select %ge3A_344, %mul3A_341, %mul3A_347 : vector<432x64xi1>, vector<432x64xf32>
      %broadcast_in_dim3A_349 = arith.constant 0.000000e+00 : f32
      %broadcast_in_dim3A_350 = vector.broadcast %broadcast_in_dim3A_349 : f32 to vector<48x64xf32>
      %concatenate3A_351 = tpu.concatenate %broadcast_in_dim3A_350, %select_n3A_348, %broadcast_in_dim3A_350 in 0 : vector<48x64xf32>, vector<432x64xf32>, vector<48x64xf32> -> vector<528x64xf32>
      %reshape3A_352 = vector.shape_cast %concatenate3A_351 : vector<528x64xf32> to vector<1x528x64xf32>
      %slice3A_353 = vector.extract_strided_slice %reshape3A_352 {offsets = [0, 48, 0], sizes = [1, 432, 64], strides = [1, 1, 1]} : vector<1x528x64xf32> to vector<1x432x64xf32>
      %reshape3A_354 = vector.shape_cast %slice3A_353 : vector<1x432x64xf32> to vector<1x18x24x64xf32>
      %slice3A_355 = vector.extract_strided_slice %reshape3A_354 {offsets = [0, 1, 1, 0], sizes = [1, 16, 16, 64], strides = [1, 1, 1, 1]} : vector<1x18x24x64xf32> to vector<1x16x16x64xf32>
      %reshape3A_356 = vector.shape_cast %slice3A_355 : vector<1x16x16x64xf32> to vector<1x8x2x16x64xf32>
      %slice3A_357 = vector.extract_strided_slice %reshape3A_356 {offsets = [0, 0, 0, 0, 0], sizes = [1, 8, 1, 16, 64], strides = [1, 1, 1, 1, 1]} : vector<1x8x2x16x64xf32> to vector<1x8x1x16x64xf32>
      %squeeze3A_358 = vector.shape_cast %slice3A_357 : vector<1x8x1x16x64xf32> to vector<1x8x16x64xf32>
      %slice3A_359 = vector.extract_strided_slice %reshape3A_356 {offsets = [0, 0, 1, 0, 0], sizes = [1, 8, 1, 16, 64], strides = [1, 1, 1, 1, 1]} : vector<1x8x2x16x64xf32> to vector<1x8x1x16x64xf32>
      %squeeze3A_360 = vector.shape_cast %slice3A_359 : vector<1x8x1x16x64xf32> to vector<1x8x16x64xf32>
      %max3A_361 = arith.maximumf %squeeze3A_358, %squeeze3A_360 : vector<1x8x16x64xf32>
      %reshape3A_362 = vector.shape_cast %max3A_361 : vector<1x8x16x64xf32> to vector<1x8x8x2x64xf32>
      %slice3A_363 = vector.extract_strided_slice %reshape3A_362 {offsets = [0, 0, 0, 0, 0], sizes = [1, 8, 8, 1, 64], strides = [1, 1, 1, 1, 1]} : vector<1x8x8x2x64xf32> to vector<1x8x8x1x64xf32>
      %squeeze3A_364 = vector.shape_cast %slice3A_363 : vector<1x8x8x1x64xf32> to vector<1x8x8x64xf32>
      %slice3A_365 = vector.extract_strided_slice %reshape3A_362 {offsets = [0, 0, 0, 1, 0], sizes = [1, 8, 8, 1, 64], strides = [1, 1, 1, 1, 1]} : vector<1x8x8x2x64xf32> to vector<1x8x8x1x64xf32>
      %squeeze3A_366 = vector.shape_cast %slice3A_365 : vector<1x8x8x1x64xf32> to vector<1x8x8x64xf32>
      %max3A_367 = arith.maximumf %squeeze3A_364, %squeeze3A_366 : vector<1x8x8x64xf32>
      %broadcast_in_dim3A_368 = arith.constant 0.000000e+00 : f32
      %broadcast_in_dim3A_369 = vector.broadcast %broadcast_in_dim3A_368 : f32 to vector<1x8x1x64xf32>
      %broadcast_in_dim3A_370 = arith.constant 0.000000e+00 : f32
      %broadcast_in_dim3A_371 = vector.broadcast %broadcast_in_dim3A_370 : f32 to vector<1x8x7x64xf32>
      %concatenate3A_372 = tpu.concatenate %broadcast_in_dim3A_369, %max3A_367, %broadcast_in_dim3A_371 in 2 : vector<1x8x1x64xf32>, vector<1x8x8x64xf32>, vector<1x8x7x64xf32> -> vector<1x8x16x64xf32>
      %broadcast_in_dim3A_373 = arith.constant 0.000000e+00 : f32
      %broadcast_in_dim3A_374 = vector.broadcast %broadcast_in_dim3A_373 : f32 to vector<1x1x16x64xf32>
      %concatenate3A_375 = tpu.concatenate %broadcast_in_dim3A_374, %concatenate3A_372, %broadcast_in_dim3A_374 in 1 : vector<1x1x16x64xf32>, vector<1x8x16x64xf32>, vector<1x1x16x64xf32> -> vector<1x10x16x64xf32>
      %reshape3A_376 = vector.shape_cast %concatenate3A_375 : vector<1x10x16x64xf32> to vector<1x160x64xf32>
      %broadcast_in_dim3A_377 = arith.constant 0.000000e+00 : f32
      %broadcast_in_dim3A_378 = vector.broadcast %broadcast_in_dim3A_377 : f32 to vector<1x48x64xf32>
      %concatenate3A_379 = tpu.concatenate %broadcast_in_dim3A_378, %reshape3A_376, %broadcast_in_dim3A_378 in 1 : vector<1x48x64xf32>, vector<1x160x64xf32>, vector<1x48x64xf32> -> vector<1x256x64xf32>
      %reshape3A_380 = vector.shape_cast %concatenate3A_379 : vector<1x256x64xf32> to vector<256x64xf32>
      %get3A_381 = arith.constant 0 : index
      %get3A_382 = arith.constant 0 : index
      %get3A_383 = vector.load %arg11[%get3A_381, %get3A_382] : memref<64x128xf32, #tpu.memory_space<vmem>>, vector<64x128xf32>
      %dot_general3A_384 = arith.constant dense<0.000000e+00> : vector<256x128xf32>
      %dot_general3A_385 = tpu.matmul %reshape3A_380, %get3A_383, %dot_general3A_384 {dimension_numbers = #tpu.dot_dimension_numbers<[1], [0], [0], [1], [0, 0, 1, 1], [], []>, transpose_lhs_hint = false} : vector<256x64xf32>, vector<64x128xf32>, vector<256x128xf32> -> vector<256x128xf32>
      %mul3A_386 = arith.constant 0.999994993 : f32
      %mul3A_387 = vector.broadcast %mul3A_386 : f32 to vector<256x128xf32>
      %mul3A_388 = arith.mulf %dot_general3A_385, %mul3A_387 : vector<256x128xf32>
      %ge3A_389 = arith.constant 0.000000e+00 : f32
      %ge3A_390 = vector.broadcast %ge3A_389 : f32 to vector<256x128xf32>
      %ge3A_391 = arith.cmpf oge, %mul3A_388, %ge3A_390 : vector<256x128xf32>
      %mul3A_392 = arith.constant 1.000000e-01 : f32
      %mul3A_393 = vector.broadcast %mul3A_392 : f32 to vector<256x128xf32>
      %mul3A_394 = arith.mulf %mul3A_393, %mul3A_388 : vector<256x128xf32>
      %select_n3A_395 = arith.select %ge3A_391, %mul3A_388, %mul3A_394 : vector<256x128xi1>, vector<256x128xf32>
      %slice3A_396 = vector.extract_strided_slice %select_n3A_395 {offsets = [1, 0], sizes = [255, 128], strides = [1, 1]} : vector<256x128xf32> to vector<255x128xf32>
      %slice3A_397 = vector.extract_strided_slice %select_n3A_395 {offsets = [7, 0], sizes = [249, 128], strides = [1, 1]} : vector<256x128xf32> to vector<249x128xf32>
      %slice3A_398 = vector.extract_strided_slice %slice3A_397 {offsets = [24, 0], sizes = [160, 128], strides = [1, 1]} : vector<249x128xf32> to vector<160x128xf32>
      %get3A_399 = arith.constant 0 : index
      %get3A_400 = arith.constant 0 : index
      %get3A_401 = arith.constant 0 : index
      %get3A_402 = arith.constant 0 : index
      %get3A_403 = vector.load %arg12[%get3A_399, %get3A_400, %get3A_401, %get3A_402] : memref<3x3x128x128xf32, #tpu.memory_space<vmem>>, vector<1x1x128x128xf32>
      %get3A_404 = vector.shape_cast %get3A_403 : vector<1x1x128x128xf32> to vector<128x128xf32>
      %dot_general3A_405 = arith.constant dense<0.000000e+00> : vector<160x128xf32>
      %dot_general3A_406 = tpu.matmul %slice3A_398, %get3A_404, %dot_general3A_405 {dimension_numbers = #tpu.dot_dimension_numbers<[1], [0], [0], [1], [0, 0, 1, 1], [], []>, transpose_lhs_hint = false} : vector<160x128xf32>, vector<128x128xf32>, vector<160x128xf32> -> vector<160x128xf32>
      %slice3A_407 = vector.extract_strided_slice %select_n3A_395 {offsets = [32, 0], sizes = [160, 128], strides = [1, 1]} : vector<256x128xf32> to vector<160x128xf32>
      %get3A_408 = arith.constant 0 : index
      %get3A_409 = arith.constant 1 : index
      %get3A_410 = arith.constant 0 : index
      %get3A_411 = arith.constant 0 : index
      %get3A_412 = vector.load %arg12[%get3A_408, %get3A_409, %get3A_410, %get3A_411] : memref<3x3x128x128xf32, #tpu.memory_space<vmem>>, vector<1x1x128x128xf32>
      %get3A_413 = vector.shape_cast %get3A_412 : vector<1x1x128x128xf32> to vector<128x128xf32>
      %dot_general3A_414 = arith.constant dense<0.000000e+00> : vector<160x128xf32>
      %dot_general3A_415 = tpu.matmul %slice3A_407, %get3A_413, %dot_general3A_414 {dimension_numbers = #tpu.dot_dimension_numbers<[1], [0], [0], [1], [0, 0, 1, 1], [], []>, transpose_lhs_hint = false} : vector<160x128xf32>, vector<128x128xf32>, vector<160x128xf32> -> vector<160x128xf32>
      %add3A_416 = arith.addf %dot_general3A_406, %dot_general3A_415 : vector<160x128xf32>
      %slice3A_417 = vector.extract_strided_slice %slice3A_396 {offsets = [32, 0], sizes = [160, 128], strides = [1, 1]} : vector<255x128xf32> to vector<160x128xf32>
      %get3A_418 = arith.constant 0 : index
      %get3A_419 = arith.constant 2 : index
      %get3A_420 = arith.constant 0 : index
      %get3A_421 = arith.constant 0 : index
      %get3A_422 = vector.load %arg12[%get3A_418, %get3A_419, %get3A_420, %get3A_421] : memref<3x3x128x128xf32, #tpu.memory_space<vmem>>, vector<1x1x128x128xf32>
      %get3A_423 = vector.shape_cast %get3A_422 : vector<1x1x128x128xf32> to vector<128x128xf32>
      %dot_general3A_424 = arith.constant dense<0.000000e+00> : vector<160x128xf32>
      %dot_general3A_425 = tpu.matmul %slice3A_417, %get3A_423, %dot_general3A_424 {dimension_numbers = #tpu.dot_dimension_numbers<[1], [0], [0], [1], [0, 0, 1, 1], [], []>, transpose_lhs_hint = false} : vector<160x128xf32>, vector<128x128xf32>, vector<160x128xf32> -> vector<160x128xf32>
      %add3A_426 = arith.addf %add3A_416, %dot_general3A_425 : vector<160x128xf32>
      %slice3A_427 = vector.extract_strided_slice %slice3A_397 {offsets = [40, 0], sizes = [160, 128], strides = [1, 1]} : vector<249x128xf32> to vector<160x128xf32>
      %get3A_428 = arith.constant 1 : index
      %get3A_429 = arith.constant 0 : index
      %get3A_430 = arith.constant 0 : index
      %get3A_431 = arith.constant 0 : index
      %get3A_432 = vector.load %arg12[%get3A_428, %get3A_429, %get3A_430, %get3A_431] : memref<3x3x128x128xf32, #tpu.memory_space<vmem>>, vector<1x1x128x128xf32>
      %get3A_433 = vector.shape_cast %get3A_432 : vector<1x1x128x128xf32> to vector<128x128xf32>
      %dot_general3A_434 = arith.constant dense<0.000000e+00> : vector<160x128xf32>
      %dot_general3A_435 = tpu.matmul %slice3A_427, %get3A_433, %dot_general3A_434 {dimension_numbers = #tpu.dot_dimension_numbers<[1], [0], [0], [1], [0, 0, 1, 1], [], []>, transpose_lhs_hint = false} : vector<160x128xf32>, vector<128x128xf32>, vector<160x128xf32> -> vector<160x128xf32>
      %add3A_436 = arith.addf %add3A_426, %dot_general3A_435 : vector<160x128xf32>
      %slice3A_437 = vector.extract_strided_slice %select_n3A_395 {offsets = [48, 0], sizes = [160, 128], strides = [1, 1]} : vector<256x128xf32> to vector<160x128xf32>
      %get3A_438 = arith.constant 1 : index
      %get3A_439 = arith.constant 1 : index
      %get3A_440 = arith.constant 0 : index
      %get3A_441 = arith.constant 0 : index
      %get3A_442 = vector.load %arg12[%get3A_438, %get3A_439, %get3A_440, %get3A_441] : memref<3x3x128x128xf32, #tpu.memory_space<vmem>>, vector<1x1x128x128xf32>
      %get3A_443 = vector.shape_cast %get3A_442 : vector<1x1x128x128xf32> to vector<128x128xf32>
      %dot_general3A_444 = arith.constant dense<0.000000e+00> : vector<160x128xf32>
      %dot_general3A_445 = tpu.matmul %slice3A_437, %get3A_443, %dot_general3A_444 {dimension_numbers = #tpu.dot_dimension_numbers<[1], [0], [0], [1], [0, 0, 1, 1], [], []>, transpose_lhs_hint = false} : vector<160x128xf32>, vector<128x128xf32>, vector<160x128xf32> -> vector<160x128xf32>
      %add3A_446 = arith.addf %add3A_436, %dot_general3A_445 : vector<160x128xf32>
      %slice3A_447 = vector.extract_strided_slice %slice3A_396 {offsets = [48, 0], sizes = [160, 128], strides = [1, 1]} : vector<255x128xf32> to vector<160x128xf32>
      %get3A_448 = arith.constant 1 : index
      %get3A_449 = arith.constant 2 : index
      %get3A_450 = arith.constant 0 : index
      %get3A_451 = arith.constant 0 : index
      %get3A_452 = vector.load %arg12[%get3A_448, %get3A_449, %get3A_450, %get3A_451] : memref<3x3x128x128xf32, #tpu.memory_space<vmem>>, vector<1x1x128x128xf32>
      %get3A_453 = vector.shape_cast %get3A_452 : vector<1x1x128x128xf32> to vector<128x128xf32>
      %dot_general3A_454 = arith.constant dense<0.000000e+00> : vector<160x128xf32>
      %dot_general3A_455 = tpu.matmul %slice3A_447, %get3A_453, %dot_general3A_454 {dimension_numbers = #tpu.dot_dimension_numbers<[1], [0], [0], [1], [0, 0, 1, 1], [], []>, transpose_lhs_hint = false} : vector<160x128xf32>, vector<128x128xf32>, vector<160x128xf32> -> vector<160x128xf32>
      %add3A_456 = arith.addf %add3A_446, %dot_general3A_455 : vector<160x128xf32>
      %slice3A_457 = vector.extract_strided_slice %slice3A_397 {offsets = [56, 0], sizes = [160, 128], strides = [1, 1]} : vector<249x128xf32> to vector<160x128xf32>
      %get3A_458 = arith.constant 2 : index
      %get3A_459 = arith.constant 0 : index
      %get3A_460 = arith.constant 0 : index
      %get3A_461 = arith.constant 0 : index
      %get3A_462 = vector.load %arg12[%get3A_458, %get3A_459, %get3A_460, %get3A_461] : memref<3x3x128x128xf32, #tpu.memory_space<vmem>>, vector<1x1x128x128xf32>
      %get3A_463 = vector.shape_cast %get3A_462 : vector<1x1x128x128xf32> to vector<128x128xf32>
      %dot_general3A_464 = arith.constant dense<0.000000e+00> : vector<160x128xf32>
      %dot_general3A_465 = tpu.matmul %slice3A_457, %get3A_463, %dot_general3A_464 {dimension_numbers = #tpu.dot_dimension_numbers<[1], [0], [0], [1], [0, 0, 1, 1], [], []>, transpose_lhs_hint = false} : vector<160x128xf32>, vector<128x128xf32>, vector<160x128xf32> -> vector<160x128xf32>
      %add3A_466 = arith.addf %add3A_456, %dot_general3A_465 : vector<160x128xf32>
      %slice3A_467 = vector.extract_strided_slice %select_n3A_395 {offsets = [64, 0], sizes = [160, 128], strides = [1, 1]} : vector<256x128xf32> to vector<160x128xf32>
      %get3A_468 = arith.constant 2 : index
      %get3A_469 = arith.constant 1 : index
      %get3A_470 = arith.constant 0 : index
      %get3A_471 = arith.constant 0 : index
      %get3A_472 = vector.load %arg12[%get3A_468, %get3A_469, %get3A_470, %get3A_471] : memref<3x3x128x128xf32, #tpu.memory_space<vmem>>, vector<1x1x128x128xf32>
      %get3A_473 = vector.shape_cast %get3A_472 : vector<1x1x128x128xf32> to vector<128x128xf32>
      %dot_general3A_474 = arith.constant dense<0.000000e+00> : vector<160x128xf32>
      %dot_general3A_475 = tpu.matmul %slice3A_467, %get3A_473, %dot_general3A_474 {dimension_numbers = #tpu.dot_dimension_numbers<[1], [0], [0], [1], [0, 0, 1, 1], [], []>, transpose_lhs_hint = false} : vector<160x128xf32>, vector<128x128xf32>, vector<160x128xf32> -> vector<160x128xf32>
      %add3A_476 = arith.addf %add3A_466, %dot_general3A_475 : vector<160x128xf32>
      %slice3A_477 = vector.extract_strided_slice %slice3A_396 {offsets = [64, 0], sizes = [160, 128], strides = [1, 1]} : vector<255x128xf32> to vector<160x128xf32>
      %get3A_478 = arith.constant 2 : index
      %get3A_479 = arith.constant 2 : index
      %get3A_480 = arith.constant 0 : index
      %get3A_481 = arith.constant 0 : index
      %get3A_482 = vector.load %arg12[%get3A_478, %get3A_479, %get3A_480, %get3A_481] : memref<3x3x128x128xf32, #tpu.memory_space<vmem>>, vector<1x1x128x128xf32>
      %get3A_483 = vector.shape_cast %get3A_482 : vector<1x1x128x128xf32> to vector<128x128xf32>
      %dot_general3A_484 = arith.constant dense<0.000000e+00> : vector<160x128xf32>
      %dot_general3A_485 = tpu.matmul %slice3A_477, %get3A_483, %dot_general3A_484 {dimension_numbers = #tpu.dot_dimension_numbers<[1], [0], [0], [1], [0, 0, 1, 1], [], []>, transpose_lhs_hint = false} : vector<160x128xf32>, vector<128x128xf32>, vector<160x128xf32> -> vector<160x128xf32>
      %add3A_486 = arith.addf %add3A_476, %dot_general3A_485 : vector<160x128xf32>
      %get3A_487 = arith.constant 0 : index
      %get3A_488 = arith.constant 0 : index
      %get3A_489 = vector.load %arg5[%get3A_487, %get3A_488] : memref<160x1xf32, #tpu.memory_space<vmem>>, vector<160x1xf32>
      %mul3A_490 = vector.broadcast %get3A_489 : vector<160x1xf32> to vector<160x128xf32>
      %mul3A_491 = arith.mulf %add3A_486, %mul3A_490 : vector<160x128xf32>
      %mul3A_492 = arith.constant 0.999994993 : f32
      %mul3A_493 = vector.broadcast %mul3A_492 : f32 to vector<160x128xf32>
      %mul3A_494 = arith.mulf %mul3A_491, %mul3A_493 : vector<160x128xf32>
      %ge3A_495 = arith.constant 0.000000e+00 : f32
      %ge3A_496 = vector.broadcast %ge3A_495 : f32 to vector<160x128xf32>
      %ge3A_497 = arith.cmpf oge, %mul3A_494, %ge3A_496 : vector<160x128xf32>
      %mul3A_498 = arith.constant 1.000000e-01 : f32
      %mul3A_499 = vector.broadcast %mul3A_498 : f32 to vector<160x128xf32>
      %mul3A_500 = arith.mulf %mul3A_499, %mul3A_494 : vector<160x128xf32>
      %select_n3A_501 = arith.select %ge3A_497, %mul3A_494, %mul3A_500 : vector<160x128xi1>, vector<160x128xf32>
      %broadcast_in_dim3A_502 = arith.constant 0.000000e+00 : f32
      %broadcast_in_dim3A_503 = vector.broadcast %broadcast_in_dim3A_502 : f32 to vector<48x128xf32>
      %concatenate3A_504 = tpu.concatenate %broadcast_in_dim3A_503, %select_n3A_501, %broadcast_in_dim3A_503 in 0 : vector<48x128xf32>, vector<160x128xf32>, vector<48x128xf32> -> vector<256x128xf32>
      %reshape3A_505 = vector.shape_cast %concatenate3A_504 : vector<256x128xf32> to vector<1x256x128xf32>
      %slice3A_506 = vector.extract_strided_slice %reshape3A_505 {offsets = [0, 48, 0], sizes = [1, 160, 128], strides = [1, 1, 1]} : vector<1x256x128xf32> to vector<1x160x128xf32>
      %reshape3A_507 = vector.shape_cast %slice3A_506 : vector<1x160x128xf32> to vector<160x128xf32>
      %get3A_508 = arith.constant 0 : index
      %get3A_509 = arith.constant 0 : index
      %get3A_510 = vector.load %arg13[%get3A_508, %get3A_509] : memref<128x100xf32, #tpu.memory_space<vmem>>, vector<128x100xf32>
      %dot_general3A_511 = arith.constant dense<0.000000e+00> : vector<160x100xf32>
      %dot_general3A_512 = tpu.matmul %reshape3A_507, %get3A_510, %dot_general3A_511 {dimension_numbers = #tpu.dot_dimension_numbers<[1], [0], [0], [1], [0, 0, 1, 1], [], []>, transpose_lhs_hint = false} : vector<160x128xf32>, vector<128x100xf32>, vector<160x100xf32> -> vector<160x100xf32>
      %ge3A_513 = arith.constant 0.000000e+00 : f32
      %ge3A_514 = vector.broadcast %ge3A_513 : f32 to vector<160x100xf32>
      %ge3A_515 = arith.cmpf oge, %dot_general3A_512, %ge3A_514 : vector<160x100xf32>
      %mul3A_516 = arith.constant 1.000000e-01 : f32
      %mul3A_517 = vector.broadcast %mul3A_516 : f32 to vector<160x100xf32>
      %mul3A_518 = arith.mulf %mul3A_517, %dot_general3A_512 : vector<160x100xf32>
      %select_n3A_519 = arith.select %ge3A_515, %dot_general3A_512, %mul3A_518 : vector<160x100xi1>, vector<160x100xf32>
      %reshape3A_520 = vector.shape_cast %select_n3A_519 : vector<160x100xf32> to vector<1x160x100xf32>
      %reduce_sum3A = arith.constant dense<0.000000e+00> : vector<1x100xf32>
      %reduce_sum3A_521 = vector.multi_reduction <add>, %reshape3A_520, %reduce_sum3A [1] : vector<1x160x100xf32> to vector<1x100xf32>
      %mul3A_522 = arith.constant 1.562500e-02 : f32
      %mul3A_523 = vector.broadcast %mul3A_522 : f32 to vector<1x100xf32>
      %mul3A_524 = arith.mulf %reduce_sum3A_521, %mul3A_523 : vector<1x100xf32>
      %get3A_525 = arith.constant 0 : index
      %get3A_526 = arith.constant 0 : index
      %get3A_527 = arith.constant 0 : index
      %get3A_528 = vector.load %arg63[%get3A_525, %get3A_526, %get3A_527] : memref<1x1x100xf32, #tpu.memory_space<vmem>>, vector<1x1x100xf32>
      %mul3A_529 = vector.broadcast %get3A_7 : f32 to vector<1x100xf32>
      %mul3A_530 = arith.mulf %mul3A_524, %mul3A_529 : vector<1x100xf32>
      %reshape3A_531 = vector.shape_cast %mul3A_530 : vector<1x100xf32> to vector<1x1x100xf32>
      %add3A_532 = arith.addf %get3A_528, %reshape3A_531 : vector<1x1x100xf32>
      %swap3A_533 = arith.constant 0 : index
      %swap3A_534 = arith.constant 0 : index
      %swap3A_535 = arith.constant 0 : index
      %swap3A_536 = vector.load %arg63[%swap3A_533, %swap3A_534, %swap3A_535] : memref<1x1x100xf32, #tpu.memory_space<vmem>>, vector<1x1x100xf32>
      tpu.vector_store %arg63[%swap3A_533, %swap3A_534, %swap3A_535], %add3A_532 {strides = array<i32>} : memref<1x1x100xf32, #tpu.memory_space<vmem>>, vector<1x1x100xf32>,
    } else {
    }
    %get3A_10 = arith.constant 0 : index
    %get3A_11 = arith.constant 1 : index
    %get3A_12 = arith.constant 0 : index
    %get3A_13 = vector.load %arg2[%get3A_10, %get3A_11, %get3A_12] : memref<1x8x1xf32, #tpu.memory_space<vmem>>, vector<1x1x1xf32>
    %get3A_14 = vector.extract %get3A_13[0, 0, 0] : f32 from vector<1x1x1xf32>
    %ne3A_15 = arith.constant 0.000000e+00 : f32
    %ne3A_16 = arith.cmpf one, %get3A_14, %ne3A_15 : f32
    %convert_element_type3A_17 = arith.extui %ne3A_16 : i1 to i32
    %cond3A_18 = arith.constant 0 : i32
    %cond3A_19 = arith.cmpi ne, %convert_element_type3A_17, %cond3A_18 : i32
    scf.if %cond3A_19 {
      %get3A_80 = arith.constant 0 : index
      %get3A_81 = arith.constant 0 : index
      %get3A_82 = arith.constant 0 : index
      %get3A_83 = vector.load %arg1[%get3A_80, %get3A_81, %get3A_82] : memref<1x1456x3xf32, #tpu.memory_space<vmem>>, vector<1x1456x3xf32>
      %get3A_84 = vector.shape_cast %get3A_83 : vector<1x1456x3xf32> to vector<1456x3xf32>
      %get3A_85 = arith.constant 0 : index
      %get3A_86 = arith.constant 0 : index
      %get3A_87 = vector.load %arg14[%get3A_85, %get3A_86] : memref<3x64xf32, #tpu.memory_space<vmem>>, vector<3x64xf32>
      %dot_general3A = arith.constant dense<0.000000e+00> : vector<1456x64xf32>
      %dot_general3A_88 = tpu.matmul %get3A_84, %get3A_87, %dot_general3A {dimension_numbers = #tpu.dot_dimension_numbers<[1], [0], [0], [1], [0, 0, 1, 1], [], []>, transpose_lhs_hint = false} : vector<1456x3xf32>, vector<3x64xf32>, vector<1456x64xf32> -> vector<1456x64xf32>
      %mul3A = arith.constant 0.999994993 : f32
      %mul3A_89 = vector.broadcast %mul3A : f32 to vector<1456x64xf32>
      %mul3A_90 = arith.mulf %dot_general3A_88, %mul3A_89 : vector<1456x64xf32>
      %ge3A = arith.constant 0.000000e+00 : f32
      %ge3A_91 = vector.broadcast %ge3A : f32 to vector<1456x64xf32>
      %ge3A_92 = arith.cmpf oge, %mul3A_90, %ge3A_91 : vector<1456x64xf32>
      %mul3A_93 = arith.constant 1.000000e-01 : f32
      %mul3A_94 = vector.broadcast %mul3A_93 : f32 to vector<1456x64xf32>
      %mul3A_95 = arith.mulf %mul3A_94, %mul3A_90 : vector<1456x64xf32>
      %select_n3A = arith.select %ge3A_92, %mul3A_90, %mul3A_95 : vector<1456x64xi1>, vector<1456x64xf32>
      %slice3A = vector.extract_strided_slice %select_n3A {offsets = [1, 0], sizes = [1455, 64], strides = [1, 1]} : vector<1456x64xf32> to vector<1455x64xf32>
      %slice3A_96 = vector.extract_strided_slice %select_n3A {offsets = [7, 0], sizes = [1449, 64], strides = [1, 1]} : vector<1456x64xf32> to vector<1449x64xf32>
      %slice3A_97 = vector.extract_strided_slice %slice3A_96 {offsets = [0, 0], sizes = [1360, 64], strides = [1, 1]} : vector<1449x64xf32> to vector<1360x64xf32>
      %get3A_98 = arith.constant 0 : index
      %get3A_99 = arith.constant 0 : index
      %get3A_100 = arith.constant 0 : index
      %get3A_101 = arith.constant 0 : index
      %get3A_102 = vector.load %arg15[%get3A_98, %get3A_99, %get3A_100, %get3A_101] : memref<3x3x64x64xf32, #tpu.memory_space<vmem>>, vector<1x1x64x64xf32>
      %get3A_103 = vector.shape_cast %get3A_102 : vector<1x1x64x64xf32> to vector<64x64xf32>
      %dot_general3A_104 = arith.constant dense<0.000000e+00> : vector<1360x64xf32>
      %dot_general3A_105 = tpu.matmul %slice3A_97, %get3A_103, %dot_general3A_104 {dimension_numbers = #tpu.dot_dimension_numbers<[1], [0], [0], [1], [0, 0, 1, 1], [], []>, transpose_lhs_hint = false} : vector<1360x64xf32>, vector<64x64xf32>, vector<1360x64xf32> -> vector<1360x64xf32>
      %slice3A_106 = vector.extract_strided_slice %select_n3A {offsets = [8, 0], sizes = [1360, 64], strides = [1, 1]} : vector<1456x64xf32> to vector<1360x64xf32>
      %get3A_107 = arith.constant 0 : index
      %get3A_108 = arith.constant 1 : index
      %get3A_109 = arith.constant 0 : index
      %get3A_110 = arith.constant 0 : index
      %get3A_111 = vector.load %arg15[%get3A_107, %get3A_108, %get3A_109, %get3A_110] : memref<3x3x64x64xf32, #tpu.memory_space<vmem>>, vector<1x1x64x64xf32>
      %get3A_112 = vector.shape_cast %get3A_111 : vector<1x1x64x64xf32> to vector<64x64xf32>
      %dot_general3A_113 = arith.constant dense<0.000000e+00> : vector<1360x64xf32>
      %dot_general3A_114 = tpu.matmul %slice3A_106, %get3A_112, %dot_general3A_113 {dimension_numbers = #tpu.dot_dimension_numbers<[1], [0], [0], [1], [0, 0, 1, 1], [], []>, transpose_lhs_hint = false} : vector<1360x64xf32>, vector<64x64xf32>, vector<1360x64xf32> -> vector<1360x64xf32>
      %add3A = arith.addf %dot_general3A_105, %dot_general3A_114 : vector<1360x64xf32>
      %slice3A_115 = vector.extract_strided_slice %slice3A {offsets = [8, 0], sizes = [1360, 64], strides = [1, 1]} : vector<1455x64xf32> to vector<1360x64xf32>
      %get3A_116 = arith.constant 0 : index
      %get3A_117 = arith.constant 2 : index
      %get3A_118 = arith.constant 0 : index
      %get3A_119 = arith.constant 0 : index
      %get3A_120 = vector.load %arg15[%get3A_116, %get3A_117, %get3A_118, %get3A_119] : memref<3x3x64x64xf32, #tpu.memory_space<vmem>>, vector<1x1x64x64xf32>
      %get3A_121 = vector.shape_cast %get3A_120 : vector<1x1x64x64xf32> to vector<64x64xf32>
      %dot_general3A_122 = arith.constant dense<0.000000e+00> : vector<1360x64xf32>
      %dot_general3A_123 = tpu.matmul %slice3A_115, %get3A_121, %dot_general3A_122 {dimension_numbers = #tpu.dot_dimension_numbers<[1], [0], [0], [1], [0, 0, 1, 1], [], []>, transpose_lhs_hint = false} : vector<1360x64xf32>, vector<64x64xf32>, vector<1360x64xf32> -> vector<1360x64xf32>
      %add3A_124 = arith.addf %add3A, %dot_general3A_123 : vector<1360x64xf32>
      %slice3A_125 = vector.extract_strided_slice %slice3A_96 {offsets = [40, 0], sizes = [1360, 64], strides = [1, 1]} : vector<1449x64xf32> to vector<1360x64xf32>
      %get3A_126 = arith.constant 1 : index
      %get3A_127 = arith.constant 0 : index
      %get3A_128 = arith.constant 0 : index
      %get3A_129 = arith.constant 0 : index
      %get3A_130 = vector.load %arg15[%get3A_126, %get3A_127, %get3A_128, %get3A_129] : memref<3x3x64x64xf32, #tpu.memory_space<vmem>>, vector<1x1x64x64xf32>
      %get3A_131 = vector.shape_cast %get3A_130 : vector<1x1x64x64xf32> to vector<64x64xf32>
      %dot_general3A_132 = arith.constant dense<0.000000e+00> : vector<1360x64xf32>
      %dot_general3A_133 = tpu.matmul %slice3A_125, %get3A_131, %dot_general3A_132 {dimension_numbers = #tpu.dot_dimension_numbers<[1], [0], [0], [1], [0, 0, 1, 1], [], []>, transpose_lhs_hint = false} : vector<1360x64xf32>, vector<64x64xf32>, vector<1360x64xf32> -> vector<1360x64xf32>
      %add3A_134 = arith.addf %add3A_124, %dot_general3A_133 : vector<1360x64xf32>
      %slice3A_135 = vector.extract_strided_slice %select_n3A {offsets = [48, 0], sizes = [1360, 64], strides = [1, 1]} : vector<1456x64xf32> to vector<1360x64xf32>
      %get3A_136 = arith.constant 1 : index
      %get3A_137 = arith.constant 1 : index
      %get3A_138 = arith.constant 0 : index
      %get3A_139 = arith.constant 0 : index
      %get3A_140 = vector.load %arg15[%get3A_136, %get3A_137, %get3A_138, %get3A_139] : memref<3x3x64x64xf32, #tpu.memory_space<vmem>>, vector<1x1x64x64xf32>
      %get3A_141 = vector.shape_cast %get3A_140 : vector<1x1x64x64xf32> to vector<64x64xf32>
      %dot_general3A_142 = arith.constant dense<0.000000e+00> : vector<1360x64xf32>
      %dot_general3A_143 = tpu.matmul %slice3A_135, %get3A_141, %dot_general3A_142 {dimension_numbers = #tpu.dot_dimension_numbers<[1], [0], [0], [1], [0, 0, 1, 1], [], []>, transpose_lhs_hint = false} : vector<1360x64xf32>, vector<64x64xf32>, vector<1360x64xf32> -> vector<1360x64xf32>
      %add3A_144 = arith.addf %add3A_134, %dot_general3A_143 : vector<1360x64xf32>
      %slice3A_145 = vector.extract_strided_slice %slice3A {offsets = [48, 0], sizes = [1360, 64], strides = [1, 1]} : vector<1455x64xf32> to vector<1360x64xf32>
      %get3A_146 = arith.constant 1 : index
      %get3A_147 = arith.constant 2 : index
      %get3A_148 = arith.constant 0 : index
      %get3A_149 = arith.constant 0 : index
      %get3A_150 = vector.load %arg15[%get3A_146, %get3A_147, %get3A_148, %get3A_149] : memref<3x3x64x64xf32, #tpu.memory_space<vmem>>, vector<1x1x64x64xf32>
      %get3A_151 = vector.shape_cast %get3A_150 : vector<1x1x64x64xf32> to vector<64x64xf32>
      %dot_general3A_152 = arith.constant dense<0.000000e+00> : vector<1360x64xf32>
      %dot_general3A_153 = tpu.matmul %slice3A_145, %get3A_151, %dot_general3A_152 {dimension_numbers = #tpu.dot_dimension_numbers<[1], [0], [0], [1], [0, 0, 1, 1], [], []>, transpose_lhs_hint = false} : vector<1360x64xf32>, vector<64x64xf32>, vector<1360x64xf32> -> vector<1360x64xf32>
      %add3A_154 = arith.addf %add3A_144, %dot_general3A_153 : vector<1360x64xf32>
      %slice3A_155 = vector.extract_strided_slice %slice3A_96 {offsets = [80, 0], sizes = [1360, 64], strides = [1, 1]} : vector<1449x64xf32> to vector<1360x64xf32>
      %get3A_156 = arith.constant 2 : index
      %get3A_157 = arith.constant 0 : index
      %get3A_158 = arith.constant 0 : index
      %get3A_159 = arith.constant 0 : index
      %get3A_160 = vector.load %arg15[%get3A_156, %get3A_157, %get3A_158, %get3A_159] : memref<3x3x64x64xf32, #tpu.memory_space<vmem>>, vector<1x1x64x64xf32>
      %get3A_161 = vector.shape_cast %get3A_160 : vector<1x1x64x64xf32> to vector<64x64xf32>
      %dot_general3A_162 = arith.constant dense<0.000000e+00> : vector<1360x64xf32>
      %dot_general3A_163 = tpu.matmul %slice3A_155, %get3A_161, %dot_general3A_162 {dimension_numbers = #tpu.dot_dimension_numbers<[1], [0], [0], [1], [0, 0, 1, 1], [], []>, transpose_lhs_hint = false} : vector<1360x64xf32>, vector<64x64xf32>, vector<1360x64xf32> -> vector<1360x64xf32>
      %add3A_164 = arith.addf %add3A_154, %dot_general3A_163 : vector<1360x64xf32>
      %slice3A_165 = vector.extract_strided_slice %select_n3A {offsets = [88, 0], sizes = [1360, 64], strides = [1, 1]} : vector<1456x64xf32> to vector<1360x64xf32>
      %get3A_166 = arith.constant 2 : index
      %get3A_167 = arith.constant 1 : index
      %get3A_168 = arith.constant 0 : index
      %get3A_169 = arith.constant 0 : index
      %get3A_170 = vector.load %arg15[%get3A_166, %get3A_167, %get3A_168, %get3A_169] : memref<3x3x64x64xf32, #tpu.memory_space<vmem>>, vector<1x1x64x64xf32>
      %get3A_171 = vector.shape_cast %get3A_170 : vector<1x1x64x64xf32> to vector<64x64xf32>
      %dot_general3A_172 = arith.constant dense<0.000000e+00> : vector<1360x64xf32>
      %dot_general3A_173 = tpu.matmul %slice3A_165, %get3A_171, %dot_general3A_172 {dimension_numbers = #tpu.dot_dimension_numbers<[1], [0], [0], [1], [0, 0, 1, 1], [], []>, transpose_lhs_hint = false} : vector<1360x64xf32>, vector<64x64xf32>, vector<1360x64xf32> -> vector<1360x64xf32>
      %add3A_174 = arith.addf %add3A_164, %dot_general3A_173 : vector<1360x64xf32>
      %slice3A_175 = vector.extract_strided_slice %slice3A {offsets = [88, 0], sizes = [1360, 64], strides = [1, 1]} : vector<1455x64xf32> to vector<1360x64xf32>
      %get3A_176 = arith.constant 2 : index
      %get3A_177 = arith.constant 2 : index
      %get3A_178 = arith.constant 0 : index
      %get3A_179 = arith.constant 0 : index
      %get3A_180 = vector.load %arg15[%get3A_176, %get3A_177, %get3A_178, %get3A_179] : memref<3x3x64x64xf32, #tpu.memory_space<vmem>>, vector<1x1x64x64xf32>
      %get3A_181 = vector.shape_cast %get3A_180 : vector<1x1x64x64xf32> to vector<64x64xf32>
      %dot_general3A_182 = arith.constant dense<0.000000e+00> : vector<1360x64xf32>
      %dot_general3A_183 = tpu.matmul %slice3A_175, %get3A_181, %dot_general3A_182 {dimension_numbers = #tpu.dot_dimension_numbers<[1], [0], [0], [1], [0, 0, 1, 1], [], []>, transpose_lhs_hint = false} : vector<1360x64xf32>, vector<64x64xf32>, vector<1360x64xf32> -> vector<1360x64xf32>
      %add3A_184 = arith.addf %add3A_174, %dot_general3A_183 : vector<1360x64xf32>
      %get3A_185 = arith.constant 0 : index
      %get3A_186 = arith.constant 0 : index
      %get3A_187 = vector.load %arg3[%get3A_185, %get3A_186] : memref<1360x1xf32, #tpu.memory_space<vmem>>, vector<1360x1xf32>
      %mul3A_188 = vector.broadcast %get3A_187 : vector<1360x1xf32> to vector<1360x64xf32>
      %mul3A_189 = arith.mulf %add3A_184, %mul3A_188 : vector<1360x64xf32>
      %mul3A_190 = arith.constant 0.999994993 : f32
      %mul3A_191 = vector.broadcast %mul3A_190 : f32 to vector<1360x64xf32>
      %mul3A_192 = arith.mulf %mul3A_189, %mul3A_191 : vector<1360x64xf32>
      %ge3A_193 = arith.constant 0.000000e+00 : f32
      %ge3A_194 = vector.broadcast %ge3A_193 : f32 to vector<1360x64xf32>
      %ge3A_195 = arith.cmpf oge, %mul3A_192, %ge3A_194 : vector<1360x64xf32>
      %mul3A_196 = arith.constant 1.000000e-01 : f32
      %mul3A_197 = vector.broadcast %mul3A_196 : f32 to vector<1360x64xf32>
      %mul3A_198 = arith.mulf %mul3A_197, %mul3A_192 : vector<1360x64xf32>
      %select_n3A_199 = arith.select %ge3A_195, %mul3A_192, %mul3A_198 : vector<1360x64xi1>, vector<1360x64xf32>
      %broadcast_in_dim3A_200 = arith.constant 0.000000e+00 : f32
      %broadcast_in_dim3A_201 = vector.broadcast %broadcast_in_dim3A_200 : f32 to vector<48x64xf32>
      %concatenate3A = tpu.concatenate %broadcast_in_dim3A_201, %select_n3A_199, %broadcast_in_dim3A_201 in 0 : vector<48x64xf32>, vector<1360x64xf32>, vector<48x64xf32> -> vector<1456x64xf32>
      %reshape3A = vector.shape_cast %concatenate3A : vector<1456x64xf32> to vector<1x1456x64xf32>
      %slice3A_202 = vector.extract_strided_slice %reshape3A {offsets = [0, 48, 0], sizes = [1, 1360, 64], strides = [1, 1, 1]} : vector<1x1456x64xf32> to vector<1x1360x64xf32>
      %reshape3A_203 = vector.shape_cast %slice3A_202 : vector<1x1360x64xf32> to vector<1x34x40x64xf32>
      %slice3A_204 = vector.extract_strided_slice %reshape3A_203 {offsets = [0, 1, 1, 0], sizes = [1, 32, 32, 64], strides = [1, 1, 1, 1]} : vector<1x34x40x64xf32> to vector<1x32x32x64xf32>
      %reshape3A_205 = vector.shape_cast %slice3A_204 : vector<1x32x32x64xf32> to vector<1x16x2x32x64xf32>
      %slice3A_206 = vector.extract_strided_slice %reshape3A_205 {offsets = [0, 0, 0, 0, 0], sizes = [1, 16, 1, 32, 64], strides = [1, 1, 1, 1, 1]} : vector<1x16x2x32x64xf32> to vector<1x16x1x32x64xf32>
      %squeeze3A = vector.shape_cast %slice3A_206 : vector<1x16x1x32x64xf32> to vector<1x16x32x64xf32>
      %slice3A_207 = vector.extract_strided_slice %reshape3A_205 {offsets = [0, 0, 1, 0, 0], sizes = [1, 16, 1, 32, 64], strides = [1, 1, 1, 1, 1]} : vector<1x16x2x32x64xf32> to vector<1x16x1x32x64xf32>
      %squeeze3A_208 = vector.shape_cast %slice3A_207 : vector<1x16x1x32x64xf32> to vector<1x16x32x64xf32>
      %max3A = arith.maximumf %squeeze3A, %squeeze3A_208 : vector<1x16x32x64xf32>
      %reshape3A_209 = vector.shape_cast %max3A : vector<1x16x32x64xf32> to vector<1x16x16x2x64xf32>
      %slice3A_210 = vector.extract_strided_slice %reshape3A_209 {offsets = [0, 0, 0, 0, 0], sizes = [1, 16, 16, 1, 64], strides = [1, 1, 1, 1, 1]} : vector<1x16x16x2x64xf32> to vector<1x16x16x1x64xf32>
      %squeeze3A_211 = vector.shape_cast %slice3A_210 : vector<1x16x16x1x64xf32> to vector<1x16x16x64xf32>
      %slice3A_212 = vector.extract_strided_slice %reshape3A_209 {offsets = [0, 0, 0, 1, 0], sizes = [1, 16, 16, 1, 64], strides = [1, 1, 1, 1, 1]} : vector<1x16x16x2x64xf32> to vector<1x16x16x1x64xf32>
      %squeeze3A_213 = vector.shape_cast %slice3A_212 : vector<1x16x16x1x64xf32> to vector<1x16x16x64xf32>
      %max3A_214 = arith.maximumf %squeeze3A_211, %squeeze3A_213 : vector<1x16x16x64xf32>
      %broadcast_in_dim3A_215 = arith.constant 0.000000e+00 : f32
      %broadcast_in_dim3A_216 = vector.broadcast %broadcast_in_dim3A_215 : f32 to vector<1x16x1x64xf32>
      %broadcast_in_dim3A_217 = arith.constant 0.000000e+00 : f32
      %broadcast_in_dim3A_218 = vector.broadcast %broadcast_in_dim3A_217 : f32 to vector<1x16x7x64xf32>
      %concatenate3A_219 = tpu.concatenate %broadcast_in_dim3A_216, %max3A_214, %broadcast_in_dim3A_218 in 2 : vector<1x16x1x64xf32>, vector<1x16x16x64xf32>, vector<1x16x7x64xf32> -> vector<1x16x24x64xf32>
      %broadcast_in_dim3A_220 = arith.constant 0.000000e+00 : f32
      %broadcast_in_dim3A_221 = vector.broadcast %broadcast_in_dim3A_220 : f32 to vector<1x1x24x64xf32>
      %concatenate3A_222 = tpu.concatenate %broadcast_in_dim3A_221, %concatenate3A_219, %broadcast_in_dim3A_221 in 1 : vector<1x1x24x64xf32>, vector<1x16x24x64xf32>, vector<1x1x24x64xf32> -> vector<1x18x24x64xf32>
      %reshape3A_223 = vector.shape_cast %concatenate3A_222 : vector<1x18x24x64xf32> to vector<1x432x64xf32>
      %broadcast_in_dim3A_224 = arith.constant 0.000000e+00 : f32
      %broadcast_in_dim3A_225 = vector.broadcast %broadcast_in_dim3A_224 : f32 to vector<1x48x64xf32>
      %concatenate3A_226 = tpu.concatenate %broadcast_in_dim3A_225, %reshape3A_223, %broadcast_in_dim3A_225 in 1 : vector<1x48x64xf32>, vector<1x432x64xf32>, vector<1x48x64xf32> -> vector<1x528x64xf32>
      %reshape3A_227 = vector.shape_cast %concatenate3A_226 : vector<1x528x64xf32> to vector<528x64xf32>
      %get3A_228 = arith.constant 0 : index
      %get3A_229 = arith.constant 0 : index
      %get3A_230 = vector.load %arg16[%get3A_228, %get3A_229] : memref<64x128xf32, #tpu.memory_space<vmem>>, vector<64x128xf32>
      %dot_general3A_231 = arith.constant dense<0.000000e+00> : vector<528x128xf32>
      %dot_general3A_232 = tpu.matmul %reshape3A_227, %get3A_230, %dot_general3A_231 {dimension_numbers = #tpu.dot_dimension_numbers<[1], [0], [0], [1], [0, 0, 1, 1], [], []>, transpose_lhs_hint = false} : vector<528x64xf32>, vector<64x128xf32>, vector<528x128xf32> -> vector<528x128xf32>
      %mul3A_233 = arith.constant 0.999994993 : f32
      %mul3A_234 = vector.broadcast %mul3A_233 : f32 to vector<528x128xf32>
      %mul3A_235 = arith.mulf %dot_general3A_232, %mul3A_234 : vector<528x128xf32>
      %ge3A_236 = arith.constant 0.000000e+00 : f32
      %ge3A_237 = vector.broadcast %ge3A_236 : f32 to vector<528x128xf32>
      %ge3A_238 = arith.cmpf oge, %mul3A_235, %ge3A_237 : vector<528x128xf32>
      %mul3A_239 = arith.constant 1.000000e-01 : f32
      %mul3A_240 = vector.broadcast %mul3A_239 : f32 to vector<528x128xf32>
      %mul3A_241 = arith.mulf %mul3A_240, %mul3A_235 : vector<528x128xf32>
      %select_n3A_242 = arith.select %ge3A_238, %mul3A_235, %mul3A_241 : vector<528x128xi1>, vector<528x128xf32>
      %slice3A_243 = vector.extract_strided_slice %select_n3A_242 {offsets = [1, 0], sizes = [527, 128], strides = [1, 1]} : vector<528x128xf32> to vector<527x128xf32>
      %slice3A_244 = vector.extract_strided_slice %select_n3A_242 {offsets = [7, 0], sizes = [521, 128], strides = [1, 1]} : vector<528x128xf32> to vector<521x128xf32>
      %slice3A_245 = vector.extract_strided_slice %slice3A_244 {offsets = [16, 0], sizes = [432, 128], strides = [1, 1]} : vector<521x128xf32> to vector<432x128xf32>
      %get3A_246 = arith.constant 0 : index
      %get3A_247 = arith.constant 0 : index
      %get3A_248 = arith.constant 0 : index
      %get3A_249 = arith.constant 0 : index
      %get3A_250 = vector.load %arg17[%get3A_246, %get3A_247, %get3A_248, %get3A_249] : memref<3x3x128x128xf32, #tpu.memory_space<vmem>>, vector<1x1x128x128xf32>
      %get3A_251 = vector.shape_cast %get3A_250 : vector<1x1x128x128xf32> to vector<128x128xf32>
      %dot_general3A_252 = arith.constant dense<0.000000e+00> : vector<432x128xf32>
      %dot_general3A_253 = tpu.matmul %slice3A_245, %get3A_251, %dot_general3A_252 {dimension_numbers = #tpu.dot_dimension_numbers<[1], [0], [0], [1], [0, 0, 1, 1], [], []>, transpose_lhs_hint = false} : vector<432x128xf32>, vector<128x128xf32>, vector<432x128xf32> -> vector<432x128xf32>
      %slice3A_254 = vector.extract_strided_slice %select_n3A_242 {offsets = [24, 0], sizes = [432, 128], strides = [1, 1]} : vector<528x128xf32> to vector<432x128xf32>
      %get3A_255 = arith.constant 0 : index
      %get3A_256 = arith.constant 1 : index
      %get3A_257 = arith.constant 0 : index
      %get3A_258 = arith.constant 0 : index
      %get3A_259 = vector.load %arg17[%get3A_255, %get3A_256, %get3A_257, %get3A_258] : memref<3x3x128x128xf32, #tpu.memory_space<vmem>>, vector<1x1x128x128xf32>
      %get3A_260 = vector.shape_cast %get3A_259 : vector<1x1x128x128xf32> to vector<128x128xf32>
      %dot_general3A_261 = arith.constant dense<0.000000e+00> : vector<432x128xf32>
      %dot_general3A_262 = tpu.matmul %slice3A_254, %get3A_260, %dot_general3A_261 {dimension_numbers = #tpu.dot_dimension_numbers<[1], [0], [0], [1], [0, 0, 1, 1], [], []>, transpose_lhs_hint = false} : vector<432x128xf32>, vector<128x128xf32>, vector<432x128xf32> -> vector<432x128xf32>
      %add3A_263 = arith.addf %dot_general3A_253, %dot_general3A_262 : vector<432x128xf32>
      %slice3A_264 = vector.extract_strided_slice %slice3A_243 {offsets = [24, 0], sizes = [432, 128], strides = [1, 1]} : vector<527x128xf32> to vector<432x128xf32>
      %get3A_265 = arith.constant 0 : index
      %get3A_266 = arith.constant 2 : index
      %get3A_267 = arith.constant 0 : index
      %get3A_268 = arith.constant 0 : index
      %get3A_269 = vector.load %arg17[%get3A_265, %get3A_266, %get3A_267, %get3A_268] : memref<3x3x128x128xf32, #tpu.memory_space<vmem>>, vector<1x1x128x128xf32>
      %get3A_270 = vector.shape_cast %get3A_269 : vector<1x1x128x128xf32> to vector<128x128xf32>
      %dot_general3A_271 = arith.constant dense<0.000000e+00> : vector<432x128xf32>
      %dot_general3A_272 = tpu.matmul %slice3A_264, %get3A_270, %dot_general3A_271 {dimension_numbers = #tpu.dot_dimension_numbers<[1], [0], [0], [1], [0, 0, 1, 1], [], []>, transpose_lhs_hint = false} : vector<432x128xf32>, vector<128x128xf32>, vector<432x128xf32> -> vector<432x128xf32>
      %add3A_273 = arith.addf %add3A_263, %dot_general3A_272 : vector<432x128xf32>
      %slice3A_274 = vector.extract_strided_slice %slice3A_244 {offsets = [40, 0], sizes = [432, 128], strides = [1, 1]} : vector<521x128xf32> to vector<432x128xf32>
      %get3A_275 = arith.constant 1 : index
      %get3A_276 = arith.constant 0 : index
      %get3A_277 = arith.constant 0 : index
      %get3A_278 = arith.constant 0 : index
      %get3A_279 = vector.load %arg17[%get3A_275, %get3A_276, %get3A_277, %get3A_278] : memref<3x3x128x128xf32, #tpu.memory_space<vmem>>, vector<1x1x128x128xf32>
      %get3A_280 = vector.shape_cast %get3A_279 : vector<1x1x128x128xf32> to vector<128x128xf32>
      %dot_general3A_281 = arith.constant dense<0.000000e+00> : vector<432x128xf32>
      %dot_general3A_282 = tpu.matmul %slice3A_274, %get3A_280, %dot_general3A_281 {dimension_numbers = #tpu.dot_dimension_numbers<[1], [0], [0], [1], [0, 0, 1, 1], [], []>, transpose_lhs_hint = false} : vector<432x128xf32>, vector<128x128xf32>, vector<432x128xf32> -> vector<432x128xf32>
      %add3A_283 = arith.addf %add3A_273, %dot_general3A_282 : vector<432x128xf32>
      %slice3A_284 = vector.extract_strided_slice %select_n3A_242 {offsets = [48, 0], sizes = [432, 128], strides = [1, 1]} : vector<528x128xf32> to vector<432x128xf32>
      %get3A_285 = arith.constant 1 : index
      %get3A_286 = arith.constant 1 : index
      %get3A_287 = arith.constant 0 : index
      %get3A_288 = arith.constant 0 : index
      %get3A_289 = vector.load %arg17[%get3A_285, %get3A_286, %get3A_287, %get3A_288] : memref<3x3x128x128xf32, #tpu.memory_space<vmem>>, vector<1x1x128x128xf32>
      %get3A_290 = vector.shape_cast %get3A_289 : vector<1x1x128x128xf32> to vector<128x128xf32>
      %dot_general3A_291 = arith.constant dense<0.000000e+00> : vector<432x128xf32>
      %dot_general3A_292 = tpu.matmul %slice3A_284, %get3A_290, %dot_general3A_291 {dimension_numbers = #tpu.dot_dimension_numbers<[1], [0], [0], [1], [0, 0, 1, 1], [], []>, transpose_lhs_hint = false} : vector<432x128xf32>, vector<128x128xf32>, vector<432x128xf32> -> vector<432x128xf32>
      %add3A_293 = arith.addf %add3A_283, %dot_general3A_292 : vector<432x128xf32>
      %slice3A_294 = vector.extract_strided_slice %slice3A_243 {offsets = [48, 0], sizes = [432, 128], strides = [1, 1]} : vector<527x128xf32> to vector<432x128xf32>
      %get3A_295 = arith.constant 1 : index
      %get3A_296 = arith.constant 2 : index
      %get3A_297 = arith.constant 0 : index
      %get3A_298 = arith.constant 0 : index
      %get3A_299 = vector.load %arg17[%get3A_295, %get3A_296, %get3A_297, %get3A_298] : memref<3x3x128x128xf32, #tpu.memory_space<vmem>>, vector<1x1x128x128xf32>
      %get3A_300 = vector.shape_cast %get3A_299 : vector<1x1x128x128xf32> to vector<128x128xf32>
      %dot_general3A_301 = arith.constant dense<0.000000e+00> : vector<432x128xf32>
      %dot_general3A_302 = tpu.matmul %slice3A_294, %get3A_300, %dot_general3A_301 {dimension_numbers = #tpu.dot_dimension_numbers<[1], [0], [0], [1], [0, 0, 1, 1], [], []>, transpose_lhs_hint = false} : vector<432x128xf32>, vector<128x128xf32>, vector<432x128xf32> -> vector<432x128xf32>
      %add3A_303 = arith.addf %add3A_293, %dot_general3A_302 : vector<432x128xf32>
      %slice3A_304 = vector.extract_strided_slice %slice3A_244 {offsets = [64, 0], sizes = [432, 128], strides = [1, 1]} : vector<521x128xf32> to vector<432x128xf32>
      %get3A_305 = arith.constant 2 : index
      %get3A_306 = arith.constant 0 : index
      %get3A_307 = arith.constant 0 : index
      %get3A_308 = arith.constant 0 : index
      %get3A_309 = vector.load %arg17[%get3A_305, %get3A_306, %get3A_307, %get3A_308] : memref<3x3x128x128xf32, #tpu.memory_space<vmem>>, vector<1x1x128x128xf32>
      %get3A_310 = vector.shape_cast %get3A_309 : vector<1x1x128x128xf32> to vector<128x128xf32>
      %dot_general3A_311 = arith.constant dense<0.000000e+00> : vector<432x128xf32>
      %dot_general3A_312 = tpu.matmul %slice3A_304, %get3A_310, %dot_general3A_311 {dimension_numbers = #tpu.dot_dimension_numbers<[1], [0], [0], [1], [0, 0, 1, 1], [], []>, transpose_lhs_hint = false} : vector<432x128xf32>, vector<128x128xf32>, vector<432x128xf32> -> vector<432x128xf32>
      %add3A_313 = arith.addf %add3A_303, %dot_general3A_312 : vector<432x128xf32>
      %slice3A_314 = vector.extract_strided_slice %select_n3A_242 {offsets = [72, 0], sizes = [432, 128], strides = [1, 1]} : vector<528x128xf32> to vector<432x128xf32>
      %get3A_315 = arith.constant 2 : index
      %get3A_316 = arith.constant 1 : index
      %get3A_317 = arith.constant 0 : index
      %get3A_318 = arith.constant 0 : index
      %get3A_319 = vector.load %arg17[%get3A_315, %get3A_316, %get3A_317, %get3A_318] : memref<3x3x128x128xf32, #tpu.memory_space<vmem>>, vector<1x1x128x128xf32>
      %get3A_320 = vector.shape_cast %get3A_319 : vector<1x1x128x128xf32> to vector<128x128xf32>
      %dot_general3A_321 = arith.constant dense<0.000000e+00> : vector<432x128xf32>
      %dot_general3A_322 = tpu.matmul %slice3A_314, %get3A_320, %dot_general3A_321 {dimension_numbers = #tpu.dot_dimension_numbers<[1], [0], [0], [1], [0, 0, 1, 1], [], []>, transpose_lhs_hint = false} : vector<432x128xf32>, vector<128x128xf32>, vector<432x128xf32> -> vector<432x128xf32>
      %add3A_323 = arith.addf %add3A_313, %dot_general3A_322 : vector<432x128xf32>
      %slice3A_324 = vector.extract_strided_slice %slice3A_243 {offsets = [72, 0], sizes = [432, 128], strides = [1, 1]} : vector<527x128xf32> to vector<432x128xf32>
      %get3A_325 = arith.constant 2 : index
      %get3A_326 = arith.constant 2 : index
      %get3A_327 = arith.constant 0 : index
      %get3A_328 = arith.constant 0 : index
      %get3A_329 = vector.load %arg17[%get3A_325, %get3A_326, %get3A_327, %get3A_328] : memref<3x3x128x128xf32, #tpu.memory_space<vmem>>, vector<1x1x128x128xf32>
      %get3A_330 = vector.shape_cast %get3A_329 : vector<1x1x128x128xf32> to vector<128x128xf32>
      %dot_general3A_331 = arith.constant dense<0.000000e+00> : vector<432x128xf32>
      %dot_general3A_332 = tpu.matmul %slice3A_324, %get3A_330, %dot_general3A_331 {dimension_numbers = #tpu.dot_dimension_numbers<[1], [0], [0], [1], [0, 0, 1, 1], [], []>, transpose_lhs_hint = false} : vector<432x128xf32>, vector<128x128xf32>, vector<432x128xf32> -> vector<432x128xf32>
      %add3A_333 = arith.addf %add3A_323, %dot_general3A_332 : vector<432x128xf32>
      %get3A_334 = arith.constant 0 : index
      %get3A_335 = arith.constant 0 : index
      %get3A_336 = vector.load %arg4[%get3A_334, %get3A_335] : memref<432x1xf32, #tpu.memory_space<vmem>>, vector<432x1xf32>
      %mul3A_337 = vector.broadcast %get3A_336 : vector<432x1xf32> to vector<432x128xf32>
      %mul3A_338 = arith.mulf %add3A_333, %mul3A_337 : vector<432x128xf32>
      %mul3A_339 = arith.constant 0.999994993 : f32
      %mul3A_340 = vector.broadcast %mul3A_339 : f32 to vector<432x128xf32>
      %mul3A_341 = arith.mulf %mul3A_338, %mul3A_340 : vector<432x128xf32>
      %ge3A_342 = arith.constant 0.000000e+00 : f32
      %ge3A_343 = vector.broadcast %ge3A_342 : f32 to vector<432x128xf32>
      %ge3A_344 = arith.cmpf oge, %mul3A_341, %ge3A_343 : vector<432x128xf32>
      %mul3A_345 = arith.constant 1.000000e-01 : f32
      %mul3A_346 = vector.broadcast %mul3A_345 : f32 to vector<432x128xf32>
      %mul3A_347 = arith.mulf %mul3A_346, %mul3A_341 : vector<432x128xf32>
      %select_n3A_348 = arith.select %ge3A_344, %mul3A_341, %mul3A_347 : vector<432x128xi1>, vector<432x128xf32>
      %broadcast_in_dim3A_349 = arith.constant 0.000000e+00 : f32
      %broadcast_in_dim3A_350 = vector.broadcast %broadcast_in_dim3A_349 : f32 to vector<48x128xf32>
      %concatenate3A_351 = tpu.concatenate %broadcast_in_dim3A_350, %select_n3A_348, %broadcast_in_dim3A_350 in 0 : vector<48x128xf32>, vector<432x128xf32>, vector<48x128xf32> -> vector<528x128xf32>
      %reshape3A_352 = vector.shape_cast %concatenate3A_351 : vector<528x128xf32> to vector<1x528x128xf32>
      %slice3A_353 = vector.extract_strided_slice %reshape3A_352 {offsets = [0, 48, 0], sizes = [1, 432, 128], strides = [1, 1, 1]} : vector<1x528x128xf32> to vector<1x432x128xf32>
      %reshape3A_354 = vector.shape_cast %slice3A_353 : vector<1x432x128xf32> to vector<1x18x24x128xf32>
      %slice3A_355 = vector.extract_strided_slice %reshape3A_354 {offsets = [0, 1, 1, 0], sizes = [1, 16, 16, 128], strides = [1, 1, 1, 1]} : vector<1x18x24x128xf32> to vector<1x16x16x128xf32>
      %reshape3A_356 = vector.shape_cast %slice3A_355 : vector<1x16x16x128xf32> to vector<1x8x2x16x128xf32>
      %slice3A_357 = vector.extract_strided_slice %reshape3A_356 {offsets = [0, 0, 0, 0, 0], sizes = [1, 8, 1, 16, 128], strides = [1, 1, 1, 1, 1]} : vector<1x8x2x16x128xf32> to vector<1x8x1x16x128xf32>
      %squeeze3A_358 = vector.shape_cast %slice3A_357 : vector<1x8x1x16x128xf32> to vector<1x8x16x128xf32>
      %slice3A_359 = vector.extract_strided_slice %reshape3A_356 {offsets = [0, 0, 1, 0, 0], sizes = [1, 8, 1, 16, 128], strides = [1, 1, 1, 1, 1]} : vector<1x8x2x16x128xf32> to vector<1x8x1x16x128xf32>
      %squeeze3A_360 = vector.shape_cast %slice3A_359 : vector<1x8x1x16x128xf32> to vector<1x8x16x128xf32>
      %max3A_361 = arith.maximumf %squeeze3A_358, %squeeze3A_360 : vector<1x8x16x128xf32>
      %reshape3A_362 = vector.shape_cast %max3A_361 : vector<1x8x16x128xf32> to vector<1x8x8x2x128xf32>
      %slice3A_363 = vector.extract_strided_slice %reshape3A_362 {offsets = [0, 0, 0, 0, 0], sizes = [1, 8, 8, 1, 128], strides = [1, 1, 1, 1, 1]} : vector<1x8x8x2x128xf32> to vector<1x8x8x1x128xf32>
      %squeeze3A_364 = vector.shape_cast %slice3A_363 : vector<1x8x8x1x128xf32> to vector<1x8x8x128xf32>
      %slice3A_365 = vector.extract_strided_slice %reshape3A_362 {offsets = [0, 0, 0, 1, 0], sizes = [1, 8, 8, 1, 128], strides = [1, 1, 1, 1, 1]} : vector<1x8x8x2x128xf32> to vector<1x8x8x1x128xf32>
      %squeeze3A_366 = vector.shape_cast %slice3A_365 : vector<1x8x8x1x128xf32> to vector<1x8x8x128xf32>
      %max3A_367 = arith.maximumf %squeeze3A_364, %squeeze3A_366 : vector<1x8x8x128xf32>
      %broadcast_in_dim3A_368 = arith.constant 0.000000e+00 : f32
      %broadcast_in_dim3A_369 = vector.broadcast %broadcast_in_dim3A_368 : f32 to vector<1x8x1x128xf32>
      %broadcast_in_dim3A_370 = arith.constant 0.000000e+00 : f32
      %broadcast_in_dim3A_371 = vector.broadcast %broadcast_in_dim3A_370 : f32 to vector<1x8x7x128xf32>
      %concatenate3A_372 = tpu.concatenate %broadcast_in_dim3A_369, %max3A_367, %broadcast_in_dim3A_371 in 2 : vector<1x8x1x128xf32>, vector<1x8x8x128xf32>, vector<1x8x7x128xf32> -> vector<1x8x16x128xf32>
      %broadcast_in_dim3A_373 = arith.constant 0.000000e+00 : f32
      %broadcast_in_dim3A_374 = vector.broadcast %broadcast_in_dim3A_373 : f32 to vector<1x1x16x128xf32>
      %concatenate3A_375 = tpu.concatenate %broadcast_in_dim3A_374, %concatenate3A_372, %broadcast_in_dim3A_374 in 1 : vector<1x1x16x128xf32>, vector<1x8x16x128xf32>, vector<1x1x16x128xf32> -> vector<1x10x16x128xf32>
      %reshape3A_376 = vector.shape_cast %concatenate3A_375 : vector<1x10x16x128xf32> to vector<1x160x128xf32>
      %broadcast_in_dim3A_377 = arith.constant 0.000000e+00 : f32
      %broadcast_in_dim3A_378 = vector.broadcast %broadcast_in_dim3A_377 : f32 to vector<1x48x128xf32>
      %concatenate3A_379 = tpu.concatenate %broadcast_in_dim3A_378, %reshape3A_376, %broadcast_in_dim3A_378 in 1 : vector<1x48x128xf32>, vector<1x160x128xf32>, vector<1x48x128xf32> -> vector<1x256x128xf32>
      %reshape3A_380 = vector.shape_cast %concatenate3A_379 : vector<1x256x128xf32> to vector<256x128xf32>
      %get3A_381 = arith.constant 0 : index
      %get3A_382 = arith.constant 0 : index
      %get3A_383 = vector.load %arg18[%get3A_381, %get3A_382] : memref<128x256xf32, #tpu.memory_space<vmem>>, vector<128x256xf32>
      %dot_general3A_384 = arith.constant dense<0.000000e+00> : vector<256x256xf32>
      %dot_general3A_385 = tpu.matmul %reshape3A_380, %get3A_383, %dot_general3A_384 {dimension_numbers = #tpu.dot_dimension_numbers<[1], [0], [0], [1], [0, 0, 1, 1], [], []>, transpose_lhs_hint = false} : vector<256x128xf32>, vector<128x256xf32>, vector<256x256xf32> -> vector<256x256xf32>
      %mul3A_386 = arith.constant 0.999994993 : f32
      %mul3A_387 = vector.broadcast %mul3A_386 : f32 to vector<256x256xf32>
      %mul3A_388 = arith.mulf %dot_general3A_385, %mul3A_387 : vector<256x256xf32>
      %ge3A_389 = arith.constant 0.000000e+00 : f32
      %ge3A_390 = vector.broadcast %ge3A_389 : f32 to vector<256x256xf32>
      %ge3A_391 = arith.cmpf oge, %mul3A_388, %ge3A_390 : vector<256x256xf32>
      %mul3A_392 = arith.constant 1.000000e-01 : f32
      %mul3A_393 = vector.broadcast %mul3A_392 : f32 to vector<256x256xf32>
      %mul3A_394 = arith.mulf %mul3A_393, %mul3A_388 : vector<256x256xf32>
      %select_n3A_395 = arith.select %ge3A_391, %mul3A_388, %mul3A_394 : vector<256x256xi1>, vector<256x256xf32>
      %slice3A_396 = vector.extract_strided_slice %select_n3A_395 {offsets = [1, 0], sizes = [255, 256], strides = [1, 1]} : vector<256x256xf32> to vector<255x256xf32>
      %slice3A_397 = vector.extract_strided_slice %select_n3A_395 {offsets = [7, 0], sizes = [249, 256], strides = [1, 1]} : vector<256x256xf32> to vector<249x256xf32>
      %slice3A_398 = vector.extract_strided_slice %slice3A_397 {offsets = [24, 0], sizes = [160, 256], strides = [1, 1]} : vector<249x256xf32> to vector<160x256xf32>
      %get3A_399 = arith.constant 0 : index
      %get3A_400 = arith.constant 0 : index
      %get3A_401 = arith.constant 0 : index
      %get3A_402 = arith.constant 0 : index
      %get3A_403 = vector.load %arg19[%get3A_399, %get3A_400, %get3A_401, %get3A_402] : memref<3x3x256x256xf32, #tpu.memory_space<vmem>>, vector<1x1x256x256xf32>
      %get3A_404 = vector.shape_cast %get3A_403 : vector<1x1x256x256xf32> to vector<256x256xf32>
      %dot_general3A_405 = arith.constant dense<0.000000e+00> : vector<160x256xf32>
      %dot_general3A_406 = tpu.matmul %slice3A_398, %get3A_404, %dot_general3A_405 {dimension_numbers = #tpu.dot_dimension_numbers<[1], [0], [0], [1], [0, 0, 1, 1], [], []>, transpose_lhs_hint = false} : vector<160x256xf32>, vector<256x256xf32>, vector<160x256xf32> -> vector<160x256xf32>
      %slice3A_407 = vector.extract_strided_slice %select_n3A_395 {offsets = [32, 0], sizes = [160, 256], strides = [1, 1]} : vector<256x256xf32> to vector<160x256xf32>
      %get3A_408 = arith.constant 0 : index
      %get3A_409 = arith.constant 1 : index
      %get3A_410 = arith.constant 0 : index
      %get3A_411 = arith.constant 0 : index
      %get3A_412 = vector.load %arg19[%get3A_408, %get3A_409, %get3A_410, %get3A_411] : memref<3x3x256x256xf32, #tpu.memory_space<vmem>>, vector<1x1x256x256xf32>
      %get3A_413 = vector.shape_cast %get3A_412 : vector<1x1x256x256xf32> to vector<256x256xf32>
      %dot_general3A_414 = arith.constant dense<0.000000e+00> : vector<160x256xf32>
      %dot_general3A_415 = tpu.matmul %slice3A_407, %get3A_413, %dot_general3A_414 {dimension_numbers = #tpu.dot_dimension_numbers<[1], [0], [0], [1], [0, 0, 1, 1], [], []>, transpose_lhs_hint = false} : vector<160x256xf32>, vector<256x256xf32>, vector<160x256xf32> -> vector<160x256xf32>
      %add3A_416 = arith.addf %dot_general3A_406, %dot_general3A_415 : vector<160x256xf32>
      %slice3A_417 = vector.extract_strided_slice %slice3A_396 {offsets = [32, 0], sizes = [160, 256], strides = [1, 1]} : vector<255x256xf32> to vector<160x256xf32>
      %get3A_418 = arith.constant 0 : index
      %get3A_419 = arith.constant 2 : index
      %get3A_420 = arith.constant 0 : index
      %get3A_421 = arith.constant 0 : index
      %get3A_422 = vector.load %arg19[%get3A_418, %get3A_419, %get3A_420, %get3A_421] : memref<3x3x256x256xf32, #tpu.memory_space<vmem>>, vector<1x1x256x256xf32>
      %get3A_423 = vector.shape_cast %get3A_422 : vector<1x1x256x256xf32> to vector<256x256xf32>
      %dot_general3A_424 = arith.constant dense<0.000000e+00> : vector<160x256xf32>
      %dot_general3A_425 = tpu.matmul %slice3A_417, %get3A_423, %dot_general3A_424 {dimension_numbers = #tpu.dot_dimension_numbers<[1], [0], [0], [1], [0, 0, 1, 1], [], []>, transpose_lhs_hint = false} : vector<160x256xf32>, vector<256x256xf32>, vector<160x256xf32> -> vector<160x256xf32>
      %add3A_426 = arith.addf %add3A_416, %dot_general3A_425 : vector<160x256xf32>
      %slice3A_427 = vector.extract_strided_slice %slice3A_397 {offsets = [40, 0], sizes = [160, 256], strides = [1, 1]} : vector<249x256xf32> to vector<160x256xf32>
      %get3A_428 = arith.constant 1 : index
      %get3A_429 = arith.constant 0 : index
      %get3A_430 = arith.constant 0 : index
      %get3A_431 = arith.constant 0 : index
      %get3A_432 = vector.load %arg19[%get3A_428, %get3A_429, %get3A_430, %get3A_431] : memref<3x3x256x256xf32, #tpu.memory_space<vmem>>, vector<1x1x256x256xf32>
      %get3A_433 = vector.shape_cast %get3A_432 : vector<1x1x256x256xf32> to vector<256x256xf32>
      %dot_general3A_434 = arith.constant dense<0.000000e+00> : vector<160x256xf32>
      %dot_general3A_435 = tpu.matmul %slice3A_427, %get3A_433, %dot_general3A_434 {dimension_numbers = #tpu.dot_dimension_numbers<[1], [0], [0], [1], [0, 0, 1, 1], [], []>, transpose_lhs_hint = false} : vector<160x256xf32>, vector<256x256xf32>, vector<160x256xf32> -> vector<160x256xf32>
      %add3A_436 = arith.addf %add3A_426, %dot_general3A_435 : vector<160x256xf32>
      %slice3A_437 = vector.extract_strided_slice %select_n3A_395 {offsets = [48, 0], sizes = [160, 256], strides = [1, 1]} : vector<256x256xf32> to vector<160x256xf32>
      %get3A_438 = arith.constant 1 : index
      %get3A_439 = arith.constant 1 : index
      %get3A_440 = arith.constant 0 : index
      %get3A_441 = arith.constant 0 : index
      %get3A_442 = vector.load %arg19[%get3A_438, %get3A_439, %get3A_440, %get3A_441] : memref<3x3x256x256xf32, #tpu.memory_space<vmem>>, vector<1x1x256x256xf32>
      %get3A_443 = vector.shape_cast %get3A_442 : vector<1x1x256x256xf32> to vector<256x256xf32>
      %dot_general3A_444 = arith.constant dense<0.000000e+00> : vector<160x256xf32>
      %dot_general3A_445 = tpu.matmul %slice3A_437, %get3A_443, %dot_general3A_444 {dimension_numbers = #tpu.dot_dimension_numbers<[1], [0], [0], [1], [0, 0, 1, 1], [], []>, transpose_lhs_hint = false} : vector<160x256xf32>, vector<256x256xf32>, vector<160x256xf32> -> vector<160x256xf32>
      %add3A_446 = arith.addf %add3A_436, %dot_general3A_445 : vector<160x256xf32>
      %slice3A_447 = vector.extract_strided_slice %slice3A_396 {offsets = [48, 0], sizes = [160, 256], strides = [1, 1]} : vector<255x256xf32> to vector<160x256xf32>
      %get3A_448 = arith.constant 1 : index
      %get3A_449 = arith.constant 2 : index
      %get3A_450 = arith.constant 0 : index
      %get3A_451 = arith.constant 0 : index
      %get3A_452 = vector.load %arg19[%get3A_448, %get3A_449, %get3A_450, %get3A_451] : memref<3x3x256x256xf32, #tpu.memory_space<vmem>>, vector<1x1x256x256xf32>
      %get3A_453 = vector.shape_cast %get3A_452 : vector<1x1x256x256xf32> to vector<256x256xf32>
      %dot_general3A_454 = arith.constant dense<0.000000e+00> : vector<160x256xf32>
      %dot_general3A_455 = tpu.matmul %slice3A_447, %get3A_453, %dot_general3A_454 {dimension_numbers = #tpu.dot_dimension_numbers<[1], [0], [0], [1], [0, 0, 1, 1], [], []>, transpose_lhs_hint = false} : vector<160x256xf32>, vector<256x256xf32>, vector<160x256xf32> -> vector<160x256xf32>
      %add3A_456 = arith.addf %add3A_446, %dot_general3A_455 : vector<160x256xf32>
      %slice3A_457 = vector.extract_strided_slice %slice3A_397 {offsets = [56, 0], sizes = [160, 256], strides = [1, 1]} : vector<249x256xf32> to vector<160x256xf32>
      %get3A_458 = arith.constant 2 : index
      %get3A_459 = arith.constant 0 : index
      %get3A_460 = arith.constant 0 : index
      %get3A_461 = arith.constant 0 : index
      %get3A_462 = vector.load %arg19[%get3A_458, %get3A_459, %get3A_460, %get3A_461] : memref<3x3x256x256xf32, #tpu.memory_space<vmem>>, vector<1x1x256x256xf32>
      %get3A_463 = vector.shape_cast %get3A_462 : vector<1x1x256x256xf32> to vector<256x256xf32>
      %dot_general3A_464 = arith.constant dense<0.000000e+00> : vector<160x256xf32>
      %dot_general3A_465 = tpu.matmul %slice3A_457, %get3A_463, %dot_general3A_464 {dimension_numbers = #tpu.dot_dimension_numbers<[1], [0], [0], [1], [0, 0, 1, 1], [], []>, transpose_lhs_hint = false} : vector<160x256xf32>, vector<256x256xf32>, vector<160x256xf32> -> vector<160x256xf32>
      %add3A_466 = arith.addf %add3A_456, %dot_general3A_465 : vector<160x256xf32>
      %slice3A_467 = vector.extract_strided_slice %select_n3A_395 {offsets = [64, 0], sizes = [160, 256], strides = [1, 1]} : vector<256x256xf32> to vector<160x256xf32>
      %get3A_468 = arith.constant 2 : index
      %get3A_469 = arith.constant 1 : index
      %get3A_470 = arith.constant 0 : index
      %get3A_471 = arith.constant 0 : index
      %get3A_472 = vector.load %arg19[%get3A_468, %get3A_469, %get3A_470, %get3A_471] : memref<3x3x256x256xf32, #tpu.memory_space<vmem>>, vector<1x1x256x256xf32>
      %get3A_473 = vector.shape_cast %get3A_472 : vector<1x1x256x256xf32> to vector<256x256xf32>
      %dot_general3A_474 = arith.constant dense<0.000000e+00> : vector<160x256xf32>
      %dot_general3A_475 = tpu.matmul %slice3A_467, %get3A_473, %dot_general3A_474 {dimension_numbers = #tpu.dot_dimension_numbers<[1], [0], [0], [1], [0, 0, 1, 1], [], []>, transpose_lhs_hint = false} : vector<160x256xf32>, vector<256x256xf32>, vector<160x256xf32> -> vector<160x256xf32>
      %add3A_476 = arith.addf %add3A_466, %dot_general3A_475 : vector<160x256xf32>
      %slice3A_477 = vector.extract_strided_slice %slice3A_396 {offsets = [64, 0], sizes = [160, 256], strides = [1, 1]} : vector<255x256xf32> to vector<160x256xf32>
      %get3A_478 = arith.constant 2 : index
      %get3A_479 = arith.constant 2 : index
      %get3A_480 = arith.constant 0 : index
      %get3A_481 = arith.constant 0 : index
      %get3A_482 = vector.load %arg19[%get3A_478, %get3A_479, %get3A_480, %get3A_481] : memref<3x3x256x256xf32, #tpu.memory_space<vmem>>, vector<1x1x256x256xf32>
      %get3A_483 = vector.shape_cast %get3A_482 : vector<1x1x256x256xf32> to vector<256x256xf32>
      %dot_general3A_484 = arith.constant dense<0.000000e+00> : vector<160x256xf32>
      %dot_general3A_485 = tpu.matmul %slice3A_477, %get3A_483, %dot_general3A_484 {dimension_numbers = #tpu.dot_dimension_numbers<[1], [0], [0], [1], [0, 0, 1, 1], [], []>, transpose_lhs_hint = false} : vector<160x256xf32>, vector<256x256xf32>, vector<160x256xf32> -> vector<160x256xf32>
      %add3A_486 = arith.addf %add3A_476, %dot_general3A_485 : vector<160x256xf32>
      %get3A_487 = arith.constant 0 : index
      %get3A_488 = arith.constant 0 : index
      %get3A_489 = vector.load %arg5[%get3A_487, %get3A_488] : memref<160x1xf32, #tpu.memory_space<vmem>>, vector<160x1xf32>
      %mul3A_490 = vector.broadcast %get3A_489 : vector<160x1xf32> to vector<160x256xf32>
      %mul3A_491 = arith.mulf %add3A_486, %mul3A_490 : vector<160x256xf32>
      %mul3A_492 = arith.constant 0.999994993 : f32
      %mul3A_493 = vector.broadcast %mul3A_492 : f32 to vector<160x256xf32>
      %mul3A_494 = arith.mulf %mul3A_491, %mul3A_493 : vector<160x256xf32>
      %ge3A_495 = arith.constant 0.000000e+00 : f32
      %ge3A_496 = vector.broadcast %ge3A_495 : f32 to vector<160x256xf32>
      %ge3A_497 = arith.cmpf oge, %mul3A_494, %ge3A_496 : vector<160x256xf32>
      %mul3A_498 = arith.constant 1.000000e-01 : f32
      %mul3A_499 = vector.broadcast %mul3A_498 : f32 to vector<160x256xf32>
      %mul3A_500 = arith.mulf %mul3A_499, %mul3A_494 : vector<160x256xf32>
      %select_n3A_501 = arith.select %ge3A_497, %mul3A_494, %mul3A_500 : vector<160x256xi1>, vector<160x256xf32>
      %broadcast_in_dim3A_502 = arith.constant 0.000000e+00 : f32
      %broadcast_in_dim3A_503 = vector.broadcast %broadcast_in_dim3A_502 : f32 to vector<48x256xf32>
      %concatenate3A_504 = tpu.concatenate %broadcast_in_dim3A_503, %select_n3A_501, %broadcast_in_dim3A_503 in 0 : vector<48x256xf32>, vector<160x256xf32>, vector<48x256xf32> -> vector<256x256xf32>
      %reshape3A_505 = vector.shape_cast %concatenate3A_504 : vector<256x256xf32> to vector<1x256x256xf32>
      %slice3A_506 = vector.extract_strided_slice %reshape3A_505 {offsets = [0, 48, 0], sizes = [1, 160, 256], strides = [1, 1, 1]} : vector<1x256x256xf32> to vector<1x160x256xf32>
      %reshape3A_507 = vector.shape_cast %slice3A_506 : vector<1x160x256xf32> to vector<160x256xf32>
      %get3A_508 = arith.constant 0 : index
      %get3A_509 = arith.constant 0 : index
      %get3A_510 = vector.load %arg20[%get3A_508, %get3A_509] : memref<256x100xf32, #tpu.memory_space<vmem>>, vector<256x100xf32>
      %dot_general3A_511 = arith.constant dense<0.000000e+00> : vector<160x100xf32>
      %dot_general3A_512 = tpu.matmul %reshape3A_507, %get3A_510, %dot_general3A_511 {dimension_numbers = #tpu.dot_dimension_numbers<[1], [0], [0], [1], [0, 0, 1, 1], [], []>, transpose_lhs_hint = false} : vector<160x256xf32>, vector<256x100xf32>, vector<160x100xf32> -> vector<160x100xf32>
      %ge3A_513 = arith.constant 0.000000e+00 : f32
      %ge3A_514 = vector.broadcast %ge3A_513 : f32 to vector<160x100xf32>
      %ge3A_515 = arith.cmpf oge, %dot_general3A_512, %ge3A_514 : vector<160x100xf32>
      %mul3A_516 = arith.constant 1.000000e-01 : f32
      %mul3A_517 = vector.broadcast %mul3A_516 : f32 to vector<160x100xf32>
      %mul3A_518 = arith.mulf %mul3A_517, %dot_general3A_512 : vector<160x100xf32>
      %select_n3A_519 = arith.select %ge3A_515, %dot_general3A_512, %mul3A_518 : vector<160x100xi1>, vector<160x100xf32>
      %reshape3A_520 = vector.shape_cast %select_n3A_519 : vector<160x100xf32> to vector<1x160x100xf32>
      %reduce_sum3A = arith.constant dense<0.000000e+00> : vector<1x100xf32>
      %reduce_sum3A_521 = vector.multi_reduction <add>, %reshape3A_520, %reduce_sum3A [1] : vector<1x160x100xf32> to vector<1x100xf32>
      %mul3A_522 = arith.constant 1.562500e-02 : f32
      %mul3A_523 = vector.broadcast %mul3A_522 : f32 to vector<1x100xf32>
      %mul3A_524 = arith.mulf %reduce_sum3A_521, %mul3A_523 : vector<1x100xf32>
      %get3A_525 = arith.constant 0 : index
      %get3A_526 = arith.constant 0 : index
      %get3A_527 = arith.constant 0 : index
      %get3A_528 = vector.load %arg63[%get3A_525, %get3A_526, %get3A_527] : memref<1x1x100xf32, #tpu.memory_space<vmem>>, vector<1x1x100xf32>
      %mul3A_529 = vector.broadcast %get3A_14 : f32 to vector<1x100xf32>
      %mul3A_530 = arith.mulf %mul3A_524, %mul3A_529 : vector<1x100xf32>
      %reshape3A_531 = vector.shape_cast %mul3A_530 : vector<1x100xf32> to vector<1x1x100xf32>
      %add3A_532 = arith.addf %get3A_528, %reshape3A_531 : vector<1x1x100xf32>
      %swap3A_533 = arith.constant 0 : index
      %swap3A_534 = arith.constant 0 : index
      %swap3A_535 = arith.constant 0 : index
      %swap3A_536 = vector.load %arg63[%swap3A_533, %swap3A_534, %swap3A_535] : memref<1x1x100xf32, #tpu.memory_space<vmem>>, vector<1x1x100xf32>
      tpu.vector_store %arg63[%swap3A_533, %swap3A_534, %swap3A_535], %add3A_532 {strides = array<i32>} : memref<1x1x100xf32, #tpu.memory_space<vmem>>, vector<1x1x100xf32>,
    } else {
    }
    %get3A_20 = arith.constant 0 : index
    %get3A_21 = arith.constant 2 : index
    %get3A_22 = arith.constant 0 : index
    %get3A_23 = vector.load %arg2[%get3A_20, %get3A_21, %get3A_22] : memref<1x8x1xf32, #tpu.memory_space<vmem>>, vector<1x1x1xf32>
    %get3A_24 = vector.extract %get3A_23[0, 0, 0] : f32 from vector<1x1x1xf32>
    %ne3A_25 = arith.constant 0.000000e+00 : f32
    %ne3A_26 = arith.cmpf one, %get3A_24, %ne3A_25 : f32
    %convert_element_type3A_27 = arith.extui %ne3A_26 : i1 to i32
    %cond3A_28 = arith.constant 0 : i32
    %cond3A_29 = arith.cmpi ne, %convert_element_type3A_27, %cond3A_28 : i32
    scf.if %cond3A_29 {
      %get3A_80 = arith.constant 0 : index
      %get3A_81 = arith.constant 0 : index
      %get3A_82 = arith.constant 0 : index
      %get3A_83 = vector.load %arg1[%get3A_80, %get3A_81, %get3A_82] : memref<1x1456x3xf32, #tpu.memory_space<vmem>>, vector<1x1456x3xf32>
      %get3A_84 = vector.shape_cast %get3A_83 : vector<1x1456x3xf32> to vector<1456x3xf32>
      %get3A_85 = arith.constant 0 : index
      %get3A_86 = arith.constant 0 : index
      %get3A_87 = vector.load %arg21[%get3A_85, %get3A_86] : memref<3x48xf32, #tpu.memory_space<vmem>>, vector<3x48xf32>
      %dot_general3A = arith.constant dense<0.000000e+00> : vector<1456x48xf32>
      %dot_general3A_88 = tpu.matmul %get3A_84, %get3A_87, %dot_general3A {dimension_numbers = #tpu.dot_dimension_numbers<[1], [0], [0], [1], [0, 0, 1, 1], [], []>, transpose_lhs_hint = false} : vector<1456x3xf32>, vector<3x48xf32>, vector<1456x48xf32> -> vector<1456x48xf32>
      %mul3A = arith.constant 0.999994993 : f32
      %mul3A_89 = vector.broadcast %mul3A : f32 to vector<1456x48xf32>
      %mul3A_90 = arith.mulf %dot_general3A_88, %mul3A_89 : vector<1456x48xf32>
      %ge3A = arith.constant 0.000000e+00 : f32
      %ge3A_91 = vector.broadcast %ge3A : f32 to vector<1456x48xf32>
      %ge3A_92 = arith.cmpf oge, %mul3A_90, %ge3A_91 : vector<1456x48xf32>
      %mul3A_93 = arith.constant 1.000000e-01 : f32
      %mul3A_94 = vector.broadcast %mul3A_93 : f32 to vector<1456x48xf32>
      %mul3A_95 = arith.mulf %mul3A_94, %mul3A_90 : vector<1456x48xf32>
      %select_n3A = arith.select %ge3A_92, %mul3A_90, %mul3A_95 : vector<1456x48xi1>, vector<1456x48xf32>
      %slice3A = vector.extract_strided_slice %select_n3A {offsets = [1, 0], sizes = [1455, 48], strides = [1, 1]} : vector<1456x48xf32> to vector<1455x48xf32>
      %slice3A_96 = vector.extract_strided_slice %select_n3A {offsets = [7, 0], sizes = [1449, 48], strides = [1, 1]} : vector<1456x48xf32> to vector<1449x48xf32>
      %slice3A_97 = vector.extract_strided_slice %slice3A_96 {offsets = [0, 0], sizes = [1360, 48], strides = [1, 1]} : vector<1449x48xf32> to vector<1360x48xf32>
      %get3A_98 = arith.constant 0 : index
      %get3A_99 = arith.constant 0 : index
      %get3A_100 = arith.constant 0 : index
      %get3A_101 = arith.constant 0 : index
      %get3A_102 = vector.load %arg22[%get3A_98, %get3A_99, %get3A_100, %get3A_101] : memref<3x3x48x48xf32, #tpu.memory_space<vmem>>, vector<1x1x48x48xf32>
      %get3A_103 = vector.shape_cast %get3A_102 : vector<1x1x48x48xf32> to vector<48x48xf32>
      %dot_general3A_104 = arith.constant dense<0.000000e+00> : vector<1360x48xf32>
      %dot_general3A_105 = tpu.matmul %slice3A_97, %get3A_103, %dot_general3A_104 {dimension_numbers = #tpu.dot_dimension_numbers<[1], [0], [0], [1], [0, 0, 1, 1], [], []>, transpose_lhs_hint = false} : vector<1360x48xf32>, vector<48x48xf32>, vector<1360x48xf32> -> vector<1360x48xf32>
      %slice3A_106 = vector.extract_strided_slice %select_n3A {offsets = [8, 0], sizes = [1360, 48], strides = [1, 1]} : vector<1456x48xf32> to vector<1360x48xf32>
      %get3A_107 = arith.constant 0 : index
      %get3A_108 = arith.constant 1 : index
      %get3A_109 = arith.constant 0 : index
      %get3A_110 = arith.constant 0 : index
      %get3A_111 = vector.load %arg22[%get3A_107, %get3A_108, %get3A_109, %get3A_110] : memref<3x3x48x48xf32, #tpu.memory_space<vmem>>, vector<1x1x48x48xf32>
      %get3A_112 = vector.shape_cast %get3A_111 : vector<1x1x48x48xf32> to vector<48x48xf32>
      %dot_general3A_113 = arith.constant dense<0.000000e+00> : vector<1360x48xf32>
      %dot_general3A_114 = tpu.matmul %slice3A_106, %get3A_112, %dot_general3A_113 {dimension_numbers = #tpu.dot_dimension_numbers<[1], [0], [0], [1], [0, 0, 1, 1], [], []>, transpose_lhs_hint = false} : vector<1360x48xf32>, vector<48x48xf32>, vector<1360x48xf32> -> vector<1360x48xf32>
      %add3A = arith.addf %dot_general3A_105, %dot_general3A_114 : vector<1360x48xf32>
      %slice3A_115 = vector.extract_strided_slice %slice3A {offsets = [8, 0], sizes = [1360, 48], strides = [1, 1]} : vector<1455x48xf32> to vector<1360x48xf32>
      %get3A_116 = arith.constant 0 : index
      %get3A_117 = arith.constant 2 : index
      %get3A_118 = arith.constant 0 : index
      %get3A_119 = arith.constant 0 : index
      %get3A_120 = vector.load %arg22[%get3A_116, %get3A_117, %get3A_118, %get3A_119] : memref<3x3x48x48xf32, #tpu.memory_space<vmem>>, vector<1x1x48x48xf32>
      %get3A_121 = vector.shape_cast %get3A_120 : vector<1x1x48x48xf32> to vector<48x48xf32>
      %dot_general3A_122 = arith.constant dense<0.000000e+00> : vector<1360x48xf32>
      %dot_general3A_123 = tpu.matmul %slice3A_115, %get3A_121, %dot_general3A_122 {dimension_numbers = #tpu.dot_dimension_numbers<[1], [0], [0], [1], [0, 0, 1, 1], [], []>, transpose_lhs_hint = false} : vector<1360x48xf32>, vector<48x48xf32>, vector<1360x48xf32> -> vector<1360x48xf32>
      %add3A_124 = arith.addf %add3A, %dot_general3A_123 : vector<1360x48xf32>
      %slice3A_125 = vector.extract_strided_slice %slice3A_96 {offsets = [40, 0], sizes = [1360, 48], strides = [1, 1]} : vector<1449x48xf32> to vector<1360x48xf32>
      %get3A_126 = arith.constant 1 : index
      %get3A_127 = arith.constant 0 : index
      %get3A_128 = arith.constant 0 : index
      %get3A_129 = arith.constant 0 : index
      %get3A_130 = vector.load %arg22[%get3A_126, %get3A_127, %get3A_128, %get3A_129] : memref<3x3x48x48xf32, #tpu.memory_space<vmem>>, vector<1x1x48x48xf32>
      %get3A_131 = vector.shape_cast %get3A_130 : vector<1x1x48x48xf32> to vector<48x48xf32>
      %dot_general3A_132 = arith.constant dense<0.000000e+00> : vector<1360x48xf32>
      %dot_general3A_133 = tpu.matmul %slice3A_125, %get3A_131, %dot_general3A_132 {dimension_numbers = #tpu.dot_dimension_numbers<[1], [0], [0], [1], [0, 0, 1, 1], [], []>, transpose_lhs_hint = false} : vector<1360x48xf32>, vector<48x48xf32>, vector<1360x48xf32> -> vector<1360x48xf32>
      %add3A_134 = arith.addf %add3A_124, %dot_general3A_133 : vector<1360x48xf32>
      %slice3A_135 = vector.extract_strided_slice %select_n3A {offsets = [48, 0], sizes = [1360, 48], strides = [1, 1]} : vector<1456x48xf32> to vector<1360x48xf32>
      %get3A_136 = arith.constant 1 : index
      %get3A_137 = arith.constant 1 : index
      %get3A_138 = arith.constant 0 : index
      %get3A_139 = arith.constant 0 : index
      %get3A_140 = vector.load %arg22[%get3A_136, %get3A_137, %get3A_138, %get3A_139] : memref<3x3x48x48xf32, #tpu.memory_space<vmem>>, vector<1x1x48x48xf32>
      %get3A_141 = vector.shape_cast %get3A_140 : vector<1x1x48x48xf32> to vector<48x48xf32>
      %dot_general3A_142 = arith.constant dense<0.000000e+00> : vector<1360x48xf32>
      %dot_general3A_143 = tpu.matmul %slice3A_135, %get3A_141, %dot_general3A_142 {dimension_numbers = #tpu.dot_dimension_numbers<[1], [0], [0], [1], [0, 0, 1, 1], [], []>, transpose_lhs_hint = false} : vector<1360x48xf32>, vector<48x48xf32>, vector<1360x48xf32> -> vector<1360x48xf32>
      %add3A_144 = arith.addf %add3A_134, %dot_general3A_143 : vector<1360x48xf32>
      %slice3A_145 = vector.extract_strided_slice %slice3A {offsets = [48, 0], sizes = [1360, 48], strides = [1, 1]} : vector<1455x48xf32> to vector<1360x48xf32>
      %get3A_146 = arith.constant 1 : index
      %get3A_147 = arith.constant 2 : index
      %get3A_148 = arith.constant 0 : index
      %get3A_149 = arith.constant 0 : index
      %get3A_150 = vector.load %arg22[%get3A_146, %get3A_147, %get3A_148, %get3A_149] : memref<3x3x48x48xf32, #tpu.memory_space<vmem>>, vector<1x1x48x48xf32>
      %get3A_151 = vector.shape_cast %get3A_150 : vector<1x1x48x48xf32> to vector<48x48xf32>
      %dot_general3A_152 = arith.constant dense<0.000000e+00> : vector<1360x48xf32>
      %dot_general3A_153 = tpu.matmul %slice3A_145, %get3A_151, %dot_general3A_152 {dimension_numbers = #tpu.dot_dimension_numbers<[1], [0], [0], [1], [0, 0, 1, 1], [], []>, transpose_lhs_hint = false} : vector<1360x48xf32>, vector<48x48xf32>, vector<1360x48xf32> -> vector<1360x48xf32>
      %add3A_154 = arith.addf %add3A_144, %dot_general3A_153 : vector<1360x48xf32>
      %slice3A_155 = vector.extract_strided_slice %slice3A_96 {offsets = [80, 0], sizes = [1360, 48], strides = [1, 1]} : vector<1449x48xf32> to vector<1360x48xf32>
      %get3A_156 = arith.constant 2 : index
      %get3A_157 = arith.constant 0 : index
      %get3A_158 = arith.constant 0 : index
      %get3A_159 = arith.constant 0 : index
      %get3A_160 = vector.load %arg22[%get3A_156, %get3A_157, %get3A_158, %get3A_159] : memref<3x3x48x48xf32, #tpu.memory_space<vmem>>, vector<1x1x48x48xf32>
      %get3A_161 = vector.shape_cast %get3A_160 : vector<1x1x48x48xf32> to vector<48x48xf32>
      %dot_general3A_162 = arith.constant dense<0.000000e+00> : vector<1360x48xf32>
      %dot_general3A_163 = tpu.matmul %slice3A_155, %get3A_161, %dot_general3A_162 {dimension_numbers = #tpu.dot_dimension_numbers<[1], [0], [0], [1], [0, 0, 1, 1], [], []>, transpose_lhs_hint = false} : vector<1360x48xf32>, vector<48x48xf32>, vector<1360x48xf32> -> vector<1360x48xf32>
      %add3A_164 = arith.addf %add3A_154, %dot_general3A_163 : vector<1360x48xf32>
      %slice3A_165 = vector.extract_strided_slice %select_n3A {offsets = [88, 0], sizes = [1360, 48], strides = [1, 1]} : vector<1456x48xf32> to vector<1360x48xf32>
      %get3A_166 = arith.constant 2 : index
      %get3A_167 = arith.constant 1 : index
      %get3A_168 = arith.constant 0 : index
      %get3A_169 = arith.constant 0 : index
      %get3A_170 = vector.load %arg22[%get3A_166, %get3A_167, %get3A_168, %get3A_169] : memref<3x3x48x48xf32, #tpu.memory_space<vmem>>, vector<1x1x48x48xf32>
      %get3A_171 = vector.shape_cast %get3A_170 : vector<1x1x48x48xf32> to vector<48x48xf32>
      %dot_general3A_172 = arith.constant dense<0.000000e+00> : vector<1360x48xf32>
      %dot_general3A_173 = tpu.matmul %slice3A_165, %get3A_171, %dot_general3A_172 {dimension_numbers = #tpu.dot_dimension_numbers<[1], [0], [0], [1], [0, 0, 1, 1], [], []>, transpose_lhs_hint = false} : vector<1360x48xf32>, vector<48x48xf32>, vector<1360x48xf32> -> vector<1360x48xf32>
      %add3A_174 = arith.addf %add3A_164, %dot_general3A_173 : vector<1360x48xf32>
      %slice3A_175 = vector.extract_strided_slice %slice3A {offsets = [88, 0], sizes = [1360, 48], strides = [1, 1]} : vector<1455x48xf32> to vector<1360x48xf32>
      %get3A_176 = arith.constant 2 : index
      %get3A_177 = arith.constant 2 : index
      %get3A_178 = arith.constant 0 : index
      %get3A_179 = arith.constant 0 : index
      %get3A_180 = vector.load %arg22[%get3A_176, %get3A_177, %get3A_178, %get3A_179] : memref<3x3x48x48xf32, #tpu.memory_space<vmem>>, vector<1x1x48x48xf32>
      %get3A_181 = vector.shape_cast %get3A_180 : vector<1x1x48x48xf32> to vector<48x48xf32>
      %dot_general3A_182 = arith.constant dense<0.000000e+00> : vector<1360x48xf32>
      %dot_general3A_183 = tpu.matmul %slice3A_175, %get3A_181, %dot_general3A_182 {dimension_numbers = #tpu.dot_dimension_numbers<[1], [0], [0], [1], [0, 0, 1, 1], [], []>, transpose_lhs_hint = false} : vector<1360x48xf32>, vector<48x48xf32>, vector<1360x48xf32> -> vector<1360x48xf32>
      %add3A_184 = arith.addf %add3A_174, %dot_general3A_183 : vector<1360x48xf32>
      %get3A_185 = arith.constant 0 : index
      %get3A_186 = arith.constant 0 : index
      %get3A_187 = vector.load %arg3[%get3A_185, %get3A_186] : memref<1360x1xf32, #tpu.memory_space<vmem>>, vector<1360x1xf32>
      %mul3A_188 = vector.broadcast %get3A_187 : vector<1360x1xf32> to vector<1360x48xf32>
      %mul3A_189 = arith.mulf %add3A_184, %mul3A_188 : vector<1360x48xf32>
      %mul3A_190 = arith.constant 0.999994993 : f32
      %mul3A_191 = vector.broadcast %mul3A_190 : f32 to vector<1360x48xf32>
      %mul3A_192 = arith.mulf %mul3A_189, %mul3A_191 : vector<1360x48xf32>
      %ge3A_193 = arith.constant 0.000000e+00 : f32
      %ge3A_194 = vector.broadcast %ge3A_193 : f32 to vector<1360x48xf32>
      %ge3A_195 = arith.cmpf oge, %mul3A_192, %ge3A_194 : vector<1360x48xf32>
      %mul3A_196 = arith.constant 1.000000e-01 : f32
      %mul3A_197 = vector.broadcast %mul3A_196 : f32 to vector<1360x48xf32>
      %mul3A_198 = arith.mulf %mul3A_197, %mul3A_192 : vector<1360x48xf32>
      %select_n3A_199 = arith.select %ge3A_195, %mul3A_192, %mul3A_198 : vector<1360x48xi1>, vector<1360x48xf32>
      %broadcast_in_dim3A_200 = arith.constant 0.000000e+00 : f32
      %broadcast_in_dim3A_201 = vector.broadcast %broadcast_in_dim3A_200 : f32 to vector<48x48xf32>
      %concatenate3A = tpu.concatenate %broadcast_in_dim3A_201, %select_n3A_199, %broadcast_in_dim3A_201 in 0 : vector<48x48xf32>, vector<1360x48xf32>, vector<48x48xf32> -> vector<1456x48xf32>
      %reshape3A = vector.shape_cast %concatenate3A : vector<1456x48xf32> to vector<1x1456x48xf32>
      %slice3A_202 = vector.extract_strided_slice %reshape3A {offsets = [0, 48, 0], sizes = [1, 1360, 48], strides = [1, 1, 1]} : vector<1x1456x48xf32> to vector<1x1360x48xf32>
      %reshape3A_203 = vector.shape_cast %slice3A_202 : vector<1x1360x48xf32> to vector<1x34x40x48xf32>
      %slice3A_204 = vector.extract_strided_slice %reshape3A_203 {offsets = [0, 1, 1, 0], sizes = [1, 32, 32, 48], strides = [1, 1, 1, 1]} : vector<1x34x40x48xf32> to vector<1x32x32x48xf32>
      %reshape3A_205 = vector.shape_cast %slice3A_204 : vector<1x32x32x48xf32> to vector<1x16x2x32x48xf32>
      %slice3A_206 = vector.extract_strided_slice %reshape3A_205 {offsets = [0, 0, 0, 0, 0], sizes = [1, 16, 1, 32, 48], strides = [1, 1, 1, 1, 1]} : vector<1x16x2x32x48xf32> to vector<1x16x1x32x48xf32>
      %squeeze3A = vector.shape_cast %slice3A_206 : vector<1x16x1x32x48xf32> to vector<1x16x32x48xf32>
      %slice3A_207 = vector.extract_strided_slice %reshape3A_205 {offsets = [0, 0, 1, 0, 0], sizes = [1, 16, 1, 32, 48], strides = [1, 1, 1, 1, 1]} : vector<1x16x2x32x48xf32> to vector<1x16x1x32x48xf32>
      %squeeze3A_208 = vector.shape_cast %slice3A_207 : vector<1x16x1x32x48xf32> to vector<1x16x32x48xf32>
      %max3A = arith.maximumf %squeeze3A, %squeeze3A_208 : vector<1x16x32x48xf32>
      %reshape3A_209 = vector.shape_cast %max3A : vector<1x16x32x48xf32> to vector<1x16x16x2x48xf32>
      %slice3A_210 = vector.extract_strided_slice %reshape3A_209 {offsets = [0, 0, 0, 0, 0], sizes = [1, 16, 16, 1, 48], strides = [1, 1, 1, 1, 1]} : vector<1x16x16x2x48xf32> to vector<1x16x16x1x48xf32>
      %squeeze3A_211 = vector.shape_cast %slice3A_210 : vector<1x16x16x1x48xf32> to vector<1x16x16x48xf32>
      %slice3A_212 = vector.extract_strided_slice %reshape3A_209 {offsets = [0, 0, 0, 1, 0], sizes = [1, 16, 16, 1, 48], strides = [1, 1, 1, 1, 1]} : vector<1x16x16x2x48xf32> to vector<1x16x16x1x48xf32>
      %squeeze3A_213 = vector.shape_cast %slice3A_212 : vector<1x16x16x1x48xf32> to vector<1x16x16x48xf32>
      %max3A_214 = arith.maximumf %squeeze3A_211, %squeeze3A_213 : vector<1x16x16x48xf32>
      %broadcast_in_dim3A_215 = arith.constant 0.000000e+00 : f32
      %broadcast_in_dim3A_216 = vector.broadcast %broadcast_in_dim3A_215 : f32 to vector<1x16x1x48xf32>
      %broadcast_in_dim3A_217 = arith.constant 0.000000e+00 : f32
      %broadcast_in_dim3A_218 = vector.broadcast %broadcast_in_dim3A_217 : f32 to vector<1x16x7x48xf32>
      %concatenate3A_219 = tpu.concatenate %broadcast_in_dim3A_216, %max3A_214, %broadcast_in_dim3A_218 in 2 : vector<1x16x1x48xf32>, vector<1x16x16x48xf32>, vector<1x16x7x48xf32> -> vector<1x16x24x48xf32>
      %broadcast_in_dim3A_220 = arith.constant 0.000000e+00 : f32
      %broadcast_in_dim3A_221 = vector.broadcast %broadcast_in_dim3A_220 : f32 to vector<1x1x24x48xf32>
      %concatenate3A_222 = tpu.concatenate %broadcast_in_dim3A_221, %concatenate3A_219, %broadcast_in_dim3A_221 in 1 : vector<1x1x24x48xf32>, vector<1x16x24x48xf32>, vector<1x1x24x48xf32> -> vector<1x18x24x48xf32>
      %reshape3A_223 = vector.shape_cast %concatenate3A_222 : vector<1x18x24x48xf32> to vector<1x432x48xf32>
      %broadcast_in_dim3A_224 = arith.constant 0.000000e+00 : f32
      %broadcast_in_dim3A_225 = vector.broadcast %broadcast_in_dim3A_224 : f32 to vector<1x48x48xf32>
      %concatenate3A_226 = tpu.concatenate %broadcast_in_dim3A_225, %reshape3A_223, %broadcast_in_dim3A_225 in 1 : vector<1x48x48xf32>, vector<1x432x48xf32>, vector<1x48x48xf32> -> vector<1x528x48xf32>
      %reshape3A_227 = vector.shape_cast %concatenate3A_226 : vector<1x528x48xf32> to vector<528x48xf32>
      %get3A_228 = arith.constant 0 : index
      %get3A_229 = arith.constant 0 : index
      %get3A_230 = vector.load %arg23[%get3A_228, %get3A_229] : memref<48x96xf32, #tpu.memory_space<vmem>>, vector<48x96xf32>
      %dot_general3A_231 = arith.constant dense<0.000000e+00> : vector<528x96xf32>
      %dot_general3A_232 = tpu.matmul %reshape3A_227, %get3A_230, %dot_general3A_231 {dimension_numbers = #tpu.dot_dimension_numbers<[1], [0], [0], [1], [0, 0, 1, 1], [], []>, transpose_lhs_hint = false} : vector<528x48xf32>, vector<48x96xf32>, vector<528x96xf32> -> vector<528x96xf32>
      %mul3A_233 = arith.constant 0.999994993 : f32
      %mul3A_234 = vector.broadcast %mul3A_233 : f32 to vector<528x96xf32>
      %mul3A_235 = arith.mulf %dot_general3A_232, %mul3A_234 : vector<528x96xf32>
      %ge3A_236 = arith.constant 0.000000e+00 : f32
      %ge3A_237 = vector.broadcast %ge3A_236 : f32 to vector<528x96xf32>
      %ge3A_238 = arith.cmpf oge, %mul3A_235, %ge3A_237 : vector<528x96xf32>
      %mul3A_239 = arith.constant 1.000000e-01 : f32
      %mul3A_240 = vector.broadcast %mul3A_239 : f32 to vector<528x96xf32>
      %mul3A_241 = arith.mulf %mul3A_240, %mul3A_235 : vector<528x96xf32>
      %select_n3A_242 = arith.select %ge3A_238, %mul3A_235, %mul3A_241 : vector<528x96xi1>, vector<528x96xf32>
      %slice3A_243 = vector.extract_strided_slice %select_n3A_242 {offsets = [1, 0], sizes = [527, 96], strides = [1, 1]} : vector<528x96xf32> to vector<527x96xf32>
      %slice3A_244 = vector.extract_strided_slice %select_n3A_242 {offsets = [7, 0], sizes = [521, 96], strides = [1, 1]} : vector<528x96xf32> to vector<521x96xf32>
      %slice3A_245 = vector.extract_strided_slice %slice3A_244 {offsets = [16, 0], sizes = [432, 96], strides = [1, 1]} : vector<521x96xf32> to vector<432x96xf32>
      %get3A_246 = arith.constant 0 : index
      %get3A_247 = arith.constant 0 : index
      %get3A_248 = arith.constant 0 : index
      %get3A_249 = arith.constant 0 : index
      %get3A_250 = vector.load %arg24[%get3A_246, %get3A_247, %get3A_248, %get3A_249] : memref<3x3x96x96xf32, #tpu.memory_space<vmem>>, vector<1x1x96x96xf32>
      %get3A_251 = vector.shape_cast %get3A_250 : vector<1x1x96x96xf32> to vector<96x96xf32>
      %dot_general3A_252 = arith.constant dense<0.000000e+00> : vector<432x96xf32>
      %dot_general3A_253 = tpu.matmul %slice3A_245, %get3A_251, %dot_general3A_252 {dimension_numbers = #tpu.dot_dimension_numbers<[1], [0], [0], [1], [0, 0, 1, 1], [], []>, transpose_lhs_hint = false} : vector<432x96xf32>, vector<96x96xf32>, vector<432x96xf32> -> vector<432x96xf32>
      %slice3A_254 = vector.extract_strided_slice %select_n3A_242 {offsets = [24, 0], sizes = [432, 96], strides = [1, 1]} : vector<528x96xf32> to vector<432x96xf32>
      %get3A_255 = arith.constant 0 : index
      %get3A_256 = arith.constant 1 : index
      %get3A_257 = arith.constant 0 : index
      %get3A_258 = arith.constant 0 : index
      %get3A_259 = vector.load %arg24[%get3A_255, %get3A_256, %get3A_257, %get3A_258] : memref<3x3x96x96xf32, #tpu.memory_space<vmem>>, vector<1x1x96x96xf32>
      %get3A_260 = vector.shape_cast %get3A_259 : vector<1x1x96x96xf32> to vector<96x96xf32>
      %dot_general3A_261 = arith.constant dense<0.000000e+00> : vector<432x96xf32>
      %dot_general3A_262 = tpu.matmul %slice3A_254, %get3A_260, %dot_general3A_261 {dimension_numbers = #tpu.dot_dimension_numbers<[1], [0], [0], [1], [0, 0, 1, 1], [], []>, transpose_lhs_hint = false} : vector<432x96xf32>, vector<96x96xf32>, vector<432x96xf32> -> vector<432x96xf32>
      %add3A_263 = arith.addf %dot_general3A_253, %dot_general3A_262 : vector<432x96xf32>
      %slice3A_264 = vector.extract_strided_slice %slice3A_243 {offsets = [24, 0], sizes = [432, 96], strides = [1, 1]} : vector<527x96xf32> to vector<432x96xf32>
      %get3A_265 = arith.constant 0 : index
      %get3A_266 = arith.constant 2 : index
      %get3A_267 = arith.constant 0 : index
      %get3A_268 = arith.constant 0 : index
      %get3A_269 = vector.load %arg24[%get3A_265, %get3A_266, %get3A_267, %get3A_268] : memref<3x3x96x96xf32, #tpu.memory_space<vmem>>, vector<1x1x96x96xf32>
      %get3A_270 = vector.shape_cast %get3A_269 : vector<1x1x96x96xf32> to vector<96x96xf32>
      %dot_general3A_271 = arith.constant dense<0.000000e+00> : vector<432x96xf32>
      %dot_general3A_272 = tpu.matmul %slice3A_264, %get3A_270, %dot_general3A_271 {dimension_numbers = #tpu.dot_dimension_numbers<[1], [0], [0], [1], [0, 0, 1, 1], [], []>, transpose_lhs_hint = false} : vector<432x96xf32>, vector<96x96xf32>, vector<432x96xf32> -> vector<432x96xf32>
      %add3A_273 = arith.addf %add3A_263, %dot_general3A_272 : vector<432x96xf32>
      %slice3A_274 = vector.extract_strided_slice %slice3A_244 {offsets = [40, 0], sizes = [432, 96], strides = [1, 1]} : vector<521x96xf32> to vector<432x96xf32>
      %get3A_275 = arith.constant 1 : index
      %get3A_276 = arith.constant 0 : index
      %get3A_277 = arith.constant 0 : index
      %get3A_278 = arith.constant 0 : index
      %get3A_279 = vector.load %arg24[%get3A_275, %get3A_276, %get3A_277, %get3A_278] : memref<3x3x96x96xf32, #tpu.memory_space<vmem>>, vector<1x1x96x96xf32>
      %get3A_280 = vector.shape_cast %get3A_279 : vector<1x1x96x96xf32> to vector<96x96xf32>
      %dot_general3A_281 = arith.constant dense<0.000000e+00> : vector<432x96xf32>
      %dot_general3A_282 = tpu.matmul %slice3A_274, %get3A_280, %dot_general3A_281 {dimension_numbers = #tpu.dot_dimension_numbers<[1], [0], [0], [1], [0, 0, 1, 1], [], []>, transpose_lhs_hint = false} : vector<432x96xf32>, vector<96x96xf32>, vector<432x96xf32> -> vector<432x96xf32>
      %add3A_283 = arith.addf %add3A_273, %dot_general3A_282 : vector<432x96xf32>
      %slice3A_284 = vector.extract_strided_slice %select_n3A_242 {offsets = [48, 0], sizes = [432, 96], strides = [1, 1]} : vector<528x96xf32> to vector<432x96xf32>
      %get3A_285 = arith.constant 1 : index
      %get3A_286 = arith.constant 1 : index
      %get3A_287 = arith.constant 0 : index
      %get3A_288 = arith.constant 0 : index
      %get3A_289 = vector.load %arg24[%get3A_285, %get3A_286, %get3A_287, %get3A_288] : memref<3x3x96x96xf32, #tpu.memory_space<vmem>>, vector<1x1x96x96xf32>
      %get3A_290 = vector.shape_cast %get3A_289 : vector<1x1x96x96xf32> to vector<96x96xf32>
      %dot_general3A_291 = arith.constant dense<0.000000e+00> : vector<432x96xf32>
      %dot_general3A_292 = tpu.matmul %slice3A_284, %get3A_290, %dot_general3A_291 {dimension_numbers = #tpu.dot_dimension_numbers<[1], [0], [0], [1], [0, 0, 1, 1], [], []>, transpose_lhs_hint = false} : vector<432x96xf32>, vector<96x96xf32>, vector<432x96xf32> -> vector<432x96xf32>
      %add3A_293 = arith.addf %add3A_283, %dot_general3A_292 : vector<432x96xf32>
      %slice3A_294 = vector.extract_strided_slice %slice3A_243 {offsets = [48, 0], sizes = [432, 96], strides = [1, 1]} : vector<527x96xf32> to vector<432x96xf32>
      %get3A_295 = arith.constant 1 : index
      %get3A_296 = arith.constant 2 : index
      %get3A_297 = arith.constant 0 : index
      %get3A_298 = arith.constant 0 : index
      %get3A_299 = vector.load %arg24[%get3A_295, %get3A_296, %get3A_297, %get3A_298] : memref<3x3x96x96xf32, #tpu.memory_space<vmem>>, vector<1x1x96x96xf32>
      %get3A_300 = vector.shape_cast %get3A_299 : vector<1x1x96x96xf32> to vector<96x96xf32>
      %dot_general3A_301 = arith.constant dense<0.000000e+00> : vector<432x96xf32>
      %dot_general3A_302 = tpu.matmul %slice3A_294, %get3A_300, %dot_general3A_301 {dimension_numbers = #tpu.dot_dimension_numbers<[1], [0], [0], [1], [0, 0, 1, 1], [], []>, transpose_lhs_hint = false} : vector<432x96xf32>, vector<96x96xf32>, vector<432x96xf32> -> vector<432x96xf32>
      %add3A_303 = arith.addf %add3A_293, %dot_general3A_302 : vector<432x96xf32>
      %slice3A_304 = vector.extract_strided_slice %slice3A_244 {offsets = [64, 0], sizes = [432, 96], strides = [1, 1]} : vector<521x96xf32> to vector<432x96xf32>
      %get3A_305 = arith.constant 2 : index
      %get3A_306 = arith.constant 0 : index
      %get3A_307 = arith.constant 0 : index
      %get3A_308 = arith.constant 0 : index
      %get3A_309 = vector.load %arg24[%get3A_305, %get3A_306, %get3A_307, %get3A_308] : memref<3x3x96x96xf32, #tpu.memory_space<vmem>>, vector<1x1x96x96xf32>
      %get3A_310 = vector.shape_cast %get3A_309 : vector<1x1x96x96xf32> to vector<96x96xf32>
      %dot_general3A_311 = arith.constant dense<0.000000e+00> : vector<432x96xf32>
      %dot_general3A_312 = tpu.matmul %slice3A_304, %get3A_310, %dot_general3A_311 {dimension_numbers = #tpu.dot_dimension_numbers<[1], [0], [0], [1], [0, 0, 1, 1], [], []>, transpose_lhs_hint = false} : vector<432x96xf32>, vector<96x96xf32>, vector<432x96xf32> -> vector<432x96xf32>
      %add3A_313 = arith.addf %add3A_303, %dot_general3A_312 : vector<432x96xf32>
      %slice3A_314 = vector.extract_strided_slice %select_n3A_242 {offsets = [72, 0], sizes = [432, 96], strides = [1, 1]} : vector<528x96xf32> to vector<432x96xf32>
      %get3A_315 = arith.constant 2 : index
      %get3A_316 = arith.constant 1 : index
      %get3A_317 = arith.constant 0 : index
      %get3A_318 = arith.constant 0 : index
      %get3A_319 = vector.load %arg24[%get3A_315, %get3A_316, %get3A_317, %get3A_318] : memref<3x3x96x96xf32, #tpu.memory_space<vmem>>, vector<1x1x96x96xf32>
      %get3A_320 = vector.shape_cast %get3A_319 : vector<1x1x96x96xf32> to vector<96x96xf32>
      %dot_general3A_321 = arith.constant dense<0.000000e+00> : vector<432x96xf32>
      %dot_general3A_322 = tpu.matmul %slice3A_314, %get3A_320, %dot_general3A_321 {dimension_numbers = #tpu.dot_dimension_numbers<[1], [0], [0], [1], [0, 0, 1, 1], [], []>, transpose_lhs_hint = false} : vector<432x96xf32>, vector<96x96xf32>, vector<432x96xf32> -> vector<432x96xf32>
      %add3A_323 = arith.addf %add3A_313, %dot_general3A_322 : vector<432x96xf32>
      %slice3A_324 = vector.extract_strided_slice %slice3A_243 {offsets = [72, 0], sizes = [432, 96], strides = [1, 1]} : vector<527x96xf32> to vector<432x96xf32>
      %get3A_325 = arith.constant 2 : index
      %get3A_326 = arith.constant 2 : index
      %get3A_327 = arith.constant 0 : index
      %get3A_328 = arith.constant 0 : index
      %get3A_329 = vector.load %arg24[%get3A_325, %get3A_326, %get3A_327, %get3A_328] : memref<3x3x96x96xf32, #tpu.memory_space<vmem>>, vector<1x1x96x96xf32>
      %get3A_330 = vector.shape_cast %get3A_329 : vector<1x1x96x96xf32> to vector<96x96xf32>
      %dot_general3A_331 = arith.constant dense<0.000000e+00> : vector<432x96xf32>
      %dot_general3A_332 = tpu.matmul %slice3A_324, %get3A_330, %dot_general3A_331 {dimension_numbers = #tpu.dot_dimension_numbers<[1], [0], [0], [1], [0, 0, 1, 1], [], []>, transpose_lhs_hint = false} : vector<432x96xf32>, vector<96x96xf32>, vector<432x96xf32> -> vector<432x96xf32>
      %add3A_333 = arith.addf %add3A_323, %dot_general3A_332 : vector<432x96xf32>
      %get3A_334 = arith.constant 0 : index
      %get3A_335 = arith.constant 0 : index
      %get3A_336 = vector.load %arg4[%get3A_334, %get3A_335] : memref<432x1xf32, #tpu.memory_space<vmem>>, vector<432x1xf32>
      %mul3A_337 = vector.broadcast %get3A_336 : vector<432x1xf32> to vector<432x96xf32>
      %mul3A_338 = arith.mulf %add3A_333, %mul3A_337 : vector<432x96xf32>
      %mul3A_339 = arith.constant 0.999994993 : f32
      %mul3A_340 = vector.broadcast %mul3A_339 : f32 to vector<432x96xf32>
      %mul3A_341 = arith.mulf %mul3A_338, %mul3A_340 : vector<432x96xf32>
      %ge3A_342 = arith.constant 0.000000e+00 : f32
      %ge3A_343 = vector.broadcast %ge3A_342 : f32 to vector<432x96xf32>
      %ge3A_344 = arith.cmpf oge, %mul3A_341, %ge3A_343 : vector<432x96xf32>
      %mul3A_345 = arith.constant 1.000000e-01 : f32
      %mul3A_346 = vector.broadcast %mul3A_345 : f32 to vector<432x96xf32>
      %mul3A_347 = arith.mulf %mul3A_346, %mul3A_341 : vector<432x96xf32>
      %select_n3A_348 = arith.select %ge3A_344, %mul3A_341, %mul3A_347 : vector<432x96xi1>, vector<432x96xf32>
      %broadcast_in_dim3A_349 = arith.constant 0.000000e+00 : f32
      %broadcast_in_dim3A_350 = vector.broadcast %broadcast_in_dim3A_349 : f32 to vector<48x96xf32>
      %concatenate3A_351 = tpu.concatenate %broadcast_in_dim3A_350, %select_n3A_348, %broadcast_in_dim3A_350 in 0 : vector<48x96xf32>, vector<432x96xf32>, vector<48x96xf32> -> vector<528x96xf32>
      %reshape3A_352 = vector.shape_cast %concatenate3A_351 : vector<528x96xf32> to vector<1x528x96xf32>
      %slice3A_353 = vector.extract_strided_slice %reshape3A_352 {offsets = [0, 48, 0], sizes = [1, 432, 96], strides = [1, 1, 1]} : vector<1x528x96xf32> to vector<1x432x96xf32>
      %reshape3A_354 = vector.shape_cast %slice3A_353 : vector<1x432x96xf32> to vector<1x18x24x96xf32>
      %slice3A_355 = vector.extract_strided_slice %reshape3A_354 {offsets = [0, 1, 1, 0], sizes = [1, 16, 16, 96], strides = [1, 1, 1, 1]} : vector<1x18x24x96xf32> to vector<1x16x16x96xf32>
      %reshape3A_356 = vector.shape_cast %slice3A_355 : vector<1x16x16x96xf32> to vector<1x8x2x16x96xf32>
      %slice3A_357 = vector.extract_strided_slice %reshape3A_356 {offsets = [0, 0, 0, 0, 0], sizes = [1, 8, 1, 16, 96], strides = [1, 1, 1, 1, 1]} : vector<1x8x2x16x96xf32> to vector<1x8x1x16x96xf32>
      %squeeze3A_358 = vector.shape_cast %slice3A_357 : vector<1x8x1x16x96xf32> to vector<1x8x16x96xf32>
      %slice3A_359 = vector.extract_strided_slice %reshape3A_356 {offsets = [0, 0, 1, 0, 0], sizes = [1, 8, 1, 16, 96], strides = [1, 1, 1, 1, 1]} : vector<1x8x2x16x96xf32> to vector<1x8x1x16x96xf32>
      %squeeze3A_360 = vector.shape_cast %slice3A_359 : vector<1x8x1x16x96xf32> to vector<1x8x16x96xf32>
      %max3A_361 = arith.maximumf %squeeze3A_358, %squeeze3A_360 : vector<1x8x16x96xf32>
      %reshape3A_362 = vector.shape_cast %max3A_361 : vector<1x8x16x96xf32> to vector<1x8x8x2x96xf32>
      %slice3A_363 = vector.extract_strided_slice %reshape3A_362 {offsets = [0, 0, 0, 0, 0], sizes = [1, 8, 8, 1, 96], strides = [1, 1, 1, 1, 1]} : vector<1x8x8x2x96xf32> to vector<1x8x8x1x96xf32>
      %squeeze3A_364 = vector.shape_cast %slice3A_363 : vector<1x8x8x1x96xf32> to vector<1x8x8x96xf32>
      %slice3A_365 = vector.extract_strided_slice %reshape3A_362 {offsets = [0, 0, 0, 1, 0], sizes = [1, 8, 8, 1, 96], strides = [1, 1, 1, 1, 1]} : vector<1x8x8x2x96xf32> to vector<1x8x8x1x96xf32>
      %squeeze3A_366 = vector.shape_cast %slice3A_365 : vector<1x8x8x1x96xf32> to vector<1x8x8x96xf32>
      %max3A_367 = arith.maximumf %squeeze3A_364, %squeeze3A_366 : vector<1x8x8x96xf32>
      %broadcast_in_dim3A_368 = arith.constant 0.000000e+00 : f32
      %broadcast_in_dim3A_369 = vector.broadcast %broadcast_in_dim3A_368 : f32 to vector<1x8x1x96xf32>
      %broadcast_in_dim3A_370 = arith.constant 0.000000e+00 : f32
      %broadcast_in_dim3A_371 = vector.broadcast %broadcast_in_dim3A_370 : f32 to vector<1x8x7x96xf32>
      %concatenate3A_372 = tpu.concatenate %broadcast_in_dim3A_369, %max3A_367, %broadcast_in_dim3A_371 in 2 : vector<1x8x1x96xf32>, vector<1x8x8x96xf32>, vector<1x8x7x96xf32> -> vector<1x8x16x96xf32>
      %broadcast_in_dim3A_373 = arith.constant 0.000000e+00 : f32
      %broadcast_in_dim3A_374 = vector.broadcast %broadcast_in_dim3A_373 : f32 to vector<1x1x16x96xf32>
      %concatenate3A_375 = tpu.concatenate %broadcast_in_dim3A_374, %concatenate3A_372, %broadcast_in_dim3A_374 in 1 : vector<1x1x16x96xf32>, vector<1x8x16x96xf32>, vector<1x1x16x96xf32> -> vector<1x10x16x96xf32>
      %reshape3A_376 = vector.shape_cast %concatenate3A_375 : vector<1x10x16x96xf32> to vector<1x160x96xf32>
      %broadcast_in_dim3A_377 = arith.constant 0.000000e+00 : f32
      %broadcast_in_dim3A_378 = vector.broadcast %broadcast_in_dim3A_377 : f32 to vector<1x48x96xf32>
      %concatenate3A_379 = tpu.concatenate %broadcast_in_dim3A_378, %reshape3A_376, %broadcast_in_dim3A_378 in 1 : vector<1x48x96xf32>, vector<1x160x96xf32>, vector<1x48x96xf32> -> vector<1x256x96xf32>
      %reshape3A_380 = vector.shape_cast %concatenate3A_379 : vector<1x256x96xf32> to vector<256x96xf32>
      %get3A_381 = arith.constant 0 : index
      %get3A_382 = arith.constant 0 : index
      %get3A_383 = vector.load %arg25[%get3A_381, %get3A_382] : memref<96x192xf32, #tpu.memory_space<vmem>>, vector<96x192xf32>
      %dot_general3A_384 = arith.constant dense<0.000000e+00> : vector<256x192xf32>
      %dot_general3A_385 = tpu.matmul %reshape3A_380, %get3A_383, %dot_general3A_384 {dimension_numbers = #tpu.dot_dimension_numbers<[1], [0], [0], [1], [0, 0, 1, 1], [], []>, transpose_lhs_hint = false} : vector<256x96xf32>, vector<96x192xf32>, vector<256x192xf32> -> vector<256x192xf32>
      %mul3A_386 = arith.constant 0.999994993 : f32
      %mul3A_387 = vector.broadcast %mul3A_386 : f32 to vector<256x192xf32>
      %mul3A_388 = arith.mulf %dot_general3A_385, %mul3A_387 : vector<256x192xf32>
      %ge3A_389 = arith.constant 0.000000e+00 : f32
      %ge3A_390 = vector.broadcast %ge3A_389 : f32 to vector<256x192xf32>
      %ge3A_391 = arith.cmpf oge, %mul3A_388, %ge3A_390 : vector<256x192xf32>
      %mul3A_392 = arith.constant 1.000000e-01 : f32
      %mul3A_393 = vector.broadcast %mul3A_392 : f32 to vector<256x192xf32>
      %mul3A_394 = arith.mulf %mul3A_393, %mul3A_388 : vector<256x192xf32>
      %select_n3A_395 = arith.select %ge3A_391, %mul3A_388, %mul3A_394 : vector<256x192xi1>, vector<256x192xf32>
      %slice3A_396 = vector.extract_strided_slice %select_n3A_395 {offsets = [1, 0], sizes = [255, 192], strides = [1, 1]} : vector<256x192xf32> to vector<255x192xf32>
      %slice3A_397 = vector.extract_strided_slice %select_n3A_395 {offsets = [7, 0], sizes = [249, 192], strides = [1, 1]} : vector<256x192xf32> to vector<249x192xf32>
      %slice3A_398 = vector.extract_strided_slice %slice3A_397 {offsets = [24, 0], sizes = [160, 192], strides = [1, 1]} : vector<249x192xf32> to vector<160x192xf32>
      %get3A_399 = arith.constant 0 : index
      %get3A_400 = arith.constant 0 : index
      %get3A_401 = arith.constant 0 : index
      %get3A_402 = arith.constant 0 : index
      %get3A_403 = vector.load %arg26[%get3A_399, %get3A_400, %get3A_401, %get3A_402] : memref<3x3x192x192xf32, #tpu.memory_space<vmem>>, vector<1x1x192x192xf32>
      %get3A_404 = vector.shape_cast %get3A_403 : vector<1x1x192x192xf32> to vector<192x192xf32>
      %dot_general3A_405 = arith.constant dense<0.000000e+00> : vector<160x192xf32>
      %dot_general3A_406 = tpu.matmul %slice3A_398, %get3A_404, %dot_general3A_405 {dimension_numbers = #tpu.dot_dimension_numbers<[1], [0], [0], [1], [0, 0, 1, 1], [], []>, transpose_lhs_hint = false} : vector<160x192xf32>, vector<192x192xf32>, vector<160x192xf32> -> vector<160x192xf32>
      %slice3A_407 = vector.extract_strided_slice %select_n3A_395 {offsets = [32, 0], sizes = [160, 192], strides = [1, 1]} : vector<256x192xf32> to vector<160x192xf32>
      %get3A_408 = arith.constant 0 : index
      %get3A_409 = arith.constant 1 : index
      %get3A_410 = arith.constant 0 : index
      %get3A_411 = arith.constant 0 : index
      %get3A_412 = vector.load %arg26[%get3A_408, %get3A_409, %get3A_410, %get3A_411] : memref<3x3x192x192xf32, #tpu.memory_space<vmem>>, vector<1x1x192x192xf32>
      %get3A_413 = vector.shape_cast %get3A_412 : vector<1x1x192x192xf32> to vector<192x192xf32>
      %dot_general3A_414 = arith.constant dense<0.000000e+00> : vector<160x192xf32>
      %dot_general3A_415 = tpu.matmul %slice3A_407, %get3A_413, %dot_general3A_414 {dimension_numbers = #tpu.dot_dimension_numbers<[1], [0], [0], [1], [0, 0, 1, 1], [], []>, transpose_lhs_hint = false} : vector<160x192xf32>, vector<192x192xf32>, vector<160x192xf32> -> vector<160x192xf32>
      %add3A_416 = arith.addf %dot_general3A_406, %dot_general3A_415 : vector<160x192xf32>
      %slice3A_417 = vector.extract_strided_slice %slice3A_396 {offsets = [32, 0], sizes = [160, 192], strides = [1, 1]} : vector<255x192xf32> to vector<160x192xf32>
      %get3A_418 = arith.constant 0 : index
      %get3A_419 = arith.constant 2 : index
      %get3A_420 = arith.constant 0 : index
      %get3A_421 = arith.constant 0 : index
      %get3A_422 = vector.load %arg26[%get3A_418, %get3A_419, %get3A_420, %get3A_421] : memref<3x3x192x192xf32, #tpu.memory_space<vmem>>, vector<1x1x192x192xf32>
      %get3A_423 = vector.shape_cast %get3A_422 : vector<1x1x192x192xf32> to vector<192x192xf32>
      %dot_general3A_424 = arith.constant dense<0.000000e+00> : vector<160x192xf32>
      %dot_general3A_425 = tpu.matmul %slice3A_417, %get3A_423, %dot_general3A_424 {dimension_numbers = #tpu.dot_dimension_numbers<[1], [0], [0], [1], [0, 0, 1, 1], [], []>, transpose_lhs_hint = false} : vector<160x192xf32>, vector<192x192xf32>, vector<160x192xf32> -> vector<160x192xf32>
      %add3A_426 = arith.addf %add3A_416, %dot_general3A_425 : vector<160x192xf32>
      %slice3A_427 = vector.extract_strided_slice %slice3A_397 {offsets = [40, 0], sizes = [160, 192], strides = [1, 1]} : vector<249x192xf32> to vector<160x192xf32>
      %get3A_428 = arith.constant 1 : index
      %get3A_429 = arith.constant 0 : index
      %get3A_430 = arith.constant 0 : index
      %get3A_431 = arith.constant 0 : index
      %get3A_432 = vector.load %arg26[%get3A_428, %get3A_429, %get3A_430, %get3A_431] : memref<3x3x192x192xf32, #tpu.memory_space<vmem>>, vector<1x1x192x192xf32>
      %get3A_433 = vector.shape_cast %get3A_432 : vector<1x1x192x192xf32> to vector<192x192xf32>
      %dot_general3A_434 = arith.constant dense<0.000000e+00> : vector<160x192xf32>
      %dot_general3A_435 = tpu.matmul %slice3A_427, %get3A_433, %dot_general3A_434 {dimension_numbers = #tpu.dot_dimension_numbers<[1], [0], [0], [1], [0, 0, 1, 1], [], []>, transpose_lhs_hint = false} : vector<160x192xf32>, vector<192x192xf32>, vector<160x192xf32> -> vector<160x192xf32>
      %add3A_436 = arith.addf %add3A_426, %dot_general3A_435 : vector<160x192xf32>
      %slice3A_437 = vector.extract_strided_slice %select_n3A_395 {offsets = [48, 0], sizes = [160, 192], strides = [1, 1]} : vector<256x192xf32> to vector<160x192xf32>
      %get3A_438 = arith.constant 1 : index
      %get3A_439 = arith.constant 1 : index
      %get3A_440 = arith.constant 0 : index
      %get3A_441 = arith.constant 0 : index
      %get3A_442 = vector.load %arg26[%get3A_438, %get3A_439, %get3A_440, %get3A_441] : memref<3x3x192x192xf32, #tpu.memory_space<vmem>>, vector<1x1x192x192xf32>
      %get3A_443 = vector.shape_cast %get3A_442 : vector<1x1x192x192xf32> to vector<192x192xf32>
      %dot_general3A_444 = arith.constant dense<0.000000e+00> : vector<160x192xf32>
      %dot_general3A_445 = tpu.matmul %slice3A_437, %get3A_443, %dot_general3A_444 {dimension_numbers = #tpu.dot_dimension_numbers<[1], [0], [0], [1], [0, 0, 1, 1], [], []>, transpose_lhs_hint = false} : vector<160x192xf32>, vector<192x192xf32>, vector<160x192xf32> -> vector<160x192xf32>
      %add3A_446 = arith.addf %add3A_436, %dot_general3A_445 : vector<160x192xf32>
      %slice3A_447 = vector.extract_strided_slice %slice3A_396 {offsets = [48, 0], sizes = [160, 192], strides = [1, 1]} : vector<255x192xf32> to vector<160x192xf32>
      %get3A_448 = arith.constant 1 : index
      %get3A_449 = arith.constant 2 : index
      %get3A_450 = arith.constant 0 : index
      %get3A_451 = arith.constant 0 : index
      %get3A_452 = vector.load %arg26[%get3A_448, %get3A_449, %get3A_450, %get3A_451] : memref<3x3x192x192xf32, #tpu.memory_space<vmem>>, vector<1x1x192x192xf32>
      %get3A_453 = vector.shape_cast %get3A_452 : vector<1x1x192x192xf32> to vector<192x192xf32>
      %dot_general3A_454 = arith.constant dense<0.000000e+00> : vector<160x192xf32>
      %dot_general3A_455 = tpu.matmul %slice3A_447, %get3A_453, %dot_general3A_454 {dimension_numbers = #tpu.dot_dimension_numbers<[1], [0], [0], [1], [0, 0, 1, 1], [], []>, transpose_lhs_hint = false} : vector<160x192xf32>, vector<192x192xf32>, vector<160x192xf32> -> vector<160x192xf32>
      %add3A_456 = arith.addf %add3A_446, %dot_general3A_455 : vector<160x192xf32>
      %slice3A_457 = vector.extract_strided_slice %slice3A_397 {offsets = [56, 0], sizes = [160, 192], strides = [1, 1]} : vector<249x192xf32> to vector<160x192xf32>
      %get3A_458 = arith.constant 2 : index
      %get3A_459 = arith.constant 0 : index
      %get3A_460 = arith.constant 0 : index
      %get3A_461 = arith.constant 0 : index
      %get3A_462 = vector.load %arg26[%get3A_458, %get3A_459, %get3A_460, %get3A_461] : memref<3x3x192x192xf32, #tpu.memory_space<vmem>>, vector<1x1x192x192xf32>
      %get3A_463 = vector.shape_cast %get3A_462 : vector<1x1x192x192xf32> to vector<192x192xf32>
      %dot_general3A_464 = arith.constant dense<0.000000e+00> : vector<160x192xf32>
      %dot_general3A_465 = tpu.matmul %slice3A_457, %get3A_463, %dot_general3A_464 {dimension_numbers = #tpu.dot_dimension_numbers<[1], [0], [0], [1], [0, 0, 1, 1], [], []>, transpose_lhs_hint = false} : vector<160x192xf32>, vector<192x192xf32>, vector<160x192xf32> -> vector<160x192xf32>
      %add3A_466 = arith.addf %add3A_456, %dot_general3A_465 : vector<160x192xf32>
      %slice3A_467 = vector.extract_strided_slice %select_n3A_395 {offsets = [64, 0], sizes = [160, 192], strides = [1, 1]} : vector<256x192xf32> to vector<160x192xf32>
      %get3A_468 = arith.constant 2 : index
      %get3A_469 = arith.constant 1 : index
      %get3A_470 = arith.constant 0 : index
      %get3A_471 = arith.constant 0 : index
      %get3A_472 = vector.load %arg26[%get3A_468, %get3A_469, %get3A_470, %get3A_471] : memref<3x3x192x192xf32, #tpu.memory_space<vmem>>, vector<1x1x192x192xf32>
      %get3A_473 = vector.shape_cast %get3A_472 : vector<1x1x192x192xf32> to vector<192x192xf32>
      %dot_general3A_474 = arith.constant dense<0.000000e+00> : vector<160x192xf32>
      %dot_general3A_475 = tpu.matmul %slice3A_467, %get3A_473, %dot_general3A_474 {dimension_numbers = #tpu.dot_dimension_numbers<[1], [0], [0], [1], [0, 0, 1, 1], [], []>, transpose_lhs_hint = false} : vector<160x192xf32>, vector<192x192xf32>, vector<160x192xf32> -> vector<160x192xf32>
      %add3A_476 = arith.addf %add3A_466, %dot_general3A_475 : vector<160x192xf32>
      %slice3A_477 = vector.extract_strided_slice %slice3A_396 {offsets = [64, 0], sizes = [160, 192], strides = [1, 1]} : vector<255x192xf32> to vector<160x192xf32>
      %get3A_478 = arith.constant 2 : index
      %get3A_479 = arith.constant 2 : index
      %get3A_480 = arith.constant 0 : index
      %get3A_481 = arith.constant 0 : index
      %get3A_482 = vector.load %arg26[%get3A_478, %get3A_479, %get3A_480, %get3A_481] : memref<3x3x192x192xf32, #tpu.memory_space<vmem>>, vector<1x1x192x192xf32>
      %get3A_483 = vector.shape_cast %get3A_482 : vector<1x1x192x192xf32> to vector<192x192xf32>
      %dot_general3A_484 = arith.constant dense<0.000000e+00> : vector<160x192xf32>
      %dot_general3A_485 = tpu.matmul %slice3A_477, %get3A_483, %dot_general3A_484 {dimension_numbers = #tpu.dot_dimension_numbers<[1], [0], [0], [1], [0, 0, 1, 1], [], []>, transpose_lhs_hint = false} : vector<160x192xf32>, vector<192x192xf32>, vector<160x192xf32> -> vector<160x192xf32>
      %add3A_486 = arith.addf %add3A_476, %dot_general3A_485 : vector<160x192xf32>
      %get3A_487 = arith.constant 0 : index
      %get3A_488 = arith.constant 0 : index
      %get3A_489 = vector.load %arg5[%get3A_487, %get3A_488] : memref<160x1xf32, #tpu.memory_space<vmem>>, vector<160x1xf32>
      %mul3A_490 = vector.broadcast %get3A_489 : vector<160x1xf32> to vector<160x192xf32>
      %mul3A_491 = arith.mulf %add3A_486, %mul3A_490 : vector<160x192xf32>
      %mul3A_492 = arith.constant 0.999994993 : f32
      %mul3A_493 = vector.broadcast %mul3A_492 : f32 to vector<160x192xf32>
      %mul3A_494 = arith.mulf %mul3A_491, %mul3A_493 : vector<160x192xf32>
      %ge3A_495 = arith.constant 0.000000e+00 : f32
      %ge3A_496 = vector.broadcast %ge3A_495 : f32 to vector<160x192xf32>
      %ge3A_497 = arith.cmpf oge, %mul3A_494, %ge3A_496 : vector<160x192xf32>
      %mul3A_498 = arith.constant 1.000000e-01 : f32
      %mul3A_499 = vector.broadcast %mul3A_498 : f32 to vector<160x192xf32>
      %mul3A_500 = arith.mulf %mul3A_499, %mul3A_494 : vector<160x192xf32>
      %select_n3A_501 = arith.select %ge3A_497, %mul3A_494, %mul3A_500 : vector<160x192xi1>, vector<160x192xf32>
      %broadcast_in_dim3A_502 = arith.constant 0.000000e+00 : f32
      %broadcast_in_dim3A_503 = vector.broadcast %broadcast_in_dim3A_502 : f32 to vector<48x192xf32>
      %concatenate3A_504 = tpu.concatenate %broadcast_in_dim3A_503, %select_n3A_501, %broadcast_in_dim3A_503 in 0 : vector<48x192xf32>, vector<160x192xf32>, vector<48x192xf32> -> vector<256x192xf32>
      %reshape3A_505 = vector.shape_cast %concatenate3A_504 : vector<256x192xf32> to vector<1x256x192xf32>
      %slice3A_506 = vector.extract_strided_slice %reshape3A_505 {offsets = [0, 48, 0], sizes = [1, 160, 192], strides = [1, 1, 1]} : vector<1x256x192xf32> to vector<1x160x192xf32>
      %reshape3A_507 = vector.shape_cast %slice3A_506 : vector<1x160x192xf32> to vector<160x192xf32>
      %get3A_508 = arith.constant 0 : index
      %get3A_509 = arith.constant 0 : index
      %get3A_510 = vector.load %arg27[%get3A_508, %get3A_509] : memref<192x100xf32, #tpu.memory_space<vmem>>, vector<192x100xf32>
      %dot_general3A_511 = arith.constant dense<0.000000e+00> : vector<160x100xf32>
      %dot_general3A_512 = tpu.matmul %reshape3A_507, %get3A_510, %dot_general3A_511 {dimension_numbers = #tpu.dot_dimension_numbers<[1], [0], [0], [1], [0, 0, 1, 1], [], []>, transpose_lhs_hint = false} : vector<160x192xf32>, vector<192x100xf32>, vector<160x100xf32> -> vector<160x100xf32>
      %ge3A_513 = arith.constant 0.000000e+00 : f32
      %ge3A_514 = vector.broadcast %ge3A_513 : f32 to vector<160x100xf32>
      %ge3A_515 = arith.cmpf oge, %dot_general3A_512, %ge3A_514 : vector<160x100xf32>
      %mul3A_516 = arith.constant 1.000000e-01 : f32
      %mul3A_517 = vector.broadcast %mul3A_516 : f32 to vector<160x100xf32>
      %mul3A_518 = arith.mulf %mul3A_517, %dot_general3A_512 : vector<160x100xf32>
      %select_n3A_519 = arith.select %ge3A_515, %dot_general3A_512, %mul3A_518 : vector<160x100xi1>, vector<160x100xf32>
      %reshape3A_520 = vector.shape_cast %select_n3A_519 : vector<160x100xf32> to vector<1x160x100xf32>
      %reduce_sum3A = arith.constant dense<0.000000e+00> : vector<1x100xf32>
      %reduce_sum3A_521 = vector.multi_reduction <add>, %reshape3A_520, %reduce_sum3A [1] : vector<1x160x100xf32> to vector<1x100xf32>
      %mul3A_522 = arith.constant 1.562500e-02 : f32
      %mul3A_523 = vector.broadcast %mul3A_522 : f32 to vector<1x100xf32>
      %mul3A_524 = arith.mulf %reduce_sum3A_521, %mul3A_523 : vector<1x100xf32>
      %get3A_525 = arith.constant 0 : index
      %get3A_526 = arith.constant 0 : index
      %get3A_527 = arith.constant 0 : index
      %get3A_528 = vector.load %arg63[%get3A_525, %get3A_526, %get3A_527] : memref<1x1x100xf32, #tpu.memory_space<vmem>>, vector<1x1x100xf32>
      %mul3A_529 = vector.broadcast %get3A_24 : f32 to vector<1x100xf32>
      %mul3A_530 = arith.mulf %mul3A_524, %mul3A_529 : vector<1x100xf32>
      %reshape3A_531 = vector.shape_cast %mul3A_530 : vector<1x100xf32> to vector<1x1x100xf32>
      %add3A_532 = arith.addf %get3A_528, %reshape3A_531 : vector<1x1x100xf32>
      %swap3A_533 = arith.constant 0 : index
      %swap3A_534 = arith.constant 0 : index
      %swap3A_535 = arith.constant 0 : index
      %swap3A_536 = vector.load %arg63[%swap3A_533, %swap3A_534, %swap3A_535] : memref<1x1x100xf32, #tpu.memory_space<vmem>>, vector<1x1x100xf32>
      tpu.vector_store %arg63[%swap3A_533, %swap3A_534, %swap3A_535], %add3A_532 {strides = array<i32>} : memref<1x1x100xf32, #tpu.memory_space<vmem>>, vector<1x1x100xf32>,
    } else {
    }
    %get3A_30 = arith.constant 0 : index
    %get3A_31 = arith.constant 3 : index
    %get3A_32 = arith.constant 0 : index
    %get3A_33 = vector.load %arg2[%get3A_30, %get3A_31, %get3A_32] : memref<1x8x1xf32, #tpu.memory_space<vmem>>, vector<1x1x1xf32>
    %get3A_34 = vector.extract %get3A_33[0, 0, 0] : f32 from vector<1x1x1xf32>
    %ne3A_35 = arith.constant 0.000000e+00 : f32
    %ne3A_36 = arith.cmpf one, %get3A_34, %ne3A_35 : f32
    %convert_element_type3A_37 = arith.extui %ne3A_36 : i1 to i32
    %cond3A_38 = arith.constant 0 : i32
    %cond3A_39 = arith.cmpi ne, %convert_element_type3A_37, %cond3A_38 : i32
    scf.if %cond3A_39 {
      %get3A_80 = arith.constant 0 : index
      %get3A_81 = arith.constant 0 : index
      %get3A_82 = arith.constant 0 : index
      %get3A_83 = vector.load %arg1[%get3A_80, %get3A_81, %get3A_82] : memref<1x1456x3xf32, #tpu.memory_space<vmem>>, vector<1x1456x3xf32>
      %get3A_84 = vector.shape_cast %get3A_83 : vector<1x1456x3xf32> to vector<1456x3xf32>
      %get3A_85 = arith.constant 0 : index
      %get3A_86 = arith.constant 0 : index
      %get3A_87 = vector.load %arg28[%get3A_85, %get3A_86] : memref<3x64xf32, #tpu.memory_space<vmem>>, vector<3x64xf32>
      %dot_general3A = arith.constant dense<0.000000e+00> : vector<1456x64xf32>
      %dot_general3A_88 = tpu.matmul %get3A_84, %get3A_87, %dot_general3A {dimension_numbers = #tpu.dot_dimension_numbers<[1], [0], [0], [1], [0, 0, 1, 1], [], []>, transpose_lhs_hint = false} : vector<1456x3xf32>, vector<3x64xf32>, vector<1456x64xf32> -> vector<1456x64xf32>
      %mul3A = arith.constant 0.999994993 : f32
      %mul3A_89 = vector.broadcast %mul3A : f32 to vector<1456x64xf32>
      %mul3A_90 = arith.mulf %dot_general3A_88, %mul3A_89 : vector<1456x64xf32>
      %ge3A = arith.constant 0.000000e+00 : f32
      %ge3A_91 = vector.broadcast %ge3A : f32 to vector<1456x64xf32>
      %ge3A_92 = arith.cmpf oge, %mul3A_90, %ge3A_91 : vector<1456x64xf32>
      %mul3A_93 = arith.constant 1.000000e-01 : f32
      %mul3A_94 = vector.broadcast %mul3A_93 : f32 to vector<1456x64xf32>
      %mul3A_95 = arith.mulf %mul3A_94, %mul3A_90 : vector<1456x64xf32>
      %select_n3A = arith.select %ge3A_92, %mul3A_90, %mul3A_95 : vector<1456x64xi1>, vector<1456x64xf32>
      %slice3A = vector.extract_strided_slice %select_n3A {offsets = [1, 0], sizes = [1455, 64], strides = [1, 1]} : vector<1456x64xf32> to vector<1455x64xf32>
      %slice3A_96 = vector.extract_strided_slice %select_n3A {offsets = [7, 0], sizes = [1449, 64], strides = [1, 1]} : vector<1456x64xf32> to vector<1449x64xf32>
      %slice3A_97 = vector.extract_strided_slice %slice3A_96 {offsets = [0, 0], sizes = [1360, 64], strides = [1, 1]} : vector<1449x64xf32> to vector<1360x64xf32>
      %get3A_98 = arith.constant 0 : index
      %get3A_99 = arith.constant 0 : index
      %get3A_100 = arith.constant 0 : index
      %get3A_101 = arith.constant 0 : index
      %get3A_102 = vector.load %arg29[%get3A_98, %get3A_99, %get3A_100, %get3A_101] : memref<3x3x64x64xf32, #tpu.memory_space<vmem>>, vector<1x1x64x64xf32>
      %get3A_103 = vector.shape_cast %get3A_102 : vector<1x1x64x64xf32> to vector<64x64xf32>
      %dot_general3A_104 = arith.constant dense<0.000000e+00> : vector<1360x64xf32>
      %dot_general3A_105 = tpu.matmul %slice3A_97, %get3A_103, %dot_general3A_104 {dimension_numbers = #tpu.dot_dimension_numbers<[1], [0], [0], [1], [0, 0, 1, 1], [], []>, transpose_lhs_hint = false} : vector<1360x64xf32>, vector<64x64xf32>, vector<1360x64xf32> -> vector<1360x64xf32>
      %slice3A_106 = vector.extract_strided_slice %select_n3A {offsets = [8, 0], sizes = [1360, 64], strides = [1, 1]} : vector<1456x64xf32> to vector<1360x64xf32>
      %get3A_107 = arith.constant 0 : index
      %get3A_108 = arith.constant 1 : index
      %get3A_109 = arith.constant 0 : index
      %get3A_110 = arith.constant 0 : index
      %get3A_111 = vector.load %arg29[%get3A_107, %get3A_108, %get3A_109, %get3A_110] : memref<3x3x64x64xf32, #tpu.memory_space<vmem>>, vector<1x1x64x64xf32>
      %get3A_112 = vector.shape_cast %get3A_111 : vector<1x1x64x64xf32> to vector<64x64xf32>
      %dot_general3A_113 = arith.constant dense<0.000000e+00> : vector<1360x64xf32>
      %dot_general3A_114 = tpu.matmul %slice3A_106, %get3A_112, %dot_general3A_113 {dimension_numbers = #tpu.dot_dimension_numbers<[1], [0], [0], [1], [0, 0, 1, 1], [], []>, transpose_lhs_hint = false} : vector<1360x64xf32>, vector<64x64xf32>, vector<1360x64xf32> -> vector<1360x64xf32>
      %add3A = arith.addf %dot_general3A_105, %dot_general3A_114 : vector<1360x64xf32>
      %slice3A_115 = vector.extract_strided_slice %slice3A {offsets = [8, 0], sizes = [1360, 64], strides = [1, 1]} : vector<1455x64xf32> to vector<1360x64xf32>
      %get3A_116 = arith.constant 0 : index
      %get3A_117 = arith.constant 2 : index
      %get3A_118 = arith.constant 0 : index
      %get3A_119 = arith.constant 0 : index
      %get3A_120 = vector.load %arg29[%get3A_116, %get3A_117, %get3A_118, %get3A_119] : memref<3x3x64x64xf32, #tpu.memory_space<vmem>>, vector<1x1x64x64xf32>
      %get3A_121 = vector.shape_cast %get3A_120 : vector<1x1x64x64xf32> to vector<64x64xf32>
      %dot_general3A_122 = arith.constant dense<0.000000e+00> : vector<1360x64xf32>
      %dot_general3A_123 = tpu.matmul %slice3A_115, %get3A_121, %dot_general3A_122 {dimension_numbers = #tpu.dot_dimension_numbers<[1], [0], [0], [1], [0, 0, 1, 1], [], []>, transpose_lhs_hint = false} : vector<1360x64xf32>, vector<64x64xf32>, vector<1360x64xf32> -> vector<1360x64xf32>
      %add3A_124 = arith.addf %add3A, %dot_general3A_123 : vector<1360x64xf32>
      %slice3A_125 = vector.extract_strided_slice %slice3A_96 {offsets = [40, 0], sizes = [1360, 64], strides = [1, 1]} : vector<1449x64xf32> to vector<1360x64xf32>
      %get3A_126 = arith.constant 1 : index
      %get3A_127 = arith.constant 0 : index
      %get3A_128 = arith.constant 0 : index
      %get3A_129 = arith.constant 0 : index
      %get3A_130 = vector.load %arg29[%get3A_126, %get3A_127, %get3A_128, %get3A_129] : memref<3x3x64x64xf32, #tpu.memory_space<vmem>>, vector<1x1x64x64xf32>
      %get3A_131 = vector.shape_cast %get3A_130 : vector<1x1x64x64xf32> to vector<64x64xf32>
      %dot_general3A_132 = arith.constant dense<0.000000e+00> : vector<1360x64xf32>
      %dot_general3A_133 = tpu.matmul %slice3A_125, %get3A_131, %dot_general3A_132 {dimension_numbers = #tpu.dot_dimension_numbers<[1], [0], [0], [1], [0, 0, 1, 1], [], []>, transpose_lhs_hint = false} : vector<1360x64xf32>, vector<64x64xf32>, vector<1360x64xf32> -> vector<1360x64xf32>
      %add3A_134 = arith.addf %add3A_124, %dot_general3A_133 : vector<1360x64xf32>
      %slice3A_135 = vector.extract_strided_slice %select_n3A {offsets = [48, 0], sizes = [1360, 64], strides = [1, 1]} : vector<1456x64xf32> to vector<1360x64xf32>
      %get3A_136 = arith.constant 1 : index
      %get3A_137 = arith.constant 1 : index
      %get3A_138 = arith.constant 0 : index
      %get3A_139 = arith.constant 0 : index
      %get3A_140 = vector.load %arg29[%get3A_136, %get3A_137, %get3A_138, %get3A_139] : memref<3x3x64x64xf32, #tpu.memory_space<vmem>>, vector<1x1x64x64xf32>
      %get3A_141 = vector.shape_cast %get3A_140 : vector<1x1x64x64xf32> to vector<64x64xf32>
      %dot_general3A_142 = arith.constant dense<0.000000e+00> : vector<1360x64xf32>
      %dot_general3A_143 = tpu.matmul %slice3A_135, %get3A_141, %dot_general3A_142 {dimension_numbers = #tpu.dot_dimension_numbers<[1], [0], [0], [1], [0, 0, 1, 1], [], []>, transpose_lhs_hint = false} : vector<1360x64xf32>, vector<64x64xf32>, vector<1360x64xf32> -> vector<1360x64xf32>
      %add3A_144 = arith.addf %add3A_134, %dot_general3A_143 : vector<1360x64xf32>
      %slice3A_145 = vector.extract_strided_slice %slice3A {offsets = [48, 0], sizes = [1360, 64], strides = [1, 1]} : vector<1455x64xf32> to vector<1360x64xf32>
      %get3A_146 = arith.constant 1 : index
      %get3A_147 = arith.constant 2 : index
      %get3A_148 = arith.constant 0 : index
      %get3A_149 = arith.constant 0 : index
      %get3A_150 = vector.load %arg29[%get3A_146, %get3A_147, %get3A_148, %get3A_149] : memref<3x3x64x64xf32, #tpu.memory_space<vmem>>, vector<1x1x64x64xf32>
      %get3A_151 = vector.shape_cast %get3A_150 : vector<1x1x64x64xf32> to vector<64x64xf32>
      %dot_general3A_152 = arith.constant dense<0.000000e+00> : vector<1360x64xf32>
      %dot_general3A_153 = tpu.matmul %slice3A_145, %get3A_151, %dot_general3A_152 {dimension_numbers = #tpu.dot_dimension_numbers<[1], [0], [0], [1], [0, 0, 1, 1], [], []>, transpose_lhs_hint = false} : vector<1360x64xf32>, vector<64x64xf32>, vector<1360x64xf32> -> vector<1360x64xf32>
      %add3A_154 = arith.addf %add3A_144, %dot_general3A_153 : vector<1360x64xf32>
      %slice3A_155 = vector.extract_strided_slice %slice3A_96 {offsets = [80, 0], sizes = [1360, 64], strides = [1, 1]} : vector<1449x64xf32> to vector<1360x64xf32>
      %get3A_156 = arith.constant 2 : index
      %get3A_157 = arith.constant 0 : index
      %get3A_158 = arith.constant 0 : index
      %get3A_159 = arith.constant 0 : index
      %get3A_160 = vector.load %arg29[%get3A_156, %get3A_157, %get3A_158, %get3A_159] : memref<3x3x64x64xf32, #tpu.memory_space<vmem>>, vector<1x1x64x64xf32>
      %get3A_161 = vector.shape_cast %get3A_160 : vector<1x1x64x64xf32> to vector<64x64xf32>
      %dot_general3A_162 = arith.constant dense<0.000000e+00> : vector<1360x64xf32>
      %dot_general3A_163 = tpu.matmul %slice3A_155, %get3A_161, %dot_general3A_162 {dimension_numbers = #tpu.dot_dimension_numbers<[1], [0], [0], [1], [0, 0, 1, 1], [], []>, transpose_lhs_hint = false} : vector<1360x64xf32>, vector<64x64xf32>, vector<1360x64xf32> -> vector<1360x64xf32>
      %add3A_164 = arith.addf %add3A_154, %dot_general3A_163 : vector<1360x64xf32>
      %slice3A_165 = vector.extract_strided_slice %select_n3A {offsets = [88, 0], sizes = [1360, 64], strides = [1, 1]} : vector<1456x64xf32> to vector<1360x64xf32>
      %get3A_166 = arith.constant 2 : index
      %get3A_167 = arith.constant 1 : index
      %get3A_168 = arith.constant 0 : index
      %get3A_169 = arith.constant 0 : index
      %get3A_170 = vector.load %arg29[%get3A_166, %get3A_167, %get3A_168, %get3A_169] : memref<3x3x64x64xf32, #tpu.memory_space<vmem>>, vector<1x1x64x64xf32>
      %get3A_171 = vector.shape_cast %get3A_170 : vector<1x1x64x64xf32> to vector<64x64xf32>
      %dot_general3A_172 = arith.constant dense<0.000000e+00> : vector<1360x64xf32>
      %dot_general3A_173 = tpu.matmul %slice3A_165, %get3A_171, %dot_general3A_172 {dimension_numbers = #tpu.dot_dimension_numbers<[1], [0], [0], [1], [0, 0, 1, 1], [], []>, transpose_lhs_hint = false} : vector<1360x64xf32>, vector<64x64xf32>, vector<1360x64xf32> -> vector<1360x64xf32>
      %add3A_174 = arith.addf %add3A_164, %dot_general3A_173 : vector<1360x64xf32>
      %slice3A_175 = vector.extract_strided_slice %slice3A {offsets = [88, 0], sizes = [1360, 64], strides = [1, 1]} : vector<1455x64xf32> to vector<1360x64xf32>
      %get3A_176 = arith.constant 2 : index
      %get3A_177 = arith.constant 2 : index
      %get3A_178 = arith.constant 0 : index
      %get3A_179 = arith.constant 0 : index
      %get3A_180 = vector.load %arg29[%get3A_176, %get3A_177, %get3A_178, %get3A_179] : memref<3x3x64x64xf32, #tpu.memory_space<vmem>>, vector<1x1x64x64xf32>
      %get3A_181 = vector.shape_cast %get3A_180 : vector<1x1x64x64xf32> to vector<64x64xf32>
      %dot_general3A_182 = arith.constant dense<0.000000e+00> : vector<1360x64xf32>
      %dot_general3A_183 = tpu.matmul %slice3A_175, %get3A_181, %dot_general3A_182 {dimension_numbers = #tpu.dot_dimension_numbers<[1], [0], [0], [1], [0, 0, 1, 1], [], []>, transpose_lhs_hint = false} : vector<1360x64xf32>, vector<64x64xf32>, vector<1360x64xf32> -> vector<1360x64xf32>
      %add3A_184 = arith.addf %add3A_174, %dot_general3A_183 : vector<1360x64xf32>
      %get3A_185 = arith.constant 0 : index
      %get3A_186 = arith.constant 0 : index
      %get3A_187 = vector.load %arg3[%get3A_185, %get3A_186] : memref<1360x1xf32, #tpu.memory_space<vmem>>, vector<1360x1xf32>
      %mul3A_188 = vector.broadcast %get3A_187 : vector<1360x1xf32> to vector<1360x64xf32>
      %mul3A_189 = arith.mulf %add3A_184, %mul3A_188 : vector<1360x64xf32>
      %mul3A_190 = arith.constant 0.999994993 : f32
      %mul3A_191 = vector.broadcast %mul3A_190 : f32 to vector<1360x64xf32>
      %mul3A_192 = arith.mulf %mul3A_189, %mul3A_191 : vector<1360x64xf32>
      %ge3A_193 = arith.constant 0.000000e+00 : f32
      %ge3A_194 = vector.broadcast %ge3A_193 : f32 to vector<1360x64xf32>
      %ge3A_195 = arith.cmpf oge, %mul3A_192, %ge3A_194 : vector<1360x64xf32>
      %mul3A_196 = arith.constant 1.000000e-01 : f32
      %mul3A_197 = vector.broadcast %mul3A_196 : f32 to vector<1360x64xf32>
      %mul3A_198 = arith.mulf %mul3A_197, %mul3A_192 : vector<1360x64xf32>
      %select_n3A_199 = arith.select %ge3A_195, %mul3A_192, %mul3A_198 : vector<1360x64xi1>, vector<1360x64xf32>
      %broadcast_in_dim3A_200 = arith.constant 0.000000e+00 : f32
      %broadcast_in_dim3A_201 = vector.broadcast %broadcast_in_dim3A_200 : f32 to vector<48x64xf32>
      %concatenate3A = tpu.concatenate %broadcast_in_dim3A_201, %select_n3A_199, %broadcast_in_dim3A_201 in 0 : vector<48x64xf32>, vector<1360x64xf32>, vector<48x64xf32> -> vector<1456x64xf32>
      %get3A_202 = arith.constant 0 : index
      %get3A_203 = arith.constant 0 : index
      %get3A_204 = vector.load %arg30[%get3A_202, %get3A_203] : memref<64x64xf32, #tpu.memory_space<vmem>>, vector<64x64xf32>
      %dot_general3A_205 = arith.constant dense<0.000000e+00> : vector<1456x64xf32>
      %dot_general3A_206 = tpu.matmul %concatenate3A, %get3A_204, %dot_general3A_205 {dimension_numbers = #tpu.dot_dimension_numbers<[1], [0], [0], [1], [0, 0, 1, 1], [], []>, transpose_lhs_hint = false} : vector<1456x64xf32>, vector<64x64xf32>, vector<1456x64xf32> -> vector<1456x64xf32>
      %mul3A_207 = arith.constant 0.999994993 : f32
      %mul3A_208 = vector.broadcast %mul3A_207 : f32 to vector<1456x64xf32>
      %mul3A_209 = arith.mulf %dot_general3A_206, %mul3A_208 : vector<1456x64xf32>
      %ge3A_210 = arith.constant 0.000000e+00 : f32
      %ge3A_211 = vector.broadcast %ge3A_210 : f32 to vector<1456x64xf32>
      %ge3A_212 = arith.cmpf oge, %mul3A_209, %ge3A_211 : vector<1456x64xf32>
      %mul3A_213 = arith.constant 1.000000e-01 : f32
      %mul3A_214 = vector.broadcast %mul3A_213 : f32 to vector<1456x64xf32>
      %mul3A_215 = arith.mulf %mul3A_214, %mul3A_209 : vector<1456x64xf32>
      %select_n3A_216 = arith.select %ge3A_212, %mul3A_209, %mul3A_215 : vector<1456x64xi1>, vector<1456x64xf32>
      %reshape3A = vector.shape_cast %select_n3A_216 : vector<1456x64xf32> to vector<1x1456x64xf32>
      %slice3A_217 = vector.extract_strided_slice %reshape3A {offsets = [0, 48, 0], sizes = [1, 1360, 64], strides = [1, 1, 1]} : vector<1x1456x64xf32> to vector<1x1360x64xf32>
      %reshape3A_218 = vector.shape_cast %slice3A_217 : vector<1x1360x64xf32> to vector<1x34x40x64xf32>
      %slice3A_219 = vector.extract_strided_slice %reshape3A_218 {offsets = [0, 1, 1, 0], sizes = [1, 32, 32, 64], strides = [1, 1, 1, 1]} : vector<1x34x40x64xf32> to vector<1x32x32x64xf32>
      %reshape3A_220 = vector.shape_cast %slice3A_219 : vector<1x32x32x64xf32> to vector<1x16x2x32x64xf32>
      %slice3A_221 = vector.extract_strided_slice %reshape3A_220 {offsets = [0, 0, 0, 0, 0], sizes = [1, 16, 1, 32, 64], strides = [1, 1, 1, 1, 1]} : vector<1x16x2x32x64xf32> to vector<1x16x1x32x64xf32>
      %squeeze3A = vector.shape_cast %slice3A_221 : vector<1x16x1x32x64xf32> to vector<1x16x32x64xf32>
      %slice3A_222 = vector.extract_strided_slice %reshape3A_220 {offsets = [0, 0, 1, 0, 0], sizes = [1, 16, 1, 32, 64], strides = [1, 1, 1, 1, 1]} : vector<1x16x2x32x64xf32> to vector<1x16x1x32x64xf32>
      %squeeze3A_223 = vector.shape_cast %slice3A_222 : vector<1x16x1x32x64xf32> to vector<1x16x32x64xf32>
      %max3A = arith.maximumf %squeeze3A, %squeeze3A_223 : vector<1x16x32x64xf32>
      %reshape3A_224 = vector.shape_cast %max3A : vector<1x16x32x64xf32> to vector<1x16x16x2x64xf32>
      %slice3A_225 = vector.extract_strided_slice %reshape3A_224 {offsets = [0, 0, 0, 0, 0], sizes = [1, 16, 16, 1, 64], strides = [1, 1, 1, 1, 1]} : vector<1x16x16x2x64xf32> to vector<1x16x16x1x64xf32>
      %squeeze3A_226 = vector.shape_cast %slice3A_225 : vector<1x16x16x1x64xf32> to vector<1x16x16x64xf32>
      %slice3A_227 = vector.extract_strided_slice %reshape3A_224 {offsets = [0, 0, 0, 1, 0], sizes = [1, 16, 16, 1, 64], strides = [1, 1, 1, 1, 1]} : vector<1x16x16x2x64xf32> to vector<1x16x16x1x64xf32>
      %squeeze3A_228 = vector.shape_cast %slice3A_227 : vector<1x16x16x1x64xf32> to vector<1x16x16x64xf32>
      %max3A_229 = arith.maximumf %squeeze3A_226, %squeeze3A_228 : vector<1x16x16x64xf32>
      %broadcast_in_dim3A_230 = arith.constant 0.000000e+00 : f32
      %broadcast_in_dim3A_231 = vector.broadcast %broadcast_in_dim3A_230 : f32 to vector<1x16x1x64xf32>
      %broadcast_in_dim3A_232 = arith.constant 0.000000e+00 : f32
      %broadcast_in_dim3A_233 = vector.broadcast %broadcast_in_dim3A_232 : f32 to vector<1x16x7x64xf32>
      %concatenate3A_234 = tpu.concatenate %broadcast_in_dim3A_231, %max3A_229, %broadcast_in_dim3A_233 in 2 : vector<1x16x1x64xf32>, vector<1x16x16x64xf32>, vector<1x16x7x64xf32> -> vector<1x16x24x64xf32>
      %broadcast_in_dim3A_235 = arith.constant 0.000000e+00 : f32
      %broadcast_in_dim3A_236 = vector.broadcast %broadcast_in_dim3A_235 : f32 to vector<1x1x24x64xf32>
      %concatenate3A_237 = tpu.concatenate %broadcast_in_dim3A_236, %concatenate3A_234, %broadcast_in_dim3A_236 in 1 : vector<1x1x24x64xf32>, vector<1x16x24x64xf32>, vector<1x1x24x64xf32> -> vector<1x18x24x64xf32>
      %reshape3A_238 = vector.shape_cast %concatenate3A_237 : vector<1x18x24x64xf32> to vector<1x432x64xf32>
      %broadcast_in_dim3A_239 = arith.constant 0.000000e+00 : f32
      %broadcast_in_dim3A_240 = vector.broadcast %broadcast_in_dim3A_239 : f32 to vector<1x48x64xf32>
      %concatenate3A_241 = tpu.concatenate %broadcast_in_dim3A_240, %reshape3A_238, %broadcast_in_dim3A_240 in 1 : vector<1x48x64xf32>, vector<1x432x64xf32>, vector<1x48x64xf32> -> vector<1x528x64xf32>
      %reshape3A_242 = vector.shape_cast %concatenate3A_241 : vector<1x528x64xf32> to vector<528x64xf32>
      %get3A_243 = arith.constant 0 : index
      %get3A_244 = arith.constant 0 : index
      %get3A_245 = vector.load %arg31[%get3A_243, %get3A_244] : memref<64x128xf32, #tpu.memory_space<vmem>>, vector<64x128xf32>
      %dot_general3A_246 = arith.constant dense<0.000000e+00> : vector<528x128xf32>
      %dot_general3A_247 = tpu.matmul %reshape3A_242, %get3A_245, %dot_general3A_246 {dimension_numbers = #tpu.dot_dimension_numbers<[1], [0], [0], [1], [0, 0, 1, 1], [], []>, transpose_lhs_hint = false} : vector<528x64xf32>, vector<64x128xf32>, vector<528x128xf32> -> vector<528x128xf32>
      %mul3A_248 = arith.constant 0.999994993 : f32
      %mul3A_249 = vector.broadcast %mul3A_248 : f32 to vector<528x128xf32>
      %mul3A_250 = arith.mulf %dot_general3A_247, %mul3A_249 : vector<528x128xf32>
      %ge3A_251 = arith.constant 0.000000e+00 : f32
      %ge3A_252 = vector.broadcast %ge3A_251 : f32 to vector<528x128xf32>
      %ge3A_253 = arith.cmpf oge, %mul3A_250, %ge3A_252 : vector<528x128xf32>
      %mul3A_254 = arith.constant 1.000000e-01 : f32
      %mul3A_255 = vector.broadcast %mul3A_254 : f32 to vector<528x128xf32>
      %mul3A_256 = arith.mulf %mul3A_255, %mul3A_250 : vector<528x128xf32>
      %select_n3A_257 = arith.select %ge3A_253, %mul3A_250, %mul3A_256 : vector<528x128xi1>, vector<528x128xf32>
      %slice3A_258 = vector.extract_strided_slice %select_n3A_257 {offsets = [1, 0], sizes = [527, 128], strides = [1, 1]} : vector<528x128xf32> to vector<527x128xf32>
      %slice3A_259 = vector.extract_strided_slice %select_n3A_257 {offsets = [7, 0], sizes = [521, 128], strides = [1, 1]} : vector<528x128xf32> to vector<521x128xf32>
      %slice3A_260 = vector.extract_strided_slice %slice3A_259 {offsets = [16, 0], sizes = [432, 128], strides = [1, 1]} : vector<521x128xf32> to vector<432x128xf32>
      %get3A_261 = arith.constant 0 : index
      %get3A_262 = arith.constant 0 : index
      %get3A_263 = arith.constant 0 : index
      %get3A_264 = arith.constant 0 : index
      %get3A_265 = vector.load %arg32[%get3A_261, %get3A_262, %get3A_263, %get3A_264] : memref<3x3x128x128xf32, #tpu.memory_space<vmem>>, vector<1x1x128x128xf32>
      %get3A_266 = vector.shape_cast %get3A_265 : vector<1x1x128x128xf32> to vector<128x128xf32>
      %dot_general3A_267 = arith.constant dense<0.000000e+00> : vector<432x128xf32>
      %dot_general3A_268 = tpu.matmul %slice3A_260, %get3A_266, %dot_general3A_267 {dimension_numbers = #tpu.dot_dimension_numbers<[1], [0], [0], [1], [0, 0, 1, 1], [], []>, transpose_lhs_hint = false} : vector<432x128xf32>, vector<128x128xf32>, vector<432x128xf32> -> vector<432x128xf32>
      %slice3A_269 = vector.extract_strided_slice %select_n3A_257 {offsets = [24, 0], sizes = [432, 128], strides = [1, 1]} : vector<528x128xf32> to vector<432x128xf32>
      %get3A_270 = arith.constant 0 : index
      %get3A_271 = arith.constant 1 : index
      %get3A_272 = arith.constant 0 : index
      %get3A_273 = arith.constant 0 : index
      %get3A_274 = vector.load %arg32[%get3A_270, %get3A_271, %get3A_272, %get3A_273] : memref<3x3x128x128xf32, #tpu.memory_space<vmem>>, vector<1x1x128x128xf32>
      %get3A_275 = vector.shape_cast %get3A_274 : vector<1x1x128x128xf32> to vector<128x128xf32>
      %dot_general3A_276 = arith.constant dense<0.000000e+00> : vector<432x128xf32>
      %dot_general3A_277 = tpu.matmul %slice3A_269, %get3A_275, %dot_general3A_276 {dimension_numbers = #tpu.dot_dimension_numbers<[1], [0], [0], [1], [0, 0, 1, 1], [], []>, transpose_lhs_hint = false} : vector<432x128xf32>, vector<128x128xf32>, vector<432x128xf32> -> vector<432x128xf32>
      %add3A_278 = arith.addf %dot_general3A_268, %dot_general3A_277 : vector<432x128xf32>
      %slice3A_279 = vector.extract_strided_slice %slice3A_258 {offsets = [24, 0], sizes = [432, 128], strides = [1, 1]} : vector<527x128xf32> to vector<432x128xf32>
      %get3A_280 = arith.constant 0 : index
      %get3A_281 = arith.constant 2 : index
      %get3A_282 = arith.constant 0 : index
      %get3A_283 = arith.constant 0 : index
      %get3A_284 = vector.load %arg32[%get3A_280, %get3A_281, %get3A_282, %get3A_283] : memref<3x3x128x128xf32, #tpu.memory_space<vmem>>, vector<1x1x128x128xf32>
      %get3A_285 = vector.shape_cast %get3A_284 : vector<1x1x128x128xf32> to vector<128x128xf32>
      %dot_general3A_286 = arith.constant dense<0.000000e+00> : vector<432x128xf32>
      %dot_general3A_287 = tpu.matmul %slice3A_279, %get3A_285, %dot_general3A_286 {dimension_numbers = #tpu.dot_dimension_numbers<[1], [0], [0], [1], [0, 0, 1, 1], [], []>, transpose_lhs_hint = false} : vector<432x128xf32>, vector<128x128xf32>, vector<432x128xf32> -> vector<432x128xf32>
      %add3A_288 = arith.addf %add3A_278, %dot_general3A_287 : vector<432x128xf32>
      %slice3A_289 = vector.extract_strided_slice %slice3A_259 {offsets = [40, 0], sizes = [432, 128], strides = [1, 1]} : vector<521x128xf32> to vector<432x128xf32>
      %get3A_290 = arith.constant 1 : index
      %get3A_291 = arith.constant 0 : index
      %get3A_292 = arith.constant 0 : index
      %get3A_293 = arith.constant 0 : index
      %get3A_294 = vector.load %arg32[%get3A_290, %get3A_291, %get3A_292, %get3A_293] : memref<3x3x128x128xf32, #tpu.memory_space<vmem>>, vector<1x1x128x128xf32>
      %get3A_295 = vector.shape_cast %get3A_294 : vector<1x1x128x128xf32> to vector<128x128xf32>
      %dot_general3A_296 = arith.constant dense<0.000000e+00> : vector<432x128xf32>
      %dot_general3A_297 = tpu.matmul %slice3A_289, %get3A_295, %dot_general3A_296 {dimension_numbers = #tpu.dot_dimension_numbers<[1], [0], [0], [1], [0, 0, 1, 1], [], []>, transpose_lhs_hint = false} : vector<432x128xf32>, vector<128x128xf32>, vector<432x128xf32> -> vector<432x128xf32>
      %add3A_298 = arith.addf %add3A_288, %dot_general3A_297 : vector<432x128xf32>
      %slice3A_299 = vector.extract_strided_slice %select_n3A_257 {offsets = [48, 0], sizes = [432, 128], strides = [1, 1]} : vector<528x128xf32> to vector<432x128xf32>
      %get3A_300 = arith.constant 1 : index
      %get3A_301 = arith.constant 1 : index
      %get3A_302 = arith.constant 0 : index
      %get3A_303 = arith.constant 0 : index
      %get3A_304 = vector.load %arg32[%get3A_300, %get3A_301, %get3A_302, %get3A_303] : memref<3x3x128x128xf32, #tpu.memory_space<vmem>>, vector<1x1x128x128xf32>
      %get3A_305 = vector.shape_cast %get3A_304 : vector<1x1x128x128xf32> to vector<128x128xf32>
      %dot_general3A_306 = arith.constant dense<0.000000e+00> : vector<432x128xf32>
      %dot_general3A_307 = tpu.matmul %slice3A_299, %get3A_305, %dot_general3A_306 {dimension_numbers = #tpu.dot_dimension_numbers<[1], [0], [0], [1], [0, 0, 1, 1], [], []>, transpose_lhs_hint = false} : vector<432x128xf32>, vector<128x128xf32>, vector<432x128xf32> -> vector<432x128xf32>
      %add3A_308 = arith.addf %add3A_298, %dot_general3A_307 : vector<432x128xf32>
      %slice3A_309 = vector.extract_strided_slice %slice3A_258 {offsets = [48, 0], sizes = [432, 128], strides = [1, 1]} : vector<527x128xf32> to vector<432x128xf32>
      %get3A_310 = arith.constant 1 : index
      %get3A_311 = arith.constant 2 : index
      %get3A_312 = arith.constant 0 : index
      %get3A_313 = arith.constant 0 : index
      %get3A_314 = vector.load %arg32[%get3A_310, %get3A_311, %get3A_312, %get3A_313] : memref<3x3x128x128xf32, #tpu.memory_space<vmem>>, vector<1x1x128x128xf32>
      %get3A_315 = vector.shape_cast %get3A_314 : vector<1x1x128x128xf32> to vector<128x128xf32>
      %dot_general3A_316 = arith.constant dense<0.000000e+00> : vector<432x128xf32>
      %dot_general3A_317 = tpu.matmul %slice3A_309, %get3A_315, %dot_general3A_316 {dimension_numbers = #tpu.dot_dimension_numbers<[1], [0], [0], [1], [0, 0, 1, 1], [], []>, transpose_lhs_hint = false} : vector<432x128xf32>, vector<128x128xf32>, vector<432x128xf32> -> vector<432x128xf32>
      %add3A_318 = arith.addf %add3A_308, %dot_general3A_317 : vector<432x128xf32>
      %slice3A_319 = vector.extract_strided_slice %slice3A_259 {offsets = [64, 0], sizes = [432, 128], strides = [1, 1]} : vector<521x128xf32> to vector<432x128xf32>
      %get3A_320 = arith.constant 2 : index
      %get3A_321 = arith.constant 0 : index
      %get3A_322 = arith.constant 0 : index
      %get3A_323 = arith.constant 0 : index
      %get3A_324 = vector.load %arg32[%get3A_320, %get3A_321, %get3A_322, %get3A_323] : memref<3x3x128x128xf32, #tpu.memory_space<vmem>>, vector<1x1x128x128xf32>
      %get3A_325 = vector.shape_cast %get3A_324 : vector<1x1x128x128xf32> to vector<128x128xf32>
      %dot_general3A_326 = arith.constant dense<0.000000e+00> : vector<432x128xf32>
      %dot_general3A_327 = tpu.matmul %slice3A_319, %get3A_325, %dot_general3A_326 {dimension_numbers = #tpu.dot_dimension_numbers<[1], [0], [0], [1], [0, 0, 1, 1], [], []>, transpose_lhs_hint = false} : vector<432x128xf32>, vector<128x128xf32>, vector<432x128xf32> -> vector<432x128xf32>
      %add3A_328 = arith.addf %add3A_318, %dot_general3A_327 : vector<432x128xf32>
      %slice3A_329 = vector.extract_strided_slice %select_n3A_257 {offsets = [72, 0], sizes = [432, 128], strides = [1, 1]} : vector<528x128xf32> to vector<432x128xf32>
      %get3A_330 = arith.constant 2 : index
      %get3A_331 = arith.constant 1 : index
      %get3A_332 = arith.constant 0 : index
      %get3A_333 = arith.constant 0 : index
      %get3A_334 = vector.load %arg32[%get3A_330, %get3A_331, %get3A_332, %get3A_333] : memref<3x3x128x128xf32, #tpu.memory_space<vmem>>, vector<1x1x128x128xf32>
      %get3A_335 = vector.shape_cast %get3A_334 : vector<1x1x128x128xf32> to vector<128x128xf32>
      %dot_general3A_336 = arith.constant dense<0.000000e+00> : vector<432x128xf32>
      %dot_general3A_337 = tpu.matmul %slice3A_329, %get3A_335, %dot_general3A_336 {dimension_numbers = #tpu.dot_dimension_numbers<[1], [0], [0], [1], [0, 0, 1, 1], [], []>, transpose_lhs_hint = false} : vector<432x128xf32>, vector<128x128xf32>, vector<432x128xf32> -> vector<432x128xf32>
      %add3A_338 = arith.addf %add3A_328, %dot_general3A_337 : vector<432x128xf32>
      %slice3A_339 = vector.extract_strided_slice %slice3A_258 {offsets = [72, 0], sizes = [432, 128], strides = [1, 1]} : vector<527x128xf32> to vector<432x128xf32>
      %get3A_340 = arith.constant 2 : index
      %get3A_341 = arith.constant 2 : index
      %get3A_342 = arith.constant 0 : index
      %get3A_343 = arith.constant 0 : index
      %get3A_344 = vector.load %arg32[%get3A_340, %get3A_341, %get3A_342, %get3A_343] : memref<3x3x128x128xf32, #tpu.memory_space<vmem>>, vector<1x1x128x128xf32>
      %get3A_345 = vector.shape_cast %get3A_344 : vector<1x1x128x128xf32> to vector<128x128xf32>
      %dot_general3A_346 = arith.constant dense<0.000000e+00> : vector<432x128xf32>
      %dot_general3A_347 = tpu.matmul %slice3A_339, %get3A_345, %dot_general3A_346 {dimension_numbers = #tpu.dot_dimension_numbers<[1], [0], [0], [1], [0, 0, 1, 1], [], []>, transpose_lhs_hint = false} : vector<432x128xf32>, vector<128x128xf32>, vector<432x128xf32> -> vector<432x128xf32>
      %add3A_348 = arith.addf %add3A_338, %dot_general3A_347 : vector<432x128xf32>
      %get3A_349 = arith.constant 0 : index
      %get3A_350 = arith.constant 0 : index
      %get3A_351 = vector.load %arg4[%get3A_349, %get3A_350] : memref<432x1xf32, #tpu.memory_space<vmem>>, vector<432x1xf32>
      %mul3A_352 = vector.broadcast %get3A_351 : vector<432x1xf32> to vector<432x128xf32>
      %mul3A_353 = arith.mulf %add3A_348, %mul3A_352 : vector<432x128xf32>
      %mul3A_354 = arith.constant 0.999994993 : f32
      %mul3A_355 = vector.broadcast %mul3A_354 : f32 to vector<432x128xf32>
      %mul3A_356 = arith.mulf %mul3A_353, %mul3A_355 : vector<432x128xf32>
      %ge3A_357 = arith.constant 0.000000e+00 : f32
      %ge3A_358 = vector.broadcast %ge3A_357 : f32 to vector<432x128xf32>
      %ge3A_359 = arith.cmpf oge, %mul3A_356, %ge3A_358 : vector<432x128xf32>
      %mul3A_360 = arith.constant 1.000000e-01 : f32
      %mul3A_361 = vector.broadcast %mul3A_360 : f32 to vector<432x128xf32>
      %mul3A_362 = arith.mulf %mul3A_361, %mul3A_356 : vector<432x128xf32>
      %select_n3A_363 = arith.select %ge3A_359, %mul3A_356, %mul3A_362 : vector<432x128xi1>, vector<432x128xf32>
      %broadcast_in_dim3A_364 = arith.constant 0.000000e+00 : f32
      %broadcast_in_dim3A_365 = vector.broadcast %broadcast_in_dim3A_364 : f32 to vector<48x128xf32>
      %concatenate3A_366 = tpu.concatenate %broadcast_in_dim3A_365, %select_n3A_363, %broadcast_in_dim3A_365 in 0 : vector<48x128xf32>, vector<432x128xf32>, vector<48x128xf32> -> vector<528x128xf32>
      %reshape3A_367 = vector.shape_cast %concatenate3A_366 : vector<528x128xf32> to vector<1x528x128xf32>
      %slice3A_368 = vector.extract_strided_slice %reshape3A_367 {offsets = [0, 48, 0], sizes = [1, 432, 128], strides = [1, 1, 1]} : vector<1x528x128xf32> to vector<1x432x128xf32>
      %reshape3A_369 = vector.shape_cast %slice3A_368 : vector<1x432x128xf32> to vector<1x18x24x128xf32>
      %slice3A_370 = vector.extract_strided_slice %reshape3A_369 {offsets = [0, 1, 1, 0], sizes = [1, 16, 16, 128], strides = [1, 1, 1, 1]} : vector<1x18x24x128xf32> to vector<1x16x16x128xf32>
      %reshape3A_371 = vector.shape_cast %slice3A_370 : vector<1x16x16x128xf32> to vector<1x8x2x16x128xf32>
      %slice3A_372 = vector.extract_strided_slice %reshape3A_371 {offsets = [0, 0, 0, 0, 0], sizes = [1, 8, 1, 16, 128], strides = [1, 1, 1, 1, 1]} : vector<1x8x2x16x128xf32> to vector<1x8x1x16x128xf32>
      %squeeze3A_373 = vector.shape_cast %slice3A_372 : vector<1x8x1x16x128xf32> to vector<1x8x16x128xf32>
      %slice3A_374 = vector.extract_strided_slice %reshape3A_371 {offsets = [0, 0, 1, 0, 0], sizes = [1, 8, 1, 16, 128], strides = [1, 1, 1, 1, 1]} : vector<1x8x2x16x128xf32> to vector<1x8x1x16x128xf32>
      %squeeze3A_375 = vector.shape_cast %slice3A_374 : vector<1x8x1x16x128xf32> to vector<1x8x16x128xf32>
      %max3A_376 = arith.maximumf %squeeze3A_373, %squeeze3A_375 : vector<1x8x16x128xf32>
      %reshape3A_377 = vector.shape_cast %max3A_376 : vector<1x8x16x128xf32> to vector<1x8x8x2x128xf32>
      %slice3A_378 = vector.extract_strided_slice %reshape3A_377 {offsets = [0, 0, 0, 0, 0], sizes = [1, 8, 8, 1, 128], strides = [1, 1, 1, 1, 1]} : vector<1x8x8x2x128xf32> to vector<1x8x8x1x128xf32>
      %squeeze3A_379 = vector.shape_cast %slice3A_378 : vector<1x8x8x1x128xf32> to vector<1x8x8x128xf32>
      %slice3A_380 = vector.extract_strided_slice %reshape3A_377 {offsets = [0, 0, 0, 1, 0], sizes = [1, 8, 8, 1, 128], strides = [1, 1, 1, 1, 1]} : vector<1x8x8x2x128xf32> to vector<1x8x8x1x128xf32>
      %squeeze3A_381 = vector.shape_cast %slice3A_380 : vector<1x8x8x1x128xf32> to vector<1x8x8x128xf32>
      %max3A_382 = arith.maximumf %squeeze3A_379, %squeeze3A_381 : vector<1x8x8x128xf32>
      %broadcast_in_dim3A_383 = arith.constant 0.000000e+00 : f32
      %broadcast_in_dim3A_384 = vector.broadcast %broadcast_in_dim3A_383 : f32 to vector<1x8x1x128xf32>
      %broadcast_in_dim3A_385 = arith.constant 0.000000e+00 : f32
      %broadcast_in_dim3A_386 = vector.broadcast %broadcast_in_dim3A_385 : f32 to vector<1x8x7x128xf32>
      %concatenate3A_387 = tpu.concatenate %broadcast_in_dim3A_384, %max3A_382, %broadcast_in_dim3A_386 in 2 : vector<1x8x1x128xf32>, vector<1x8x8x128xf32>, vector<1x8x7x128xf32> -> vector<1x8x16x128xf32>
      %broadcast_in_dim3A_388 = arith.constant 0.000000e+00 : f32
      %broadcast_in_dim3A_389 = vector.broadcast %broadcast_in_dim3A_388 : f32 to vector<1x1x16x128xf32>
      %concatenate3A_390 = tpu.concatenate %broadcast_in_dim3A_389, %concatenate3A_387, %broadcast_in_dim3A_389 in 1 : vector<1x1x16x128xf32>, vector<1x8x16x128xf32>, vector<1x1x16x128xf32> -> vector<1x10x16x128xf32>
      %reshape3A_391 = vector.shape_cast %concatenate3A_390 : vector<1x10x16x128xf32> to vector<1x160x128xf32>
      %broadcast_in_dim3A_392 = arith.constant 0.000000e+00 : f32
      %broadcast_in_dim3A_393 = vector.broadcast %broadcast_in_dim3A_392 : f32 to vector<1x48x128xf32>
      %concatenate3A_394 = tpu.concatenate %broadcast_in_dim3A_393, %reshape3A_391, %broadcast_in_dim3A_393 in 1 : vector<1x48x128xf32>, vector<1x160x128xf32>, vector<1x48x128xf32> -> vector<1x256x128xf32>
      %reshape3A_395 = vector.shape_cast %concatenate3A_394 : vector<1x256x128xf32> to vector<256x128xf32>
      %slice3A_396 = vector.extract_strided_slice %reshape3A_395 {offsets = [1, 0], sizes = [255, 128], strides = [1, 1]} : vector<256x128xf32> to vector<255x128xf32>
      %slice3A_397 = vector.extract_strided_slice %reshape3A_395 {offsets = [7, 0], sizes = [249, 128], strides = [1, 1]} : vector<256x128xf32> to vector<249x128xf32>
      %slice3A_398 = vector.extract_strided_slice %slice3A_397 {offsets = [24, 0], sizes = [160, 128], strides = [1, 1]} : vector<249x128xf32> to vector<160x128xf32>
      %get3A_399 = arith.constant 0 : index
      %get3A_400 = arith.constant 0 : index
      %get3A_401 = arith.constant 0 : index
      %get3A_402 = arith.constant 0 : index
      %get3A_403 = vector.load %arg33[%get3A_399, %get3A_400, %get3A_401, %get3A_402] : memref<3x3x128x256xf32, #tpu.memory_space<vmem>>, vector<1x1x128x256xf32>
      %get3A_404 = vector.shape_cast %get3A_403 : vector<1x1x128x256xf32> to vector<128x256xf32>
      %dot_general3A_405 = arith.constant dense<0.000000e+00> : vector<160x256xf32>
      %dot_general3A_406 = tpu.matmul %slice3A_398, %get3A_404, %dot_general3A_405 {dimension_numbers = #tpu.dot_dimension_numbers<[1], [0], [0], [1], [0, 0, 1, 1], [], []>, transpose_lhs_hint = false} : vector<160x128xf32>, vector<128x256xf32>, vector<160x256xf32> -> vector<160x256xf32>
      %slice3A_407 = vector.extract_strided_slice %reshape3A_395 {offsets = [32, 0], sizes = [160, 128], strides = [1, 1]} : vector<256x128xf32> to vector<160x128xf32>
      %get3A_408 = arith.constant 0 : index
      %get3A_409 = arith.constant 1 : index
      %get3A_410 = arith.constant 0 : index
      %get3A_411 = arith.constant 0 : index
      %get3A_412 = vector.load %arg33[%get3A_408, %get3A_409, %get3A_410, %get3A_411] : memref<3x3x128x256xf32, #tpu.memory_space<vmem>>, vector<1x1x128x256xf32>
      %get3A_413 = vector.shape_cast %get3A_412 : vector<1x1x128x256xf32> to vector<128x256xf32>
      %dot_general3A_414 = arith.constant dense<0.000000e+00> : vector<160x256xf32>
      %dot_general3A_415 = tpu.matmul %slice3A_407, %get3A_413, %dot_general3A_414 {dimension_numbers = #tpu.dot_dimension_numbers<[1], [0], [0], [1], [0, 0, 1, 1], [], []>, transpose_lhs_hint = false} : vector<160x128xf32>, vector<128x256xf32>, vector<160x256xf32> -> vector<160x256xf32>
      %add3A_416 = arith.addf %dot_general3A_406, %dot_general3A_415 : vector<160x256xf32>
      %slice3A_417 = vector.extract_strided_slice %slice3A_396 {offsets = [32, 0], sizes = [160, 128], strides = [1, 1]} : vector<255x128xf32> to vector<160x128xf32>
      %get3A_418 = arith.constant 0 : index
      %get3A_419 = arith.constant 2 : index
      %get3A_420 = arith.constant 0 : index
      %get3A_421 = arith.constant 0 : index
      %get3A_422 = vector.load %arg33[%get3A_418, %get3A_419, %get3A_420, %get3A_421] : memref<3x3x128x256xf32, #tpu.memory_space<vmem>>, vector<1x1x128x256xf32>
      %get3A_423 = vector.shape_cast %get3A_422 : vector<1x1x128x256xf32> to vector<128x256xf32>
      %dot_general3A_424 = arith.constant dense<0.000000e+00> : vector<160x256xf32>
      %dot_general3A_425 = tpu.matmul %slice3A_417, %get3A_423, %dot_general3A_424 {dimension_numbers = #tpu.dot_dimension_numbers<[1], [0], [0], [1], [0, 0, 1, 1], [], []>, transpose_lhs_hint = false} : vector<160x128xf32>, vector<128x256xf32>, vector<160x256xf32> -> vector<160x256xf32>
      %add3A_426 = arith.addf %add3A_416, %dot_general3A_425 : vector<160x256xf32>
      %slice3A_427 = vector.extract_strided_slice %slice3A_397 {offsets = [40, 0], sizes = [160, 128], strides = [1, 1]} : vector<249x128xf32> to vector<160x128xf32>
      %get3A_428 = arith.constant 1 : index
      %get3A_429 = arith.constant 0 : index
      %get3A_430 = arith.constant 0 : index
      %get3A_431 = arith.constant 0 : index
      %get3A_432 = vector.load %arg33[%get3A_428, %get3A_429, %get3A_430, %get3A_431] : memref<3x3x128x256xf32, #tpu.memory_space<vmem>>, vector<1x1x128x256xf32>
      %get3A_433 = vector.shape_cast %get3A_432 : vector<1x1x128x256xf32> to vector<128x256xf32>
      %dot_general3A_434 = arith.constant dense<0.000000e+00> : vector<160x256xf32>
      %dot_general3A_435 = tpu.matmul %slice3A_427, %get3A_433, %dot_general3A_434 {dimension_numbers = #tpu.dot_dimension_numbers<[1], [0], [0], [1], [0, 0, 1, 1], [], []>, transpose_lhs_hint = false} : vector<160x128xf32>, vector<128x256xf32>, vector<160x256xf32> -> vector<160x256xf32>
      %add3A_436 = arith.addf %add3A_426, %dot_general3A_435 : vector<160x256xf32>
      %slice3A_437 = vector.extract_strided_slice %reshape3A_395 {offsets = [48, 0], sizes = [160, 128], strides = [1, 1]} : vector<256x128xf32> to vector<160x128xf32>
      %get3A_438 = arith.constant 1 : index
      %get3A_439 = arith.constant 1 : index
      %get3A_440 = arith.constant 0 : index
      %get3A_441 = arith.constant 0 : index
      %get3A_442 = vector.load %arg33[%get3A_438, %get3A_439, %get3A_440, %get3A_441] : memref<3x3x128x256xf32, #tpu.memory_space<vmem>>, vector<1x1x128x256xf32>
      %get3A_443 = vector.shape_cast %get3A_442 : vector<1x1x128x256xf32> to vector<128x256xf32>
      %dot_general3A_444 = arith.constant dense<0.000000e+00> : vector<160x256xf32>
      %dot_general3A_445 = tpu.matmul %slice3A_437, %get3A_443, %dot_general3A_444 {dimension_numbers = #tpu.dot_dimension_numbers<[1], [0], [0], [1], [0, 0, 1, 1], [], []>, transpose_lhs_hint = false} : vector<160x128xf32>, vector<128x256xf32>, vector<160x256xf32> -> vector<160x256xf32>
      %add3A_446 = arith.addf %add3A_436, %dot_general3A_445 : vector<160x256xf32>
      %slice3A_447 = vector.extract_strided_slice %slice3A_396 {offsets = [48, 0], sizes = [160, 128], strides = [1, 1]} : vector<255x128xf32> to vector<160x128xf32>
      %get3A_448 = arith.constant 1 : index
      %get3A_449 = arith.constant 2 : index
      %get3A_450 = arith.constant 0 : index
      %get3A_451 = arith.constant 0 : index
      %get3A_452 = vector.load %arg33[%get3A_448, %get3A_449, %get3A_450, %get3A_451] : memref<3x3x128x256xf32, #tpu.memory_space<vmem>>, vector<1x1x128x256xf32>
      %get3A_453 = vector.shape_cast %get3A_452 : vector<1x1x128x256xf32> to vector<128x256xf32>
      %dot_general3A_454 = arith.constant dense<0.000000e+00> : vector<160x256xf32>
      %dot_general3A_455 = tpu.matmul %slice3A_447, %get3A_453, %dot_general3A_454 {dimension_numbers = #tpu.dot_dimension_numbers<[1], [0], [0], [1], [0, 0, 1, 1], [], []>, transpose_lhs_hint = false} : vector<160x128xf32>, vector<128x256xf32>, vector<160x256xf32> -> vector<160x256xf32>
      %add3A_456 = arith.addf %add3A_446, %dot_general3A_455 : vector<160x256xf32>
      %slice3A_457 = vector.extract_strided_slice %slice3A_397 {offsets = [56, 0], sizes = [160, 128], strides = [1, 1]} : vector<249x128xf32> to vector<160x128xf32>
      %get3A_458 = arith.constant 2 : index
      %get3A_459 = arith.constant 0 : index
      %get3A_460 = arith.constant 0 : index
      %get3A_461 = arith.constant 0 : index
      %get3A_462 = vector.load %arg33[%get3A_458, %get3A_459, %get3A_460, %get3A_461] : memref<3x3x128x256xf32, #tpu.memory_space<vmem>>, vector<1x1x128x256xf32>
      %get3A_463 = vector.shape_cast %get3A_462 : vector<1x1x128x256xf32> to vector<128x256xf32>
      %dot_general3A_464 = arith.constant dense<0.000000e+00> : vector<160x256xf32>
      %dot_general3A_465 = tpu.matmul %slice3A_457, %get3A_463, %dot_general3A_464 {dimension_numbers = #tpu.dot_dimension_numbers<[1], [0], [0], [1], [0, 0, 1, 1], [], []>, transpose_lhs_hint = false} : vector<160x128xf32>, vector<128x256xf32>, vector<160x256xf32> -> vector<160x256xf32>
      %add3A_466 = arith.addf %add3A_456, %dot_general3A_465 : vector<160x256xf32>
      %slice3A_467 = vector.extract_strided_slice %reshape3A_395 {offsets = [64, 0], sizes = [160, 128], strides = [1, 1]} : vector<256x128xf32> to vector<160x128xf32>
      %get3A_468 = arith.constant 2 : index
      %get3A_469 = arith.constant 1 : index
      %get3A_470 = arith.constant 0 : index
      %get3A_471 = arith.constant 0 : index
      %get3A_472 = vector.load %arg33[%get3A_468, %get3A_469, %get3A_470, %get3A_471] : memref<3x3x128x256xf32, #tpu.memory_space<vmem>>, vector<1x1x128x256xf32>
      %get3A_473 = vector.shape_cast %get3A_472 : vector<1x1x128x256xf32> to vector<128x256xf32>
      %dot_general3A_474 = arith.constant dense<0.000000e+00> : vector<160x256xf32>
      %dot_general3A_475 = tpu.matmul %slice3A_467, %get3A_473, %dot_general3A_474 {dimension_numbers = #tpu.dot_dimension_numbers<[1], [0], [0], [1], [0, 0, 1, 1], [], []>, transpose_lhs_hint = false} : vector<160x128xf32>, vector<128x256xf32>, vector<160x256xf32> -> vector<160x256xf32>
      %add3A_476 = arith.addf %add3A_466, %dot_general3A_475 : vector<160x256xf32>
      %slice3A_477 = vector.extract_strided_slice %slice3A_396 {offsets = [64, 0], sizes = [160, 128], strides = [1, 1]} : vector<255x128xf32> to vector<160x128xf32>
      %get3A_478 = arith.constant 2 : index
      %get3A_479 = arith.constant 2 : index
      %get3A_480 = arith.constant 0 : index
      %get3A_481 = arith.constant 0 : index
      %get3A_482 = vector.load %arg33[%get3A_478, %get3A_479, %get3A_480, %get3A_481] : memref<3x3x128x256xf32, #tpu.memory_space<vmem>>, vector<1x1x128x256xf32>
      %get3A_483 = vector.shape_cast %get3A_482 : vector<1x1x128x256xf32> to vector<128x256xf32>
      %dot_general3A_484 = arith.constant dense<0.000000e+00> : vector<160x256xf32>
      %dot_general3A_485 = tpu.matmul %slice3A_477, %get3A_483, %dot_general3A_484 {dimension_numbers = #tpu.dot_dimension_numbers<[1], [0], [0], [1], [0, 0, 1, 1], [], []>, transpose_lhs_hint = false} : vector<160x128xf32>, vector<128x256xf32>, vector<160x256xf32> -> vector<160x256xf32>
      %add3A_486 = arith.addf %add3A_476, %dot_general3A_485 : vector<160x256xf32>
      %get3A_487 = arith.constant 0 : index
      %get3A_488 = arith.constant 0 : index
      %get3A_489 = vector.load %arg5[%get3A_487, %get3A_488] : memref<160x1xf32, #tpu.memory_space<vmem>>, vector<160x1xf32>
      %mul3A_490 = vector.broadcast %get3A_489 : vector<160x1xf32> to vector<160x256xf32>
      %mul3A_491 = arith.mulf %add3A_486, %mul3A_490 : vector<160x256xf32>
      %mul3A_492 = arith.constant 0.999994993 : f32
      %mul3A_493 = vector.broadcast %mul3A_492 : f32 to vector<160x256xf32>
      %mul3A_494 = arith.mulf %mul3A_491, %mul3A_493 : vector<160x256xf32>
      %ge3A_495 = arith.constant 0.000000e+00 : f32
      %ge3A_496 = vector.broadcast %ge3A_495 : f32 to vector<160x256xf32>
      %ge3A_497 = arith.cmpf oge, %mul3A_494, %ge3A_496 : vector<160x256xf32>
      %mul3A_498 = arith.constant 1.000000e-01 : f32
      %mul3A_499 = vector.broadcast %mul3A_498 : f32 to vector<160x256xf32>
      %mul3A_500 = arith.mulf %mul3A_499, %mul3A_494 : vector<160x256xf32>
      %select_n3A_501 = arith.select %ge3A_497, %mul3A_494, %mul3A_500 : vector<160x256xi1>, vector<160x256xf32>
      %broadcast_in_dim3A_502 = arith.constant 0.000000e+00 : f32
      %broadcast_in_dim3A_503 = vector.broadcast %broadcast_in_dim3A_502 : f32 to vector<48x256xf32>
      %concatenate3A_504 = tpu.concatenate %broadcast_in_dim3A_503, %select_n3A_501, %broadcast_in_dim3A_503 in 0 : vector<48x256xf32>, vector<160x256xf32>, vector<48x256xf32> -> vector<256x256xf32>
      %reshape3A_505 = vector.shape_cast %concatenate3A_504 : vector<256x256xf32> to vector<1x256x256xf32>
      %slice3A_506 = vector.extract_strided_slice %reshape3A_505 {offsets = [0, 48, 0], sizes = [1, 160, 256], strides = [1, 1, 1]} : vector<1x256x256xf32> to vector<1x160x256xf32>
      %reshape3A_507 = vector.shape_cast %slice3A_506 : vector<1x160x256xf32> to vector<160x256xf32>
      %get3A_508 = arith.constant 0 : index
      %get3A_509 = arith.constant 0 : index
      %get3A_510 = vector.load %arg34[%get3A_508, %get3A_509] : memref<256x100xf32, #tpu.memory_space<vmem>>, vector<256x100xf32>
      %dot_general3A_511 = arith.constant dense<0.000000e+00> : vector<160x100xf32>
      %dot_general3A_512 = tpu.matmul %reshape3A_507, %get3A_510, %dot_general3A_511 {dimension_numbers = #tpu.dot_dimension_numbers<[1], [0], [0], [1], [0, 0, 1, 1], [], []>, transpose_lhs_hint = false} : vector<160x256xf32>, vector<256x100xf32>, vector<160x100xf32> -> vector<160x100xf32>
      %ge3A_513 = arith.constant 0.000000e+00 : f32
      %ge3A_514 = vector.broadcast %ge3A_513 : f32 to vector<160x100xf32>
      %ge3A_515 = arith.cmpf oge, %dot_general3A_512, %ge3A_514 : vector<160x100xf32>
      %mul3A_516 = arith.constant 1.000000e-01 : f32
      %mul3A_517 = vector.broadcast %mul3A_516 : f32 to vector<160x100xf32>
      %mul3A_518 = arith.mulf %mul3A_517, %dot_general3A_512 : vector<160x100xf32>
      %select_n3A_519 = arith.select %ge3A_515, %dot_general3A_512, %mul3A_518 : vector<160x100xi1>, vector<160x100xf32>
      %reshape3A_520 = vector.shape_cast %select_n3A_519 : vector<160x100xf32> to vector<1x160x100xf32>
      %reduce_sum3A = arith.constant dense<0.000000e+00> : vector<1x100xf32>
      %reduce_sum3A_521 = vector.multi_reduction <add>, %reshape3A_520, %reduce_sum3A [1] : vector<1x160x100xf32> to vector<1x100xf32>
      %mul3A_522 = arith.constant 1.562500e-02 : f32
      %mul3A_523 = vector.broadcast %mul3A_522 : f32 to vector<1x100xf32>
      %mul3A_524 = arith.mulf %reduce_sum3A_521, %mul3A_523 : vector<1x100xf32>
      %get3A_525 = arith.constant 0 : index
      %get3A_526 = arith.constant 0 : index
      %get3A_527 = arith.constant 0 : index
      %get3A_528 = vector.load %arg63[%get3A_525, %get3A_526, %get3A_527] : memref<1x1x100xf32, #tpu.memory_space<vmem>>, vector<1x1x100xf32>
      %mul3A_529 = vector.broadcast %get3A_34 : f32 to vector<1x100xf32>
      %mul3A_530 = arith.mulf %mul3A_524, %mul3A_529 : vector<1x100xf32>
      %reshape3A_531 = vector.shape_cast %mul3A_530 : vector<1x100xf32> to vector<1x1x100xf32>
      %add3A_532 = arith.addf %get3A_528, %reshape3A_531 : vector<1x1x100xf32>
      %swap3A_533 = arith.constant 0 : index
      %swap3A_534 = arith.constant 0 : index
      %swap3A_535 = arith.constant 0 : index
      %swap3A_536 = vector.load %arg63[%swap3A_533, %swap3A_534, %swap3A_535] : memref<1x1x100xf32, #tpu.memory_space<vmem>>, vector<1x1x100xf32>
      tpu.vector_store %arg63[%swap3A_533, %swap3A_534, %swap3A_535], %add3A_532 {strides = array<i32>} : memref<1x1x100xf32, #tpu.memory_space<vmem>>, vector<1x1x100xf32>,
    } else {
    }
    %get3A_40 = arith.constant 0 : index
    %get3A_41 = arith.constant 4 : index
    %get3A_42 = arith.constant 0 : index
    %get3A_43 = vector.load %arg2[%get3A_40, %get3A_41, %get3A_42] : memref<1x8x1xf32, #tpu.memory_space<vmem>>, vector<1x1x1xf32>
    %get3A_44 = vector.extract %get3A_43[0, 0, 0] : f32 from vector<1x1x1xf32>
    %ne3A_45 = arith.constant 0.000000e+00 : f32
    %ne3A_46 = arith.cmpf one, %get3A_44, %ne3A_45 : f32
    %convert_element_type3A_47 = arith.extui %ne3A_46 : i1 to i32
    %cond3A_48 = arith.constant 0 : i32
    %cond3A_49 = arith.cmpi ne, %convert_element_type3A_47, %cond3A_48 : i32
    scf.if %cond3A_49 {
      %get3A_80 = arith.constant 0 : index
      %get3A_81 = arith.constant 0 : index
      %get3A_82 = arith.constant 0 : index
      %get3A_83 = vector.load %arg1[%get3A_80, %get3A_81, %get3A_82] : memref<1x1456x3xf32, #tpu.memory_space<vmem>>, vector<1x1456x3xf32>
      %get3A_84 = vector.shape_cast %get3A_83 : vector<1x1456x3xf32> to vector<1456x3xf32>
      %get3A_85 = arith.constant 0 : index
      %get3A_86 = arith.constant 0 : index
      %get3A_87 = vector.load %arg35[%get3A_85, %get3A_86] : memref<3x96xf32, #tpu.memory_space<vmem>>, vector<3x96xf32>
      %dot_general3A = arith.constant dense<0.000000e+00> : vector<1456x96xf32>
      %dot_general3A_88 = tpu.matmul %get3A_84, %get3A_87, %dot_general3A {dimension_numbers = #tpu.dot_dimension_numbers<[1], [0], [0], [1], [0, 0, 1, 1], [], []>, transpose_lhs_hint = false} : vector<1456x3xf32>, vector<3x96xf32>, vector<1456x96xf32> -> vector<1456x96xf32>
      %mul3A = arith.constant 0.999994993 : f32
      %mul3A_89 = vector.broadcast %mul3A : f32 to vector<1456x96xf32>
      %mul3A_90 = arith.mulf %dot_general3A_88, %mul3A_89 : vector<1456x96xf32>
      %ge3A = arith.constant 0.000000e+00 : f32
      %ge3A_91 = vector.broadcast %ge3A : f32 to vector<1456x96xf32>
      %ge3A_92 = arith.cmpf oge, %mul3A_90, %ge3A_91 : vector<1456x96xf32>
      %mul3A_93 = arith.constant 1.000000e-01 : f32
      %mul3A_94 = vector.broadcast %mul3A_93 : f32 to vector<1456x96xf32>
      %mul3A_95 = arith.mulf %mul3A_94, %mul3A_90 : vector<1456x96xf32>
      %select_n3A = arith.select %ge3A_92, %mul3A_90, %mul3A_95 : vector<1456x96xi1>, vector<1456x96xf32>
      %slice3A = vector.extract_strided_slice %select_n3A {offsets = [1, 0], sizes = [1455, 96], strides = [1, 1]} : vector<1456x96xf32> to vector<1455x96xf32>
      %slice3A_96 = vector.extract_strided_slice %select_n3A {offsets = [7, 0], sizes = [1449, 96], strides = [1, 1]} : vector<1456x96xf32> to vector<1449x96xf32>
      %slice3A_97 = vector.extract_strided_slice %slice3A_96 {offsets = [0, 0], sizes = [1360, 96], strides = [1, 1]} : vector<1449x96xf32> to vector<1360x96xf32>
      %get3A_98 = arith.constant 0 : index
      %get3A_99 = arith.constant 0 : index
      %get3A_100 = arith.constant 0 : index
      %get3A_101 = arith.constant 0 : index
      %get3A_102 = vector.load %arg36[%get3A_98, %get3A_99, %get3A_100, %get3A_101] : memref<3x3x96x96xf32, #tpu.memory_space<vmem>>, vector<1x1x96x96xf32>
      %get3A_103 = vector.shape_cast %get3A_102 : vector<1x1x96x96xf32> to vector<96x96xf32>
      %dot_general3A_104 = arith.constant dense<0.000000e+00> : vector<1360x96xf32>
      %dot_general3A_105 = tpu.matmul %slice3A_97, %get3A_103, %dot_general3A_104 {dimension_numbers = #tpu.dot_dimension_numbers<[1], [0], [0], [1], [0, 0, 1, 1], [], []>, transpose_lhs_hint = false} : vector<1360x96xf32>, vector<96x96xf32>, vector<1360x96xf32> -> vector<1360x96xf32>
      %slice3A_106 = vector.extract_strided_slice %select_n3A {offsets = [8, 0], sizes = [1360, 96], strides = [1, 1]} : vector<1456x96xf32> to vector<1360x96xf32>
      %get3A_107 = arith.constant 0 : index
      %get3A_108 = arith.constant 1 : index
      %get3A_109 = arith.constant 0 : index
      %get3A_110 = arith.constant 0 : index
      %get3A_111 = vector.load %arg36[%get3A_107, %get3A_108, %get3A_109, %get3A_110] : memref<3x3x96x96xf32, #tpu.memory_space<vmem>>, vector<1x1x96x96xf32>
      %get3A_112 = vector.shape_cast %get3A_111 : vector<1x1x96x96xf32> to vector<96x96xf32>
      %dot_general3A_113 = arith.constant dense<0.000000e+00> : vector<1360x96xf32>
      %dot_general3A_114 = tpu.matmul %slice3A_106, %get3A_112, %dot_general3A_113 {dimension_numbers = #tpu.dot_dimension_numbers<[1], [0], [0], [1], [0, 0, 1, 1], [], []>, transpose_lhs_hint = false} : vector<1360x96xf32>, vector<96x96xf32>, vector<1360x96xf32> -> vector<1360x96xf32>
      %add3A = arith.addf %dot_general3A_105, %dot_general3A_114 : vector<1360x96xf32>
      %slice3A_115 = vector.extract_strided_slice %slice3A {offsets = [8, 0], sizes = [1360, 96], strides = [1, 1]} : vector<1455x96xf32> to vector<1360x96xf32>
      %get3A_116 = arith.constant 0 : index
      %get3A_117 = arith.constant 2 : index
      %get3A_118 = arith.constant 0 : index
      %get3A_119 = arith.constant 0 : index
      %get3A_120 = vector.load %arg36[%get3A_116, %get3A_117, %get3A_118, %get3A_119] : memref<3x3x96x96xf32, #tpu.memory_space<vmem>>, vector<1x1x96x96xf32>
      %get3A_121 = vector.shape_cast %get3A_120 : vector<1x1x96x96xf32> to vector<96x96xf32>
      %dot_general3A_122 = arith.constant dense<0.000000e+00> : vector<1360x96xf32>
      %dot_general3A_123 = tpu.matmul %slice3A_115, %get3A_121, %dot_general3A_122 {dimension_numbers = #tpu.dot_dimension_numbers<[1], [0], [0], [1], [0, 0, 1, 1], [], []>, transpose_lhs_hint = false} : vector<1360x96xf32>, vector<96x96xf32>, vector<1360x96xf32> -> vector<1360x96xf32>
      %add3A_124 = arith.addf %add3A, %dot_general3A_123 : vector<1360x96xf32>
      %slice3A_125 = vector.extract_strided_slice %slice3A_96 {offsets = [40, 0], sizes = [1360, 96], strides = [1, 1]} : vector<1449x96xf32> to vector<1360x96xf32>
      %get3A_126 = arith.constant 1 : index
      %get3A_127 = arith.constant 0 : index
      %get3A_128 = arith.constant 0 : index
      %get3A_129 = arith.constant 0 : index
      %get3A_130 = vector.load %arg36[%get3A_126, %get3A_127, %get3A_128, %get3A_129] : memref<3x3x96x96xf32, #tpu.memory_space<vmem>>, vector<1x1x96x96xf32>
      %get3A_131 = vector.shape_cast %get3A_130 : vector<1x1x96x96xf32> to vector<96x96xf32>
      %dot_general3A_132 = arith.constant dense<0.000000e+00> : vector<1360x96xf32>
      %dot_general3A_133 = tpu.matmul %slice3A_125, %get3A_131, %dot_general3A_132 {dimension_numbers = #tpu.dot_dimension_numbers<[1], [0], [0], [1], [0, 0, 1, 1], [], []>, transpose_lhs_hint = false} : vector<1360x96xf32>, vector<96x96xf32>, vector<1360x96xf32> -> vector<1360x96xf32>
      %add3A_134 = arith.addf %add3A_124, %dot_general3A_133 : vector<1360x96xf32>
      %slice3A_135 = vector.extract_strided_slice %select_n3A {offsets = [48, 0], sizes = [1360, 96], strides = [1, 1]} : vector<1456x96xf32> to vector<1360x96xf32>
      %get3A_136 = arith.constant 1 : index
      %get3A_137 = arith.constant 1 : index
      %get3A_138 = arith.constant 0 : index
      %get3A_139 = arith.constant 0 : index
      %get3A_140 = vector.load %arg36[%get3A_136, %get3A_137, %get3A_138, %get3A_139] : memref<3x3x96x96xf32, #tpu.memory_space<vmem>>, vector<1x1x96x96xf32>
      %get3A_141 = vector.shape_cast %get3A_140 : vector<1x1x96x96xf32> to vector<96x96xf32>
      %dot_general3A_142 = arith.constant dense<0.000000e+00> : vector<1360x96xf32>
      %dot_general3A_143 = tpu.matmul %slice3A_135, %get3A_141, %dot_general3A_142 {dimension_numbers = #tpu.dot_dimension_numbers<[1], [0], [0], [1], [0, 0, 1, 1], [], []>, transpose_lhs_hint = false} : vector<1360x96xf32>, vector<96x96xf32>, vector<1360x96xf32> -> vector<1360x96xf32>
      %add3A_144 = arith.addf %add3A_134, %dot_general3A_143 : vector<1360x96xf32>
      %slice3A_145 = vector.extract_strided_slice %slice3A {offsets = [48, 0], sizes = [1360, 96], strides = [1, 1]} : vector<1455x96xf32> to vector<1360x96xf32>
      %get3A_146 = arith.constant 1 : index
      %get3A_147 = arith.constant 2 : index
      %get3A_148 = arith.constant 0 : index
      %get3A_149 = arith.constant 0 : index
      %get3A_150 = vector.load %arg36[%get3A_146, %get3A_147, %get3A_148, %get3A_149] : memref<3x3x96x96xf32, #tpu.memory_space<vmem>>, vector<1x1x96x96xf32>
      %get3A_151 = vector.shape_cast %get3A_150 : vector<1x1x96x96xf32> to vector<96x96xf32>
      %dot_general3A_152 = arith.constant dense<0.000000e+00> : vector<1360x96xf32>
      %dot_general3A_153 = tpu.matmul %slice3A_145, %get3A_151, %dot_general3A_152 {dimension_numbers = #tpu.dot_dimension_numbers<[1], [0], [0], [1], [0, 0, 1, 1], [], []>, transpose_lhs_hint = false} : vector<1360x96xf32>, vector<96x96xf32>, vector<1360x96xf32> -> vector<1360x96xf32>
      %add3A_154 = arith.addf %add3A_144, %dot_general3A_153 : vector<1360x96xf32>
      %slice3A_155 = vector.extract_strided_slice %slice3A_96 {offsets = [80, 0], sizes = [1360, 96], strides = [1, 1]} : vector<1449x96xf32> to vector<1360x96xf32>
      %get3A_156 = arith.constant 2 : index
      %get3A_157 = arith.constant 0 : index
      %get3A_158 = arith.constant 0 : index
      %get3A_159 = arith.constant 0 : index
      %get3A_160 = vector.load %arg36[%get3A_156, %get3A_157, %get3A_158, %get3A_159] : memref<3x3x96x96xf32, #tpu.memory_space<vmem>>, vector<1x1x96x96xf32>
      %get3A_161 = vector.shape_cast %get3A_160 : vector<1x1x96x96xf32> to vector<96x96xf32>
      %dot_general3A_162 = arith.constant dense<0.000000e+00> : vector<1360x96xf32>
      %dot_general3A_163 = tpu.matmul %slice3A_155, %get3A_161, %dot_general3A_162 {dimension_numbers = #tpu.dot_dimension_numbers<[1], [0], [0], [1], [0, 0, 1, 1], [], []>, transpose_lhs_hint = false} : vector<1360x96xf32>, vector<96x96xf32>, vector<1360x96xf32> -> vector<1360x96xf32>
      %add3A_164 = arith.addf %add3A_154, %dot_general3A_163 : vector<1360x96xf32>
      %slice3A_165 = vector.extract_strided_slice %select_n3A {offsets = [88, 0], sizes = [1360, 96], strides = [1, 1]} : vector<1456x96xf32> to vector<1360x96xf32>
      %get3A_166 = arith.constant 2 : index
      %get3A_167 = arith.constant 1 : index
      %get3A_168 = arith.constant 0 : index
      %get3A_169 = arith.constant 0 : index
      %get3A_170 = vector.load %arg36[%get3A_166, %get3A_167, %get3A_168, %get3A_169] : memref<3x3x96x96xf32, #tpu.memory_space<vmem>>, vector<1x1x96x96xf32>
      %get3A_171 = vector.shape_cast %get3A_170 : vector<1x1x96x96xf32> to vector<96x96xf32>
      %dot_general3A_172 = arith.constant dense<0.000000e+00> : vector<1360x96xf32>
      %dot_general3A_173 = tpu.matmul %slice3A_165, %get3A_171, %dot_general3A_172 {dimension_numbers = #tpu.dot_dimension_numbers<[1], [0], [0], [1], [0, 0, 1, 1], [], []>, transpose_lhs_hint = false} : vector<1360x96xf32>, vector<96x96xf32>, vector<1360x96xf32> -> vector<1360x96xf32>
      %add3A_174 = arith.addf %add3A_164, %dot_general3A_173 : vector<1360x96xf32>
      %slice3A_175 = vector.extract_strided_slice %slice3A {offsets = [88, 0], sizes = [1360, 96], strides = [1, 1]} : vector<1455x96xf32> to vector<1360x96xf32>
      %get3A_176 = arith.constant 2 : index
      %get3A_177 = arith.constant 2 : index
      %get3A_178 = arith.constant 0 : index
      %get3A_179 = arith.constant 0 : index
      %get3A_180 = vector.load %arg36[%get3A_176, %get3A_177, %get3A_178, %get3A_179] : memref<3x3x96x96xf32, #tpu.memory_space<vmem>>, vector<1x1x96x96xf32>
      %get3A_181 = vector.shape_cast %get3A_180 : vector<1x1x96x96xf32> to vector<96x96xf32>
      %dot_general3A_182 = arith.constant dense<0.000000e+00> : vector<1360x96xf32>
      %dot_general3A_183 = tpu.matmul %slice3A_175, %get3A_181, %dot_general3A_182 {dimension_numbers = #tpu.dot_dimension_numbers<[1], [0], [0], [1], [0, 0, 1, 1], [], []>, transpose_lhs_hint = false} : vector<1360x96xf32>, vector<96x96xf32>, vector<1360x96xf32> -> vector<1360x96xf32>
      %add3A_184 = arith.addf %add3A_174, %dot_general3A_183 : vector<1360x96xf32>
      %get3A_185 = arith.constant 0 : index
      %get3A_186 = arith.constant 0 : index
      %get3A_187 = vector.load %arg3[%get3A_185, %get3A_186] : memref<1360x1xf32, #tpu.memory_space<vmem>>, vector<1360x1xf32>
      %mul3A_188 = vector.broadcast %get3A_187 : vector<1360x1xf32> to vector<1360x96xf32>
      %mul3A_189 = arith.mulf %add3A_184, %mul3A_188 : vector<1360x96xf32>
      %mul3A_190 = arith.constant 0.999994993 : f32
      %mul3A_191 = vector.broadcast %mul3A_190 : f32 to vector<1360x96xf32>
      %mul3A_192 = arith.mulf %mul3A_189, %mul3A_191 : vector<1360x96xf32>
      %ge3A_193 = arith.constant 0.000000e+00 : f32
      %ge3A_194 = vector.broadcast %ge3A_193 : f32 to vector<1360x96xf32>
      %ge3A_195 = arith.cmpf oge, %mul3A_192, %ge3A_194 : vector<1360x96xf32>
      %mul3A_196 = arith.constant 1.000000e-01 : f32
      %mul3A_197 = vector.broadcast %mul3A_196 : f32 to vector<1360x96xf32>
      %mul3A_198 = arith.mulf %mul3A_197, %mul3A_192 : vector<1360x96xf32>
      %select_n3A_199 = arith.select %ge3A_195, %mul3A_192, %mul3A_198 : vector<1360x96xi1>, vector<1360x96xf32>
      %broadcast_in_dim3A_200 = arith.constant 0.000000e+00 : f32
      %broadcast_in_dim3A_201 = vector.broadcast %broadcast_in_dim3A_200 : f32 to vector<48x96xf32>
      %concatenate3A = tpu.concatenate %broadcast_in_dim3A_201, %select_n3A_199, %broadcast_in_dim3A_201 in 0 : vector<48x96xf32>, vector<1360x96xf32>, vector<48x96xf32> -> vector<1456x96xf32>
      %reshape3A = vector.shape_cast %concatenate3A : vector<1456x96xf32> to vector<1x1456x96xf32>
      %slice3A_202 = vector.extract_strided_slice %reshape3A {offsets = [0, 48, 0], sizes = [1, 1360, 96], strides = [1, 1, 1]} : vector<1x1456x96xf32> to vector<1x1360x96xf32>
      %reshape3A_203 = vector.shape_cast %slice3A_202 : vector<1x1360x96xf32> to vector<1x34x40x96xf32>
      %slice3A_204 = vector.extract_strided_slice %reshape3A_203 {offsets = [0, 1, 1, 0], sizes = [1, 32, 32, 96], strides = [1, 1, 1, 1]} : vector<1x34x40x96xf32> to vector<1x32x32x96xf32>
      %reshape3A_205 = vector.shape_cast %slice3A_204 : vector<1x32x32x96xf32> to vector<1x16x2x32x96xf32>
      %slice3A_206 = vector.extract_strided_slice %reshape3A_205 {offsets = [0, 0, 0, 0, 0], sizes = [1, 16, 1, 32, 96], strides = [1, 1, 1, 1, 1]} : vector<1x16x2x32x96xf32> to vector<1x16x1x32x96xf32>
      %squeeze3A = vector.shape_cast %slice3A_206 : vector<1x16x1x32x96xf32> to vector<1x16x32x96xf32>
      %slice3A_207 = vector.extract_strided_slice %reshape3A_205 {offsets = [0, 0, 1, 0, 0], sizes = [1, 16, 1, 32, 96], strides = [1, 1, 1, 1, 1]} : vector<1x16x2x32x96xf32> to vector<1x16x1x32x96xf32>
      %squeeze3A_208 = vector.shape_cast %slice3A_207 : vector<1x16x1x32x96xf32> to vector<1x16x32x96xf32>
      %max3A = arith.maximumf %squeeze3A, %squeeze3A_208 : vector<1x16x32x96xf32>
      %reshape3A_209 = vector.shape_cast %max3A : vector<1x16x32x96xf32> to vector<1x16x16x2x96xf32>
      %slice3A_210 = vector.extract_strided_slice %reshape3A_209 {offsets = [0, 0, 0, 0, 0], sizes = [1, 16, 16, 1, 96], strides = [1, 1, 1, 1, 1]} : vector<1x16x16x2x96xf32> to vector<1x16x16x1x96xf32>
      %squeeze3A_211 = vector.shape_cast %slice3A_210 : vector<1x16x16x1x96xf32> to vector<1x16x16x96xf32>
      %slice3A_212 = vector.extract_strided_slice %reshape3A_209 {offsets = [0, 0, 0, 1, 0], sizes = [1, 16, 16, 1, 96], strides = [1, 1, 1, 1, 1]} : vector<1x16x16x2x96xf32> to vector<1x16x16x1x96xf32>
      %squeeze3A_213 = vector.shape_cast %slice3A_212 : vector<1x16x16x1x96xf32> to vector<1x16x16x96xf32>
      %max3A_214 = arith.maximumf %squeeze3A_211, %squeeze3A_213 : vector<1x16x16x96xf32>
      %broadcast_in_dim3A_215 = arith.constant 0.000000e+00 : f32
      %broadcast_in_dim3A_216 = vector.broadcast %broadcast_in_dim3A_215 : f32 to vector<1x16x1x96xf32>
      %broadcast_in_dim3A_217 = arith.constant 0.000000e+00 : f32
      %broadcast_in_dim3A_218 = vector.broadcast %broadcast_in_dim3A_217 : f32 to vector<1x16x7x96xf32>
      %concatenate3A_219 = tpu.concatenate %broadcast_in_dim3A_216, %max3A_214, %broadcast_in_dim3A_218 in 2 : vector<1x16x1x96xf32>, vector<1x16x16x96xf32>, vector<1x16x7x96xf32> -> vector<1x16x24x96xf32>
      %broadcast_in_dim3A_220 = arith.constant 0.000000e+00 : f32
      %broadcast_in_dim3A_221 = vector.broadcast %broadcast_in_dim3A_220 : f32 to vector<1x1x24x96xf32>
      %concatenate3A_222 = tpu.concatenate %broadcast_in_dim3A_221, %concatenate3A_219, %broadcast_in_dim3A_221 in 1 : vector<1x1x24x96xf32>, vector<1x16x24x96xf32>, vector<1x1x24x96xf32> -> vector<1x18x24x96xf32>
      %reshape3A_223 = vector.shape_cast %concatenate3A_222 : vector<1x18x24x96xf32> to vector<1x432x96xf32>
      %broadcast_in_dim3A_224 = arith.constant 0.000000e+00 : f32
      %broadcast_in_dim3A_225 = vector.broadcast %broadcast_in_dim3A_224 : f32 to vector<1x48x96xf32>
      %concatenate3A_226 = tpu.concatenate %broadcast_in_dim3A_225, %reshape3A_223, %broadcast_in_dim3A_225 in 1 : vector<1x48x96xf32>, vector<1x432x96xf32>, vector<1x48x96xf32> -> vector<1x528x96xf32>
      %reshape3A_227 = vector.shape_cast %concatenate3A_226 : vector<1x528x96xf32> to vector<528x96xf32>
      %get3A_228 = arith.constant 0 : index
      %get3A_229 = arith.constant 0 : index
      %get3A_230 = vector.load %arg37[%get3A_228, %get3A_229] : memref<96x192xf32, #tpu.memory_space<vmem>>, vector<96x192xf32>
      %dot_general3A_231 = arith.constant dense<0.000000e+00> : vector<528x192xf32>
      %dot_general3A_232 = tpu.matmul %reshape3A_227, %get3A_230, %dot_general3A_231 {dimension_numbers = #tpu.dot_dimension_numbers<[1], [0], [0], [1], [0, 0, 1, 1], [], []>, transpose_lhs_hint = false} : vector<528x96xf32>, vector<96x192xf32>, vector<528x192xf32> -> vector<528x192xf32>
      %mul3A_233 = arith.constant 0.999994993 : f32
      %mul3A_234 = vector.broadcast %mul3A_233 : f32 to vector<528x192xf32>
      %mul3A_235 = arith.mulf %dot_general3A_232, %mul3A_234 : vector<528x192xf32>
      %ge3A_236 = arith.constant 0.000000e+00 : f32
      %ge3A_237 = vector.broadcast %ge3A_236 : f32 to vector<528x192xf32>
      %ge3A_238 = arith.cmpf oge, %mul3A_235, %ge3A_237 : vector<528x192xf32>
      %mul3A_239 = arith.constant 1.000000e-01 : f32
      %mul3A_240 = vector.broadcast %mul3A_239 : f32 to vector<528x192xf32>
      %mul3A_241 = arith.mulf %mul3A_240, %mul3A_235 : vector<528x192xf32>
      %select_n3A_242 = arith.select %ge3A_238, %mul3A_235, %mul3A_241 : vector<528x192xi1>, vector<528x192xf32>
      %slice3A_243 = vector.extract_strided_slice %select_n3A_242 {offsets = [1, 0], sizes = [527, 192], strides = [1, 1]} : vector<528x192xf32> to vector<527x192xf32>
      %slice3A_244 = vector.extract_strided_slice %select_n3A_242 {offsets = [7, 0], sizes = [521, 192], strides = [1, 1]} : vector<528x192xf32> to vector<521x192xf32>
      %slice3A_245 = vector.extract_strided_slice %slice3A_244 {offsets = [16, 0], sizes = [432, 192], strides = [1, 1]} : vector<521x192xf32> to vector<432x192xf32>
      %get3A_246 = arith.constant 0 : index
      %get3A_247 = arith.constant 0 : index
      %get3A_248 = arith.constant 0 : index
      %get3A_249 = arith.constant 0 : index
      %get3A_250 = vector.load %arg38[%get3A_246, %get3A_247, %get3A_248, %get3A_249] : memref<3x3x192x192xf32, #tpu.memory_space<vmem>>, vector<1x1x192x192xf32>
      %get3A_251 = vector.shape_cast %get3A_250 : vector<1x1x192x192xf32> to vector<192x192xf32>
      %dot_general3A_252 = arith.constant dense<0.000000e+00> : vector<432x192xf32>
      %dot_general3A_253 = tpu.matmul %slice3A_245, %get3A_251, %dot_general3A_252 {dimension_numbers = #tpu.dot_dimension_numbers<[1], [0], [0], [1], [0, 0, 1, 1], [], []>, transpose_lhs_hint = false} : vector<432x192xf32>, vector<192x192xf32>, vector<432x192xf32> -> vector<432x192xf32>
      %slice3A_254 = vector.extract_strided_slice %select_n3A_242 {offsets = [24, 0], sizes = [432, 192], strides = [1, 1]} : vector<528x192xf32> to vector<432x192xf32>
      %get3A_255 = arith.constant 0 : index
      %get3A_256 = arith.constant 1 : index
      %get3A_257 = arith.constant 0 : index
      %get3A_258 = arith.constant 0 : index
      %get3A_259 = vector.load %arg38[%get3A_255, %get3A_256, %get3A_257, %get3A_258] : memref<3x3x192x192xf32, #tpu.memory_space<vmem>>, vector<1x1x192x192xf32>
      %get3A_260 = vector.shape_cast %get3A_259 : vector<1x1x192x192xf32> to vector<192x192xf32>
      %dot_general3A_261 = arith.constant dense<0.000000e+00> : vector<432x192xf32>
      %dot_general3A_262 = tpu.matmul %slice3A_254, %get3A_260, %dot_general3A_261 {dimension_numbers = #tpu.dot_dimension_numbers<[1], [0], [0], [1], [0, 0, 1, 1], [], []>, transpose_lhs_hint = false} : vector<432x192xf32>, vector<192x192xf32>, vector<432x192xf32> -> vector<432x192xf32>
      %add3A_263 = arith.addf %dot_general3A_253, %dot_general3A_262 : vector<432x192xf32>
      %slice3A_264 = vector.extract_strided_slice %slice3A_243 {offsets = [24, 0], sizes = [432, 192], strides = [1, 1]} : vector<527x192xf32> to vector<432x192xf32>
      %get3A_265 = arith.constant 0 : index
      %get3A_266 = arith.constant 2 : index
      %get3A_267 = arith.constant 0 : index
      %get3A_268 = arith.constant 0 : index
      %get3A_269 = vector.load %arg38[%get3A_265, %get3A_266, %get3A_267, %get3A_268] : memref<3x3x192x192xf32, #tpu.memory_space<vmem>>, vector<1x1x192x192xf32>
      %get3A_270 = vector.shape_cast %get3A_269 : vector<1x1x192x192xf32> to vector<192x192xf32>
      %dot_general3A_271 = arith.constant dense<0.000000e+00> : vector<432x192xf32>
      %dot_general3A_272 = tpu.matmul %slice3A_264, %get3A_270, %dot_general3A_271 {dimension_numbers = #tpu.dot_dimension_numbers<[1], [0], [0], [1], [0, 0, 1, 1], [], []>, transpose_lhs_hint = false} : vector<432x192xf32>, vector<192x192xf32>, vector<432x192xf32> -> vector<432x192xf32>
      %add3A_273 = arith.addf %add3A_263, %dot_general3A_272 : vector<432x192xf32>
      %slice3A_274 = vector.extract_strided_slice %slice3A_244 {offsets = [40, 0], sizes = [432, 192], strides = [1, 1]} : vector<521x192xf32> to vector<432x192xf32>
      %get3A_275 = arith.constant 1 : index
      %get3A_276 = arith.constant 0 : index
      %get3A_277 = arith.constant 0 : index
      %get3A_278 = arith.constant 0 : index
      %get3A_279 = vector.load %arg38[%get3A_275, %get3A_276, %get3A_277, %get3A_278] : memref<3x3x192x192xf32, #tpu.memory_space<vmem>>, vector<1x1x192x192xf32>
      %get3A_280 = vector.shape_cast %get3A_279 : vector<1x1x192x192xf32> to vector<192x192xf32>
      %dot_general3A_281 = arith.constant dense<0.000000e+00> : vector<432x192xf32>
      %dot_general3A_282 = tpu.matmul %slice3A_274, %get3A_280, %dot_general3A_281 {dimension_numbers = #tpu.dot_dimension_numbers<[1], [0], [0], [1], [0, 0, 1, 1], [], []>, transpose_lhs_hint = false} : vector<432x192xf32>, vector<192x192xf32>, vector<432x192xf32> -> vector<432x192xf32>
      %add3A_283 = arith.addf %add3A_273, %dot_general3A_282 : vector<432x192xf32>
      %slice3A_284 = vector.extract_strided_slice %select_n3A_242 {offsets = [48, 0], sizes = [432, 192], strides = [1, 1]} : vector<528x192xf32> to vector<432x192xf32>
      %get3A_285 = arith.constant 1 : index
      %get3A_286 = arith.constant 1 : index
      %get3A_287 = arith.constant 0 : index
      %get3A_288 = arith.constant 0 : index
      %get3A_289 = vector.load %arg38[%get3A_285, %get3A_286, %get3A_287, %get3A_288] : memref<3x3x192x192xf32, #tpu.memory_space<vmem>>, vector<1x1x192x192xf32>
      %get3A_290 = vector.shape_cast %get3A_289 : vector<1x1x192x192xf32> to vector<192x192xf32>
      %dot_general3A_291 = arith.constant dense<0.000000e+00> : vector<432x192xf32>
      %dot_general3A_292 = tpu.matmul %slice3A_284, %get3A_290, %dot_general3A_291 {dimension_numbers = #tpu.dot_dimension_numbers<[1], [0], [0], [1], [0, 0, 1, 1], [], []>, transpose_lhs_hint = false} : vector<432x192xf32>, vector<192x192xf32>, vector<432x192xf32> -> vector<432x192xf32>
      %add3A_293 = arith.addf %add3A_283, %dot_general3A_292 : vector<432x192xf32>
      %slice3A_294 = vector.extract_strided_slice %slice3A_243 {offsets = [48, 0], sizes = [432, 192], strides = [1, 1]} : vector<527x192xf32> to vector<432x192xf32>
      %get3A_295 = arith.constant 1 : index
      %get3A_296 = arith.constant 2 : index
      %get3A_297 = arith.constant 0 : index
      %get3A_298 = arith.constant 0 : index
      %get3A_299 = vector.load %arg38[%get3A_295, %get3A_296, %get3A_297, %get3A_298] : memref<3x3x192x192xf32, #tpu.memory_space<vmem>>, vector<1x1x192x192xf32>
      %get3A_300 = vector.shape_cast %get3A_299 : vector<1x1x192x192xf32> to vector<192x192xf32>
      %dot_general3A_301 = arith.constant dense<0.000000e+00> : vector<432x192xf32>
      %dot_general3A_302 = tpu.matmul %slice3A_294, %get3A_300, %dot_general3A_301 {dimension_numbers = #tpu.dot_dimension_numbers<[1], [0], [0], [1], [0, 0, 1, 1], [], []>, transpose_lhs_hint = false} : vector<432x192xf32>, vector<192x192xf32>, vector<432x192xf32> -> vector<432x192xf32>
      %add3A_303 = arith.addf %add3A_293, %dot_general3A_302 : vector<432x192xf32>
      %slice3A_304 = vector.extract_strided_slice %slice3A_244 {offsets = [64, 0], sizes = [432, 192], strides = [1, 1]} : vector<521x192xf32> to vector<432x192xf32>
      %get3A_305 = arith.constant 2 : index
      %get3A_306 = arith.constant 0 : index
      %get3A_307 = arith.constant 0 : index
      %get3A_308 = arith.constant 0 : index
      %get3A_309 = vector.load %arg38[%get3A_305, %get3A_306, %get3A_307, %get3A_308] : memref<3x3x192x192xf32, #tpu.memory_space<vmem>>, vector<1x1x192x192xf32>
      %get3A_310 = vector.shape_cast %get3A_309 : vector<1x1x192x192xf32> to vector<192x192xf32>
      %dot_general3A_311 = arith.constant dense<0.000000e+00> : vector<432x192xf32>
      %dot_general3A_312 = tpu.matmul %slice3A_304, %get3A_310, %dot_general3A_311 {dimension_numbers = #tpu.dot_dimension_numbers<[1], [0], [0], [1], [0, 0, 1, 1], [], []>, transpose_lhs_hint = false} : vector<432x192xf32>, vector<192x192xf32>, vector<432x192xf32> -> vector<432x192xf32>
      %add3A_313 = arith.addf %add3A_303, %dot_general3A_312 : vector<432x192xf32>
      %slice3A_314 = vector.extract_strided_slice %select_n3A_242 {offsets = [72, 0], sizes = [432, 192], strides = [1, 1]} : vector<528x192xf32> to vector<432x192xf32>
      %get3A_315 = arith.constant 2 : index
      %get3A_316 = arith.constant 1 : index
      %get3A_317 = arith.constant 0 : index
      %get3A_318 = arith.constant 0 : index
      %get3A_319 = vector.load %arg38[%get3A_315, %get3A_316, %get3A_317, %get3A_318] : memref<3x3x192x192xf32, #tpu.memory_space<vmem>>, vector<1x1x192x192xf32>
      %get3A_320 = vector.shape_cast %get3A_319 : vector<1x1x192x192xf32> to vector<192x192xf32>
      %dot_general3A_321 = arith.constant dense<0.000000e+00> : vector<432x192xf32>
      %dot_general3A_322 = tpu.matmul %slice3A_314, %get3A_320, %dot_general3A_321 {dimension_numbers = #tpu.dot_dimension_numbers<[1], [0], [0], [1], [0, 0, 1, 1], [], []>, transpose_lhs_hint = false} : vector<432x192xf32>, vector<192x192xf32>, vector<432x192xf32> -> vector<432x192xf32>
      %add3A_323 = arith.addf %add3A_313, %dot_general3A_322 : vector<432x192xf32>
      %slice3A_324 = vector.extract_strided_slice %slice3A_243 {offsets = [72, 0], sizes = [432, 192], strides = [1, 1]} : vector<527x192xf32> to vector<432x192xf32>
      %get3A_325 = arith.constant 2 : index
      %get3A_326 = arith.constant 2 : index
      %get3A_327 = arith.constant 0 : index
      %get3A_328 = arith.constant 0 : index
      %get3A_329 = vector.load %arg38[%get3A_325, %get3A_326, %get3A_327, %get3A_328] : memref<3x3x192x192xf32, #tpu.memory_space<vmem>>, vector<1x1x192x192xf32>
      %get3A_330 = vector.shape_cast %get3A_329 : vector<1x1x192x192xf32> to vector<192x192xf32>
      %dot_general3A_331 = arith.constant dense<0.000000e+00> : vector<432x192xf32>
      %dot_general3A_332 = tpu.matmul %slice3A_324, %get3A_330, %dot_general3A_331 {dimension_numbers = #tpu.dot_dimension_numbers<[1], [0], [0], [1], [0, 0, 1, 1], [], []>, transpose_lhs_hint = false} : vector<432x192xf32>, vector<192x192xf32>, vector<432x192xf32> -> vector<432x192xf32>
      %add3A_333 = arith.addf %add3A_323, %dot_general3A_332 : vector<432x192xf32>
      %get3A_334 = arith.constant 0 : index
      %get3A_335 = arith.constant 0 : index
      %get3A_336 = vector.load %arg4[%get3A_334, %get3A_335] : memref<432x1xf32, #tpu.memory_space<vmem>>, vector<432x1xf32>
      %mul3A_337 = vector.broadcast %get3A_336 : vector<432x1xf32> to vector<432x192xf32>
      %mul3A_338 = arith.mulf %add3A_333, %mul3A_337 : vector<432x192xf32>
      %mul3A_339 = arith.constant 0.999994993 : f32
      %mul3A_340 = vector.broadcast %mul3A_339 : f32 to vector<432x192xf32>
      %mul3A_341 = arith.mulf %mul3A_338, %mul3A_340 : vector<432x192xf32>
      %ge3A_342 = arith.constant 0.000000e+00 : f32
      %ge3A_343 = vector.broadcast %ge3A_342 : f32 to vector<432x192xf32>
      %ge3A_344 = arith.cmpf oge, %mul3A_341, %ge3A_343 : vector<432x192xf32>
      %mul3A_345 = arith.constant 1.000000e-01 : f32
      %mul3A_346 = vector.broadcast %mul3A_345 : f32 to vector<432x192xf32>
      %mul3A_347 = arith.mulf %mul3A_346, %mul3A_341 : vector<432x192xf32>
      %select_n3A_348 = arith.select %ge3A_344, %mul3A_341, %mul3A_347 : vector<432x192xi1>, vector<432x192xf32>
      %broadcast_in_dim3A_349 = arith.constant 0.000000e+00 : f32
      %broadcast_in_dim3A_350 = vector.broadcast %broadcast_in_dim3A_349 : f32 to vector<48x192xf32>
      %concatenate3A_351 = tpu.concatenate %broadcast_in_dim3A_350, %select_n3A_348, %broadcast_in_dim3A_350 in 0 : vector<48x192xf32>, vector<432x192xf32>, vector<48x192xf32> -> vector<528x192xf32>
      %reshape3A_352 = vector.shape_cast %concatenate3A_351 : vector<528x192xf32> to vector<1x528x192xf32>
      %slice3A_353 = vector.extract_strided_slice %reshape3A_352 {offsets = [0, 48, 0], sizes = [1, 432, 192], strides = [1, 1, 1]} : vector<1x528x192xf32> to vector<1x432x192xf32>
      %reshape3A_354 = vector.shape_cast %slice3A_353 : vector<1x432x192xf32> to vector<1x18x24x192xf32>
      %slice3A_355 = vector.extract_strided_slice %reshape3A_354 {offsets = [0, 1, 1, 0], sizes = [1, 16, 16, 192], strides = [1, 1, 1, 1]} : vector<1x18x24x192xf32> to vector<1x16x16x192xf32>
      %reshape3A_356 = vector.shape_cast %slice3A_355 : vector<1x16x16x192xf32> to vector<1x8x2x16x192xf32>
      %slice3A_357 = vector.extract_strided_slice %reshape3A_356 {offsets = [0, 0, 0, 0, 0], sizes = [1, 8, 1, 16, 192], strides = [1, 1, 1, 1, 1]} : vector<1x8x2x16x192xf32> to vector<1x8x1x16x192xf32>
      %squeeze3A_358 = vector.shape_cast %slice3A_357 : vector<1x8x1x16x192xf32> to vector<1x8x16x192xf32>
      %slice3A_359 = vector.extract_strided_slice %reshape3A_356 {offsets = [0, 0, 1, 0, 0], sizes = [1, 8, 1, 16, 192], strides = [1, 1, 1, 1, 1]} : vector<1x8x2x16x192xf32> to vector<1x8x1x16x192xf32>
      %squeeze3A_360 = vector.shape_cast %slice3A_359 : vector<1x8x1x16x192xf32> to vector<1x8x16x192xf32>
      %max3A_361 = arith.maximumf %squeeze3A_358, %squeeze3A_360 : vector<1x8x16x192xf32>
      %reshape3A_362 = vector.shape_cast %max3A_361 : vector<1x8x16x192xf32> to vector<1x8x8x2x192xf32>
      %slice3A_363 = vector.extract_strided_slice %reshape3A_362 {offsets = [0, 0, 0, 0, 0], sizes = [1, 8, 8, 1, 192], strides = [1, 1, 1, 1, 1]} : vector<1x8x8x2x192xf32> to vector<1x8x8x1x192xf32>
      %squeeze3A_364 = vector.shape_cast %slice3A_363 : vector<1x8x8x1x192xf32> to vector<1x8x8x192xf32>
      %slice3A_365 = vector.extract_strided_slice %reshape3A_362 {offsets = [0, 0, 0, 1, 0], sizes = [1, 8, 8, 1, 192], strides = [1, 1, 1, 1, 1]} : vector<1x8x8x2x192xf32> to vector<1x8x8x1x192xf32>
      %squeeze3A_366 = vector.shape_cast %slice3A_365 : vector<1x8x8x1x192xf32> to vector<1x8x8x192xf32>
      %max3A_367 = arith.maximumf %squeeze3A_364, %squeeze3A_366 : vector<1x8x8x192xf32>
      %broadcast_in_dim3A_368 = arith.constant 0.000000e+00 : f32
      %broadcast_in_dim3A_369 = vector.broadcast %broadcast_in_dim3A_368 : f32 to vector<1x8x1x192xf32>
      %broadcast_in_dim3A_370 = arith.constant 0.000000e+00 : f32
      %broadcast_in_dim3A_371 = vector.broadcast %broadcast_in_dim3A_370 : f32 to vector<1x8x7x192xf32>
      %concatenate3A_372 = tpu.concatenate %broadcast_in_dim3A_369, %max3A_367, %broadcast_in_dim3A_371 in 2 : vector<1x8x1x192xf32>, vector<1x8x8x192xf32>, vector<1x8x7x192xf32> -> vector<1x8x16x192xf32>
      %broadcast_in_dim3A_373 = arith.constant 0.000000e+00 : f32
      %broadcast_in_dim3A_374 = vector.broadcast %broadcast_in_dim3A_373 : f32 to vector<1x1x16x192xf32>
      %concatenate3A_375 = tpu.concatenate %broadcast_in_dim3A_374, %concatenate3A_372, %broadcast_in_dim3A_374 in 1 : vector<1x1x16x192xf32>, vector<1x8x16x192xf32>, vector<1x1x16x192xf32> -> vector<1x10x16x192xf32>
      %reshape3A_376 = vector.shape_cast %concatenate3A_375 : vector<1x10x16x192xf32> to vector<1x160x192xf32>
      %broadcast_in_dim3A_377 = arith.constant 0.000000e+00 : f32
      %broadcast_in_dim3A_378 = vector.broadcast %broadcast_in_dim3A_377 : f32 to vector<1x48x192xf32>
      %concatenate3A_379 = tpu.concatenate %broadcast_in_dim3A_378, %reshape3A_376, %broadcast_in_dim3A_378 in 1 : vector<1x48x192xf32>, vector<1x160x192xf32>, vector<1x48x192xf32> -> vector<1x256x192xf32>
      %reshape3A_380 = vector.shape_cast %concatenate3A_379 : vector<1x256x192xf32> to vector<256x192xf32>
      %get3A_381 = arith.constant 0 : index
      %get3A_382 = arith.constant 0 : index
      %get3A_383 = vector.load %arg39[%get3A_381, %get3A_382] : memref<192x384xf32, #tpu.memory_space<vmem>>, vector<192x384xf32>
      %dot_general3A_384 = arith.constant dense<0.000000e+00> : vector<256x384xf32>
      %dot_general3A_385 = tpu.matmul %reshape3A_380, %get3A_383, %dot_general3A_384 {dimension_numbers = #tpu.dot_dimension_numbers<[1], [0], [0], [1], [0, 0, 1, 1], [], []>, transpose_lhs_hint = false} : vector<256x192xf32>, vector<192x384xf32>, vector<256x384xf32> -> vector<256x384xf32>
      %mul3A_386 = arith.constant 0.999994993 : f32
      %mul3A_387 = vector.broadcast %mul3A_386 : f32 to vector<256x384xf32>
      %mul3A_388 = arith.mulf %dot_general3A_385, %mul3A_387 : vector<256x384xf32>
      %ge3A_389 = arith.constant 0.000000e+00 : f32
      %ge3A_390 = vector.broadcast %ge3A_389 : f32 to vector<256x384xf32>
      %ge3A_391 = arith.cmpf oge, %mul3A_388, %ge3A_390 : vector<256x384xf32>
      %mul3A_392 = arith.constant 1.000000e-01 : f32
      %mul3A_393 = vector.broadcast %mul3A_392 : f32 to vector<256x384xf32>
      %mul3A_394 = arith.mulf %mul3A_393, %mul3A_388 : vector<256x384xf32>
      %select_n3A_395 = arith.select %ge3A_391, %mul3A_388, %mul3A_394 : vector<256x384xi1>, vector<256x384xf32>
      %slice3A_396 = vector.extract_strided_slice %select_n3A_395 {offsets = [1, 0], sizes = [255, 384], strides = [1, 1]} : vector<256x384xf32> to vector<255x384xf32>
      %slice3A_397 = vector.extract_strided_slice %select_n3A_395 {offsets = [7, 0], sizes = [249, 384], strides = [1, 1]} : vector<256x384xf32> to vector<249x384xf32>
      %slice3A_398 = vector.extract_strided_slice %slice3A_397 {offsets = [24, 0], sizes = [160, 384], strides = [1, 1]} : vector<249x384xf32> to vector<160x384xf32>
      %get3A_399 = arith.constant 0 : index
      %get3A_400 = arith.constant 0 : index
      %get3A_401 = arith.constant 0 : index
      %get3A_402 = arith.constant 0 : index
      %get3A_403 = vector.load %arg40[%get3A_399, %get3A_400, %get3A_401, %get3A_402] : memref<3x3x384x384xf32, #tpu.memory_space<vmem>>, vector<1x1x384x384xf32>
      %get3A_404 = vector.shape_cast %get3A_403 : vector<1x1x384x384xf32> to vector<384x384xf32>
      %dot_general3A_405 = arith.constant dense<0.000000e+00> : vector<160x384xf32>
      %dot_general3A_406 = tpu.matmul %slice3A_398, %get3A_404, %dot_general3A_405 {dimension_numbers = #tpu.dot_dimension_numbers<[1], [0], [0], [1], [0, 0, 1, 1], [], []>, transpose_lhs_hint = false} : vector<160x384xf32>, vector<384x384xf32>, vector<160x384xf32> -> vector<160x384xf32>
      %slice3A_407 = vector.extract_strided_slice %select_n3A_395 {offsets = [32, 0], sizes = [160, 384], strides = [1, 1]} : vector<256x384xf32> to vector<160x384xf32>
      %get3A_408 = arith.constant 0 : index
      %get3A_409 = arith.constant 1 : index
      %get3A_410 = arith.constant 0 : index
      %get3A_411 = arith.constant 0 : index
      %get3A_412 = vector.load %arg40[%get3A_408, %get3A_409, %get3A_410, %get3A_411] : memref<3x3x384x384xf32, #tpu.memory_space<vmem>>, vector<1x1x384x384xf32>
      %get3A_413 = vector.shape_cast %get3A_412 : vector<1x1x384x384xf32> to vector<384x384xf32>
      %dot_general3A_414 = arith.constant dense<0.000000e+00> : vector<160x384xf32>
      %dot_general3A_415 = tpu.matmul %slice3A_407, %get3A_413, %dot_general3A_414 {dimension_numbers = #tpu.dot_dimension_numbers<[1], [0], [0], [1], [0, 0, 1, 1], [], []>, transpose_lhs_hint = false} : vector<160x384xf32>, vector<384x384xf32>, vector<160x384xf32> -> vector<160x384xf32>
      %add3A_416 = arith.addf %dot_general3A_406, %dot_general3A_415 : vector<160x384xf32>
      %slice3A_417 = vector.extract_strided_slice %slice3A_396 {offsets = [32, 0], sizes = [160, 384], strides = [1, 1]} : vector<255x384xf32> to vector<160x384xf32>
      %get3A_418 = arith.constant 0 : index
      %get3A_419 = arith.constant 2 : index
      %get3A_420 = arith.constant 0 : index
      %get3A_421 = arith.constant 0 : index
      %get3A_422 = vector.load %arg40[%get3A_418, %get3A_419, %get3A_420, %get3A_421] : memref<3x3x384x384xf32, #tpu.memory_space<vmem>>, vector<1x1x384x384xf32>
      %get3A_423 = vector.shape_cast %get3A_422 : vector<1x1x384x384xf32> to vector<384x384xf32>
      %dot_general3A_424 = arith.constant dense<0.000000e+00> : vector<160x384xf32>
      %dot_general3A_425 = tpu.matmul %slice3A_417, %get3A_423, %dot_general3A_424 {dimension_numbers = #tpu.dot_dimension_numbers<[1], [0], [0], [1], [0, 0, 1, 1], [], []>, transpose_lhs_hint = false} : vector<160x384xf32>, vector<384x384xf32>, vector<160x384xf32> -> vector<160x384xf32>
      %add3A_426 = arith.addf %add3A_416, %dot_general3A_425 : vector<160x384xf32>
      %slice3A_427 = vector.extract_strided_slice %slice3A_397 {offsets = [40, 0], sizes = [160, 384], strides = [1, 1]} : vector<249x384xf32> to vector<160x384xf32>
      %get3A_428 = arith.constant 1 : index
      %get3A_429 = arith.constant 0 : index
      %get3A_430 = arith.constant 0 : index
      %get3A_431 = arith.constant 0 : index
      %get3A_432 = vector.load %arg40[%get3A_428, %get3A_429, %get3A_430, %get3A_431] : memref<3x3x384x384xf32, #tpu.memory_space<vmem>>, vector<1x1x384x384xf32>
      %get3A_433 = vector.shape_cast %get3A_432 : vector<1x1x384x384xf32> to vector<384x384xf32>
      %dot_general3A_434 = arith.constant dense<0.000000e+00> : vector<160x384xf32>
      %dot_general3A_435 = tpu.matmul %slice3A_427, %get3A_433, %dot_general3A_434 {dimension_numbers = #tpu.dot_dimension_numbers<[1], [0], [0], [1], [0, 0, 1, 1], [], []>, transpose_lhs_hint = false} : vector<160x384xf32>, vector<384x384xf32>, vector<160x384xf32> -> vector<160x384xf32>
      %add3A_436 = arith.addf %add3A_426, %dot_general3A_435 : vector<160x384xf32>
      %slice3A_437 = vector.extract_strided_slice %select_n3A_395 {offsets = [48, 0], sizes = [160, 384], strides = [1, 1]} : vector<256x384xf32> to vector<160x384xf32>
      %get3A_438 = arith.constant 1 : index
      %get3A_439 = arith.constant 1 : index
      %get3A_440 = arith.constant 0 : index
      %get3A_441 = arith.constant 0 : index
      %get3A_442 = vector.load %arg40[%get3A_438, %get3A_439, %get3A_440, %get3A_441] : memref<3x3x384x384xf32, #tpu.memory_space<vmem>>, vector<1x1x384x384xf32>
      %get3A_443 = vector.shape_cast %get3A_442 : vector<1x1x384x384xf32> to vector<384x384xf32>
      %dot_general3A_444 = arith.constant dense<0.000000e+00> : vector<160x384xf32>
      %dot_general3A_445 = tpu.matmul %slice3A_437, %get3A_443, %dot_general3A_444 {dimension_numbers = #tpu.dot_dimension_numbers<[1], [0], [0], [1], [0, 0, 1, 1], [], []>, transpose_lhs_hint = false} : vector<160x384xf32>, vector<384x384xf32>, vector<160x384xf32> -> vector<160x384xf32>
      %add3A_446 = arith.addf %add3A_436, %dot_general3A_445 : vector<160x384xf32>
      %slice3A_447 = vector.extract_strided_slice %slice3A_396 {offsets = [48, 0], sizes = [160, 384], strides = [1, 1]} : vector<255x384xf32> to vector<160x384xf32>
      %get3A_448 = arith.constant 1 : index
      %get3A_449 = arith.constant 2 : index
      %get3A_450 = arith.constant 0 : index
      %get3A_451 = arith.constant 0 : index
      %get3A_452 = vector.load %arg40[%get3A_448, %get3A_449, %get3A_450, %get3A_451] : memref<3x3x384x384xf32, #tpu.memory_space<vmem>>, vector<1x1x384x384xf32>
      %get3A_453 = vector.shape_cast %get3A_452 : vector<1x1x384x384xf32> to vector<384x384xf32>
      %dot_general3A_454 = arith.constant dense<0.000000e+00> : vector<160x384xf32>
      %dot_general3A_455 = tpu.matmul %slice3A_447, %get3A_453, %dot_general3A_454 {dimension_numbers = #tpu.dot_dimension_numbers<[1], [0], [0], [1], [0, 0, 1, 1], [], []>, transpose_lhs_hint = false} : vector<160x384xf32>, vector<384x384xf32>, vector<160x384xf32> -> vector<160x384xf32>
      %add3A_456 = arith.addf %add3A_446, %dot_general3A_455 : vector<160x384xf32>
      %slice3A_457 = vector.extract_strided_slice %slice3A_397 {offsets = [56, 0], sizes = [160, 384], strides = [1, 1]} : vector<249x384xf32> to vector<160x384xf32>
      %get3A_458 = arith.constant 2 : index
      %get3A_459 = arith.constant 0 : index
      %get3A_460 = arith.constant 0 : index
      %get3A_461 = arith.constant 0 : index
      %get3A_462 = vector.load %arg40[%get3A_458, %get3A_459, %get3A_460, %get3A_461] : memref<3x3x384x384xf32, #tpu.memory_space<vmem>>, vector<1x1x384x384xf32>
      %get3A_463 = vector.shape_cast %get3A_462 : vector<1x1x384x384xf32> to vector<384x384xf32>
      %dot_general3A_464 = arith.constant dense<0.000000e+00> : vector<160x384xf32>
      %dot_general3A_465 = tpu.matmul %slice3A_457, %get3A_463, %dot_general3A_464 {dimension_numbers = #tpu.dot_dimension_numbers<[1], [0], [0], [1], [0, 0, 1, 1], [], []>, transpose_lhs_hint = false} : vector<160x384xf32>, vector<384x384xf32>, vector<160x384xf32> -> vector<160x384xf32>
      %add3A_466 = arith.addf %add3A_456, %dot_general3A_465 : vector<160x384xf32>
      %slice3A_467 = vector.extract_strided_slice %select_n3A_395 {offsets = [64, 0], sizes = [160, 384], strides = [1, 1]} : vector<256x384xf32> to vector<160x384xf32>
      %get3A_468 = arith.constant 2 : index
      %get3A_469 = arith.constant 1 : index
      %get3A_470 = arith.constant 0 : index
      %get3A_471 = arith.constant 0 : index
      %get3A_472 = vector.load %arg40[%get3A_468, %get3A_469, %get3A_470, %get3A_471] : memref<3x3x384x384xf32, #tpu.memory_space<vmem>>, vector<1x1x384x384xf32>
      %get3A_473 = vector.shape_cast %get3A_472 : vector<1x1x384x384xf32> to vector<384x384xf32>
      %dot_general3A_474 = arith.constant dense<0.000000e+00> : vector<160x384xf32>
      %dot_general3A_475 = tpu.matmul %slice3A_467, %get3A_473, %dot_general3A_474 {dimension_numbers = #tpu.dot_dimension_numbers<[1], [0], [0], [1], [0, 0, 1, 1], [], []>, transpose_lhs_hint = false} : vector<160x384xf32>, vector<384x384xf32>, vector<160x384xf32> -> vector<160x384xf32>
      %add3A_476 = arith.addf %add3A_466, %dot_general3A_475 : vector<160x384xf32>
      %slice3A_477 = vector.extract_strided_slice %slice3A_396 {offsets = [64, 0], sizes = [160, 384], strides = [1, 1]} : vector<255x384xf32> to vector<160x384xf32>
      %get3A_478 = arith.constant 2 : index
      %get3A_479 = arith.constant 2 : index
      %get3A_480 = arith.constant 0 : index
      %get3A_481 = arith.constant 0 : index
      %get3A_482 = vector.load %arg40[%get3A_478, %get3A_479, %get3A_480, %get3A_481] : memref<3x3x384x384xf32, #tpu.memory_space<vmem>>, vector<1x1x384x384xf32>
      %get3A_483 = vector.shape_cast %get3A_482 : vector<1x1x384x384xf32> to vector<384x384xf32>
      %dot_general3A_484 = arith.constant dense<0.000000e+00> : vector<160x384xf32>
      %dot_general3A_485 = tpu.matmul %slice3A_477, %get3A_483, %dot_general3A_484 {dimension_numbers = #tpu.dot_dimension_numbers<[1], [0], [0], [1], [0, 0, 1, 1], [], []>, transpose_lhs_hint = false} : vector<160x384xf32>, vector<384x384xf32>, vector<160x384xf32> -> vector<160x384xf32>
      %add3A_486 = arith.addf %add3A_476, %dot_general3A_485 : vector<160x384xf32>
      %get3A_487 = arith.constant 0 : index
      %get3A_488 = arith.constant 0 : index
      %get3A_489 = vector.load %arg5[%get3A_487, %get3A_488] : memref<160x1xf32, #tpu.memory_space<vmem>>, vector<160x1xf32>
      %mul3A_490 = vector.broadcast %get3A_489 : vector<160x1xf32> to vector<160x384xf32>
      %mul3A_491 = arith.mulf %add3A_486, %mul3A_490 : vector<160x384xf32>
      %mul3A_492 = arith.constant 0.999994993 : f32
      %mul3A_493 = vector.broadcast %mul3A_492 : f32 to vector<160x384xf32>
      %mul3A_494 = arith.mulf %mul3A_491, %mul3A_493 : vector<160x384xf32>
      %ge3A_495 = arith.constant 0.000000e+00 : f32
      %ge3A_496 = vector.broadcast %ge3A_495 : f32 to vector<160x384xf32>
      %ge3A_497 = arith.cmpf oge, %mul3A_494, %ge3A_496 : vector<160x384xf32>
      %mul3A_498 = arith.constant 1.000000e-01 : f32
      %mul3A_499 = vector.broadcast %mul3A_498 : f32 to vector<160x384xf32>
      %mul3A_500 = arith.mulf %mul3A_499, %mul3A_494 : vector<160x384xf32>
      %select_n3A_501 = arith.select %ge3A_497, %mul3A_494, %mul3A_500 : vector<160x384xi1>, vector<160x384xf32>
      %broadcast_in_dim3A_502 = arith.constant 0.000000e+00 : f32
      %broadcast_in_dim3A_503 = vector.broadcast %broadcast_in_dim3A_502 : f32 to vector<48x384xf32>
      %concatenate3A_504 = tpu.concatenate %broadcast_in_dim3A_503, %select_n3A_501, %broadcast_in_dim3A_503 in 0 : vector<48x384xf32>, vector<160x384xf32>, vector<48x384xf32> -> vector<256x384xf32>
      %reshape3A_505 = vector.shape_cast %concatenate3A_504 : vector<256x384xf32> to vector<1x256x384xf32>
      %slice3A_506 = vector.extract_strided_slice %reshape3A_505 {offsets = [0, 48, 0], sizes = [1, 160, 384], strides = [1, 1, 1]} : vector<1x256x384xf32> to vector<1x160x384xf32>
      %reshape3A_507 = vector.shape_cast %slice3A_506 : vector<1x160x384xf32> to vector<160x384xf32>
      %get3A_508 = arith.constant 0 : index
      %get3A_509 = arith.constant 0 : index
      %get3A_510 = vector.load %arg41[%get3A_508, %get3A_509] : memref<384x100xf32, #tpu.memory_space<vmem>>, vector<384x100xf32>
      %dot_general3A_511 = arith.constant dense<0.000000e+00> : vector<160x100xf32>
      %dot_general3A_512 = tpu.matmul %reshape3A_507, %get3A_510, %dot_general3A_511 {dimension_numbers = #tpu.dot_dimension_numbers<[1], [0], [0], [1], [0, 0, 1, 1], [], []>, transpose_lhs_hint = false} : vector<160x384xf32>, vector<384x100xf32>, vector<160x100xf32> -> vector<160x100xf32>
      %ge3A_513 = arith.constant 0.000000e+00 : f32
      %ge3A_514 = vector.broadcast %ge3A_513 : f32 to vector<160x100xf32>
      %ge3A_515 = arith.cmpf oge, %dot_general3A_512, %ge3A_514 : vector<160x100xf32>
      %mul3A_516 = arith.constant 1.000000e-01 : f32
      %mul3A_517 = vector.broadcast %mul3A_516 : f32 to vector<160x100xf32>
      %mul3A_518 = arith.mulf %mul3A_517, %dot_general3A_512 : vector<160x100xf32>
      %select_n3A_519 = arith.select %ge3A_515, %dot_general3A_512, %mul3A_518 : vector<160x100xi1>, vector<160x100xf32>
      %reshape3A_520 = vector.shape_cast %select_n3A_519 : vector<160x100xf32> to vector<1x160x100xf32>
      %reduce_sum3A = arith.constant dense<0.000000e+00> : vector<1x100xf32>
      %reduce_sum3A_521 = vector.multi_reduction <add>, %reshape3A_520, %reduce_sum3A [1] : vector<1x160x100xf32> to vector<1x100xf32>
      %mul3A_522 = arith.constant 1.562500e-02 : f32
      %mul3A_523 = vector.broadcast %mul3A_522 : f32 to vector<1x100xf32>
      %mul3A_524 = arith.mulf %reduce_sum3A_521, %mul3A_523 : vector<1x100xf32>
      %get3A_525 = arith.constant 0 : index
      %get3A_526 = arith.constant 0 : index
      %get3A_527 = arith.constant 0 : index
      %get3A_528 = vector.load %arg63[%get3A_525, %get3A_526, %get3A_527] : memref<1x1x100xf32, #tpu.memory_space<vmem>>, vector<1x1x100xf32>
      %mul3A_529 = vector.broadcast %get3A_44 : f32 to vector<1x100xf32>
      %mul3A_530 = arith.mulf %mul3A_524, %mul3A_529 : vector<1x100xf32>
      %reshape3A_531 = vector.shape_cast %mul3A_530 : vector<1x100xf32> to vector<1x1x100xf32>
      %add3A_532 = arith.addf %get3A_528, %reshape3A_531 : vector<1x1x100xf32>
      %swap3A_533 = arith.constant 0 : index
      %swap3A_534 = arith.constant 0 : index
      %swap3A_535 = arith.constant 0 : index
      %swap3A_536 = vector.load %arg63[%swap3A_533, %swap3A_534, %swap3A_535] : memref<1x1x100xf32, #tpu.memory_space<vmem>>, vector<1x1x100xf32>
      tpu.vector_store %arg63[%swap3A_533, %swap3A_534, %swap3A_535], %add3A_532 {strides = array<i32>} : memref<1x1x100xf32, #tpu.memory_space<vmem>>, vector<1x1x100xf32>,
    } else {
    }
    %get3A_50 = arith.constant 0 : index
    %get3A_51 = arith.constant 5 : index
    %get3A_52 = arith.constant 0 : index
    %get3A_53 = vector.load %arg2[%get3A_50, %get3A_51, %get3A_52] : memref<1x8x1xf32, #tpu.memory_space<vmem>>, vector<1x1x1xf32>
    %get3A_54 = vector.extract %get3A_53[0, 0, 0] : f32 from vector<1x1x1xf32>
    %ne3A_55 = arith.constant 0.000000e+00 : f32
    %ne3A_56 = arith.cmpf one, %get3A_54, %ne3A_55 : f32
    %convert_element_type3A_57 = arith.extui %ne3A_56 : i1 to i32
    %cond3A_58 = arith.constant 0 : i32
    %cond3A_59 = arith.cmpi ne, %convert_element_type3A_57, %cond3A_58 : i32
    scf.if %cond3A_59 {
      %get3A_80 = arith.constant 0 : index
      %get3A_81 = arith.constant 0 : index
      %get3A_82 = arith.constant 0 : index
      %get3A_83 = vector.load %arg1[%get3A_80, %get3A_81, %get3A_82] : memref<1x1456x3xf32, #tpu.memory_space<vmem>>, vector<1x1456x3xf32>
      %get3A_84 = vector.shape_cast %get3A_83 : vector<1x1456x3xf32> to vector<1456x3xf32>
      %slice3A = vector.extract_strided_slice %get3A_84 {offsets = [1, 0], sizes = [1455, 3], strides = [1, 1]} : vector<1456x3xf32> to vector<1455x3xf32>
      %slice3A_85 = vector.extract_strided_slice %get3A_84 {offsets = [7, 0], sizes = [1449, 3], strides = [1, 1]} : vector<1456x3xf32> to vector<1449x3xf32>
      %slice3A_86 = vector.extract_strided_slice %slice3A_85 {offsets = [0, 0], sizes = [1360, 3], strides = [1, 1]} : vector<1449x3xf32> to vector<1360x3xf32>
      %get3A_87 = arith.constant 0 : index
      %get3A_88 = arith.constant 0 : index
      %get3A_89 = arith.constant 0 : index
      %get3A_90 = arith.constant 0 : index
      %get3A_91 = vector.load %arg42[%get3A_87, %get3A_88, %get3A_89, %get3A_90] : memref<3x3x3x64xf32, #tpu.memory_space<vmem>>, vector<1x1x3x64xf32>
      %get3A_92 = vector.shape_cast %get3A_91 : vector<1x1x3x64xf32> to vector<3x64xf32>
      %dot_general3A = arith.constant dense<0.000000e+00> : vector<1360x64xf32>
      %dot_general3A_93 = tpu.matmul %slice3A_86, %get3A_92, %dot_general3A {dimension_numbers = #tpu.dot_dimension_numbers<[1], [0], [0], [1], [0, 0, 1, 1], [], []>, transpose_lhs_hint = false} : vector<1360x3xf32>, vector<3x64xf32>, vector<1360x64xf32> -> vector<1360x64xf32>
      %slice3A_94 = vector.extract_strided_slice %get3A_84 {offsets = [8, 0], sizes = [1360, 3], strides = [1, 1]} : vector<1456x3xf32> to vector<1360x3xf32>
      %get3A_95 = arith.constant 0 : index
      %get3A_96 = arith.constant 1 : index
      %get3A_97 = arith.constant 0 : index
      %get3A_98 = arith.constant 0 : index
      %get3A_99 = vector.load %arg42[%get3A_95, %get3A_96, %get3A_97, %get3A_98] : memref<3x3x3x64xf32, #tpu.memory_space<vmem>>, vector<1x1x3x64xf32>
      %get3A_100 = vector.shape_cast %get3A_99 : vector<1x1x3x64xf32> to vector<3x64xf32>
      %dot_general3A_101 = arith.constant dense<0.000000e+00> : vector<1360x64xf32>
      %dot_general3A_102 = tpu.matmul %slice3A_94, %get3A_100, %dot_general3A_101 {dimension_numbers = #tpu.dot_dimension_numbers<[1], [0], [0], [1], [0, 0, 1, 1], [], []>, transpose_lhs_hint = false} : vector<1360x3xf32>, vector<3x64xf32>, vector<1360x64xf32> -> vector<1360x64xf32>
      %add3A = arith.addf %dot_general3A_93, %dot_general3A_102 : vector<1360x64xf32>
      %slice3A_103 = vector.extract_strided_slice %slice3A {offsets = [8, 0], sizes = [1360, 3], strides = [1, 1]} : vector<1455x3xf32> to vector<1360x3xf32>
      %get3A_104 = arith.constant 0 : index
      %get3A_105 = arith.constant 2 : index
      %get3A_106 = arith.constant 0 : index
      %get3A_107 = arith.constant 0 : index
      %get3A_108 = vector.load %arg42[%get3A_104, %get3A_105, %get3A_106, %get3A_107] : memref<3x3x3x64xf32, #tpu.memory_space<vmem>>, vector<1x1x3x64xf32>
      %get3A_109 = vector.shape_cast %get3A_108 : vector<1x1x3x64xf32> to vector<3x64xf32>
      %dot_general3A_110 = arith.constant dense<0.000000e+00> : vector<1360x64xf32>
      %dot_general3A_111 = tpu.matmul %slice3A_103, %get3A_109, %dot_general3A_110 {dimension_numbers = #tpu.dot_dimension_numbers<[1], [0], [0], [1], [0, 0, 1, 1], [], []>, transpose_lhs_hint = false} : vector<1360x3xf32>, vector<3x64xf32>, vector<1360x64xf32> -> vector<1360x64xf32>
      %add3A_112 = arith.addf %add3A, %dot_general3A_111 : vector<1360x64xf32>
      %slice3A_113 = vector.extract_strided_slice %slice3A_85 {offsets = [40, 0], sizes = [1360, 3], strides = [1, 1]} : vector<1449x3xf32> to vector<1360x3xf32>
      %get3A_114 = arith.constant 1 : index
      %get3A_115 = arith.constant 0 : index
      %get3A_116 = arith.constant 0 : index
      %get3A_117 = arith.constant 0 : index
      %get3A_118 = vector.load %arg42[%get3A_114, %get3A_115, %get3A_116, %get3A_117] : memref<3x3x3x64xf32, #tpu.memory_space<vmem>>, vector<1x1x3x64xf32>
      %get3A_119 = vector.shape_cast %get3A_118 : vector<1x1x3x64xf32> to vector<3x64xf32>
      %dot_general3A_120 = arith.constant dense<0.000000e+00> : vector<1360x64xf32>
      %dot_general3A_121 = tpu.matmul %slice3A_113, %get3A_119, %dot_general3A_120 {dimension_numbers = #tpu.dot_dimension_numbers<[1], [0], [0], [1], [0, 0, 1, 1], [], []>, transpose_lhs_hint = false} : vector<1360x3xf32>, vector<3x64xf32>, vector<1360x64xf32> -> vector<1360x64xf32>
      %add3A_122 = arith.addf %add3A_112, %dot_general3A_121 : vector<1360x64xf32>
      %slice3A_123 = vector.extract_strided_slice %get3A_84 {offsets = [48, 0], sizes = [1360, 3], strides = [1, 1]} : vector<1456x3xf32> to vector<1360x3xf32>
      %get3A_124 = arith.constant 1 : index
      %get3A_125 = arith.constant 1 : index
      %get3A_126 = arith.constant 0 : index
      %get3A_127 = arith.constant 0 : index
      %get3A_128 = vector.load %arg42[%get3A_124, %get3A_125, %get3A_126, %get3A_127] : memref<3x3x3x64xf32, #tpu.memory_space<vmem>>, vector<1x1x3x64xf32>
      %get3A_129 = vector.shape_cast %get3A_128 : vector<1x1x3x64xf32> to vector<3x64xf32>
      %dot_general3A_130 = arith.constant dense<0.000000e+00> : vector<1360x64xf32>
      %dot_general3A_131 = tpu.matmul %slice3A_123, %get3A_129, %dot_general3A_130 {dimension_numbers = #tpu.dot_dimension_numbers<[1], [0], [0], [1], [0, 0, 1, 1], [], []>, transpose_lhs_hint = false} : vector<1360x3xf32>, vector<3x64xf32>, vector<1360x64xf32> -> vector<1360x64xf32>
      %add3A_132 = arith.addf %add3A_122, %dot_general3A_131 : vector<1360x64xf32>
      %slice3A_133 = vector.extract_strided_slice %slice3A {offsets = [48, 0], sizes = [1360, 3], strides = [1, 1]} : vector<1455x3xf32> to vector<1360x3xf32>
      %get3A_134 = arith.constant 1 : index
      %get3A_135 = arith.constant 2 : index
      %get3A_136 = arith.constant 0 : index
      %get3A_137 = arith.constant 0 : index
      %get3A_138 = vector.load %arg42[%get3A_134, %get3A_135, %get3A_136, %get3A_137] : memref<3x3x3x64xf32, #tpu.memory_space<vmem>>, vector<1x1x3x64xf32>
      %get3A_139 = vector.shape_cast %get3A_138 : vector<1x1x3x64xf32> to vector<3x64xf32>
      %dot_general3A_140 = arith.constant dense<0.000000e+00> : vector<1360x64xf32>
      %dot_general3A_141 = tpu.matmul %slice3A_133, %get3A_139, %dot_general3A_140 {dimension_numbers = #tpu.dot_dimension_numbers<[1], [0], [0], [1], [0, 0, 1, 1], [], []>, transpose_lhs_hint = false} : vector<1360x3xf32>, vector<3x64xf32>, vector<1360x64xf32> -> vector<1360x64xf32>
      %add3A_142 = arith.addf %add3A_132, %dot_general3A_141 : vector<1360x64xf32>
      %slice3A_143 = vector.extract_strided_slice %slice3A_85 {offsets = [80, 0], sizes = [1360, 3], strides = [1, 1]} : vector<1449x3xf32> to vector<1360x3xf32>
      %get3A_144 = arith.constant 2 : index
      %get3A_145 = arith.constant 0 : index
      %get3A_146 = arith.constant 0 : index
      %get3A_147 = arith.constant 0 : index
      %get3A_148 = vector.load %arg42[%get3A_144, %get3A_145, %get3A_146, %get3A_147] : memref<3x3x3x64xf32, #tpu.memory_space<vmem>>, vector<1x1x3x64xf32>
      %get3A_149 = vector.shape_cast %get3A_148 : vector<1x1x3x64xf32> to vector<3x64xf32>
      %dot_general3A_150 = arith.constant dense<0.000000e+00> : vector<1360x64xf32>
      %dot_general3A_151 = tpu.matmul %slice3A_143, %get3A_149, %dot_general3A_150 {dimension_numbers = #tpu.dot_dimension_numbers<[1], [0], [0], [1], [0, 0, 1, 1], [], []>, transpose_lhs_hint = false} : vector<1360x3xf32>, vector<3x64xf32>, vector<1360x64xf32> -> vector<1360x64xf32>
      %add3A_152 = arith.addf %add3A_142, %dot_general3A_151 : vector<1360x64xf32>
      %slice3A_153 = vector.extract_strided_slice %get3A_84 {offsets = [88, 0], sizes = [1360, 3], strides = [1, 1]} : vector<1456x3xf32> to vector<1360x3xf32>
      %get3A_154 = arith.constant 2 : index
      %get3A_155 = arith.constant 1 : index
      %get3A_156 = arith.constant 0 : index
      %get3A_157 = arith.constant 0 : index
      %get3A_158 = vector.load %arg42[%get3A_154, %get3A_155, %get3A_156, %get3A_157] : memref<3x3x3x64xf32, #tpu.memory_space<vmem>>, vector<1x1x3x64xf32>
      %get3A_159 = vector.shape_cast %get3A_158 : vector<1x1x3x64xf32> to vector<3x64xf32>
      %dot_general3A_160 = arith.constant dense<0.000000e+00> : vector<1360x64xf32>
      %dot_general3A_161 = tpu.matmul %slice3A_153, %get3A_159, %dot_general3A_160 {dimension_numbers = #tpu.dot_dimension_numbers<[1], [0], [0], [1], [0, 0, 1, 1], [], []>, transpose_lhs_hint = false} : vector<1360x3xf32>, vector<3x64xf32>, vector<1360x64xf32> -> vector<1360x64xf32>
      %add3A_162 = arith.addf %add3A_152, %dot_general3A_161 : vector<1360x64xf32>
      %slice3A_163 = vector.extract_strided_slice %slice3A {offsets = [88, 0], sizes = [1360, 3], strides = [1, 1]} : vector<1455x3xf32> to vector<1360x3xf32>
      %get3A_164 = arith.constant 2 : index
      %get3A_165 = arith.constant 2 : index
      %get3A_166 = arith.constant 0 : index
      %get3A_167 = arith.constant 0 : index
      %get3A_168 = vector.load %arg42[%get3A_164, %get3A_165, %get3A_166, %get3A_167] : memref<3x3x3x64xf32, #tpu.memory_space<vmem>>, vector<1x1x3x64xf32>
      %get3A_169 = vector.shape_cast %get3A_168 : vector<1x1x3x64xf32> to vector<3x64xf32>
      %dot_general3A_170 = arith.constant dense<0.000000e+00> : vector<1360x64xf32>
      %dot_general3A_171 = tpu.matmul %slice3A_163, %get3A_169, %dot_general3A_170 {dimension_numbers = #tpu.dot_dimension_numbers<[1], [0], [0], [1], [0, 0, 1, 1], [], []>, transpose_lhs_hint = false} : vector<1360x3xf32>, vector<3x64xf32>, vector<1360x64xf32> -> vector<1360x64xf32>
      %add3A_172 = arith.addf %add3A_162, %dot_general3A_171 : vector<1360x64xf32>
      %get3A_173 = arith.constant 0 : index
      %get3A_174 = arith.constant 0 : index
      %get3A_175 = vector.load %arg3[%get3A_173, %get3A_174] : memref<1360x1xf32, #tpu.memory_space<vmem>>, vector<1360x1xf32>
      %mul3A = vector.broadcast %get3A_175 : vector<1360x1xf32> to vector<1360x64xf32>
      %mul3A_176 = arith.mulf %add3A_172, %mul3A : vector<1360x64xf32>
      %mul3A_177 = arith.constant 0.999994993 : f32
      %mul3A_178 = vector.broadcast %mul3A_177 : f32 to vector<1360x64xf32>
      %mul3A_179 = arith.mulf %mul3A_176, %mul3A_178 : vector<1360x64xf32>
      %ge3A = arith.constant 0.000000e+00 : f32
      %ge3A_180 = vector.broadcast %ge3A : f32 to vector<1360x64xf32>
      %ge3A_181 = arith.cmpf oge, %mul3A_179, %ge3A_180 : vector<1360x64xf32>
      %mul3A_182 = arith.constant 1.000000e-01 : f32
      %mul3A_183 = vector.broadcast %mul3A_182 : f32 to vector<1360x64xf32>
      %mul3A_184 = arith.mulf %mul3A_183, %mul3A_179 : vector<1360x64xf32>
      %select_n3A = arith.select %ge3A_181, %mul3A_179, %mul3A_184 : vector<1360x64xi1>, vector<1360x64xf32>
      %broadcast_in_dim3A_185 = arith.constant 0.000000e+00 : f32
      %broadcast_in_dim3A_186 = vector.broadcast %broadcast_in_dim3A_185 : f32 to vector<48x64xf32>
      %concatenate3A = tpu.concatenate %broadcast_in_dim3A_186, %select_n3A, %broadcast_in_dim3A_186 in 0 : vector<48x64xf32>, vector<1360x64xf32>, vector<48x64xf32> -> vector<1456x64xf32>
      %reshape3A = vector.shape_cast %concatenate3A : vector<1456x64xf32> to vector<1x1456x64xf32>
      %slice3A_187 = vector.extract_strided_slice %reshape3A {offsets = [0, 48, 0], sizes = [1, 1360, 64], strides = [1, 1, 1]} : vector<1x1456x64xf32> to vector<1x1360x64xf32>
      %reshape3A_188 = vector.shape_cast %slice3A_187 : vector<1x1360x64xf32> to vector<1x34x40x64xf32>
      %slice3A_189 = vector.extract_strided_slice %reshape3A_188 {offsets = [0, 1, 1, 0], sizes = [1, 32, 32, 64], strides = [1, 1, 1, 1]} : vector<1x34x40x64xf32> to vector<1x32x32x64xf32>
      %reshape3A_190 = vector.shape_cast %slice3A_189 : vector<1x32x32x64xf32> to vector<1x16x2x32x64xf32>
      %slice3A_191 = vector.extract_strided_slice %reshape3A_190 {offsets = [0, 0, 0, 0, 0], sizes = [1, 16, 1, 32, 64], strides = [1, 1, 1, 1, 1]} : vector<1x16x2x32x64xf32> to vector<1x16x1x32x64xf32>
      %squeeze3A = vector.shape_cast %slice3A_191 : vector<1x16x1x32x64xf32> to vector<1x16x32x64xf32>
      %slice3A_192 = vector.extract_strided_slice %reshape3A_190 {offsets = [0, 0, 1, 0, 0], sizes = [1, 16, 1, 32, 64], strides = [1, 1, 1, 1, 1]} : vector<1x16x2x32x64xf32> to vector<1x16x1x32x64xf32>
      %squeeze3A_193 = vector.shape_cast %slice3A_192 : vector<1x16x1x32x64xf32> to vector<1x16x32x64xf32>
      %max3A = arith.maximumf %squeeze3A, %squeeze3A_193 : vector<1x16x32x64xf32>
      %reshape3A_194 = vector.shape_cast %max3A : vector<1x16x32x64xf32> to vector<1x16x16x2x64xf32>
      %slice3A_195 = vector.extract_strided_slice %reshape3A_194 {offsets = [0, 0, 0, 0, 0], sizes = [1, 16, 16, 1, 64], strides = [1, 1, 1, 1, 1]} : vector<1x16x16x2x64xf32> to vector<1x16x16x1x64xf32>
      %squeeze3A_196 = vector.shape_cast %slice3A_195 : vector<1x16x16x1x64xf32> to vector<1x16x16x64xf32>
      %slice3A_197 = vector.extract_strided_slice %reshape3A_194 {offsets = [0, 0, 0, 1, 0], sizes = [1, 16, 16, 1, 64], strides = [1, 1, 1, 1, 1]} : vector<1x16x16x2x64xf32> to vector<1x16x16x1x64xf32>
      %squeeze3A_198 = vector.shape_cast %slice3A_197 : vector<1x16x16x1x64xf32> to vector<1x16x16x64xf32>
      %max3A_199 = arith.maximumf %squeeze3A_196, %squeeze3A_198 : vector<1x16x16x64xf32>
      %broadcast_in_dim3A_200 = arith.constant 0.000000e+00 : f32
      %broadcast_in_dim3A_201 = vector.broadcast %broadcast_in_dim3A_200 : f32 to vector<1x16x1x64xf32>
      %broadcast_in_dim3A_202 = arith.constant 0.000000e+00 : f32
      %broadcast_in_dim3A_203 = vector.broadcast %broadcast_in_dim3A_202 : f32 to vector<1x16x7x64xf32>
      %concatenate3A_204 = tpu.concatenate %broadcast_in_dim3A_201, %max3A_199, %broadcast_in_dim3A_203 in 2 : vector<1x16x1x64xf32>, vector<1x16x16x64xf32>, vector<1x16x7x64xf32> -> vector<1x16x24x64xf32>
      %broadcast_in_dim3A_205 = arith.constant 0.000000e+00 : f32
      %broadcast_in_dim3A_206 = vector.broadcast %broadcast_in_dim3A_205 : f32 to vector<1x1x24x64xf32>
      %concatenate3A_207 = tpu.concatenate %broadcast_in_dim3A_206, %concatenate3A_204, %broadcast_in_dim3A_206 in 1 : vector<1x1x24x64xf32>, vector<1x16x24x64xf32>, vector<1x1x24x64xf32> -> vector<1x18x24x64xf32>
      %reshape3A_208 = vector.shape_cast %concatenate3A_207 : vector<1x18x24x64xf32> to vector<1x432x64xf32>
      %broadcast_in_dim3A_209 = arith.constant 0.000000e+00 : f32
      %broadcast_in_dim3A_210 = vector.broadcast %broadcast_in_dim3A_209 : f32 to vector<1x48x64xf32>
      %concatenate3A_211 = tpu.concatenate %broadcast_in_dim3A_210, %reshape3A_208, %broadcast_in_dim3A_210 in 1 : vector<1x48x64xf32>, vector<1x432x64xf32>, vector<1x48x64xf32> -> vector<1x528x64xf32>
      %reshape3A_212 = vector.shape_cast %concatenate3A_211 : vector<1x528x64xf32> to vector<528x64xf32>
      %get3A_213 = arith.constant 0 : index
      %get3A_214 = arith.constant 0 : index
      %get3A_215 = vector.load %arg43[%get3A_213, %get3A_214] : memref<64x128xf32, #tpu.memory_space<vmem>>, vector<64x128xf32>
      %dot_general3A_216 = arith.constant dense<0.000000e+00> : vector<528x128xf32>
      %dot_general3A_217 = tpu.matmul %reshape3A_212, %get3A_215, %dot_general3A_216 {dimension_numbers = #tpu.dot_dimension_numbers<[1], [0], [0], [1], [0, 0, 1, 1], [], []>, transpose_lhs_hint = false} : vector<528x64xf32>, vector<64x128xf32>, vector<528x128xf32> -> vector<528x128xf32>
      %mul3A_218 = arith.constant 0.999994993 : f32
      %mul3A_219 = vector.broadcast %mul3A_218 : f32 to vector<528x128xf32>
      %mul3A_220 = arith.mulf %dot_general3A_217, %mul3A_219 : vector<528x128xf32>
      %ge3A_221 = arith.constant 0.000000e+00 : f32
      %ge3A_222 = vector.broadcast %ge3A_221 : f32 to vector<528x128xf32>
      %ge3A_223 = arith.cmpf oge, %mul3A_220, %ge3A_222 : vector<528x128xf32>
      %mul3A_224 = arith.constant 1.000000e-01 : f32
      %mul3A_225 = vector.broadcast %mul3A_224 : f32 to vector<528x128xf32>
      %mul3A_226 = arith.mulf %mul3A_225, %mul3A_220 : vector<528x128xf32>
      %select_n3A_227 = arith.select %ge3A_223, %mul3A_220, %mul3A_226 : vector<528x128xi1>, vector<528x128xf32>
      %slice3A_228 = vector.extract_strided_slice %select_n3A_227 {offsets = [1, 0], sizes = [527, 128], strides = [1, 1]} : vector<528x128xf32> to vector<527x128xf32>
      %slice3A_229 = vector.extract_strided_slice %select_n3A_227 {offsets = [7, 0], sizes = [521, 128], strides = [1, 1]} : vector<528x128xf32> to vector<521x128xf32>
      %slice3A_230 = vector.extract_strided_slice %slice3A_229 {offsets = [16, 0], sizes = [432, 128], strides = [1, 1]} : vector<521x128xf32> to vector<432x128xf32>
      %get3A_231 = arith.constant 0 : index
      %get3A_232 = arith.constant 0 : index
      %get3A_233 = arith.constant 0 : index
      %get3A_234 = arith.constant 0 : index
      %get3A_235 = vector.load %arg44[%get3A_231, %get3A_232, %get3A_233, %get3A_234] : memref<3x3x128x128xf32, #tpu.memory_space<vmem>>, vector<1x1x128x128xf32>
      %get3A_236 = vector.shape_cast %get3A_235 : vector<1x1x128x128xf32> to vector<128x128xf32>
      %dot_general3A_237 = arith.constant dense<0.000000e+00> : vector<432x128xf32>
      %dot_general3A_238 = tpu.matmul %slice3A_230, %get3A_236, %dot_general3A_237 {dimension_numbers = #tpu.dot_dimension_numbers<[1], [0], [0], [1], [0, 0, 1, 1], [], []>, transpose_lhs_hint = false} : vector<432x128xf32>, vector<128x128xf32>, vector<432x128xf32> -> vector<432x128xf32>
      %slice3A_239 = vector.extract_strided_slice %select_n3A_227 {offsets = [24, 0], sizes = [432, 128], strides = [1, 1]} : vector<528x128xf32> to vector<432x128xf32>
      %get3A_240 = arith.constant 0 : index
      %get3A_241 = arith.constant 1 : index
      %get3A_242 = arith.constant 0 : index
      %get3A_243 = arith.constant 0 : index
      %get3A_244 = vector.load %arg44[%get3A_240, %get3A_241, %get3A_242, %get3A_243] : memref<3x3x128x128xf32, #tpu.memory_space<vmem>>, vector<1x1x128x128xf32>
      %get3A_245 = vector.shape_cast %get3A_244 : vector<1x1x128x128xf32> to vector<128x128xf32>
      %dot_general3A_246 = arith.constant dense<0.000000e+00> : vector<432x128xf32>
      %dot_general3A_247 = tpu.matmul %slice3A_239, %get3A_245, %dot_general3A_246 {dimension_numbers = #tpu.dot_dimension_numbers<[1], [0], [0], [1], [0, 0, 1, 1], [], []>, transpose_lhs_hint = false} : vector<432x128xf32>, vector<128x128xf32>, vector<432x128xf32> -> vector<432x128xf32>
      %add3A_248 = arith.addf %dot_general3A_238, %dot_general3A_247 : vector<432x128xf32>
      %slice3A_249 = vector.extract_strided_slice %slice3A_228 {offsets = [24, 0], sizes = [432, 128], strides = [1, 1]} : vector<527x128xf32> to vector<432x128xf32>
      %get3A_250 = arith.constant 0 : index
      %get3A_251 = arith.constant 2 : index
      %get3A_252 = arith.constant 0 : index
      %get3A_253 = arith.constant 0 : index
      %get3A_254 = vector.load %arg44[%get3A_250, %get3A_251, %get3A_252, %get3A_253] : memref<3x3x128x128xf32, #tpu.memory_space<vmem>>, vector<1x1x128x128xf32>
      %get3A_255 = vector.shape_cast %get3A_254 : vector<1x1x128x128xf32> to vector<128x128xf32>
      %dot_general3A_256 = arith.constant dense<0.000000e+00> : vector<432x128xf32>
      %dot_general3A_257 = tpu.matmul %slice3A_249, %get3A_255, %dot_general3A_256 {dimension_numbers = #tpu.dot_dimension_numbers<[1], [0], [0], [1], [0, 0, 1, 1], [], []>, transpose_lhs_hint = false} : vector<432x128xf32>, vector<128x128xf32>, vector<432x128xf32> -> vector<432x128xf32>
      %add3A_258 = arith.addf %add3A_248, %dot_general3A_257 : vector<432x128xf32>
      %slice3A_259 = vector.extract_strided_slice %slice3A_229 {offsets = [40, 0], sizes = [432, 128], strides = [1, 1]} : vector<521x128xf32> to vector<432x128xf32>
      %get3A_260 = arith.constant 1 : index
      %get3A_261 = arith.constant 0 : index
      %get3A_262 = arith.constant 0 : index
      %get3A_263 = arith.constant 0 : index
      %get3A_264 = vector.load %arg44[%get3A_260, %get3A_261, %get3A_262, %get3A_263] : memref<3x3x128x128xf32, #tpu.memory_space<vmem>>, vector<1x1x128x128xf32>
      %get3A_265 = vector.shape_cast %get3A_264 : vector<1x1x128x128xf32> to vector<128x128xf32>
      %dot_general3A_266 = arith.constant dense<0.000000e+00> : vector<432x128xf32>
      %dot_general3A_267 = tpu.matmul %slice3A_259, %get3A_265, %dot_general3A_266 {dimension_numbers = #tpu.dot_dimension_numbers<[1], [0], [0], [1], [0, 0, 1, 1], [], []>, transpose_lhs_hint = false} : vector<432x128xf32>, vector<128x128xf32>, vector<432x128xf32> -> vector<432x128xf32>
      %add3A_268 = arith.addf %add3A_258, %dot_general3A_267 : vector<432x128xf32>
      %slice3A_269 = vector.extract_strided_slice %select_n3A_227 {offsets = [48, 0], sizes = [432, 128], strides = [1, 1]} : vector<528x128xf32> to vector<432x128xf32>
      %get3A_270 = arith.constant 1 : index
      %get3A_271 = arith.constant 1 : index
      %get3A_272 = arith.constant 0 : index
      %get3A_273 = arith.constant 0 : index
      %get3A_274 = vector.load %arg44[%get3A_270, %get3A_271, %get3A_272, %get3A_273] : memref<3x3x128x128xf32, #tpu.memory_space<vmem>>, vector<1x1x128x128xf32>
      %get3A_275 = vector.shape_cast %get3A_274 : vector<1x1x128x128xf32> to vector<128x128xf32>
      %dot_general3A_276 = arith.constant dense<0.000000e+00> : vector<432x128xf32>
      %dot_general3A_277 = tpu.matmul %slice3A_269, %get3A_275, %dot_general3A_276 {dimension_numbers = #tpu.dot_dimension_numbers<[1], [0], [0], [1], [0, 0, 1, 1], [], []>, transpose_lhs_hint = false} : vector<432x128xf32>, vector<128x128xf32>, vector<432x128xf32> -> vector<432x128xf32>
      %add3A_278 = arith.addf %add3A_268, %dot_general3A_277 : vector<432x128xf32>
      %slice3A_279 = vector.extract_strided_slice %slice3A_228 {offsets = [48, 0], sizes = [432, 128], strides = [1, 1]} : vector<527x128xf32> to vector<432x128xf32>
      %get3A_280 = arith.constant 1 : index
      %get3A_281 = arith.constant 2 : index
      %get3A_282 = arith.constant 0 : index
      %get3A_283 = arith.constant 0 : index
      %get3A_284 = vector.load %arg44[%get3A_280, %get3A_281, %get3A_282, %get3A_283] : memref<3x3x128x128xf32, #tpu.memory_space<vmem>>, vector<1x1x128x128xf32>
      %get3A_285 = vector.shape_cast %get3A_284 : vector<1x1x128x128xf32> to vector<128x128xf32>
      %dot_general3A_286 = arith.constant dense<0.000000e+00> : vector<432x128xf32>
      %dot_general3A_287 = tpu.matmul %slice3A_279, %get3A_285, %dot_general3A_286 {dimension_numbers = #tpu.dot_dimension_numbers<[1], [0], [0], [1], [0, 0, 1, 1], [], []>, transpose_lhs_hint = false} : vector<432x128xf32>, vector<128x128xf32>, vector<432x128xf32> -> vector<432x128xf32>
      %add3A_288 = arith.addf %add3A_278, %dot_general3A_287 : vector<432x128xf32>
      %slice3A_289 = vector.extract_strided_slice %slice3A_229 {offsets = [64, 0], sizes = [432, 128], strides = [1, 1]} : vector<521x128xf32> to vector<432x128xf32>
      %get3A_290 = arith.constant 2 : index
      %get3A_291 = arith.constant 0 : index
      %get3A_292 = arith.constant 0 : index
      %get3A_293 = arith.constant 0 : index
      %get3A_294 = vector.load %arg44[%get3A_290, %get3A_291, %get3A_292, %get3A_293] : memref<3x3x128x128xf32, #tpu.memory_space<vmem>>, vector<1x1x128x128xf32>
      %get3A_295 = vector.shape_cast %get3A_294 : vector<1x1x128x128xf32> to vector<128x128xf32>
      %dot_general3A_296 = arith.constant dense<0.000000e+00> : vector<432x128xf32>
      %dot_general3A_297 = tpu.matmul %slice3A_289, %get3A_295, %dot_general3A_296 {dimension_numbers = #tpu.dot_dimension_numbers<[1], [0], [0], [1], [0, 0, 1, 1], [], []>, transpose_lhs_hint = false} : vector<432x128xf32>, vector<128x128xf32>, vector<432x128xf32> -> vector<432x128xf32>
      %add3A_298 = arith.addf %add3A_288, %dot_general3A_297 : vector<432x128xf32>
      %slice3A_299 = vector.extract_strided_slice %select_n3A_227 {offsets = [72, 0], sizes = [432, 128], strides = [1, 1]} : vector<528x128xf32> to vector<432x128xf32>
      %get3A_300 = arith.constant 2 : index
      %get3A_301 = arith.constant 1 : index
      %get3A_302 = arith.constant 0 : index
      %get3A_303 = arith.constant 0 : index
      %get3A_304 = vector.load %arg44[%get3A_300, %get3A_301, %get3A_302, %get3A_303] : memref<3x3x128x128xf32, #tpu.memory_space<vmem>>, vector<1x1x128x128xf32>
      %get3A_305 = vector.shape_cast %get3A_304 : vector<1x1x128x128xf32> to vector<128x128xf32>
      %dot_general3A_306 = arith.constant dense<0.000000e+00> : vector<432x128xf32>
      %dot_general3A_307 = tpu.matmul %slice3A_299, %get3A_305, %dot_general3A_306 {dimension_numbers = #tpu.dot_dimension_numbers<[1], [0], [0], [1], [0, 0, 1, 1], [], []>, transpose_lhs_hint = false} : vector<432x128xf32>, vector<128x128xf32>, vector<432x128xf32> -> vector<432x128xf32>
      %add3A_308 = arith.addf %add3A_298, %dot_general3A_307 : vector<432x128xf32>
      %slice3A_309 = vector.extract_strided_slice %slice3A_228 {offsets = [72, 0], sizes = [432, 128], strides = [1, 1]} : vector<527x128xf32> to vector<432x128xf32>
      %get3A_310 = arith.constant 2 : index
      %get3A_311 = arith.constant 2 : index
      %get3A_312 = arith.constant 0 : index
      %get3A_313 = arith.constant 0 : index
      %get3A_314 = vector.load %arg44[%get3A_310, %get3A_311, %get3A_312, %get3A_313] : memref<3x3x128x128xf32, #tpu.memory_space<vmem>>, vector<1x1x128x128xf32>
      %get3A_315 = vector.shape_cast %get3A_314 : vector<1x1x128x128xf32> to vector<128x128xf32>
      %dot_general3A_316 = arith.constant dense<0.000000e+00> : vector<432x128xf32>
      %dot_general3A_317 = tpu.matmul %slice3A_309, %get3A_315, %dot_general3A_316 {dimension_numbers = #tpu.dot_dimension_numbers<[1], [0], [0], [1], [0, 0, 1, 1], [], []>, transpose_lhs_hint = false} : vector<432x128xf32>, vector<128x128xf32>, vector<432x128xf32> -> vector<432x128xf32>
      %add3A_318 = arith.addf %add3A_308, %dot_general3A_317 : vector<432x128xf32>
      %get3A_319 = arith.constant 0 : index
      %get3A_320 = arith.constant 0 : index
      %get3A_321 = vector.load %arg4[%get3A_319, %get3A_320] : memref<432x1xf32, #tpu.memory_space<vmem>>, vector<432x1xf32>
      %mul3A_322 = vector.broadcast %get3A_321 : vector<432x1xf32> to vector<432x128xf32>
      %mul3A_323 = arith.mulf %add3A_318, %mul3A_322 : vector<432x128xf32>
      %mul3A_324 = arith.constant 0.999994993 : f32
      %mul3A_325 = vector.broadcast %mul3A_324 : f32 to vector<432x128xf32>
      %mul3A_326 = arith.mulf %mul3A_323, %mul3A_325 : vector<432x128xf32>
      %ge3A_327 = arith.constant 0.000000e+00 : f32
      %ge3A_328 = vector.broadcast %ge3A_327 : f32 to vector<432x128xf32>
      %ge3A_329 = arith.cmpf oge, %mul3A_326, %ge3A_328 : vector<432x128xf32>
      %mul3A_330 = arith.constant 1.000000e-01 : f32
      %mul3A_331 = vector.broadcast %mul3A_330 : f32 to vector<432x128xf32>
      %mul3A_332 = arith.mulf %mul3A_331, %mul3A_326 : vector<432x128xf32>
      %select_n3A_333 = arith.select %ge3A_329, %mul3A_326, %mul3A_332 : vector<432x128xi1>, vector<432x128xf32>
      %broadcast_in_dim3A_334 = arith.constant 0.000000e+00 : f32
      %broadcast_in_dim3A_335 = vector.broadcast %broadcast_in_dim3A_334 : f32 to vector<48x128xf32>
      %concatenate3A_336 = tpu.concatenate %broadcast_in_dim3A_335, %select_n3A_333, %broadcast_in_dim3A_335 in 0 : vector<48x128xf32>, vector<432x128xf32>, vector<48x128xf32> -> vector<528x128xf32>
      %get3A_337 = arith.constant 0 : index
      %get3A_338 = arith.constant 0 : index
      %get3A_339 = vector.load %arg45[%get3A_337, %get3A_338] : memref<128x128xf32, #tpu.memory_space<vmem>>, vector<128x128xf32>
      %dot_general3A_340 = arith.constant dense<0.000000e+00> : vector<528x128xf32>
      %dot_general3A_341 = tpu.matmul %concatenate3A_336, %get3A_339, %dot_general3A_340 {dimension_numbers = #tpu.dot_dimension_numbers<[1], [0], [0], [1], [0, 0, 1, 1], [], []>, transpose_lhs_hint = false} : vector<528x128xf32>, vector<128x128xf32>, vector<528x128xf32> -> vector<528x128xf32>
      %mul3A_342 = arith.constant 0.999994993 : f32
      %mul3A_343 = vector.broadcast %mul3A_342 : f32 to vector<528x128xf32>
      %mul3A_344 = arith.mulf %dot_general3A_341, %mul3A_343 : vector<528x128xf32>
      %ge3A_345 = arith.constant 0.000000e+00 : f32
      %ge3A_346 = vector.broadcast %ge3A_345 : f32 to vector<528x128xf32>
      %ge3A_347 = arith.cmpf oge, %mul3A_344, %ge3A_346 : vector<528x128xf32>
      %mul3A_348 = arith.constant 1.000000e-01 : f32
      %mul3A_349 = vector.broadcast %mul3A_348 : f32 to vector<528x128xf32>
      %mul3A_350 = arith.mulf %mul3A_349, %mul3A_344 : vector<528x128xf32>
      %select_n3A_351 = arith.select %ge3A_347, %mul3A_344, %mul3A_350 : vector<528x128xi1>, vector<528x128xf32>
      %reshape3A_352 = vector.shape_cast %select_n3A_351 : vector<528x128xf32> to vector<1x528x128xf32>
      %slice3A_353 = vector.extract_strided_slice %reshape3A_352 {offsets = [0, 48, 0], sizes = [1, 432, 128], strides = [1, 1, 1]} : vector<1x528x128xf32> to vector<1x432x128xf32>
      %reshape3A_354 = vector.shape_cast %slice3A_353 : vector<1x432x128xf32> to vector<1x18x24x128xf32>
      %slice3A_355 = vector.extract_strided_slice %reshape3A_354 {offsets = [0, 1, 1, 0], sizes = [1, 16, 16, 128], strides = [1, 1, 1, 1]} : vector<1x18x24x128xf32> to vector<1x16x16x128xf32>
      %reshape3A_356 = vector.shape_cast %slice3A_355 : vector<1x16x16x128xf32> to vector<1x8x2x16x128xf32>
      %slice3A_357 = vector.extract_strided_slice %reshape3A_356 {offsets = [0, 0, 0, 0, 0], sizes = [1, 8, 1, 16, 128], strides = [1, 1, 1, 1, 1]} : vector<1x8x2x16x128xf32> to vector<1x8x1x16x128xf32>
      %squeeze3A_358 = vector.shape_cast %slice3A_357 : vector<1x8x1x16x128xf32> to vector<1x8x16x128xf32>
      %slice3A_359 = vector.extract_strided_slice %reshape3A_356 {offsets = [0, 0, 1, 0, 0], sizes = [1, 8, 1, 16, 128], strides = [1, 1, 1, 1, 1]} : vector<1x8x2x16x128xf32> to vector<1x8x1x16x128xf32>
      %squeeze3A_360 = vector.shape_cast %slice3A_359 : vector<1x8x1x16x128xf32> to vector<1x8x16x128xf32>
      %max3A_361 = arith.maximumf %squeeze3A_358, %squeeze3A_360 : vector<1x8x16x128xf32>
      %reshape3A_362 = vector.shape_cast %max3A_361 : vector<1x8x16x128xf32> to vector<1x8x8x2x128xf32>
      %slice3A_363 = vector.extract_strided_slice %reshape3A_362 {offsets = [0, 0, 0, 0, 0], sizes = [1, 8, 8, 1, 128], strides = [1, 1, 1, 1, 1]} : vector<1x8x8x2x128xf32> to vector<1x8x8x1x128xf32>
      %squeeze3A_364 = vector.shape_cast %slice3A_363 : vector<1x8x8x1x128xf32> to vector<1x8x8x128xf32>
      %slice3A_365 = vector.extract_strided_slice %reshape3A_362 {offsets = [0, 0, 0, 1, 0], sizes = [1, 8, 8, 1, 128], strides = [1, 1, 1, 1, 1]} : vector<1x8x8x2x128xf32> to vector<1x8x8x1x128xf32>
      %squeeze3A_366 = vector.shape_cast %slice3A_365 : vector<1x8x8x1x128xf32> to vector<1x8x8x128xf32>
      %max3A_367 = arith.maximumf %squeeze3A_364, %squeeze3A_366 : vector<1x8x8x128xf32>
      %broadcast_in_dim3A_368 = arith.constant 0.000000e+00 : f32
      %broadcast_in_dim3A_369 = vector.broadcast %broadcast_in_dim3A_368 : f32 to vector<1x8x1x128xf32>
      %broadcast_in_dim3A_370 = arith.constant 0.000000e+00 : f32
      %broadcast_in_dim3A_371 = vector.broadcast %broadcast_in_dim3A_370 : f32 to vector<1x8x7x128xf32>
      %concatenate3A_372 = tpu.concatenate %broadcast_in_dim3A_369, %max3A_367, %broadcast_in_dim3A_371 in 2 : vector<1x8x1x128xf32>, vector<1x8x8x128xf32>, vector<1x8x7x128xf32> -> vector<1x8x16x128xf32>
      %broadcast_in_dim3A_373 = arith.constant 0.000000e+00 : f32
      %broadcast_in_dim3A_374 = vector.broadcast %broadcast_in_dim3A_373 : f32 to vector<1x1x16x128xf32>
      %concatenate3A_375 = tpu.concatenate %broadcast_in_dim3A_374, %concatenate3A_372, %broadcast_in_dim3A_374 in 1 : vector<1x1x16x128xf32>, vector<1x8x16x128xf32>, vector<1x1x16x128xf32> -> vector<1x10x16x128xf32>
      %reshape3A_376 = vector.shape_cast %concatenate3A_375 : vector<1x10x16x128xf32> to vector<1x160x128xf32>
      %broadcast_in_dim3A_377 = arith.constant 0.000000e+00 : f32
      %broadcast_in_dim3A_378 = vector.broadcast %broadcast_in_dim3A_377 : f32 to vector<1x48x128xf32>
      %concatenate3A_379 = tpu.concatenate %broadcast_in_dim3A_378, %reshape3A_376, %broadcast_in_dim3A_378 in 1 : vector<1x48x128xf32>, vector<1x160x128xf32>, vector<1x48x128xf32> -> vector<1x256x128xf32>
      %reshape3A_380 = vector.shape_cast %concatenate3A_379 : vector<1x256x128xf32> to vector<256x128xf32>
      %get3A_381 = arith.constant 0 : index
      %get3A_382 = arith.constant 0 : index
      %get3A_383 = vector.load %arg46[%get3A_381, %get3A_382] : memref<128x256xf32, #tpu.memory_space<vmem>>, vector<128x256xf32>
      %dot_general3A_384 = arith.constant dense<0.000000e+00> : vector<256x256xf32>
      %dot_general3A_385 = tpu.matmul %reshape3A_380, %get3A_383, %dot_general3A_384 {dimension_numbers = #tpu.dot_dimension_numbers<[1], [0], [0], [1], [0, 0, 1, 1], [], []>, transpose_lhs_hint = false} : vector<256x128xf32>, vector<128x256xf32>, vector<256x256xf32> -> vector<256x256xf32>
      %mul3A_386 = arith.constant 0.999994993 : f32
      %mul3A_387 = vector.broadcast %mul3A_386 : f32 to vector<256x256xf32>
      %mul3A_388 = arith.mulf %dot_general3A_385, %mul3A_387 : vector<256x256xf32>
      %ge3A_389 = arith.constant 0.000000e+00 : f32
      %ge3A_390 = vector.broadcast %ge3A_389 : f32 to vector<256x256xf32>
      %ge3A_391 = arith.cmpf oge, %mul3A_388, %ge3A_390 : vector<256x256xf32>
      %mul3A_392 = arith.constant 1.000000e-01 : f32
      %mul3A_393 = vector.broadcast %mul3A_392 : f32 to vector<256x256xf32>
      %mul3A_394 = arith.mulf %mul3A_393, %mul3A_388 : vector<256x256xf32>
      %select_n3A_395 = arith.select %ge3A_391, %mul3A_388, %mul3A_394 : vector<256x256xi1>, vector<256x256xf32>
      %slice3A_396 = vector.extract_strided_slice %select_n3A_395 {offsets = [1, 0], sizes = [255, 256], strides = [1, 1]} : vector<256x256xf32> to vector<255x256xf32>
      %slice3A_397 = vector.extract_strided_slice %select_n3A_395 {offsets = [7, 0], sizes = [249, 256], strides = [1, 1]} : vector<256x256xf32> to vector<249x256xf32>
      %slice3A_398 = vector.extract_strided_slice %slice3A_397 {offsets = [24, 0], sizes = [160, 256], strides = [1, 1]} : vector<249x256xf32> to vector<160x256xf32>
      %get3A_399 = arith.constant 0 : index
      %get3A_400 = arith.constant 0 : index
      %get3A_401 = arith.constant 0 : index
      %get3A_402 = arith.constant 0 : index
      %get3A_403 = vector.load %arg47[%get3A_399, %get3A_400, %get3A_401, %get3A_402] : memref<3x3x256x256xf32, #tpu.memory_space<vmem>>, vector<1x1x256x256xf32>
      %get3A_404 = vector.shape_cast %get3A_403 : vector<1x1x256x256xf32> to vector<256x256xf32>
      %dot_general3A_405 = arith.constant dense<0.000000e+00> : vector<160x256xf32>
      %dot_general3A_406 = tpu.matmul %slice3A_398, %get3A_404, %dot_general3A_405 {dimension_numbers = #tpu.dot_dimension_numbers<[1], [0], [0], [1], [0, 0, 1, 1], [], []>, transpose_lhs_hint = false} : vector<160x256xf32>, vector<256x256xf32>, vector<160x256xf32> -> vector<160x256xf32>
      %slice3A_407 = vector.extract_strided_slice %select_n3A_395 {offsets = [32, 0], sizes = [160, 256], strides = [1, 1]} : vector<256x256xf32> to vector<160x256xf32>
      %get3A_408 = arith.constant 0 : index
      %get3A_409 = arith.constant 1 : index
      %get3A_410 = arith.constant 0 : index
      %get3A_411 = arith.constant 0 : index
      %get3A_412 = vector.load %arg47[%get3A_408, %get3A_409, %get3A_410, %get3A_411] : memref<3x3x256x256xf32, #tpu.memory_space<vmem>>, vector<1x1x256x256xf32>
      %get3A_413 = vector.shape_cast %get3A_412 : vector<1x1x256x256xf32> to vector<256x256xf32>
      %dot_general3A_414 = arith.constant dense<0.000000e+00> : vector<160x256xf32>
      %dot_general3A_415 = tpu.matmul %slice3A_407, %get3A_413, %dot_general3A_414 {dimension_numbers = #tpu.dot_dimension_numbers<[1], [0], [0], [1], [0, 0, 1, 1], [], []>, transpose_lhs_hint = false} : vector<160x256xf32>, vector<256x256xf32>, vector<160x256xf32> -> vector<160x256xf32>
      %add3A_416 = arith.addf %dot_general3A_406, %dot_general3A_415 : vector<160x256xf32>
      %slice3A_417 = vector.extract_strided_slice %slice3A_396 {offsets = [32, 0], sizes = [160, 256], strides = [1, 1]} : vector<255x256xf32> to vector<160x256xf32>
      %get3A_418 = arith.constant 0 : index
      %get3A_419 = arith.constant 2 : index
      %get3A_420 = arith.constant 0 : index
      %get3A_421 = arith.constant 0 : index
      %get3A_422 = vector.load %arg47[%get3A_418, %get3A_419, %get3A_420, %get3A_421] : memref<3x3x256x256xf32, #tpu.memory_space<vmem>>, vector<1x1x256x256xf32>
      %get3A_423 = vector.shape_cast %get3A_422 : vector<1x1x256x256xf32> to vector<256x256xf32>
      %dot_general3A_424 = arith.constant dense<0.000000e+00> : vector<160x256xf32>
      %dot_general3A_425 = tpu.matmul %slice3A_417, %get3A_423, %dot_general3A_424 {dimension_numbers = #tpu.dot_dimension_numbers<[1], [0], [0], [1], [0, 0, 1, 1], [], []>, transpose_lhs_hint = false} : vector<160x256xf32>, vector<256x256xf32>, vector<160x256xf32> -> vector<160x256xf32>
      %add3A_426 = arith.addf %add3A_416, %dot_general3A_425 : vector<160x256xf32>
      %slice3A_427 = vector.extract_strided_slice %slice3A_397 {offsets = [40, 0], sizes = [160, 256], strides = [1, 1]} : vector<249x256xf32> to vector<160x256xf32>
      %get3A_428 = arith.constant 1 : index
      %get3A_429 = arith.constant 0 : index
      %get3A_430 = arith.constant 0 : index
      %get3A_431 = arith.constant 0 : index
      %get3A_432 = vector.load %arg47[%get3A_428, %get3A_429, %get3A_430, %get3A_431] : memref<3x3x256x256xf32, #tpu.memory_space<vmem>>, vector<1x1x256x256xf32>
      %get3A_433 = vector.shape_cast %get3A_432 : vector<1x1x256x256xf32> to vector<256x256xf32>
      %dot_general3A_434 = arith.constant dense<0.000000e+00> : vector<160x256xf32>
      %dot_general3A_435 = tpu.matmul %slice3A_427, %get3A_433, %dot_general3A_434 {dimension_numbers = #tpu.dot_dimension_numbers<[1], [0], [0], [1], [0, 0, 1, 1], [], []>, transpose_lhs_hint = false} : vector<160x256xf32>, vector<256x256xf32>, vector<160x256xf32> -> vector<160x256xf32>
      %add3A_436 = arith.addf %add3A_426, %dot_general3A_435 : vector<160x256xf32>
      %slice3A_437 = vector.extract_strided_slice %select_n3A_395 {offsets = [48, 0], sizes = [160, 256], strides = [1, 1]} : vector<256x256xf32> to vector<160x256xf32>
      %get3A_438 = arith.constant 1 : index
      %get3A_439 = arith.constant 1 : index
      %get3A_440 = arith.constant 0 : index
      %get3A_441 = arith.constant 0 : index
      %get3A_442 = vector.load %arg47[%get3A_438, %get3A_439, %get3A_440, %get3A_441] : memref<3x3x256x256xf32, #tpu.memory_space<vmem>>, vector<1x1x256x256xf32>
      %get3A_443 = vector.shape_cast %get3A_442 : vector<1x1x256x256xf32> to vector<256x256xf32>
      %dot_general3A_444 = arith.constant dense<0.000000e+00> : vector<160x256xf32>
      %dot_general3A_445 = tpu.matmul %slice3A_437, %get3A_443, %dot_general3A_444 {dimension_numbers = #tpu.dot_dimension_numbers<[1], [0], [0], [1], [0, 0, 1, 1], [], []>, transpose_lhs_hint = false} : vector<160x256xf32>, vector<256x256xf32>, vector<160x256xf32> -> vector<160x256xf32>
      %add3A_446 = arith.addf %add3A_436, %dot_general3A_445 : vector<160x256xf32>
      %slice3A_447 = vector.extract_strided_slice %slice3A_396 {offsets = [48, 0], sizes = [160, 256], strides = [1, 1]} : vector<255x256xf32> to vector<160x256xf32>
      %get3A_448 = arith.constant 1 : index
      %get3A_449 = arith.constant 2 : index
      %get3A_450 = arith.constant 0 : index
      %get3A_451 = arith.constant 0 : index
      %get3A_452 = vector.load %arg47[%get3A_448, %get3A_449, %get3A_450, %get3A_451] : memref<3x3x256x256xf32, #tpu.memory_space<vmem>>, vector<1x1x256x256xf32>
      %get3A_453 = vector.shape_cast %get3A_452 : vector<1x1x256x256xf32> to vector<256x256xf32>
      %dot_general3A_454 = arith.constant dense<0.000000e+00> : vector<160x256xf32>
      %dot_general3A_455 = tpu.matmul %slice3A_447, %get3A_453, %dot_general3A_454 {dimension_numbers = #tpu.dot_dimension_numbers<[1], [0], [0], [1], [0, 0, 1, 1], [], []>, transpose_lhs_hint = false} : vector<160x256xf32>, vector<256x256xf32>, vector<160x256xf32> -> vector<160x256xf32>
      %add3A_456 = arith.addf %add3A_446, %dot_general3A_455 : vector<160x256xf32>
      %slice3A_457 = vector.extract_strided_slice %slice3A_397 {offsets = [56, 0], sizes = [160, 256], strides = [1, 1]} : vector<249x256xf32> to vector<160x256xf32>
      %get3A_458 = arith.constant 2 : index
      %get3A_459 = arith.constant 0 : index
      %get3A_460 = arith.constant 0 : index
      %get3A_461 = arith.constant 0 : index
      %get3A_462 = vector.load %arg47[%get3A_458, %get3A_459, %get3A_460, %get3A_461] : memref<3x3x256x256xf32, #tpu.memory_space<vmem>>, vector<1x1x256x256xf32>
      %get3A_463 = vector.shape_cast %get3A_462 : vector<1x1x256x256xf32> to vector<256x256xf32>
      %dot_general3A_464 = arith.constant dense<0.000000e+00> : vector<160x256xf32>
      %dot_general3A_465 = tpu.matmul %slice3A_457, %get3A_463, %dot_general3A_464 {dimension_numbers = #tpu.dot_dimension_numbers<[1], [0], [0], [1], [0, 0, 1, 1], [], []>, transpose_lhs_hint = false} : vector<160x256xf32>, vector<256x256xf32>, vector<160x256xf32> -> vector<160x256xf32>
      %add3A_466 = arith.addf %add3A_456, %dot_general3A_465 : vector<160x256xf32>
      %slice3A_467 = vector.extract_strided_slice %select_n3A_395 {offsets = [64, 0], sizes = [160, 256], strides = [1, 1]} : vector<256x256xf32> to vector<160x256xf32>
      %get3A_468 = arith.constant 2 : index
      %get3A_469 = arith.constant 1 : index
      %get3A_470 = arith.constant 0 : index
      %get3A_471 = arith.constant 0 : index
      %get3A_472 = vector.load %arg47[%get3A_468, %get3A_469, %get3A_470, %get3A_471] : memref<3x3x256x256xf32, #tpu.memory_space<vmem>>, vector<1x1x256x256xf32>
      %get3A_473 = vector.shape_cast %get3A_472 : vector<1x1x256x256xf32> to vector<256x256xf32>
      %dot_general3A_474 = arith.constant dense<0.000000e+00> : vector<160x256xf32>
      %dot_general3A_475 = tpu.matmul %slice3A_467, %get3A_473, %dot_general3A_474 {dimension_numbers = #tpu.dot_dimension_numbers<[1], [0], [0], [1], [0, 0, 1, 1], [], []>, transpose_lhs_hint = false} : vector<160x256xf32>, vector<256x256xf32>, vector<160x256xf32> -> vector<160x256xf32>
      %add3A_476 = arith.addf %add3A_466, %dot_general3A_475 : vector<160x256xf32>
      %slice3A_477 = vector.extract_strided_slice %slice3A_396 {offsets = [64, 0], sizes = [160, 256], strides = [1, 1]} : vector<255x256xf32> to vector<160x256xf32>
      %get3A_478 = arith.constant 2 : index
      %get3A_479 = arith.constant 2 : index
      %get3A_480 = arith.constant 0 : index
      %get3A_481 = arith.constant 0 : index
      %get3A_482 = vector.load %arg47[%get3A_478, %get3A_479, %get3A_480, %get3A_481] : memref<3x3x256x256xf32, #tpu.memory_space<vmem>>, vector<1x1x256x256xf32>
      %get3A_483 = vector.shape_cast %get3A_482 : vector<1x1x256x256xf32> to vector<256x256xf32>
      %dot_general3A_484 = arith.constant dense<0.000000e+00> : vector<160x256xf32>
      %dot_general3A_485 = tpu.matmul %slice3A_477, %get3A_483, %dot_general3A_484 {dimension_numbers = #tpu.dot_dimension_numbers<[1], [0], [0], [1], [0, 0, 1, 1], [], []>, transpose_lhs_hint = false} : vector<160x256xf32>, vector<256x256xf32>, vector<160x256xf32> -> vector<160x256xf32>
      %add3A_486 = arith.addf %add3A_476, %dot_general3A_485 : vector<160x256xf32>
      %get3A_487 = arith.constant 0 : index
      %get3A_488 = arith.constant 0 : index
      %get3A_489 = vector.load %arg5[%get3A_487, %get3A_488] : memref<160x1xf32, #tpu.memory_space<vmem>>, vector<160x1xf32>
      %mul3A_490 = vector.broadcast %get3A_489 : vector<160x1xf32> to vector<160x256xf32>
      %mul3A_491 = arith.mulf %add3A_486, %mul3A_490 : vector<160x256xf32>
      %mul3A_492 = arith.constant 0.999994993 : f32
      %mul3A_493 = vector.broadcast %mul3A_492 : f32 to vector<160x256xf32>
      %mul3A_494 = arith.mulf %mul3A_491, %mul3A_493 : vector<160x256xf32>
      %ge3A_495 = arith.constant 0.000000e+00 : f32
      %ge3A_496 = vector.broadcast %ge3A_495 : f32 to vector<160x256xf32>
      %ge3A_497 = arith.cmpf oge, %mul3A_494, %ge3A_496 : vector<160x256xf32>
      %mul3A_498 = arith.constant 1.000000e-01 : f32
      %mul3A_499 = vector.broadcast %mul3A_498 : f32 to vector<160x256xf32>
      %mul3A_500 = arith.mulf %mul3A_499, %mul3A_494 : vector<160x256xf32>
      %select_n3A_501 = arith.select %ge3A_497, %mul3A_494, %mul3A_500 : vector<160x256xi1>, vector<160x256xf32>
      %broadcast_in_dim3A_502 = arith.constant 0.000000e+00 : f32
      %broadcast_in_dim3A_503 = vector.broadcast %broadcast_in_dim3A_502 : f32 to vector<48x256xf32>
      %concatenate3A_504 = tpu.concatenate %broadcast_in_dim3A_503, %select_n3A_501, %broadcast_in_dim3A_503 in 0 : vector<48x256xf32>, vector<160x256xf32>, vector<48x256xf32> -> vector<256x256xf32>
      %reshape3A_505 = vector.shape_cast %concatenate3A_504 : vector<256x256xf32> to vector<1x256x256xf32>
      %slice3A_506 = vector.extract_strided_slice %reshape3A_505 {offsets = [0, 48, 0], sizes = [1, 160, 256], strides = [1, 1, 1]} : vector<1x256x256xf32> to vector<1x160x256xf32>
      %reshape3A_507 = vector.shape_cast %slice3A_506 : vector<1x160x256xf32> to vector<160x256xf32>
      %get3A_508 = arith.constant 0 : index
      %get3A_509 = arith.constant 0 : index
      %get3A_510 = vector.load %arg48[%get3A_508, %get3A_509] : memref<256x100xf32, #tpu.memory_space<vmem>>, vector<256x100xf32>
      %dot_general3A_511 = arith.constant dense<0.000000e+00> : vector<160x100xf32>
      %dot_general3A_512 = tpu.matmul %reshape3A_507, %get3A_510, %dot_general3A_511 {dimension_numbers = #tpu.dot_dimension_numbers<[1], [0], [0], [1], [0, 0, 1, 1], [], []>, transpose_lhs_hint = false} : vector<160x256xf32>, vector<256x100xf32>, vector<160x100xf32> -> vector<160x100xf32>
      %ge3A_513 = arith.constant 0.000000e+00 : f32
      %ge3A_514 = vector.broadcast %ge3A_513 : f32 to vector<160x100xf32>
      %ge3A_515 = arith.cmpf oge, %dot_general3A_512, %ge3A_514 : vector<160x100xf32>
      %mul3A_516 = arith.constant 1.000000e-01 : f32
      %mul3A_517 = vector.broadcast %mul3A_516 : f32 to vector<160x100xf32>
      %mul3A_518 = arith.mulf %mul3A_517, %dot_general3A_512 : vector<160x100xf32>
      %select_n3A_519 = arith.select %ge3A_515, %dot_general3A_512, %mul3A_518 : vector<160x100xi1>, vector<160x100xf32>
      %reshape3A_520 = vector.shape_cast %select_n3A_519 : vector<160x100xf32> to vector<1x160x100xf32>
      %reduce_sum3A = arith.constant dense<0.000000e+00> : vector<1x100xf32>
      %reduce_sum3A_521 = vector.multi_reduction <add>, %reshape3A_520, %reduce_sum3A [1] : vector<1x160x100xf32> to vector<1x100xf32>
      %mul3A_522 = arith.constant 1.562500e-02 : f32
      %mul3A_523 = vector.broadcast %mul3A_522 : f32 to vector<1x100xf32>
      %mul3A_524 = arith.mulf %reduce_sum3A_521, %mul3A_523 : vector<1x100xf32>
      %get3A_525 = arith.constant 0 : index
      %get3A_526 = arith.constant 0 : index
      %get3A_527 = arith.constant 0 : index
      %get3A_528 = vector.load %arg63[%get3A_525, %get3A_526, %get3A_527] : memref<1x1x100xf32, #tpu.memory_space<vmem>>, vector<1x1x100xf32>
      %mul3A_529 = vector.broadcast %get3A_54 : f32 to vector<1x100xf32>
      %mul3A_530 = arith.mulf %mul3A_524, %mul3A_529 : vector<1x100xf32>
      %reshape3A_531 = vector.shape_cast %mul3A_530 : vector<1x100xf32> to vector<1x1x100xf32>
      %add3A_532 = arith.addf %get3A_528, %reshape3A_531 : vector<1x1x100xf32>
      %swap3A_533 = arith.constant 0 : index
      %swap3A_534 = arith.constant 0 : index
      %swap3A_535 = arith.constant 0 : index
      %swap3A_536 = vector.load %arg63[%swap3A_533, %swap3A_534, %swap3A_535] : memref<1x1x100xf32, #tpu.memory_space<vmem>>, vector<1x1x100xf32>
      tpu.vector_store %arg63[%swap3A_533, %swap3A_534, %swap3A_535], %add3A_532 {strides = array<i32>} : memref<1x1x100xf32, #tpu.memory_space<vmem>>, vector<1x1x100xf32>,
    } else {
    }
    %get3A_60 = arith.constant 0 : index
    %get3A_61 = arith.constant 6 : index
    %get3A_62 = arith.constant 0 : index
    %get3A_63 = vector.load %arg2[%get3A_60, %get3A_61, %get3A_62] : memref<1x8x1xf32, #tpu.memory_space<vmem>>, vector<1x1x1xf32>
    %get3A_64 = vector.extract %get3A_63[0, 0, 0] : f32 from vector<1x1x1xf32>
    %ne3A_65 = arith.constant 0.000000e+00 : f32
    %ne3A_66 = arith.cmpf one, %get3A_64, %ne3A_65 : f32
    %convert_element_type3A_67 = arith.extui %ne3A_66 : i1 to i32
    %cond3A_68 = arith.constant 0 : i32
    %cond3A_69 = arith.cmpi ne, %convert_element_type3A_67, %cond3A_68 : i32
    scf.if %cond3A_69 {
      %get3A_80 = arith.constant 0 : index
      %get3A_81 = arith.constant 0 : index
      %get3A_82 = arith.constant 0 : index
      %get3A_83 = vector.load %arg1[%get3A_80, %get3A_81, %get3A_82] : memref<1x1456x3xf32, #tpu.memory_space<vmem>>, vector<1x1456x3xf32>
      %get3A_84 = vector.shape_cast %get3A_83 : vector<1x1456x3xf32> to vector<1456x3xf32>
      %get3A_85 = arith.constant 0 : index
      %get3A_86 = arith.constant 0 : index
      %get3A_87 = vector.load %arg49[%get3A_85, %get3A_86] : memref<3x80xf32, #tpu.memory_space<vmem>>, vector<3x80xf32>
      %dot_general3A = arith.constant dense<0.000000e+00> : vector<1456x80xf32>
      %dot_general3A_88 = tpu.matmul %get3A_84, %get3A_87, %dot_general3A {dimension_numbers = #tpu.dot_dimension_numbers<[1], [0], [0], [1], [0, 0, 1, 1], [], []>, transpose_lhs_hint = false} : vector<1456x3xf32>, vector<3x80xf32>, vector<1456x80xf32> -> vector<1456x80xf32>
      %mul3A = arith.constant 0.999994993 : f32
      %mul3A_89 = vector.broadcast %mul3A : f32 to vector<1456x80xf32>
      %mul3A_90 = arith.mulf %dot_general3A_88, %mul3A_89 : vector<1456x80xf32>
      %ge3A = arith.constant 0.000000e+00 : f32
      %ge3A_91 = vector.broadcast %ge3A : f32 to vector<1456x80xf32>
      %ge3A_92 = arith.cmpf oge, %mul3A_90, %ge3A_91 : vector<1456x80xf32>
      %mul3A_93 = arith.constant 1.000000e-01 : f32
      %mul3A_94 = vector.broadcast %mul3A_93 : f32 to vector<1456x80xf32>
      %mul3A_95 = arith.mulf %mul3A_94, %mul3A_90 : vector<1456x80xf32>
      %select_n3A = arith.select %ge3A_92, %mul3A_90, %mul3A_95 : vector<1456x80xi1>, vector<1456x80xf32>
      %slice3A = vector.extract_strided_slice %select_n3A {offsets = [1, 0], sizes = [1455, 80], strides = [1, 1]} : vector<1456x80xf32> to vector<1455x80xf32>
      %slice3A_96 = vector.extract_strided_slice %select_n3A {offsets = [7, 0], sizes = [1449, 80], strides = [1, 1]} : vector<1456x80xf32> to vector<1449x80xf32>
      %slice3A_97 = vector.extract_strided_slice %slice3A_96 {offsets = [0, 0], sizes = [1360, 80], strides = [1, 1]} : vector<1449x80xf32> to vector<1360x80xf32>
      %get3A_98 = arith.constant 0 : index
      %get3A_99 = arith.constant 0 : index
      %get3A_100 = arith.constant 0 : index
      %get3A_101 = arith.constant 0 : index
      %get3A_102 = vector.load %arg50[%get3A_98, %get3A_99, %get3A_100, %get3A_101] : memref<3x3x80x80xf32, #tpu.memory_space<vmem>>, vector<1x1x80x80xf32>
      %get3A_103 = vector.shape_cast %get3A_102 : vector<1x1x80x80xf32> to vector<80x80xf32>
      %dot_general3A_104 = arith.constant dense<0.000000e+00> : vector<1360x80xf32>
      %dot_general3A_105 = tpu.matmul %slice3A_97, %get3A_103, %dot_general3A_104 {dimension_numbers = #tpu.dot_dimension_numbers<[1], [0], [0], [1], [0, 0, 1, 1], [], []>, transpose_lhs_hint = false} : vector<1360x80xf32>, vector<80x80xf32>, vector<1360x80xf32> -> vector<1360x80xf32>
      %slice3A_106 = vector.extract_strided_slice %select_n3A {offsets = [8, 0], sizes = [1360, 80], strides = [1, 1]} : vector<1456x80xf32> to vector<1360x80xf32>
      %get3A_107 = arith.constant 0 : index
      %get3A_108 = arith.constant 1 : index
      %get3A_109 = arith.constant 0 : index
      %get3A_110 = arith.constant 0 : index
      %get3A_111 = vector.load %arg50[%get3A_107, %get3A_108, %get3A_109, %get3A_110] : memref<3x3x80x80xf32, #tpu.memory_space<vmem>>, vector<1x1x80x80xf32>
      %get3A_112 = vector.shape_cast %get3A_111 : vector<1x1x80x80xf32> to vector<80x80xf32>
      %dot_general3A_113 = arith.constant dense<0.000000e+00> : vector<1360x80xf32>
      %dot_general3A_114 = tpu.matmul %slice3A_106, %get3A_112, %dot_general3A_113 {dimension_numbers = #tpu.dot_dimension_numbers<[1], [0], [0], [1], [0, 0, 1, 1], [], []>, transpose_lhs_hint = false} : vector<1360x80xf32>, vector<80x80xf32>, vector<1360x80xf32> -> vector<1360x80xf32>
      %add3A = arith.addf %dot_general3A_105, %dot_general3A_114 : vector<1360x80xf32>
      %slice3A_115 = vector.extract_strided_slice %slice3A {offsets = [8, 0], sizes = [1360, 80], strides = [1, 1]} : vector<1455x80xf32> to vector<1360x80xf32>
      %get3A_116 = arith.constant 0 : index
      %get3A_117 = arith.constant 2 : index
      %get3A_118 = arith.constant 0 : index
      %get3A_119 = arith.constant 0 : index
      %get3A_120 = vector.load %arg50[%get3A_116, %get3A_117, %get3A_118, %get3A_119] : memref<3x3x80x80xf32, #tpu.memory_space<vmem>>, vector<1x1x80x80xf32>
      %get3A_121 = vector.shape_cast %get3A_120 : vector<1x1x80x80xf32> to vector<80x80xf32>
      %dot_general3A_122 = arith.constant dense<0.000000e+00> : vector<1360x80xf32>
      %dot_general3A_123 = tpu.matmul %slice3A_115, %get3A_121, %dot_general3A_122 {dimension_numbers = #tpu.dot_dimension_numbers<[1], [0], [0], [1], [0, 0, 1, 1], [], []>, transpose_lhs_hint = false} : vector<1360x80xf32>, vector<80x80xf32>, vector<1360x80xf32> -> vector<1360x80xf32>
      %add3A_124 = arith.addf %add3A, %dot_general3A_123 : vector<1360x80xf32>
      %slice3A_125 = vector.extract_strided_slice %slice3A_96 {offsets = [40, 0], sizes = [1360, 80], strides = [1, 1]} : vector<1449x80xf32> to vector<1360x80xf32>
      %get3A_126 = arith.constant 1 : index
      %get3A_127 = arith.constant 0 : index
      %get3A_128 = arith.constant 0 : index
      %get3A_129 = arith.constant 0 : index
      %get3A_130 = vector.load %arg50[%get3A_126, %get3A_127, %get3A_128, %get3A_129] : memref<3x3x80x80xf32, #tpu.memory_space<vmem>>, vector<1x1x80x80xf32>
      %get3A_131 = vector.shape_cast %get3A_130 : vector<1x1x80x80xf32> to vector<80x80xf32>
      %dot_general3A_132 = arith.constant dense<0.000000e+00> : vector<1360x80xf32>
      %dot_general3A_133 = tpu.matmul %slice3A_125, %get3A_131, %dot_general3A_132 {dimension_numbers = #tpu.dot_dimension_numbers<[1], [0], [0], [1], [0, 0, 1, 1], [], []>, transpose_lhs_hint = false} : vector<1360x80xf32>, vector<80x80xf32>, vector<1360x80xf32> -> vector<1360x80xf32>
      %add3A_134 = arith.addf %add3A_124, %dot_general3A_133 : vector<1360x80xf32>
      %slice3A_135 = vector.extract_strided_slice %select_n3A {offsets = [48, 0], sizes = [1360, 80], strides = [1, 1]} : vector<1456x80xf32> to vector<1360x80xf32>
      %get3A_136 = arith.constant 1 : index
      %get3A_137 = arith.constant 1 : index
      %get3A_138 = arith.constant 0 : index
      %get3A_139 = arith.constant 0 : index
      %get3A_140 = vector.load %arg50[%get3A_136, %get3A_137, %get3A_138, %get3A_139] : memref<3x3x80x80xf32, #tpu.memory_space<vmem>>, vector<1x1x80x80xf32>
      %get3A_141 = vector.shape_cast %get3A_140 : vector<1x1x80x80xf32> to vector<80x80xf32>
      %dot_general3A_142 = arith.constant dense<0.000000e+00> : vector<1360x80xf32>
      %dot_general3A_143 = tpu.matmul %slice3A_135, %get3A_141, %dot_general3A_142 {dimension_numbers = #tpu.dot_dimension_numbers<[1], [0], [0], [1], [0, 0, 1, 1], [], []>, transpose_lhs_hint = false} : vector<1360x80xf32>, vector<80x80xf32>, vector<1360x80xf32> -> vector<1360x80xf32>
      %add3A_144 = arith.addf %add3A_134, %dot_general3A_143 : vector<1360x80xf32>
      %slice3A_145 = vector.extract_strided_slice %slice3A {offsets = [48, 0], sizes = [1360, 80], strides = [1, 1]} : vector<1455x80xf32> to vector<1360x80xf32>
      %get3A_146 = arith.constant 1 : index
      %get3A_147 = arith.constant 2 : index
      %get3A_148 = arith.constant 0 : index
      %get3A_149 = arith.constant 0 : index
      %get3A_150 = vector.load %arg50[%get3A_146, %get3A_147, %get3A_148, %get3A_149] : memref<3x3x80x80xf32, #tpu.memory_space<vmem>>, vector<1x1x80x80xf32>
      %get3A_151 = vector.shape_cast %get3A_150 : vector<1x1x80x80xf32> to vector<80x80xf32>
      %dot_general3A_152 = arith.constant dense<0.000000e+00> : vector<1360x80xf32>
      %dot_general3A_153 = tpu.matmul %slice3A_145, %get3A_151, %dot_general3A_152 {dimension_numbers = #tpu.dot_dimension_numbers<[1], [0], [0], [1], [0, 0, 1, 1], [], []>, transpose_lhs_hint = false} : vector<1360x80xf32>, vector<80x80xf32>, vector<1360x80xf32> -> vector<1360x80xf32>
      %add3A_154 = arith.addf %add3A_144, %dot_general3A_153 : vector<1360x80xf32>
      %slice3A_155 = vector.extract_strided_slice %slice3A_96 {offsets = [80, 0], sizes = [1360, 80], strides = [1, 1]} : vector<1449x80xf32> to vector<1360x80xf32>
      %get3A_156 = arith.constant 2 : index
      %get3A_157 = arith.constant 0 : index
      %get3A_158 = arith.constant 0 : index
      %get3A_159 = arith.constant 0 : index
      %get3A_160 = vector.load %arg50[%get3A_156, %get3A_157, %get3A_158, %get3A_159] : memref<3x3x80x80xf32, #tpu.memory_space<vmem>>, vector<1x1x80x80xf32>
      %get3A_161 = vector.shape_cast %get3A_160 : vector<1x1x80x80xf32> to vector<80x80xf32>
      %dot_general3A_162 = arith.constant dense<0.000000e+00> : vector<1360x80xf32>
      %dot_general3A_163 = tpu.matmul %slice3A_155, %get3A_161, %dot_general3A_162 {dimension_numbers = #tpu.dot_dimension_numbers<[1], [0], [0], [1], [0, 0, 1, 1], [], []>, transpose_lhs_hint = false} : vector<1360x80xf32>, vector<80x80xf32>, vector<1360x80xf32> -> vector<1360x80xf32>
      %add3A_164 = arith.addf %add3A_154, %dot_general3A_163 : vector<1360x80xf32>
      %slice3A_165 = vector.extract_strided_slice %select_n3A {offsets = [88, 0], sizes = [1360, 80], strides = [1, 1]} : vector<1456x80xf32> to vector<1360x80xf32>
      %get3A_166 = arith.constant 2 : index
      %get3A_167 = arith.constant 1 : index
      %get3A_168 = arith.constant 0 : index
      %get3A_169 = arith.constant 0 : index
      %get3A_170 = vector.load %arg50[%get3A_166, %get3A_167, %get3A_168, %get3A_169] : memref<3x3x80x80xf32, #tpu.memory_space<vmem>>, vector<1x1x80x80xf32>
      %get3A_171 = vector.shape_cast %get3A_170 : vector<1x1x80x80xf32> to vector<80x80xf32>
      %dot_general3A_172 = arith.constant dense<0.000000e+00> : vector<1360x80xf32>
      %dot_general3A_173 = tpu.matmul %slice3A_165, %get3A_171, %dot_general3A_172 {dimension_numbers = #tpu.dot_dimension_numbers<[1], [0], [0], [1], [0, 0, 1, 1], [], []>, transpose_lhs_hint = false} : vector<1360x80xf32>, vector<80x80xf32>, vector<1360x80xf32> -> vector<1360x80xf32>
      %add3A_174 = arith.addf %add3A_164, %dot_general3A_173 : vector<1360x80xf32>
      %slice3A_175 = vector.extract_strided_slice %slice3A {offsets = [88, 0], sizes = [1360, 80], strides = [1, 1]} : vector<1455x80xf32> to vector<1360x80xf32>
      %get3A_176 = arith.constant 2 : index
      %get3A_177 = arith.constant 2 : index
      %get3A_178 = arith.constant 0 : index
      %get3A_179 = arith.constant 0 : index
      %get3A_180 = vector.load %arg50[%get3A_176, %get3A_177, %get3A_178, %get3A_179] : memref<3x3x80x80xf32, #tpu.memory_space<vmem>>, vector<1x1x80x80xf32>
      %get3A_181 = vector.shape_cast %get3A_180 : vector<1x1x80x80xf32> to vector<80x80xf32>
      %dot_general3A_182 = arith.constant dense<0.000000e+00> : vector<1360x80xf32>
      %dot_general3A_183 = tpu.matmul %slice3A_175, %get3A_181, %dot_general3A_182 {dimension_numbers = #tpu.dot_dimension_numbers<[1], [0], [0], [1], [0, 0, 1, 1], [], []>, transpose_lhs_hint = false} : vector<1360x80xf32>, vector<80x80xf32>, vector<1360x80xf32> -> vector<1360x80xf32>
      %add3A_184 = arith.addf %add3A_174, %dot_general3A_183 : vector<1360x80xf32>
      %get3A_185 = arith.constant 0 : index
      %get3A_186 = arith.constant 0 : index
      %get3A_187 = vector.load %arg3[%get3A_185, %get3A_186] : memref<1360x1xf32, #tpu.memory_space<vmem>>, vector<1360x1xf32>
      %mul3A_188 = vector.broadcast %get3A_187 : vector<1360x1xf32> to vector<1360x80xf32>
      %mul3A_189 = arith.mulf %add3A_184, %mul3A_188 : vector<1360x80xf32>
      %mul3A_190 = arith.constant 0.999994993 : f32
      %mul3A_191 = vector.broadcast %mul3A_190 : f32 to vector<1360x80xf32>
      %mul3A_192 = arith.mulf %mul3A_189, %mul3A_191 : vector<1360x80xf32>
      %ge3A_193 = arith.constant 0.000000e+00 : f32
      %ge3A_194 = vector.broadcast %ge3A_193 : f32 to vector<1360x80xf32>
      %ge3A_195 = arith.cmpf oge, %mul3A_192, %ge3A_194 : vector<1360x80xf32>
      %mul3A_196 = arith.constant 1.000000e-01 : f32
      %mul3A_197 = vector.broadcast %mul3A_196 : f32 to vector<1360x80xf32>
      %mul3A_198 = arith.mulf %mul3A_197, %mul3A_192 : vector<1360x80xf32>
      %select_n3A_199 = arith.select %ge3A_195, %mul3A_192, %mul3A_198 : vector<1360x80xi1>, vector<1360x80xf32>
      %broadcast_in_dim3A_200 = arith.constant 0.000000e+00 : f32
      %broadcast_in_dim3A_201 = vector.broadcast %broadcast_in_dim3A_200 : f32 to vector<48x80xf32>
      %concatenate3A = tpu.concatenate %broadcast_in_dim3A_201, %select_n3A_199, %broadcast_in_dim3A_201 in 0 : vector<48x80xf32>, vector<1360x80xf32>, vector<48x80xf32> -> vector<1456x80xf32>
      %reshape3A = vector.shape_cast %concatenate3A : vector<1456x80xf32> to vector<1x1456x80xf32>
      %slice3A_202 = vector.extract_strided_slice %reshape3A {offsets = [0, 48, 0], sizes = [1, 1360, 80], strides = [1, 1, 1]} : vector<1x1456x80xf32> to vector<1x1360x80xf32>
      %reshape3A_203 = vector.shape_cast %slice3A_202 : vector<1x1360x80xf32> to vector<1x34x40x80xf32>
      %slice3A_204 = vector.extract_strided_slice %reshape3A_203 {offsets = [0, 1, 1, 0], sizes = [1, 32, 32, 80], strides = [1, 1, 1, 1]} : vector<1x34x40x80xf32> to vector<1x32x32x80xf32>
      %reshape3A_205 = vector.shape_cast %slice3A_204 : vector<1x32x32x80xf32> to vector<1x16x2x32x80xf32>
      %slice3A_206 = vector.extract_strided_slice %reshape3A_205 {offsets = [0, 0, 0, 0, 0], sizes = [1, 16, 1, 32, 80], strides = [1, 1, 1, 1, 1]} : vector<1x16x2x32x80xf32> to vector<1x16x1x32x80xf32>
      %squeeze3A = vector.shape_cast %slice3A_206 : vector<1x16x1x32x80xf32> to vector<1x16x32x80xf32>
      %slice3A_207 = vector.extract_strided_slice %reshape3A_205 {offsets = [0, 0, 1, 0, 0], sizes = [1, 16, 1, 32, 80], strides = [1, 1, 1, 1, 1]} : vector<1x16x2x32x80xf32> to vector<1x16x1x32x80xf32>
      %squeeze3A_208 = vector.shape_cast %slice3A_207 : vector<1x16x1x32x80xf32> to vector<1x16x32x80xf32>
      %max3A = arith.maximumf %squeeze3A, %squeeze3A_208 : vector<1x16x32x80xf32>
      %reshape3A_209 = vector.shape_cast %max3A : vector<1x16x32x80xf32> to vector<1x16x16x2x80xf32>
      %slice3A_210 = vector.extract_strided_slice %reshape3A_209 {offsets = [0, 0, 0, 0, 0], sizes = [1, 16, 16, 1, 80], strides = [1, 1, 1, 1, 1]} : vector<1x16x16x2x80xf32> to vector<1x16x16x1x80xf32>
      %squeeze3A_211 = vector.shape_cast %slice3A_210 : vector<1x16x16x1x80xf32> to vector<1x16x16x80xf32>
      %slice3A_212 = vector.extract_strided_slice %reshape3A_209 {offsets = [0, 0, 0, 1, 0], sizes = [1, 16, 16, 1, 80], strides = [1, 1, 1, 1, 1]} : vector<1x16x16x2x80xf32> to vector<1x16x16x1x80xf32>
      %squeeze3A_213 = vector.shape_cast %slice3A_212 : vector<1x16x16x1x80xf32> to vector<1x16x16x80xf32>
      %max3A_214 = arith.maximumf %squeeze3A_211, %squeeze3A_213 : vector<1x16x16x80xf32>
      %broadcast_in_dim3A_215 = arith.constant 0.000000e+00 : f32
      %broadcast_in_dim3A_216 = vector.broadcast %broadcast_in_dim3A_215 : f32 to vector<1x16x1x80xf32>
      %broadcast_in_dim3A_217 = arith.constant 0.000000e+00 : f32
      %broadcast_in_dim3A_218 = vector.broadcast %broadcast_in_dim3A_217 : f32 to vector<1x16x7x80xf32>
      %concatenate3A_219 = tpu.concatenate %broadcast_in_dim3A_216, %max3A_214, %broadcast_in_dim3A_218 in 2 : vector<1x16x1x80xf32>, vector<1x16x16x80xf32>, vector<1x16x7x80xf32> -> vector<1x16x24x80xf32>
      %broadcast_in_dim3A_220 = arith.constant 0.000000e+00 : f32
      %broadcast_in_dim3A_221 = vector.broadcast %broadcast_in_dim3A_220 : f32 to vector<1x1x24x80xf32>
      %concatenate3A_222 = tpu.concatenate %broadcast_in_dim3A_221, %concatenate3A_219, %broadcast_in_dim3A_221 in 1 : vector<1x1x24x80xf32>, vector<1x16x24x80xf32>, vector<1x1x24x80xf32> -> vector<1x18x24x80xf32>
      %reshape3A_223 = vector.shape_cast %concatenate3A_222 : vector<1x18x24x80xf32> to vector<1x432x80xf32>
      %broadcast_in_dim3A_224 = arith.constant 0.000000e+00 : f32
      %broadcast_in_dim3A_225 = vector.broadcast %broadcast_in_dim3A_224 : f32 to vector<1x48x80xf32>
      %concatenate3A_226 = tpu.concatenate %broadcast_in_dim3A_225, %reshape3A_223, %broadcast_in_dim3A_225 in 1 : vector<1x48x80xf32>, vector<1x432x80xf32>, vector<1x48x80xf32> -> vector<1x528x80xf32>
      %reshape3A_227 = vector.shape_cast %concatenate3A_226 : vector<1x528x80xf32> to vector<528x80xf32>
      %get3A_228 = arith.constant 0 : index
      %get3A_229 = arith.constant 0 : index
      %get3A_230 = vector.load %arg51[%get3A_228, %get3A_229] : memref<80x160xf32, #tpu.memory_space<vmem>>, vector<80x160xf32>
      %dot_general3A_231 = arith.constant dense<0.000000e+00> : vector<528x160xf32>
      %dot_general3A_232 = tpu.matmul %reshape3A_227, %get3A_230, %dot_general3A_231 {dimension_numbers = #tpu.dot_dimension_numbers<[1], [0], [0], [1], [0, 0, 1, 1], [], []>, transpose_lhs_hint = false} : vector<528x80xf32>, vector<80x160xf32>, vector<528x160xf32> -> vector<528x160xf32>
      %mul3A_233 = arith.constant 0.999994993 : f32
      %mul3A_234 = vector.broadcast %mul3A_233 : f32 to vector<528x160xf32>
      %mul3A_235 = arith.mulf %dot_general3A_232, %mul3A_234 : vector<528x160xf32>
      %ge3A_236 = arith.constant 0.000000e+00 : f32
      %ge3A_237 = vector.broadcast %ge3A_236 : f32 to vector<528x160xf32>
      %ge3A_238 = arith.cmpf oge, %mul3A_235, %ge3A_237 : vector<528x160xf32>
      %mul3A_239 = arith.constant 1.000000e-01 : f32
      %mul3A_240 = vector.broadcast %mul3A_239 : f32 to vector<528x160xf32>
      %mul3A_241 = arith.mulf %mul3A_240, %mul3A_235 : vector<528x160xf32>
      %select_n3A_242 = arith.select %ge3A_238, %mul3A_235, %mul3A_241 : vector<528x160xi1>, vector<528x160xf32>
      %slice3A_243 = vector.extract_strided_slice %select_n3A_242 {offsets = [1, 0], sizes = [527, 160], strides = [1, 1]} : vector<528x160xf32> to vector<527x160xf32>
      %slice3A_244 = vector.extract_strided_slice %select_n3A_242 {offsets = [7, 0], sizes = [521, 160], strides = [1, 1]} : vector<528x160xf32> to vector<521x160xf32>
      %slice3A_245 = vector.extract_strided_slice %slice3A_244 {offsets = [16, 0], sizes = [432, 160], strides = [1, 1]} : vector<521x160xf32> to vector<432x160xf32>
      %get3A_246 = arith.constant 0 : index
      %get3A_247 = arith.constant 0 : index
      %get3A_248 = arith.constant 0 : index
      %get3A_249 = arith.constant 0 : index
      %get3A_250 = vector.load %arg52[%get3A_246, %get3A_247, %get3A_248, %get3A_249] : memref<3x3x160x160xf32, #tpu.memory_space<vmem>>, vector<1x1x160x160xf32>
      %get3A_251 = vector.shape_cast %get3A_250 : vector<1x1x160x160xf32> to vector<160x160xf32>
      %dot_general3A_252 = arith.constant dense<0.000000e+00> : vector<432x160xf32>
      %dot_general3A_253 = tpu.matmul %slice3A_245, %get3A_251, %dot_general3A_252 {dimension_numbers = #tpu.dot_dimension_numbers<[1], [0], [0], [1], [0, 0, 1, 1], [], []>, transpose_lhs_hint = false} : vector<432x160xf32>, vector<160x160xf32>, vector<432x160xf32> -> vector<432x160xf32>
      %slice3A_254 = vector.extract_strided_slice %select_n3A_242 {offsets = [24, 0], sizes = [432, 160], strides = [1, 1]} : vector<528x160xf32> to vector<432x160xf32>
      %get3A_255 = arith.constant 0 : index
      %get3A_256 = arith.constant 1 : index
      %get3A_257 = arith.constant 0 : index
      %get3A_258 = arith.constant 0 : index
      %get3A_259 = vector.load %arg52[%get3A_255, %get3A_256, %get3A_257, %get3A_258] : memref<3x3x160x160xf32, #tpu.memory_space<vmem>>, vector<1x1x160x160xf32>
      %get3A_260 = vector.shape_cast %get3A_259 : vector<1x1x160x160xf32> to vector<160x160xf32>
      %dot_general3A_261 = arith.constant dense<0.000000e+00> : vector<432x160xf32>
      %dot_general3A_262 = tpu.matmul %slice3A_254, %get3A_260, %dot_general3A_261 {dimension_numbers = #tpu.dot_dimension_numbers<[1], [0], [0], [1], [0, 0, 1, 1], [], []>, transpose_lhs_hint = false} : vector<432x160xf32>, vector<160x160xf32>, vector<432x160xf32> -> vector<432x160xf32>
      %add3A_263 = arith.addf %dot_general3A_253, %dot_general3A_262 : vector<432x160xf32>
      %slice3A_264 = vector.extract_strided_slice %slice3A_243 {offsets = [24, 0], sizes = [432, 160], strides = [1, 1]} : vector<527x160xf32> to vector<432x160xf32>
      %get3A_265 = arith.constant 0 : index
      %get3A_266 = arith.constant 2 : index
      %get3A_267 = arith.constant 0 : index
      %get3A_268 = arith.constant 0 : index
      %get3A_269 = vector.load %arg52[%get3A_265, %get3A_266, %get3A_267, %get3A_268] : memref<3x3x160x160xf32, #tpu.memory_space<vmem>>, vector<1x1x160x160xf32>
      %get3A_270 = vector.shape_cast %get3A_269 : vector<1x1x160x160xf32> to vector<160x160xf32>
      %dot_general3A_271 = arith.constant dense<0.000000e+00> : vector<432x160xf32>
      %dot_general3A_272 = tpu.matmul %slice3A_264, %get3A_270, %dot_general3A_271 {dimension_numbers = #tpu.dot_dimension_numbers<[1], [0], [0], [1], [0, 0, 1, 1], [], []>, transpose_lhs_hint = false} : vector<432x160xf32>, vector<160x160xf32>, vector<432x160xf32> -> vector<432x160xf32>
      %add3A_273 = arith.addf %add3A_263, %dot_general3A_272 : vector<432x160xf32>
      %slice3A_274 = vector.extract_strided_slice %slice3A_244 {offsets = [40, 0], sizes = [432, 160], strides = [1, 1]} : vector<521x160xf32> to vector<432x160xf32>
      %get3A_275 = arith.constant 1 : index
      %get3A_276 = arith.constant 0 : index
      %get3A_277 = arith.constant 0 : index
      %get3A_278 = arith.constant 0 : index
      %get3A_279 = vector.load %arg52[%get3A_275, %get3A_276, %get3A_277, %get3A_278] : memref<3x3x160x160xf32, #tpu.memory_space<vmem>>, vector<1x1x160x160xf32>
      %get3A_280 = vector.shape_cast %get3A_279 : vector<1x1x160x160xf32> to vector<160x160xf32>
      %dot_general3A_281 = arith.constant dense<0.000000e+00> : vector<432x160xf32>
      %dot_general3A_282 = tpu.matmul %slice3A_274, %get3A_280, %dot_general3A_281 {dimension_numbers = #tpu.dot_dimension_numbers<[1], [0], [0], [1], [0, 0, 1, 1], [], []>, transpose_lhs_hint = false} : vector<432x160xf32>, vector<160x160xf32>, vector<432x160xf32> -> vector<432x160xf32>
      %add3A_283 = arith.addf %add3A_273, %dot_general3A_282 : vector<432x160xf32>
      %slice3A_284 = vector.extract_strided_slice %select_n3A_242 {offsets = [48, 0], sizes = [432, 160], strides = [1, 1]} : vector<528x160xf32> to vector<432x160xf32>
      %get3A_285 = arith.constant 1 : index
      %get3A_286 = arith.constant 1 : index
      %get3A_287 = arith.constant 0 : index
      %get3A_288 = arith.constant 0 : index
      %get3A_289 = vector.load %arg52[%get3A_285, %get3A_286, %get3A_287, %get3A_288] : memref<3x3x160x160xf32, #tpu.memory_space<vmem>>, vector<1x1x160x160xf32>
      %get3A_290 = vector.shape_cast %get3A_289 : vector<1x1x160x160xf32> to vector<160x160xf32>
      %dot_general3A_291 = arith.constant dense<0.000000e+00> : vector<432x160xf32>
      %dot_general3A_292 = tpu.matmul %slice3A_284, %get3A_290, %dot_general3A_291 {dimension_numbers = #tpu.dot_dimension_numbers<[1], [0], [0], [1], [0, 0, 1, 1], [], []>, transpose_lhs_hint = false} : vector<432x160xf32>, vector<160x160xf32>, vector<432x160xf32> -> vector<432x160xf32>
      %add3A_293 = arith.addf %add3A_283, %dot_general3A_292 : vector<432x160xf32>
      %slice3A_294 = vector.extract_strided_slice %slice3A_243 {offsets = [48, 0], sizes = [432, 160], strides = [1, 1]} : vector<527x160xf32> to vector<432x160xf32>
      %get3A_295 = arith.constant 1 : index
      %get3A_296 = arith.constant 2 : index
      %get3A_297 = arith.constant 0 : index
      %get3A_298 = arith.constant 0 : index
      %get3A_299 = vector.load %arg52[%get3A_295, %get3A_296, %get3A_297, %get3A_298] : memref<3x3x160x160xf32, #tpu.memory_space<vmem>>, vector<1x1x160x160xf32>
      %get3A_300 = vector.shape_cast %get3A_299 : vector<1x1x160x160xf32> to vector<160x160xf32>
      %dot_general3A_301 = arith.constant dense<0.000000e+00> : vector<432x160xf32>
      %dot_general3A_302 = tpu.matmul %slice3A_294, %get3A_300, %dot_general3A_301 {dimension_numbers = #tpu.dot_dimension_numbers<[1], [0], [0], [1], [0, 0, 1, 1], [], []>, transpose_lhs_hint = false} : vector<432x160xf32>, vector<160x160xf32>, vector<432x160xf32> -> vector<432x160xf32>
      %add3A_303 = arith.addf %add3A_293, %dot_general3A_302 : vector<432x160xf32>
      %slice3A_304 = vector.extract_strided_slice %slice3A_244 {offsets = [64, 0], sizes = [432, 160], strides = [1, 1]} : vector<521x160xf32> to vector<432x160xf32>
      %get3A_305 = arith.constant 2 : index
      %get3A_306 = arith.constant 0 : index
      %get3A_307 = arith.constant 0 : index
      %get3A_308 = arith.constant 0 : index
      %get3A_309 = vector.load %arg52[%get3A_305, %get3A_306, %get3A_307, %get3A_308] : memref<3x3x160x160xf32, #tpu.memory_space<vmem>>, vector<1x1x160x160xf32>
      %get3A_310 = vector.shape_cast %get3A_309 : vector<1x1x160x160xf32> to vector<160x160xf32>
      %dot_general3A_311 = arith.constant dense<0.000000e+00> : vector<432x160xf32>
      %dot_general3A_312 = tpu.matmul %slice3A_304, %get3A_310, %dot_general3A_311 {dimension_numbers = #tpu.dot_dimension_numbers<[1], [0], [0], [1], [0, 0, 1, 1], [], []>, transpose_lhs_hint = false} : vector<432x160xf32>, vector<160x160xf32>, vector<432x160xf32> -> vector<432x160xf32>
      %add3A_313 = arith.addf %add3A_303, %dot_general3A_312 : vector<432x160xf32>
      %slice3A_314 = vector.extract_strided_slice %select_n3A_242 {offsets = [72, 0], sizes = [432, 160], strides = [1, 1]} : vector<528x160xf32> to vector<432x160xf32>
      %get3A_315 = arith.constant 2 : index
      %get3A_316 = arith.constant 1 : index
      %get3A_317 = arith.constant 0 : index
      %get3A_318 = arith.constant 0 : index
      %get3A_319 = vector.load %arg52[%get3A_315, %get3A_316, %get3A_317, %get3A_318] : memref<3x3x160x160xf32, #tpu.memory_space<vmem>>, vector<1x1x160x160xf32>
      %get3A_320 = vector.shape_cast %get3A_319 : vector<1x1x160x160xf32> to vector<160x160xf32>
      %dot_general3A_321 = arith.constant dense<0.000000e+00> : vector<432x160xf32>
      %dot_general3A_322 = tpu.matmul %slice3A_314, %get3A_320, %dot_general3A_321 {dimension_numbers = #tpu.dot_dimension_numbers<[1], [0], [0], [1], [0, 0, 1, 1], [], []>, transpose_lhs_hint = false} : vector<432x160xf32>, vector<160x160xf32>, vector<432x160xf32> -> vector<432x160xf32>
      %add3A_323 = arith.addf %add3A_313, %dot_general3A_322 : vector<432x160xf32>
      %slice3A_324 = vector.extract_strided_slice %slice3A_243 {offsets = [72, 0], sizes = [432, 160], strides = [1, 1]} : vector<527x160xf32> to vector<432x160xf32>
      %get3A_325 = arith.constant 2 : index
      %get3A_326 = arith.constant 2 : index
      %get3A_327 = arith.constant 0 : index
      %get3A_328 = arith.constant 0 : index
      %get3A_329 = vector.load %arg52[%get3A_325, %get3A_326, %get3A_327, %get3A_328] : memref<3x3x160x160xf32, #tpu.memory_space<vmem>>, vector<1x1x160x160xf32>
      %get3A_330 = vector.shape_cast %get3A_329 : vector<1x1x160x160xf32> to vector<160x160xf32>
      %dot_general3A_331 = arith.constant dense<0.000000e+00> : vector<432x160xf32>
      %dot_general3A_332 = tpu.matmul %slice3A_324, %get3A_330, %dot_general3A_331 {dimension_numbers = #tpu.dot_dimension_numbers<[1], [0], [0], [1], [0, 0, 1, 1], [], []>, transpose_lhs_hint = false} : vector<432x160xf32>, vector<160x160xf32>, vector<432x160xf32> -> vector<432x160xf32>
      %add3A_333 = arith.addf %add3A_323, %dot_general3A_332 : vector<432x160xf32>
      %get3A_334 = arith.constant 0 : index
      %get3A_335 = arith.constant 0 : index
      %get3A_336 = vector.load %arg4[%get3A_334, %get3A_335] : memref<432x1xf32, #tpu.memory_space<vmem>>, vector<432x1xf32>
      %mul3A_337 = vector.broadcast %get3A_336 : vector<432x1xf32> to vector<432x160xf32>
      %mul3A_338 = arith.mulf %add3A_333, %mul3A_337 : vector<432x160xf32>
      %mul3A_339 = arith.constant 0.999994993 : f32
      %mul3A_340 = vector.broadcast %mul3A_339 : f32 to vector<432x160xf32>
      %mul3A_341 = arith.mulf %mul3A_338, %mul3A_340 : vector<432x160xf32>
      %ge3A_342 = arith.constant 0.000000e+00 : f32
      %ge3A_343 = vector.broadcast %ge3A_342 : f32 to vector<432x160xf32>
      %ge3A_344 = arith.cmpf oge, %mul3A_341, %ge3A_343 : vector<432x160xf32>
      %mul3A_345 = arith.constant 1.000000e-01 : f32
      %mul3A_346 = vector.broadcast %mul3A_345 : f32 to vector<432x160xf32>
      %mul3A_347 = arith.mulf %mul3A_346, %mul3A_341 : vector<432x160xf32>
      %select_n3A_348 = arith.select %ge3A_344, %mul3A_341, %mul3A_347 : vector<432x160xi1>, vector<432x160xf32>
      %broadcast_in_dim3A_349 = arith.constant 0.000000e+00 : f32
      %broadcast_in_dim3A_350 = vector.broadcast %broadcast_in_dim3A_349 : f32 to vector<48x160xf32>
      %concatenate3A_351 = tpu.concatenate %broadcast_in_dim3A_350, %select_n3A_348, %broadcast_in_dim3A_350 in 0 : vector<48x160xf32>, vector<432x160xf32>, vector<48x160xf32> -> vector<528x160xf32>
      %reshape3A_352 = vector.shape_cast %concatenate3A_351 : vector<528x160xf32> to vector<1x528x160xf32>
      %slice3A_353 = vector.extract_strided_slice %reshape3A_352 {offsets = [0, 48, 0], sizes = [1, 432, 160], strides = [1, 1, 1]} : vector<1x528x160xf32> to vector<1x432x160xf32>
      %reshape3A_354 = vector.shape_cast %slice3A_353 : vector<1x432x160xf32> to vector<1x18x24x160xf32>
      %slice3A_355 = vector.extract_strided_slice %reshape3A_354 {offsets = [0, 1, 1, 0], sizes = [1, 16, 16, 160], strides = [1, 1, 1, 1]} : vector<1x18x24x160xf32> to vector<1x16x16x160xf32>
      %reshape3A_356 = vector.shape_cast %slice3A_355 : vector<1x16x16x160xf32> to vector<1x8x2x16x160xf32>
      %slice3A_357 = vector.extract_strided_slice %reshape3A_356 {offsets = [0, 0, 0, 0, 0], sizes = [1, 8, 1, 16, 160], strides = [1, 1, 1, 1, 1]} : vector<1x8x2x16x160xf32> to vector<1x8x1x16x160xf32>
      %squeeze3A_358 = vector.shape_cast %slice3A_357 : vector<1x8x1x16x160xf32> to vector<1x8x16x160xf32>
      %slice3A_359 = vector.extract_strided_slice %reshape3A_356 {offsets = [0, 0, 1, 0, 0], sizes = [1, 8, 1, 16, 160], strides = [1, 1, 1, 1, 1]} : vector<1x8x2x16x160xf32> to vector<1x8x1x16x160xf32>
      %squeeze3A_360 = vector.shape_cast %slice3A_359 : vector<1x8x1x16x160xf32> to vector<1x8x16x160xf32>
      %max3A_361 = arith.maximumf %squeeze3A_358, %squeeze3A_360 : vector<1x8x16x160xf32>
      %reshape3A_362 = vector.shape_cast %max3A_361 : vector<1x8x16x160xf32> to vector<1x8x8x2x160xf32>
      %slice3A_363 = vector.extract_strided_slice %reshape3A_362 {offsets = [0, 0, 0, 0, 0], sizes = [1, 8, 8, 1, 160], strides = [1, 1, 1, 1, 1]} : vector<1x8x8x2x160xf32> to vector<1x8x8x1x160xf32>
      %squeeze3A_364 = vector.shape_cast %slice3A_363 : vector<1x8x8x1x160xf32> to vector<1x8x8x160xf32>
      %slice3A_365 = vector.extract_strided_slice %reshape3A_362 {offsets = [0, 0, 0, 1, 0], sizes = [1, 8, 8, 1, 160], strides = [1, 1, 1, 1, 1]} : vector<1x8x8x2x160xf32> to vector<1x8x8x1x160xf32>
      %squeeze3A_366 = vector.shape_cast %slice3A_365 : vector<1x8x8x1x160xf32> to vector<1x8x8x160xf32>
      %max3A_367 = arith.maximumf %squeeze3A_364, %squeeze3A_366 : vector<1x8x8x160xf32>
      %broadcast_in_dim3A_368 = arith.constant 0.000000e+00 : f32
      %broadcast_in_dim3A_369 = vector.broadcast %broadcast_in_dim3A_368 : f32 to vector<1x8x1x160xf32>
      %broadcast_in_dim3A_370 = arith.constant 0.000000e+00 : f32
      %broadcast_in_dim3A_371 = vector.broadcast %broadcast_in_dim3A_370 : f32 to vector<1x8x7x160xf32>
      %concatenate3A_372 = tpu.concatenate %broadcast_in_dim3A_369, %max3A_367, %broadcast_in_dim3A_371 in 2 : vector<1x8x1x160xf32>, vector<1x8x8x160xf32>, vector<1x8x7x160xf32> -> vector<1x8x16x160xf32>
      %broadcast_in_dim3A_373 = arith.constant 0.000000e+00 : f32
      %broadcast_in_dim3A_374 = vector.broadcast %broadcast_in_dim3A_373 : f32 to vector<1x1x16x160xf32>
      %concatenate3A_375 = tpu.concatenate %broadcast_in_dim3A_374, %concatenate3A_372, %broadcast_in_dim3A_374 in 1 : vector<1x1x16x160xf32>, vector<1x8x16x160xf32>, vector<1x1x16x160xf32> -> vector<1x10x16x160xf32>
      %reshape3A_376 = vector.shape_cast %concatenate3A_375 : vector<1x10x16x160xf32> to vector<1x160x160xf32>
      %broadcast_in_dim3A_377 = arith.constant 0.000000e+00 : f32
      %broadcast_in_dim3A_378 = vector.broadcast %broadcast_in_dim3A_377 : f32 to vector<1x48x160xf32>
      %concatenate3A_379 = tpu.concatenate %broadcast_in_dim3A_378, %reshape3A_376, %broadcast_in_dim3A_378 in 1 : vector<1x48x160xf32>, vector<1x160x160xf32>, vector<1x48x160xf32> -> vector<1x256x160xf32>
      %reshape3A_380 = vector.shape_cast %concatenate3A_379 : vector<1x256x160xf32> to vector<256x160xf32>
      %get3A_381 = arith.constant 0 : index
      %get3A_382 = arith.constant 0 : index
      %get3A_383 = vector.load %arg53[%get3A_381, %get3A_382] : memref<160x320xf32, #tpu.memory_space<vmem>>, vector<160x320xf32>
      %dot_general3A_384 = arith.constant dense<0.000000e+00> : vector<256x320xf32>
      %dot_general3A_385 = tpu.matmul %reshape3A_380, %get3A_383, %dot_general3A_384 {dimension_numbers = #tpu.dot_dimension_numbers<[1], [0], [0], [1], [0, 0, 1, 1], [], []>, transpose_lhs_hint = false} : vector<256x160xf32>, vector<160x320xf32>, vector<256x320xf32> -> vector<256x320xf32>
      %mul3A_386 = arith.constant 0.999994993 : f32
      %mul3A_387 = vector.broadcast %mul3A_386 : f32 to vector<256x320xf32>
      %mul3A_388 = arith.mulf %dot_general3A_385, %mul3A_387 : vector<256x320xf32>
      %ge3A_389 = arith.constant 0.000000e+00 : f32
      %ge3A_390 = vector.broadcast %ge3A_389 : f32 to vector<256x320xf32>
      %ge3A_391 = arith.cmpf oge, %mul3A_388, %ge3A_390 : vector<256x320xf32>
      %mul3A_392 = arith.constant 1.000000e-01 : f32
      %mul3A_393 = vector.broadcast %mul3A_392 : f32 to vector<256x320xf32>
      %mul3A_394 = arith.mulf %mul3A_393, %mul3A_388 : vector<256x320xf32>
      %select_n3A_395 = arith.select %ge3A_391, %mul3A_388, %mul3A_394 : vector<256x320xi1>, vector<256x320xf32>
      %slice3A_396 = vector.extract_strided_slice %select_n3A_395 {offsets = [1, 0], sizes = [255, 320], strides = [1, 1]} : vector<256x320xf32> to vector<255x320xf32>
      %slice3A_397 = vector.extract_strided_slice %select_n3A_395 {offsets = [7, 0], sizes = [249, 320], strides = [1, 1]} : vector<256x320xf32> to vector<249x320xf32>
      %slice3A_398 = vector.extract_strided_slice %slice3A_397 {offsets = [24, 0], sizes = [160, 320], strides = [1, 1]} : vector<249x320xf32> to vector<160x320xf32>
      %get3A_399 = arith.constant 0 : index
      %get3A_400 = arith.constant 0 : index
      %get3A_401 = arith.constant 0 : index
      %get3A_402 = arith.constant 0 : index
      %get3A_403 = vector.load %arg54[%get3A_399, %get3A_400, %get3A_401, %get3A_402] : memref<3x3x320x320xf32, #tpu.memory_space<vmem>>, vector<1x1x320x320xf32>
      %get3A_404 = vector.shape_cast %get3A_403 : vector<1x1x320x320xf32> to vector<320x320xf32>
      %dot_general3A_405 = arith.constant dense<0.000000e+00> : vector<160x320xf32>
      %dot_general3A_406 = tpu.matmul %slice3A_398, %get3A_404, %dot_general3A_405 {dimension_numbers = #tpu.dot_dimension_numbers<[1], [0], [0], [1], [0, 0, 1, 1], [], []>, transpose_lhs_hint = false} : vector<160x320xf32>, vector<320x320xf32>, vector<160x320xf32> -> vector<160x320xf32>
      %slice3A_407 = vector.extract_strided_slice %select_n3A_395 {offsets = [32, 0], sizes = [160, 320], strides = [1, 1]} : vector<256x320xf32> to vector<160x320xf32>
      %get3A_408 = arith.constant 0 : index
      %get3A_409 = arith.constant 1 : index
      %get3A_410 = arith.constant 0 : index
      %get3A_411 = arith.constant 0 : index
      %get3A_412 = vector.load %arg54[%get3A_408, %get3A_409, %get3A_410, %get3A_411] : memref<3x3x320x320xf32, #tpu.memory_space<vmem>>, vector<1x1x320x320xf32>
      %get3A_413 = vector.shape_cast %get3A_412 : vector<1x1x320x320xf32> to vector<320x320xf32>
      %dot_general3A_414 = arith.constant dense<0.000000e+00> : vector<160x320xf32>
      %dot_general3A_415 = tpu.matmul %slice3A_407, %get3A_413, %dot_general3A_414 {dimension_numbers = #tpu.dot_dimension_numbers<[1], [0], [0], [1], [0, 0, 1, 1], [], []>, transpose_lhs_hint = false} : vector<160x320xf32>, vector<320x320xf32>, vector<160x320xf32> -> vector<160x320xf32>
      %add3A_416 = arith.addf %dot_general3A_406, %dot_general3A_415 : vector<160x320xf32>
      %slice3A_417 = vector.extract_strided_slice %slice3A_396 {offsets = [32, 0], sizes = [160, 320], strides = [1, 1]} : vector<255x320xf32> to vector<160x320xf32>
      %get3A_418 = arith.constant 0 : index
      %get3A_419 = arith.constant 2 : index
      %get3A_420 = arith.constant 0 : index
      %get3A_421 = arith.constant 0 : index
      %get3A_422 = vector.load %arg54[%get3A_418, %get3A_419, %get3A_420, %get3A_421] : memref<3x3x320x320xf32, #tpu.memory_space<vmem>>, vector<1x1x320x320xf32>
      %get3A_423 = vector.shape_cast %get3A_422 : vector<1x1x320x320xf32> to vector<320x320xf32>
      %dot_general3A_424 = arith.constant dense<0.000000e+00> : vector<160x320xf32>
      %dot_general3A_425 = tpu.matmul %slice3A_417, %get3A_423, %dot_general3A_424 {dimension_numbers = #tpu.dot_dimension_numbers<[1], [0], [0], [1], [0, 0, 1, 1], [], []>, transpose_lhs_hint = false} : vector<160x320xf32>, vector<320x320xf32>, vector<160x320xf32> -> vector<160x320xf32>
      %add3A_426 = arith.addf %add3A_416, %dot_general3A_425 : vector<160x320xf32>
      %slice3A_427 = vector.extract_strided_slice %slice3A_397 {offsets = [40, 0], sizes = [160, 320], strides = [1, 1]} : vector<249x320xf32> to vector<160x320xf32>
      %get3A_428 = arith.constant 1 : index
      %get3A_429 = arith.constant 0 : index
      %get3A_430 = arith.constant 0 : index
      %get3A_431 = arith.constant 0 : index
      %get3A_432 = vector.load %arg54[%get3A_428, %get3A_429, %get3A_430, %get3A_431] : memref<3x3x320x320xf32, #tpu.memory_space<vmem>>, vector<1x1x320x320xf32>
      %get3A_433 = vector.shape_cast %get3A_432 : vector<1x1x320x320xf32> to vector<320x320xf32>
      %dot_general3A_434 = arith.constant dense<0.000000e+00> : vector<160x320xf32>
      %dot_general3A_435 = tpu.matmul %slice3A_427, %get3A_433, %dot_general3A_434 {dimension_numbers = #tpu.dot_dimension_numbers<[1], [0], [0], [1], [0, 0, 1, 1], [], []>, transpose_lhs_hint = false} : vector<160x320xf32>, vector<320x320xf32>, vector<160x320xf32> -> vector<160x320xf32>
      %add3A_436 = arith.addf %add3A_426, %dot_general3A_435 : vector<160x320xf32>
      %slice3A_437 = vector.extract_strided_slice %select_n3A_395 {offsets = [48, 0], sizes = [160, 320], strides = [1, 1]} : vector<256x320xf32> to vector<160x320xf32>
      %get3A_438 = arith.constant 1 : index
      %get3A_439 = arith.constant 1 : index
      %get3A_440 = arith.constant 0 : index
      %get3A_441 = arith.constant 0 : index
      %get3A_442 = vector.load %arg54[%get3A_438, %get3A_439, %get3A_440, %get3A_441] : memref<3x3x320x320xf32, #tpu.memory_space<vmem>>, vector<1x1x320x320xf32>
      %get3A_443 = vector.shape_cast %get3A_442 : vector<1x1x320x320xf32> to vector<320x320xf32>
      %dot_general3A_444 = arith.constant dense<0.000000e+00> : vector<160x320xf32>
      %dot_general3A_445 = tpu.matmul %slice3A_437, %get3A_443, %dot_general3A_444 {dimension_numbers = #tpu.dot_dimension_numbers<[1], [0], [0], [1], [0, 0, 1, 1], [], []>, transpose_lhs_hint = false} : vector<160x320xf32>, vector<320x320xf32>, vector<160x320xf32> -> vector<160x320xf32>
      %add3A_446 = arith.addf %add3A_436, %dot_general3A_445 : vector<160x320xf32>
      %slice3A_447 = vector.extract_strided_slice %slice3A_396 {offsets = [48, 0], sizes = [160, 320], strides = [1, 1]} : vector<255x320xf32> to vector<160x320xf32>
      %get3A_448 = arith.constant 1 : index
      %get3A_449 = arith.constant 2 : index
      %get3A_450 = arith.constant 0 : index
      %get3A_451 = arith.constant 0 : index
      %get3A_452 = vector.load %arg54[%get3A_448, %get3A_449, %get3A_450, %get3A_451] : memref<3x3x320x320xf32, #tpu.memory_space<vmem>>, vector<1x1x320x320xf32>
      %get3A_453 = vector.shape_cast %get3A_452 : vector<1x1x320x320xf32> to vector<320x320xf32>
      %dot_general3A_454 = arith.constant dense<0.000000e+00> : vector<160x320xf32>
      %dot_general3A_455 = tpu.matmul %slice3A_447, %get3A_453, %dot_general3A_454 {dimension_numbers = #tpu.dot_dimension_numbers<[1], [0], [0], [1], [0, 0, 1, 1], [], []>, transpose_lhs_hint = false} : vector<160x320xf32>, vector<320x320xf32>, vector<160x320xf32> -> vector<160x320xf32>
      %add3A_456 = arith.addf %add3A_446, %dot_general3A_455 : vector<160x320xf32>
      %slice3A_457 = vector.extract_strided_slice %slice3A_397 {offsets = [56, 0], sizes = [160, 320], strides = [1, 1]} : vector<249x320xf32> to vector<160x320xf32>
      %get3A_458 = arith.constant 2 : index
      %get3A_459 = arith.constant 0 : index
      %get3A_460 = arith.constant 0 : index
      %get3A_461 = arith.constant 0 : index
      %get3A_462 = vector.load %arg54[%get3A_458, %get3A_459, %get3A_460, %get3A_461] : memref<3x3x320x320xf32, #tpu.memory_space<vmem>>, vector<1x1x320x320xf32>
      %get3A_463 = vector.shape_cast %get3A_462 : vector<1x1x320x320xf32> to vector<320x320xf32>
      %dot_general3A_464 = arith.constant dense<0.000000e+00> : vector<160x320xf32>
      %dot_general3A_465 = tpu.matmul %slice3A_457, %get3A_463, %dot_general3A_464 {dimension_numbers = #tpu.dot_dimension_numbers<[1], [0], [0], [1], [0, 0, 1, 1], [], []>, transpose_lhs_hint = false} : vector<160x320xf32>, vector<320x320xf32>, vector<160x320xf32> -> vector<160x320xf32>
      %add3A_466 = arith.addf %add3A_456, %dot_general3A_465 : vector<160x320xf32>
      %slice3A_467 = vector.extract_strided_slice %select_n3A_395 {offsets = [64, 0], sizes = [160, 320], strides = [1, 1]} : vector<256x320xf32> to vector<160x320xf32>
      %get3A_468 = arith.constant 2 : index
      %get3A_469 = arith.constant 1 : index
      %get3A_470 = arith.constant 0 : index
      %get3A_471 = arith.constant 0 : index
      %get3A_472 = vector.load %arg54[%get3A_468, %get3A_469, %get3A_470, %get3A_471] : memref<3x3x320x320xf32, #tpu.memory_space<vmem>>, vector<1x1x320x320xf32>
      %get3A_473 = vector.shape_cast %get3A_472 : vector<1x1x320x320xf32> to vector<320x320xf32>
      %dot_general3A_474 = arith.constant dense<0.000000e+00> : vector<160x320xf32>
      %dot_general3A_475 = tpu.matmul %slice3A_467, %get3A_473, %dot_general3A_474 {dimension_numbers = #tpu.dot_dimension_numbers<[1], [0], [0], [1], [0, 0, 1, 1], [], []>, transpose_lhs_hint = false} : vector<160x320xf32>, vector<320x320xf32>, vector<160x320xf32> -> vector<160x320xf32>
      %add3A_476 = arith.addf %add3A_466, %dot_general3A_475 : vector<160x320xf32>
      %slice3A_477 = vector.extract_strided_slice %slice3A_396 {offsets = [64, 0], sizes = [160, 320], strides = [1, 1]} : vector<255x320xf32> to vector<160x320xf32>
      %get3A_478 = arith.constant 2 : index
      %get3A_479 = arith.constant 2 : index
      %get3A_480 = arith.constant 0 : index
      %get3A_481 = arith.constant 0 : index
      %get3A_482 = vector.load %arg54[%get3A_478, %get3A_479, %get3A_480, %get3A_481] : memref<3x3x320x320xf32, #tpu.memory_space<vmem>>, vector<1x1x320x320xf32>
      %get3A_483 = vector.shape_cast %get3A_482 : vector<1x1x320x320xf32> to vector<320x320xf32>
      %dot_general3A_484 = arith.constant dense<0.000000e+00> : vector<160x320xf32>
      %dot_general3A_485 = tpu.matmul %slice3A_477, %get3A_483, %dot_general3A_484 {dimension_numbers = #tpu.dot_dimension_numbers<[1], [0], [0], [1], [0, 0, 1, 1], [], []>, transpose_lhs_hint = false} : vector<160x320xf32>, vector<320x320xf32>, vector<160x320xf32> -> vector<160x320xf32>
      %add3A_486 = arith.addf %add3A_476, %dot_general3A_485 : vector<160x320xf32>
      %get3A_487 = arith.constant 0 : index
      %get3A_488 = arith.constant 0 : index
      %get3A_489 = vector.load %arg5[%get3A_487, %get3A_488] : memref<160x1xf32, #tpu.memory_space<vmem>>, vector<160x1xf32>
      %mul3A_490 = vector.broadcast %get3A_489 : vector<160x1xf32> to vector<160x320xf32>
      %mul3A_491 = arith.mulf %add3A_486, %mul3A_490 : vector<160x320xf32>
      %mul3A_492 = arith.constant 0.999994993 : f32
      %mul3A_493 = vector.broadcast %mul3A_492 : f32 to vector<160x320xf32>
      %mul3A_494 = arith.mulf %mul3A_491, %mul3A_493 : vector<160x320xf32>
      %ge3A_495 = arith.constant 0.000000e+00 : f32
      %ge3A_496 = vector.broadcast %ge3A_495 : f32 to vector<160x320xf32>
      %ge3A_497 = arith.cmpf oge, %mul3A_494, %ge3A_496 : vector<160x320xf32>
      %mul3A_498 = arith.constant 1.000000e-01 : f32
      %mul3A_499 = vector.broadcast %mul3A_498 : f32 to vector<160x320xf32>
      %mul3A_500 = arith.mulf %mul3A_499, %mul3A_494 : vector<160x320xf32>
      %select_n3A_501 = arith.select %ge3A_497, %mul3A_494, %mul3A_500 : vector<160x320xi1>, vector<160x320xf32>
      %broadcast_in_dim3A_502 = arith.constant 0.000000e+00 : f32
      %broadcast_in_dim3A_503 = vector.broadcast %broadcast_in_dim3A_502 : f32 to vector<48x320xf32>
      %concatenate3A_504 = tpu.concatenate %broadcast_in_dim3A_503, %select_n3A_501, %broadcast_in_dim3A_503 in 0 : vector<48x320xf32>, vector<160x320xf32>, vector<48x320xf32> -> vector<256x320xf32>
      %reshape3A_505 = vector.shape_cast %concatenate3A_504 : vector<256x320xf32> to vector<1x256x320xf32>
      %slice3A_506 = vector.extract_strided_slice %reshape3A_505 {offsets = [0, 48, 0], sizes = [1, 160, 320], strides = [1, 1, 1]} : vector<1x256x320xf32> to vector<1x160x320xf32>
      %reshape3A_507 = vector.shape_cast %slice3A_506 : vector<1x160x320xf32> to vector<160x320xf32>
      %get3A_508 = arith.constant 0 : index
      %get3A_509 = arith.constant 0 : index
      %get3A_510 = vector.load %arg55[%get3A_508, %get3A_509] : memref<320x100xf32, #tpu.memory_space<vmem>>, vector<320x100xf32>
      %dot_general3A_511 = arith.constant dense<0.000000e+00> : vector<160x100xf32>
      %dot_general3A_512 = tpu.matmul %reshape3A_507, %get3A_510, %dot_general3A_511 {dimension_numbers = #tpu.dot_dimension_numbers<[1], [0], [0], [1], [0, 0, 1, 1], [], []>, transpose_lhs_hint = false} : vector<160x320xf32>, vector<320x100xf32>, vector<160x100xf32> -> vector<160x100xf32>
      %ge3A_513 = arith.constant 0.000000e+00 : f32
      %ge3A_514 = vector.broadcast %ge3A_513 : f32 to vector<160x100xf32>
      %ge3A_515 = arith.cmpf oge, %dot_general3A_512, %ge3A_514 : vector<160x100xf32>
      %mul3A_516 = arith.constant 1.000000e-01 : f32
      %mul3A_517 = vector.broadcast %mul3A_516 : f32 to vector<160x100xf32>
      %mul3A_518 = arith.mulf %mul3A_517, %dot_general3A_512 : vector<160x100xf32>
      %select_n3A_519 = arith.select %ge3A_515, %dot_general3A_512, %mul3A_518 : vector<160x100xi1>, vector<160x100xf32>
      %reshape3A_520 = vector.shape_cast %select_n3A_519 : vector<160x100xf32> to vector<1x160x100xf32>
      %reduce_sum3A = arith.constant dense<0.000000e+00> : vector<1x100xf32>
      %reduce_sum3A_521 = vector.multi_reduction <add>, %reshape3A_520, %reduce_sum3A [1] : vector<1x160x100xf32> to vector<1x100xf32>
      %mul3A_522 = arith.constant 1.562500e-02 : f32
      %mul3A_523 = vector.broadcast %mul3A_522 : f32 to vector<1x100xf32>
      %mul3A_524 = arith.mulf %reduce_sum3A_521, %mul3A_523 : vector<1x100xf32>
      %get3A_525 = arith.constant 0 : index
      %get3A_526 = arith.constant 0 : index
      %get3A_527 = arith.constant 0 : index
      %get3A_528 = vector.load %arg63[%get3A_525, %get3A_526, %get3A_527] : memref<1x1x100xf32, #tpu.memory_space<vmem>>, vector<1x1x100xf32>
      %mul3A_529 = vector.broadcast %get3A_64 : f32 to vector<1x100xf32>
      %mul3A_530 = arith.mulf %mul3A_524, %mul3A_529 : vector<1x100xf32>
      %reshape3A_531 = vector.shape_cast %mul3A_530 : vector<1x100xf32> to vector<1x1x100xf32>
      %add3A_532 = arith.addf %get3A_528, %reshape3A_531 : vector<1x1x100xf32>
      %swap3A_533 = arith.constant 0 : index
      %swap3A_534 = arith.constant 0 : index
      %swap3A_535 = arith.constant 0 : index
      %swap3A_536 = vector.load %arg63[%swap3A_533, %swap3A_534, %swap3A_535] : memref<1x1x100xf32, #tpu.memory_space<vmem>>, vector<1x1x100xf32>
      tpu.vector_store %arg63[%swap3A_533, %swap3A_534, %swap3A_535], %add3A_532 {strides = array<i32>} : memref<1x1x100xf32, #tpu.memory_space<vmem>>, vector<1x1x100xf32>,
    } else {
    }
    %get3A_70 = arith.constant 0 : index
    %get3A_71 = arith.constant 7 : index
    %get3A_72 = arith.constant 0 : index
    %get3A_73 = vector.load %arg2[%get3A_70, %get3A_71, %get3A_72] : memref<1x8x1xf32, #tpu.memory_space<vmem>>, vector<1x1x1xf32>
    %get3A_74 = vector.extract %get3A_73[0, 0, 0] : f32 from vector<1x1x1xf32>
    %ne3A_75 = arith.constant 0.000000e+00 : f32
    %ne3A_76 = arith.cmpf one, %get3A_74, %ne3A_75 : f32
    %convert_element_type3A_77 = arith.extui %ne3A_76 : i1 to i32
    %cond3A_78 = arith.constant 0 : i32
    %cond3A_79 = arith.cmpi ne, %convert_element_type3A_77, %cond3A_78 : i32
    scf.if %cond3A_79 {
      %get3A_80 = arith.constant 0 : index
      %get3A_81 = arith.constant 0 : index
      %get3A_82 = arith.constant 0 : index
      %get3A_83 = vector.load %arg1[%get3A_80, %get3A_81, %get3A_82] : memref<1x1456x3xf32, #tpu.memory_space<vmem>>, vector<1x1456x3xf32>
      %get3A_84 = vector.shape_cast %get3A_83 : vector<1x1456x3xf32> to vector<1456x3xf32>
      %get3A_85 = arith.constant 0 : index
      %get3A_86 = arith.constant 0 : index
      %get3A_87 = vector.load %arg56[%get3A_85, %get3A_86] : memref<3x64xf32, #tpu.memory_space<vmem>>, vector<3x64xf32>
      %dot_general3A = arith.constant dense<0.000000e+00> : vector<1456x64xf32>
      %dot_general3A_88 = tpu.matmul %get3A_84, %get3A_87, %dot_general3A {dimension_numbers = #tpu.dot_dimension_numbers<[1], [0], [0], [1], [0, 0, 1, 1], [], []>, transpose_lhs_hint = false} : vector<1456x3xf32>, vector<3x64xf32>, vector<1456x64xf32> -> vector<1456x64xf32>
      %mul3A = arith.constant 0.999994993 : f32
      %mul3A_89 = vector.broadcast %mul3A : f32 to vector<1456x64xf32>
      %mul3A_90 = arith.mulf %dot_general3A_88, %mul3A_89 : vector<1456x64xf32>
      %ge3A = arith.constant 0.000000e+00 : f32
      %ge3A_91 = vector.broadcast %ge3A : f32 to vector<1456x64xf32>
      %ge3A_92 = arith.cmpf oge, %mul3A_90, %ge3A_91 : vector<1456x64xf32>
      %mul3A_93 = arith.constant 1.000000e-01 : f32
      %mul3A_94 = vector.broadcast %mul3A_93 : f32 to vector<1456x64xf32>
      %mul3A_95 = arith.mulf %mul3A_94, %mul3A_90 : vector<1456x64xf32>
      %select_n3A = arith.select %ge3A_92, %mul3A_90, %mul3A_95 : vector<1456x64xi1>, vector<1456x64xf32>
      %slice3A = vector.extract_strided_slice %select_n3A {offsets = [1, 0], sizes = [1455, 64], strides = [1, 1]} : vector<1456x64xf32> to vector<1455x64xf32>
      %slice3A_96 = vector.extract_strided_slice %select_n3A {offsets = [7, 0], sizes = [1449, 64], strides = [1, 1]} : vector<1456x64xf32> to vector<1449x64xf32>
      %slice3A_97 = vector.extract_strided_slice %slice3A_96 {offsets = [0, 0], sizes = [1360, 64], strides = [1, 1]} : vector<1449x64xf32> to vector<1360x64xf32>
      %get3A_98 = arith.constant 0 : index
      %get3A_99 = arith.constant 0 : index
      %get3A_100 = arith.constant 0 : index
      %get3A_101 = arith.constant 0 : index
      %get3A_102 = vector.load %arg57[%get3A_98, %get3A_99, %get3A_100, %get3A_101] : memref<3x3x64x64xf32, #tpu.memory_space<vmem>>, vector<1x1x64x64xf32>
      %get3A_103 = vector.shape_cast %get3A_102 : vector<1x1x64x64xf32> to vector<64x64xf32>
      %dot_general3A_104 = arith.constant dense<0.000000e+00> : vector<1360x64xf32>
      %dot_general3A_105 = tpu.matmul %slice3A_97, %get3A_103, %dot_general3A_104 {dimension_numbers = #tpu.dot_dimension_numbers<[1], [0], [0], [1], [0, 0, 1, 1], [], []>, transpose_lhs_hint = false} : vector<1360x64xf32>, vector<64x64xf32>, vector<1360x64xf32> -> vector<1360x64xf32>
      %slice3A_106 = vector.extract_strided_slice %select_n3A {offsets = [8, 0], sizes = [1360, 64], strides = [1, 1]} : vector<1456x64xf32> to vector<1360x64xf32>
      %get3A_107 = arith.constant 0 : index
      %get3A_108 = arith.constant 1 : index
      %get3A_109 = arith.constant 0 : index
      %get3A_110 = arith.constant 0 : index
      %get3A_111 = vector.load %arg57[%get3A_107, %get3A_108, %get3A_109, %get3A_110] : memref<3x3x64x64xf32, #tpu.memory_space<vmem>>, vector<1x1x64x64xf32>
      %get3A_112 = vector.shape_cast %get3A_111 : vector<1x1x64x64xf32> to vector<64x64xf32>
      %dot_general3A_113 = arith.constant dense<0.000000e+00> : vector<1360x64xf32>
      %dot_general3A_114 = tpu.matmul %slice3A_106, %get3A_112, %dot_general3A_113 {dimension_numbers = #tpu.dot_dimension_numbers<[1], [0], [0], [1], [0, 0, 1, 1], [], []>, transpose_lhs_hint = false} : vector<1360x64xf32>, vector<64x64xf32>, vector<1360x64xf32> -> vector<1360x64xf32>
      %add3A = arith.addf %dot_general3A_105, %dot_general3A_114 : vector<1360x64xf32>
      %slice3A_115 = vector.extract_strided_slice %slice3A {offsets = [8, 0], sizes = [1360, 64], strides = [1, 1]} : vector<1455x64xf32> to vector<1360x64xf32>
      %get3A_116 = arith.constant 0 : index
      %get3A_117 = arith.constant 2 : index
      %get3A_118 = arith.constant 0 : index
      %get3A_119 = arith.constant 0 : index
      %get3A_120 = vector.load %arg57[%get3A_116, %get3A_117, %get3A_118, %get3A_119] : memref<3x3x64x64xf32, #tpu.memory_space<vmem>>, vector<1x1x64x64xf32>
      %get3A_121 = vector.shape_cast %get3A_120 : vector<1x1x64x64xf32> to vector<64x64xf32>
      %dot_general3A_122 = arith.constant dense<0.000000e+00> : vector<1360x64xf32>
      %dot_general3A_123 = tpu.matmul %slice3A_115, %get3A_121, %dot_general3A_122 {dimension_numbers = #tpu.dot_dimension_numbers<[1], [0], [0], [1], [0, 0, 1, 1], [], []>, transpose_lhs_hint = false} : vector<1360x64xf32>, vector<64x64xf32>, vector<1360x64xf32> -> vector<1360x64xf32>
      %add3A_124 = arith.addf %add3A, %dot_general3A_123 : vector<1360x64xf32>
      %slice3A_125 = vector.extract_strided_slice %slice3A_96 {offsets = [40, 0], sizes = [1360, 64], strides = [1, 1]} : vector<1449x64xf32> to vector<1360x64xf32>
      %get3A_126 = arith.constant 1 : index
      %get3A_127 = arith.constant 0 : index
      %get3A_128 = arith.constant 0 : index
      %get3A_129 = arith.constant 0 : index
      %get3A_130 = vector.load %arg57[%get3A_126, %get3A_127, %get3A_128, %get3A_129] : memref<3x3x64x64xf32, #tpu.memory_space<vmem>>, vector<1x1x64x64xf32>
      %get3A_131 = vector.shape_cast %get3A_130 : vector<1x1x64x64xf32> to vector<64x64xf32>
      %dot_general3A_132 = arith.constant dense<0.000000e+00> : vector<1360x64xf32>
      %dot_general3A_133 = tpu.matmul %slice3A_125, %get3A_131, %dot_general3A_132 {dimension_numbers = #tpu.dot_dimension_numbers<[1], [0], [0], [1], [0, 0, 1, 1], [], []>, transpose_lhs_hint = false} : vector<1360x64xf32>, vector<64x64xf32>, vector<1360x64xf32> -> vector<1360x64xf32>
      %add3A_134 = arith.addf %add3A_124, %dot_general3A_133 : vector<1360x64xf32>
      %slice3A_135 = vector.extract_strided_slice %select_n3A {offsets = [48, 0], sizes = [1360, 64], strides = [1, 1]} : vector<1456x64xf32> to vector<1360x64xf32>
      %get3A_136 = arith.constant 1 : index
      %get3A_137 = arith.constant 1 : index
      %get3A_138 = arith.constant 0 : index
      %get3A_139 = arith.constant 0 : index
      %get3A_140 = vector.load %arg57[%get3A_136, %get3A_137, %get3A_138, %get3A_139] : memref<3x3x64x64xf32, #tpu.memory_space<vmem>>, vector<1x1x64x64xf32>
      %get3A_141 = vector.shape_cast %get3A_140 : vector<1x1x64x64xf32> to vector<64x64xf32>
      %dot_general3A_142 = arith.constant dense<0.000000e+00> : vector<1360x64xf32>
      %dot_general3A_143 = tpu.matmul %slice3A_135, %get3A_141, %dot_general3A_142 {dimension_numbers = #tpu.dot_dimension_numbers<[1], [0], [0], [1], [0, 0, 1, 1], [], []>, transpose_lhs_hint = false} : vector<1360x64xf32>, vector<64x64xf32>, vector<1360x64xf32> -> vector<1360x64xf32>
      %add3A_144 = arith.addf %add3A_134, %dot_general3A_143 : vector<1360x64xf32>
      %slice3A_145 = vector.extract_strided_slice %slice3A {offsets = [48, 0], sizes = [1360, 64], strides = [1, 1]} : vector<1455x64xf32> to vector<1360x64xf32>
      %get3A_146 = arith.constant 1 : index
      %get3A_147 = arith.constant 2 : index
      %get3A_148 = arith.constant 0 : index
      %get3A_149 = arith.constant 0 : index
      %get3A_150 = vector.load %arg57[%get3A_146, %get3A_147, %get3A_148, %get3A_149] : memref<3x3x64x64xf32, #tpu.memory_space<vmem>>, vector<1x1x64x64xf32>
      %get3A_151 = vector.shape_cast %get3A_150 : vector<1x1x64x64xf32> to vector<64x64xf32>
      %dot_general3A_152 = arith.constant dense<0.000000e+00> : vector<1360x64xf32>
      %dot_general3A_153 = tpu.matmul %slice3A_145, %get3A_151, %dot_general3A_152 {dimension_numbers = #tpu.dot_dimension_numbers<[1], [0], [0], [1], [0, 0, 1, 1], [], []>, transpose_lhs_hint = false} : vector<1360x64xf32>, vector<64x64xf32>, vector<1360x64xf32> -> vector<1360x64xf32>
      %add3A_154 = arith.addf %add3A_144, %dot_general3A_153 : vector<1360x64xf32>
      %slice3A_155 = vector.extract_strided_slice %slice3A_96 {offsets = [80, 0], sizes = [1360, 64], strides = [1, 1]} : vector<1449x64xf32> to vector<1360x64xf32>
      %get3A_156 = arith.constant 2 : index
      %get3A_157 = arith.constant 0 : index
      %get3A_158 = arith.constant 0 : index
      %get3A_159 = arith.constant 0 : index
      %get3A_160 = vector.load %arg57[%get3A_156, %get3A_157, %get3A_158, %get3A_159] : memref<3x3x64x64xf32, #tpu.memory_space<vmem>>, vector<1x1x64x64xf32>
      %get3A_161 = vector.shape_cast %get3A_160 : vector<1x1x64x64xf32> to vector<64x64xf32>
      %dot_general3A_162 = arith.constant dense<0.000000e+00> : vector<1360x64xf32>
      %dot_general3A_163 = tpu.matmul %slice3A_155, %get3A_161, %dot_general3A_162 {dimension_numbers = #tpu.dot_dimension_numbers<[1], [0], [0], [1], [0, 0, 1, 1], [], []>, transpose_lhs_hint = false} : vector<1360x64xf32>, vector<64x64xf32>, vector<1360x64xf32> -> vector<1360x64xf32>
      %add3A_164 = arith.addf %add3A_154, %dot_general3A_163 : vector<1360x64xf32>
      %slice3A_165 = vector.extract_strided_slice %select_n3A {offsets = [88, 0], sizes = [1360, 64], strides = [1, 1]} : vector<1456x64xf32> to vector<1360x64xf32>
      %get3A_166 = arith.constant 2 : index
      %get3A_167 = arith.constant 1 : index
      %get3A_168 = arith.constant 0 : index
      %get3A_169 = arith.constant 0 : index
      %get3A_170 = vector.load %arg57[%get3A_166, %get3A_167, %get3A_168, %get3A_169] : memref<3x3x64x64xf32, #tpu.memory_space<vmem>>, vector<1x1x64x64xf32>
      %get3A_171 = vector.shape_cast %get3A_170 : vector<1x1x64x64xf32> to vector<64x64xf32>
      %dot_general3A_172 = arith.constant dense<0.000000e+00> : vector<1360x64xf32>
      %dot_general3A_173 = tpu.matmul %slice3A_165, %get3A_171, %dot_general3A_172 {dimension_numbers = #tpu.dot_dimension_numbers<[1], [0], [0], [1], [0, 0, 1, 1], [], []>, transpose_lhs_hint = false} : vector<1360x64xf32>, vector<64x64xf32>, vector<1360x64xf32> -> vector<1360x64xf32>
      %add3A_174 = arith.addf %add3A_164, %dot_general3A_173 : vector<1360x64xf32>
      %slice3A_175 = vector.extract_strided_slice %slice3A {offsets = [88, 0], sizes = [1360, 64], strides = [1, 1]} : vector<1455x64xf32> to vector<1360x64xf32>
      %get3A_176 = arith.constant 2 : index
      %get3A_177 = arith.constant 2 : index
      %get3A_178 = arith.constant 0 : index
      %get3A_179 = arith.constant 0 : index
      %get3A_180 = vector.load %arg57[%get3A_176, %get3A_177, %get3A_178, %get3A_179] : memref<3x3x64x64xf32, #tpu.memory_space<vmem>>, vector<1x1x64x64xf32>
      %get3A_181 = vector.shape_cast %get3A_180 : vector<1x1x64x64xf32> to vector<64x64xf32>
      %dot_general3A_182 = arith.constant dense<0.000000e+00> : vector<1360x64xf32>
      %dot_general3A_183 = tpu.matmul %slice3A_175, %get3A_181, %dot_general3A_182 {dimension_numbers = #tpu.dot_dimension_numbers<[1], [0], [0], [1], [0, 0, 1, 1], [], []>, transpose_lhs_hint = false} : vector<1360x64xf32>, vector<64x64xf32>, vector<1360x64xf32> -> vector<1360x64xf32>
      %add3A_184 = arith.addf %add3A_174, %dot_general3A_183 : vector<1360x64xf32>
      %get3A_185 = arith.constant 0 : index
      %get3A_186 = arith.constant 0 : index
      %get3A_187 = vector.load %arg3[%get3A_185, %get3A_186] : memref<1360x1xf32, #tpu.memory_space<vmem>>, vector<1360x1xf32>
      %mul3A_188 = vector.broadcast %get3A_187 : vector<1360x1xf32> to vector<1360x64xf32>
      %mul3A_189 = arith.mulf %add3A_184, %mul3A_188 : vector<1360x64xf32>
      %mul3A_190 = arith.constant 0.999994993 : f32
      %mul3A_191 = vector.broadcast %mul3A_190 : f32 to vector<1360x64xf32>
      %mul3A_192 = arith.mulf %mul3A_189, %mul3A_191 : vector<1360x64xf32>
      %ge3A_193 = arith.constant 0.000000e+00 : f32
      %ge3A_194 = vector.broadcast %ge3A_193 : f32 to vector<1360x64xf32>
      %ge3A_195 = arith.cmpf oge, %mul3A_192, %ge3A_194 : vector<1360x64xf32>
      %mul3A_196 = arith.constant 1.000000e-01 : f32
      %mul3A_197 = vector.broadcast %mul3A_196 : f32 to vector<1360x64xf32>
      %mul3A_198 = arith.mulf %mul3A_197, %mul3A_192 : vector<1360x64xf32>
      %select_n3A_199 = arith.select %ge3A_195, %mul3A_192, %mul3A_198 : vector<1360x64xi1>, vector<1360x64xf32>
      %broadcast_in_dim3A_200 = arith.constant 0.000000e+00 : f32
      %broadcast_in_dim3A_201 = vector.broadcast %broadcast_in_dim3A_200 : f32 to vector<48x64xf32>
      %concatenate3A = tpu.concatenate %broadcast_in_dim3A_201, %select_n3A_199, %broadcast_in_dim3A_201 in 0 : vector<48x64xf32>, vector<1360x64xf32>, vector<48x64xf32> -> vector<1456x64xf32>
      %reshape3A = vector.shape_cast %concatenate3A : vector<1456x64xf32> to vector<1x1456x64xf32>
      %slice3A_202 = vector.extract_strided_slice %reshape3A {offsets = [0, 48, 0], sizes = [1, 1360, 64], strides = [1, 1, 1]} : vector<1x1456x64xf32> to vector<1x1360x64xf32>
      %reshape3A_203 = vector.shape_cast %slice3A_202 : vector<1x1360x64xf32> to vector<1x34x40x64xf32>
      %slice3A_204 = vector.extract_strided_slice %reshape3A_203 {offsets = [0, 1, 1, 0], sizes = [1, 32, 32, 64], strides = [1, 1, 1, 1]} : vector<1x34x40x64xf32> to vector<1x32x32x64xf32>
      %reshape3A_205 = vector.shape_cast %slice3A_204 : vector<1x32x32x64xf32> to vector<1x16x2x32x64xf32>
      %slice3A_206 = vector.extract_strided_slice %reshape3A_205 {offsets = [0, 0, 0, 0, 0], sizes = [1, 16, 1, 32, 64], strides = [1, 1, 1, 1, 1]} : vector<1x16x2x32x64xf32> to vector<1x16x1x32x64xf32>
      %squeeze3A = vector.shape_cast %slice3A_206 : vector<1x16x1x32x64xf32> to vector<1x16x32x64xf32>
      %slice3A_207 = vector.extract_strided_slice %reshape3A_205 {offsets = [0, 0, 1, 0, 0], sizes = [1, 16, 1, 32, 64], strides = [1, 1, 1, 1, 1]} : vector<1x16x2x32x64xf32> to vector<1x16x1x32x64xf32>
      %squeeze3A_208 = vector.shape_cast %slice3A_207 : vector<1x16x1x32x64xf32> to vector<1x16x32x64xf32>
      %max3A = arith.maximumf %squeeze3A, %squeeze3A_208 : vector<1x16x32x64xf32>
      %reshape3A_209 = vector.shape_cast %max3A : vector<1x16x32x64xf32> to vector<1x16x16x2x64xf32>
      %slice3A_210 = vector.extract_strided_slice %reshape3A_209 {offsets = [0, 0, 0, 0, 0], sizes = [1, 16, 16, 1, 64], strides = [1, 1, 1, 1, 1]} : vector<1x16x16x2x64xf32> to vector<1x16x16x1x64xf32>
      %squeeze3A_211 = vector.shape_cast %slice3A_210 : vector<1x16x16x1x64xf32> to vector<1x16x16x64xf32>
      %slice3A_212 = vector.extract_strided_slice %reshape3A_209 {offsets = [0, 0, 0, 1, 0], sizes = [1, 16, 16, 1, 64], strides = [1, 1, 1, 1, 1]} : vector<1x16x16x2x64xf32> to vector<1x16x16x1x64xf32>
      %squeeze3A_213 = vector.shape_cast %slice3A_212 : vector<1x16x16x1x64xf32> to vector<1x16x16x64xf32>
      %max3A_214 = arith.maximumf %squeeze3A_211, %squeeze3A_213 : vector<1x16x16x64xf32>
      %broadcast_in_dim3A_215 = arith.constant 0.000000e+00 : f32
      %broadcast_in_dim3A_216 = vector.broadcast %broadcast_in_dim3A_215 : f32 to vector<1x16x1x64xf32>
      %broadcast_in_dim3A_217 = arith.constant 0.000000e+00 : f32
      %broadcast_in_dim3A_218 = vector.broadcast %broadcast_in_dim3A_217 : f32 to vector<1x16x7x64xf32>
      %concatenate3A_219 = tpu.concatenate %broadcast_in_dim3A_216, %max3A_214, %broadcast_in_dim3A_218 in 2 : vector<1x16x1x64xf32>, vector<1x16x16x64xf32>, vector<1x16x7x64xf32> -> vector<1x16x24x64xf32>
      %broadcast_in_dim3A_220 = arith.constant 0.000000e+00 : f32
      %broadcast_in_dim3A_221 = vector.broadcast %broadcast_in_dim3A_220 : f32 to vector<1x1x24x64xf32>
      %concatenate3A_222 = tpu.concatenate %broadcast_in_dim3A_221, %concatenate3A_219, %broadcast_in_dim3A_221 in 1 : vector<1x1x24x64xf32>, vector<1x16x24x64xf32>, vector<1x1x24x64xf32> -> vector<1x18x24x64xf32>
      %reshape3A_223 = vector.shape_cast %concatenate3A_222 : vector<1x18x24x64xf32> to vector<1x432x64xf32>
      %broadcast_in_dim3A_224 = arith.constant 0.000000e+00 : f32
      %broadcast_in_dim3A_225 = vector.broadcast %broadcast_in_dim3A_224 : f32 to vector<1x48x64xf32>
      %concatenate3A_226 = tpu.concatenate %broadcast_in_dim3A_225, %reshape3A_223, %broadcast_in_dim3A_225 in 1 : vector<1x48x64xf32>, vector<1x432x64xf32>, vector<1x48x64xf32> -> vector<1x528x64xf32>
      %reshape3A_227 = vector.shape_cast %concatenate3A_226 : vector<1x528x64xf32> to vector<528x64xf32>
      %get3A_228 = arith.constant 0 : index
      %get3A_229 = arith.constant 0 : index
      %get3A_230 = vector.load %arg58[%get3A_228, %get3A_229] : memref<64x128xf32, #tpu.memory_space<vmem>>, vector<64x128xf32>
      %dot_general3A_231 = arith.constant dense<0.000000e+00> : vector<528x128xf32>
      %dot_general3A_232 = tpu.matmul %reshape3A_227, %get3A_230, %dot_general3A_231 {dimension_numbers = #tpu.dot_dimension_numbers<[1], [0], [0], [1], [0, 0, 1, 1], [], []>, transpose_lhs_hint = false} : vector<528x64xf32>, vector<64x128xf32>, vector<528x128xf32> -> vector<528x128xf32>
      %mul3A_233 = arith.constant 0.999994993 : f32
      %mul3A_234 = vector.broadcast %mul3A_233 : f32 to vector<528x128xf32>
      %mul3A_235 = arith.mulf %dot_general3A_232, %mul3A_234 : vector<528x128xf32>
      %ge3A_236 = arith.constant 0.000000e+00 : f32
      %ge3A_237 = vector.broadcast %ge3A_236 : f32 to vector<528x128xf32>
      %ge3A_238 = arith.cmpf oge, %mul3A_235, %ge3A_237 : vector<528x128xf32>
      %mul3A_239 = arith.constant 1.000000e-01 : f32
      %mul3A_240 = vector.broadcast %mul3A_239 : f32 to vector<528x128xf32>
      %mul3A_241 = arith.mulf %mul3A_240, %mul3A_235 : vector<528x128xf32>
      %select_n3A_242 = arith.select %ge3A_238, %mul3A_235, %mul3A_241 : vector<528x128xi1>, vector<528x128xf32>
      %slice3A_243 = vector.extract_strided_slice %select_n3A_242 {offsets = [1, 0], sizes = [527, 128], strides = [1, 1]} : vector<528x128xf32> to vector<527x128xf32>
      %slice3A_244 = vector.extract_strided_slice %select_n3A_242 {offsets = [7, 0], sizes = [521, 128], strides = [1, 1]} : vector<528x128xf32> to vector<521x128xf32>
      %slice3A_245 = vector.extract_strided_slice %slice3A_244 {offsets = [16, 0], sizes = [432, 128], strides = [1, 1]} : vector<521x128xf32> to vector<432x128xf32>
      %get3A_246 = arith.constant 0 : index
      %get3A_247 = arith.constant 0 : index
      %get3A_248 = arith.constant 0 : index
      %get3A_249 = arith.constant 0 : index
      %get3A_250 = vector.load %arg59[%get3A_246, %get3A_247, %get3A_248, %get3A_249] : memref<3x3x128x128xf32, #tpu.memory_space<vmem>>, vector<1x1x128x128xf32>
      %get3A_251 = vector.shape_cast %get3A_250 : vector<1x1x128x128xf32> to vector<128x128xf32>
      %dot_general3A_252 = arith.constant dense<0.000000e+00> : vector<432x128xf32>
      %dot_general3A_253 = tpu.matmul %slice3A_245, %get3A_251, %dot_general3A_252 {dimension_numbers = #tpu.dot_dimension_numbers<[1], [0], [0], [1], [0, 0, 1, 1], [], []>, transpose_lhs_hint = false} : vector<432x128xf32>, vector<128x128xf32>, vector<432x128xf32> -> vector<432x128xf32>
      %slice3A_254 = vector.extract_strided_slice %select_n3A_242 {offsets = [24, 0], sizes = [432, 128], strides = [1, 1]} : vector<528x128xf32> to vector<432x128xf32>
      %get3A_255 = arith.constant 0 : index
      %get3A_256 = arith.constant 1 : index
      %get3A_257 = arith.constant 0 : index
      %get3A_258 = arith.constant 0 : index
      %get3A_259 = vector.load %arg59[%get3A_255, %get3A_256, %get3A_257, %get3A_258] : memref<3x3x128x128xf32, #tpu.memory_space<vmem>>, vector<1x1x128x128xf32>
      %get3A_260 = vector.shape_cast %get3A_259 : vector<1x1x128x128xf32> to vector<128x128xf32>
      %dot_general3A_261 = arith.constant dense<0.000000e+00> : vector<432x128xf32>
      %dot_general3A_262 = tpu.matmul %slice3A_254, %get3A_260, %dot_general3A_261 {dimension_numbers = #tpu.dot_dimension_numbers<[1], [0], [0], [1], [0, 0, 1, 1], [], []>, transpose_lhs_hint = false} : vector<432x128xf32>, vector<128x128xf32>, vector<432x128xf32> -> vector<432x128xf32>
      %add3A_263 = arith.addf %dot_general3A_253, %dot_general3A_262 : vector<432x128xf32>
      %slice3A_264 = vector.extract_strided_slice %slice3A_243 {offsets = [24, 0], sizes = [432, 128], strides = [1, 1]} : vector<527x128xf32> to vector<432x128xf32>
      %get3A_265 = arith.constant 0 : index
      %get3A_266 = arith.constant 2 : index
      %get3A_267 = arith.constant 0 : index
      %get3A_268 = arith.constant 0 : index
      %get3A_269 = vector.load %arg59[%get3A_265, %get3A_266, %get3A_267, %get3A_268] : memref<3x3x128x128xf32, #tpu.memory_space<vmem>>, vector<1x1x128x128xf32>
      %get3A_270 = vector.shape_cast %get3A_269 : vector<1x1x128x128xf32> to vector<128x128xf32>
      %dot_general3A_271 = arith.constant dense<0.000000e+00> : vector<432x128xf32>
      %dot_general3A_272 = tpu.matmul %slice3A_264, %get3A_270, %dot_general3A_271 {dimension_numbers = #tpu.dot_dimension_numbers<[1], [0], [0], [1], [0, 0, 1, 1], [], []>, transpose_lhs_hint = false} : vector<432x128xf32>, vector<128x128xf32>, vector<432x128xf32> -> vector<432x128xf32>
      %add3A_273 = arith.addf %add3A_263, %dot_general3A_272 : vector<432x128xf32>
      %slice3A_274 = vector.extract_strided_slice %slice3A_244 {offsets = [40, 0], sizes = [432, 128], strides = [1, 1]} : vector<521x128xf32> to vector<432x128xf32>
      %get3A_275 = arith.constant 1 : index
      %get3A_276 = arith.constant 0 : index
      %get3A_277 = arith.constant 0 : index
      %get3A_278 = arith.constant 0 : index
      %get3A_279 = vector.load %arg59[%get3A_275, %get3A_276, %get3A_277, %get3A_278] : memref<3x3x128x128xf32, #tpu.memory_space<vmem>>, vector<1x1x128x128xf32>
      %get3A_280 = vector.shape_cast %get3A_279 : vector<1x1x128x128xf32> to vector<128x128xf32>
      %dot_general3A_281 = arith.constant dense<0.000000e+00> : vector<432x128xf32>
      %dot_general3A_282 = tpu.matmul %slice3A_274, %get3A_280, %dot_general3A_281 {dimension_numbers = #tpu.dot_dimension_numbers<[1], [0], [0], [1], [0, 0, 1, 1], [], []>, transpose_lhs_hint = false} : vector<432x128xf32>, vector<128x128xf32>, vector<432x128xf32> -> vector<432x128xf32>
      %add3A_283 = arith.addf %add3A_273, %dot_general3A_282 : vector<432x128xf32>
      %slice3A_284 = vector.extract_strided_slice %select_n3A_242 {offsets = [48, 0], sizes = [432, 128], strides = [1, 1]} : vector<528x128xf32> to vector<432x128xf32>
      %get3A_285 = arith.constant 1 : index
      %get3A_286 = arith.constant 1 : index
      %get3A_287 = arith.constant 0 : index
      %get3A_288 = arith.constant 0 : index
      %get3A_289 = vector.load %arg59[%get3A_285, %get3A_286, %get3A_287, %get3A_288] : memref<3x3x128x128xf32, #tpu.memory_space<vmem>>, vector<1x1x128x128xf32>
      %get3A_290 = vector.shape_cast %get3A_289 : vector<1x1x128x128xf32> to vector<128x128xf32>
      %dot_general3A_291 = arith.constant dense<0.000000e+00> : vector<432x128xf32>
      %dot_general3A_292 = tpu.matmul %slice3A_284, %get3A_290, %dot_general3A_291 {dimension_numbers = #tpu.dot_dimension_numbers<[1], [0], [0], [1], [0, 0, 1, 1], [], []>, transpose_lhs_hint = false} : vector<432x128xf32>, vector<128x128xf32>, vector<432x128xf32> -> vector<432x128xf32>
      %add3A_293 = arith.addf %add3A_283, %dot_general3A_292 : vector<432x128xf32>
      %slice3A_294 = vector.extract_strided_slice %slice3A_243 {offsets = [48, 0], sizes = [432, 128], strides = [1, 1]} : vector<527x128xf32> to vector<432x128xf32>
      %get3A_295 = arith.constant 1 : index
      %get3A_296 = arith.constant 2 : index
      %get3A_297 = arith.constant 0 : index
      %get3A_298 = arith.constant 0 : index
      %get3A_299 = vector.load %arg59[%get3A_295, %get3A_296, %get3A_297, %get3A_298] : memref<3x3x128x128xf32, #tpu.memory_space<vmem>>, vector<1x1x128x128xf32>
      %get3A_300 = vector.shape_cast %get3A_299 : vector<1x1x128x128xf32> to vector<128x128xf32>
      %dot_general3A_301 = arith.constant dense<0.000000e+00> : vector<432x128xf32>
      %dot_general3A_302 = tpu.matmul %slice3A_294, %get3A_300, %dot_general3A_301 {dimension_numbers = #tpu.dot_dimension_numbers<[1], [0], [0], [1], [0, 0, 1, 1], [], []>, transpose_lhs_hint = false} : vector<432x128xf32>, vector<128x128xf32>, vector<432x128xf32> -> vector<432x128xf32>
      %add3A_303 = arith.addf %add3A_293, %dot_general3A_302 : vector<432x128xf32>
      %slice3A_304 = vector.extract_strided_slice %slice3A_244 {offsets = [64, 0], sizes = [432, 128], strides = [1, 1]} : vector<521x128xf32> to vector<432x128xf32>
      %get3A_305 = arith.constant 2 : index
      %get3A_306 = arith.constant 0 : index
      %get3A_307 = arith.constant 0 : index
      %get3A_308 = arith.constant 0 : index
      %get3A_309 = vector.load %arg59[%get3A_305, %get3A_306, %get3A_307, %get3A_308] : memref<3x3x128x128xf32, #tpu.memory_space<vmem>>, vector<1x1x128x128xf32>
      %get3A_310 = vector.shape_cast %get3A_309 : vector<1x1x128x128xf32> to vector<128x128xf32>
      %dot_general3A_311 = arith.constant dense<0.000000e+00> : vector<432x128xf32>
      %dot_general3A_312 = tpu.matmul %slice3A_304, %get3A_310, %dot_general3A_311 {dimension_numbers = #tpu.dot_dimension_numbers<[1], [0], [0], [1], [0, 0, 1, 1], [], []>, transpose_lhs_hint = false} : vector<432x128xf32>, vector<128x128xf32>, vector<432x128xf32> -> vector<432x128xf32>
      %add3A_313 = arith.addf %add3A_303, %dot_general3A_312 : vector<432x128xf32>
      %slice3A_314 = vector.extract_strided_slice %select_n3A_242 {offsets = [72, 0], sizes = [432, 128], strides = [1, 1]} : vector<528x128xf32> to vector<432x128xf32>
      %get3A_315 = arith.constant 2 : index
      %get3A_316 = arith.constant 1 : index
      %get3A_317 = arith.constant 0 : index
      %get3A_318 = arith.constant 0 : index
      %get3A_319 = vector.load %arg59[%get3A_315, %get3A_316, %get3A_317, %get3A_318] : memref<3x3x128x128xf32, #tpu.memory_space<vmem>>, vector<1x1x128x128xf32>
      %get3A_320 = vector.shape_cast %get3A_319 : vector<1x1x128x128xf32> to vector<128x128xf32>
      %dot_general3A_321 = arith.constant dense<0.000000e+00> : vector<432x128xf32>
      %dot_general3A_322 = tpu.matmul %slice3A_314, %get3A_320, %dot_general3A_321 {dimension_numbers = #tpu.dot_dimension_numbers<[1], [0], [0], [1], [0, 0, 1, 1], [], []>, transpose_lhs_hint = false} : vector<432x128xf32>, vector<128x128xf32>, vector<432x128xf32> -> vector<432x128xf32>
      %add3A_323 = arith.addf %add3A_313, %dot_general3A_322 : vector<432x128xf32>
      %slice3A_324 = vector.extract_strided_slice %slice3A_243 {offsets = [72, 0], sizes = [432, 128], strides = [1, 1]} : vector<527x128xf32> to vector<432x128xf32>
      %get3A_325 = arith.constant 2 : index
      %get3A_326 = arith.constant 2 : index
      %get3A_327 = arith.constant 0 : index
      %get3A_328 = arith.constant 0 : index
      %get3A_329 = vector.load %arg59[%get3A_325, %get3A_326, %get3A_327, %get3A_328] : memref<3x3x128x128xf32, #tpu.memory_space<vmem>>, vector<1x1x128x128xf32>
      %get3A_330 = vector.shape_cast %get3A_329 : vector<1x1x128x128xf32> to vector<128x128xf32>
      %dot_general3A_331 = arith.constant dense<0.000000e+00> : vector<432x128xf32>
      %dot_general3A_332 = tpu.matmul %slice3A_324, %get3A_330, %dot_general3A_331 {dimension_numbers = #tpu.dot_dimension_numbers<[1], [0], [0], [1], [0, 0, 1, 1], [], []>, transpose_lhs_hint = false} : vector<432x128xf32>, vector<128x128xf32>, vector<432x128xf32> -> vector<432x128xf32>
      %add3A_333 = arith.addf %add3A_323, %dot_general3A_332 : vector<432x128xf32>
      %get3A_334 = arith.constant 0 : index
      %get3A_335 = arith.constant 0 : index
      %get3A_336 = vector.load %arg4[%get3A_334, %get3A_335] : memref<432x1xf32, #tpu.memory_space<vmem>>, vector<432x1xf32>
      %mul3A_337 = vector.broadcast %get3A_336 : vector<432x1xf32> to vector<432x128xf32>
      %mul3A_338 = arith.mulf %add3A_333, %mul3A_337 : vector<432x128xf32>
      %mul3A_339 = arith.constant 0.999994993 : f32
      %mul3A_340 = vector.broadcast %mul3A_339 : f32 to vector<432x128xf32>
      %mul3A_341 = arith.mulf %mul3A_338, %mul3A_340 : vector<432x128xf32>
      %ge3A_342 = arith.constant 0.000000e+00 : f32
      %ge3A_343 = vector.broadcast %ge3A_342 : f32 to vector<432x128xf32>
      %ge3A_344 = arith.cmpf oge, %mul3A_341, %ge3A_343 : vector<432x128xf32>
      %mul3A_345 = arith.constant 1.000000e-01 : f32
      %mul3A_346 = vector.broadcast %mul3A_345 : f32 to vector<432x128xf32>
      %mul3A_347 = arith.mulf %mul3A_346, %mul3A_341 : vector<432x128xf32>
      %select_n3A_348 = arith.select %ge3A_344, %mul3A_341, %mul3A_347 : vector<432x128xi1>, vector<432x128xf32>
      %broadcast_in_dim3A_349 = arith.constant 0.000000e+00 : f32
      %broadcast_in_dim3A_350 = vector.broadcast %broadcast_in_dim3A_349 : f32 to vector<48x128xf32>
      %concatenate3A_351 = tpu.concatenate %broadcast_in_dim3A_350, %select_n3A_348, %broadcast_in_dim3A_350 in 0 : vector<48x128xf32>, vector<432x128xf32>, vector<48x128xf32> -> vector<528x128xf32>
      %get3A_352 = arith.constant 0 : index
      %get3A_353 = arith.constant 0 : index
      %get3A_354 = vector.load %arg60[%get3A_352, %get3A_353] : memref<128x128xf32, #tpu.memory_space<vmem>>, vector<128x128xf32>
      %dot_general3A_355 = arith.constant dense<0.000000e+00> : vector<528x128xf32>
      %dot_general3A_356 = tpu.matmul %concatenate3A_351, %get3A_354, %dot_general3A_355 {dimension_numbers = #tpu.dot_dimension_numbers<[1], [0], [0], [1], [0, 0, 1, 1], [], []>, transpose_lhs_hint = false} : vector<528x128xf32>, vector<128x128xf32>, vector<528x128xf32> -> vector<528x128xf32>
      %mul3A_357 = arith.constant 0.999994993 : f32
      %mul3A_358 = vector.broadcast %mul3A_357 : f32 to vector<528x128xf32>
      %mul3A_359 = arith.mulf %dot_general3A_356, %mul3A_358 : vector<528x128xf32>
      %ge3A_360 = arith.constant 0.000000e+00 : f32
      %ge3A_361 = vector.broadcast %ge3A_360 : f32 to vector<528x128xf32>
      %ge3A_362 = arith.cmpf oge, %mul3A_359, %ge3A_361 : vector<528x128xf32>
      %mul3A_363 = arith.constant 1.000000e-01 : f32
      %mul3A_364 = vector.broadcast %mul3A_363 : f32 to vector<528x128xf32>
      %mul3A_365 = arith.mulf %mul3A_364, %mul3A_359 : vector<528x128xf32>
      %select_n3A_366 = arith.select %ge3A_362, %mul3A_359, %mul3A_365 : vector<528x128xi1>, vector<528x128xf32>
      %reshape3A_367 = vector.shape_cast %select_n3A_366 : vector<528x128xf32> to vector<1x528x128xf32>
      %slice3A_368 = vector.extract_strided_slice %reshape3A_367 {offsets = [0, 48, 0], sizes = [1, 432, 128], strides = [1, 1, 1]} : vector<1x528x128xf32> to vector<1x432x128xf32>
      %reshape3A_369 = vector.shape_cast %slice3A_368 : vector<1x432x128xf32> to vector<1x18x24x128xf32>
      %slice3A_370 = vector.extract_strided_slice %reshape3A_369 {offsets = [0, 1, 1, 0], sizes = [1, 16, 16, 128], strides = [1, 1, 1, 1]} : vector<1x18x24x128xf32> to vector<1x16x16x128xf32>
      %reshape3A_371 = vector.shape_cast %slice3A_370 : vector<1x16x16x128xf32> to vector<1x8x2x16x128xf32>
      %slice3A_372 = vector.extract_strided_slice %reshape3A_371 {offsets = [0, 0, 0, 0, 0], sizes = [1, 8, 1, 16, 128], strides = [1, 1, 1, 1, 1]} : vector<1x8x2x16x128xf32> to vector<1x8x1x16x128xf32>
      %squeeze3A_373 = vector.shape_cast %slice3A_372 : vector<1x8x1x16x128xf32> to vector<1x8x16x128xf32>
      %slice3A_374 = vector.extract_strided_slice %reshape3A_371 {offsets = [0, 0, 1, 0, 0], sizes = [1, 8, 1, 16, 128], strides = [1, 1, 1, 1, 1]} : vector<1x8x2x16x128xf32> to vector<1x8x1x16x128xf32>
      %squeeze3A_375 = vector.shape_cast %slice3A_374 : vector<1x8x1x16x128xf32> to vector<1x8x16x128xf32>
      %max3A_376 = arith.maximumf %squeeze3A_373, %squeeze3A_375 : vector<1x8x16x128xf32>
      %reshape3A_377 = vector.shape_cast %max3A_376 : vector<1x8x16x128xf32> to vector<1x8x8x2x128xf32>
      %slice3A_378 = vector.extract_strided_slice %reshape3A_377 {offsets = [0, 0, 0, 0, 0], sizes = [1, 8, 8, 1, 128], strides = [1, 1, 1, 1, 1]} : vector<1x8x8x2x128xf32> to vector<1x8x8x1x128xf32>
      %squeeze3A_379 = vector.shape_cast %slice3A_378 : vector<1x8x8x1x128xf32> to vector<1x8x8x128xf32>
      %slice3A_380 = vector.extract_strided_slice %reshape3A_377 {offsets = [0, 0, 0, 1, 0], sizes = [1, 8, 8, 1, 128], strides = [1, 1, 1, 1, 1]} : vector<1x8x8x2x128xf32> to vector<1x8x8x1x128xf32>
      %squeeze3A_381 = vector.shape_cast %slice3A_380 : vector<1x8x8x1x128xf32> to vector<1x8x8x128xf32>
      %max3A_382 = arith.maximumf %squeeze3A_379, %squeeze3A_381 : vector<1x8x8x128xf32>
      %broadcast_in_dim3A_383 = arith.constant 0.000000e+00 : f32
      %broadcast_in_dim3A_384 = vector.broadcast %broadcast_in_dim3A_383 : f32 to vector<1x8x1x128xf32>
      %broadcast_in_dim3A_385 = arith.constant 0.000000e+00 : f32
      %broadcast_in_dim3A_386 = vector.broadcast %broadcast_in_dim3A_385 : f32 to vector<1x8x7x128xf32>
      %concatenate3A_387 = tpu.concatenate %broadcast_in_dim3A_384, %max3A_382, %broadcast_in_dim3A_386 in 2 : vector<1x8x1x128xf32>, vector<1x8x8x128xf32>, vector<1x8x7x128xf32> -> vector<1x8x16x128xf32>
      %broadcast_in_dim3A_388 = arith.constant 0.000000e+00 : f32
      %broadcast_in_dim3A_389 = vector.broadcast %broadcast_in_dim3A_388 : f32 to vector<1x1x16x128xf32>
      %concatenate3A_390 = tpu.concatenate %broadcast_in_dim3A_389, %concatenate3A_387, %broadcast_in_dim3A_389 in 1 : vector<1x1x16x128xf32>, vector<1x8x16x128xf32>, vector<1x1x16x128xf32> -> vector<1x10x16x128xf32>
      %reshape3A_391 = vector.shape_cast %concatenate3A_390 : vector<1x10x16x128xf32> to vector<1x160x128xf32>
      %broadcast_in_dim3A_392 = arith.constant 0.000000e+00 : f32
      %broadcast_in_dim3A_393 = vector.broadcast %broadcast_in_dim3A_392 : f32 to vector<1x48x128xf32>
      %concatenate3A_394 = tpu.concatenate %broadcast_in_dim3A_393, %reshape3A_391, %broadcast_in_dim3A_393 in 1 : vector<1x48x128xf32>, vector<1x160x128xf32>, vector<1x48x128xf32> -> vector<1x256x128xf32>
      %reshape3A_395 = vector.shape_cast %concatenate3A_394 : vector<1x256x128xf32> to vector<256x128xf32>
      %slice3A_396 = vector.extract_strided_slice %reshape3A_395 {offsets = [1, 0], sizes = [255, 128], strides = [1, 1]} : vector<256x128xf32> to vector<255x128xf32>
      %slice3A_397 = vector.extract_strided_slice %reshape3A_395 {offsets = [7, 0], sizes = [249, 128], strides = [1, 1]} : vector<256x128xf32> to vector<249x128xf32>
      %slice3A_398 = vector.extract_strided_slice %slice3A_397 {offsets = [24, 0], sizes = [160, 128], strides = [1, 1]} : vector<249x128xf32> to vector<160x128xf32>
      %get3A_399 = arith.constant 0 : index
      %get3A_400 = arith.constant 0 : index
      %get3A_401 = arith.constant 0 : index
      %get3A_402 = arith.constant 0 : index
      %get3A_403 = vector.load %arg61[%get3A_399, %get3A_400, %get3A_401, %get3A_402] : memref<3x3x128x256xf32, #tpu.memory_space<vmem>>, vector<1x1x128x256xf32>
      %get3A_404 = vector.shape_cast %get3A_403 : vector<1x1x128x256xf32> to vector<128x256xf32>
      %dot_general3A_405 = arith.constant dense<0.000000e+00> : vector<160x256xf32>
      %dot_general3A_406 = tpu.matmul %slice3A_398, %get3A_404, %dot_general3A_405 {dimension_numbers = #tpu.dot_dimension_numbers<[1], [0], [0], [1], [0, 0, 1, 1], [], []>, transpose_lhs_hint = false} : vector<160x128xf32>, vector<128x256xf32>, vector<160x256xf32> -> vector<160x256xf32>
      %slice3A_407 = vector.extract_strided_slice %reshape3A_395 {offsets = [32, 0], sizes = [160, 128], strides = [1, 1]} : vector<256x128xf32> to vector<160x128xf32>
      %get3A_408 = arith.constant 0 : index
      %get3A_409 = arith.constant 1 : index
      %get3A_410 = arith.constant 0 : index
      %get3A_411 = arith.constant 0 : index
      %get3A_412 = vector.load %arg61[%get3A_408, %get3A_409, %get3A_410, %get3A_411] : memref<3x3x128x256xf32, #tpu.memory_space<vmem>>, vector<1x1x128x256xf32>
      %get3A_413 = vector.shape_cast %get3A_412 : vector<1x1x128x256xf32> to vector<128x256xf32>
      %dot_general3A_414 = arith.constant dense<0.000000e+00> : vector<160x256xf32>
      %dot_general3A_415 = tpu.matmul %slice3A_407, %get3A_413, %dot_general3A_414 {dimension_numbers = #tpu.dot_dimension_numbers<[1], [0], [0], [1], [0, 0, 1, 1], [], []>, transpose_lhs_hint = false} : vector<160x128xf32>, vector<128x256xf32>, vector<160x256xf32> -> vector<160x256xf32>
      %add3A_416 = arith.addf %dot_general3A_406, %dot_general3A_415 : vector<160x256xf32>
      %slice3A_417 = vector.extract_strided_slice %slice3A_396 {offsets = [32, 0], sizes = [160, 128], strides = [1, 1]} : vector<255x128xf32> to vector<160x128xf32>
      %get3A_418 = arith.constant 0 : index
      %get3A_419 = arith.constant 2 : index
      %get3A_420 = arith.constant 0 : index
      %get3A_421 = arith.constant 0 : index
      %get3A_422 = vector.load %arg61[%get3A_418, %get3A_419, %get3A_420, %get3A_421] : memref<3x3x128x256xf32, #tpu.memory_space<vmem>>, vector<1x1x128x256xf32>
      %get3A_423 = vector.shape_cast %get3A_422 : vector<1x1x128x256xf32> to vector<128x256xf32>
      %dot_general3A_424 = arith.constant dense<0.000000e+00> : vector<160x256xf32>
      %dot_general3A_425 = tpu.matmul %slice3A_417, %get3A_423, %dot_general3A_424 {dimension_numbers = #tpu.dot_dimension_numbers<[1], [0], [0], [1], [0, 0, 1, 1], [], []>, transpose_lhs_hint = false} : vector<160x128xf32>, vector<128x256xf32>, vector<160x256xf32> -> vector<160x256xf32>
      %add3A_426 = arith.addf %add3A_416, %dot_general3A_425 : vector<160x256xf32>
      %slice3A_427 = vector.extract_strided_slice %slice3A_397 {offsets = [40, 0], sizes = [160, 128], strides = [1, 1]} : vector<249x128xf32> to vector<160x128xf32>
      %get3A_428 = arith.constant 1 : index
      %get3A_429 = arith.constant 0 : index
      %get3A_430 = arith.constant 0 : index
      %get3A_431 = arith.constant 0 : index
      %get3A_432 = vector.load %arg61[%get3A_428, %get3A_429, %get3A_430, %get3A_431] : memref<3x3x128x256xf32, #tpu.memory_space<vmem>>, vector<1x1x128x256xf32>
      %get3A_433 = vector.shape_cast %get3A_432 : vector<1x1x128x256xf32> to vector<128x256xf32>
      %dot_general3A_434 = arith.constant dense<0.000000e+00> : vector<160x256xf32>
      %dot_general3A_435 = tpu.matmul %slice3A_427, %get3A_433, %dot_general3A_434 {dimension_numbers = #tpu.dot_dimension_numbers<[1], [0], [0], [1], [0, 0, 1, 1], [], []>, transpose_lhs_hint = false} : vector<160x128xf32>, vector<128x256xf32>, vector<160x256xf32> -> vector<160x256xf32>
      %add3A_436 = arith.addf %add3A_426, %dot_general3A_435 : vector<160x256xf32>
      %slice3A_437 = vector.extract_strided_slice %reshape3A_395 {offsets = [48, 0], sizes = [160, 128], strides = [1, 1]} : vector<256x128xf32> to vector<160x128xf32>
      %get3A_438 = arith.constant 1 : index
      %get3A_439 = arith.constant 1 : index
      %get3A_440 = arith.constant 0 : index
      %get3A_441 = arith.constant 0 : index
      %get3A_442 = vector.load %arg61[%get3A_438, %get3A_439, %get3A_440, %get3A_441] : memref<3x3x128x256xf32, #tpu.memory_space<vmem>>, vector<1x1x128x256xf32>
      %get3A_443 = vector.shape_cast %get3A_442 : vector<1x1x128x256xf32> to vector<128x256xf32>
      %dot_general3A_444 = arith.constant dense<0.000000e+00> : vector<160x256xf32>
      %dot_general3A_445 = tpu.matmul %slice3A_437, %get3A_443, %dot_general3A_444 {dimension_numbers = #tpu.dot_dimension_numbers<[1], [0], [0], [1], [0, 0, 1, 1], [], []>, transpose_lhs_hint = false} : vector<160x128xf32>, vector<128x256xf32>, vector<160x256xf32> -> vector<160x256xf32>
      %add3A_446 = arith.addf %add3A_436, %dot_general3A_445 : vector<160x256xf32>
      %slice3A_447 = vector.extract_strided_slice %slice3A_396 {offsets = [48, 0], sizes = [160, 128], strides = [1, 1]} : vector<255x128xf32> to vector<160x128xf32>
      %get3A_448 = arith.constant 1 : index
      %get3A_449 = arith.constant 2 : index
      %get3A_450 = arith.constant 0 : index
      %get3A_451 = arith.constant 0 : index
      %get3A_452 = vector.load %arg61[%get3A_448, %get3A_449, %get3A_450, %get3A_451] : memref<3x3x128x256xf32, #tpu.memory_space<vmem>>, vector<1x1x128x256xf32>
      %get3A_453 = vector.shape_cast %get3A_452 : vector<1x1x128x256xf32> to vector<128x256xf32>
      %dot_general3A_454 = arith.constant dense<0.000000e+00> : vector<160x256xf32>
      %dot_general3A_455 = tpu.matmul %slice3A_447, %get3A_453, %dot_general3A_454 {dimension_numbers = #tpu.dot_dimension_numbers<[1], [0], [0], [1], [0, 0, 1, 1], [], []>, transpose_lhs_hint = false} : vector<160x128xf32>, vector<128x256xf32>, vector<160x256xf32> -> vector<160x256xf32>
      %add3A_456 = arith.addf %add3A_446, %dot_general3A_455 : vector<160x256xf32>
      %slice3A_457 = vector.extract_strided_slice %slice3A_397 {offsets = [56, 0], sizes = [160, 128], strides = [1, 1]} : vector<249x128xf32> to vector<160x128xf32>
      %get3A_458 = arith.constant 2 : index
      %get3A_459 = arith.constant 0 : index
      %get3A_460 = arith.constant 0 : index
      %get3A_461 = arith.constant 0 : index
      %get3A_462 = vector.load %arg61[%get3A_458, %get3A_459, %get3A_460, %get3A_461] : memref<3x3x128x256xf32, #tpu.memory_space<vmem>>, vector<1x1x128x256xf32>
      %get3A_463 = vector.shape_cast %get3A_462 : vector<1x1x128x256xf32> to vector<128x256xf32>
      %dot_general3A_464 = arith.constant dense<0.000000e+00> : vector<160x256xf32>
      %dot_general3A_465 = tpu.matmul %slice3A_457, %get3A_463, %dot_general3A_464 {dimension_numbers = #tpu.dot_dimension_numbers<[1], [0], [0], [1], [0, 0, 1, 1], [], []>, transpose_lhs_hint = false} : vector<160x128xf32>, vector<128x256xf32>, vector<160x256xf32> -> vector<160x256xf32>
      %add3A_466 = arith.addf %add3A_456, %dot_general3A_465 : vector<160x256xf32>
      %slice3A_467 = vector.extract_strided_slice %reshape3A_395 {offsets = [64, 0], sizes = [160, 128], strides = [1, 1]} : vector<256x128xf32> to vector<160x128xf32>
      %get3A_468 = arith.constant 2 : index
      %get3A_469 = arith.constant 1 : index
      %get3A_470 = arith.constant 0 : index
      %get3A_471 = arith.constant 0 : index
      %get3A_472 = vector.load %arg61[%get3A_468, %get3A_469, %get3A_470, %get3A_471] : memref<3x3x128x256xf32, #tpu.memory_space<vmem>>, vector<1x1x128x256xf32>
      %get3A_473 = vector.shape_cast %get3A_472 : vector<1x1x128x256xf32> to vector<128x256xf32>
      %dot_general3A_474 = arith.constant dense<0.000000e+00> : vector<160x256xf32>
      %dot_general3A_475 = tpu.matmul %slice3A_467, %get3A_473, %dot_general3A_474 {dimension_numbers = #tpu.dot_dimension_numbers<[1], [0], [0], [1], [0, 0, 1, 1], [], []>, transpose_lhs_hint = false} : vector<160x128xf32>, vector<128x256xf32>, vector<160x256xf32> -> vector<160x256xf32>
      %add3A_476 = arith.addf %add3A_466, %dot_general3A_475 : vector<160x256xf32>
      %slice3A_477 = vector.extract_strided_slice %slice3A_396 {offsets = [64, 0], sizes = [160, 128], strides = [1, 1]} : vector<255x128xf32> to vector<160x128xf32>
      %get3A_478 = arith.constant 2 : index
      %get3A_479 = arith.constant 2 : index
      %get3A_480 = arith.constant 0 : index
      %get3A_481 = arith.constant 0 : index
      %get3A_482 = vector.load %arg61[%get3A_478, %get3A_479, %get3A_480, %get3A_481] : memref<3x3x128x256xf32, #tpu.memory_space<vmem>>, vector<1x1x128x256xf32>
      %get3A_483 = vector.shape_cast %get3A_482 : vector<1x1x128x256xf32> to vector<128x256xf32>
      %dot_general3A_484 = arith.constant dense<0.000000e+00> : vector<160x256xf32>
      %dot_general3A_485 = tpu.matmul %slice3A_477, %get3A_483, %dot_general3A_484 {dimension_numbers = #tpu.dot_dimension_numbers<[1], [0], [0], [1], [0, 0, 1, 1], [], []>, transpose_lhs_hint = false} : vector<160x128xf32>, vector<128x256xf32>, vector<160x256xf32> -> vector<160x256xf32>
      %add3A_486 = arith.addf %add3A_476, %dot_general3A_485 : vector<160x256xf32>
      %get3A_487 = arith.constant 0 : index
      %get3A_488 = arith.constant 0 : index
      %get3A_489 = vector.load %arg5[%get3A_487, %get3A_488] : memref<160x1xf32, #tpu.memory_space<vmem>>, vector<160x1xf32>
      %mul3A_490 = vector.broadcast %get3A_489 : vector<160x1xf32> to vector<160x256xf32>
      %mul3A_491 = arith.mulf %add3A_486, %mul3A_490 : vector<160x256xf32>
      %mul3A_492 = arith.constant 0.999994993 : f32
      %mul3A_493 = vector.broadcast %mul3A_492 : f32 to vector<160x256xf32>
      %mul3A_494 = arith.mulf %mul3A_491, %mul3A_493 : vector<160x256xf32>
      %ge3A_495 = arith.constant 0.000000e+00 : f32
      %ge3A_496 = vector.broadcast %ge3A_495 : f32 to vector<160x256xf32>
      %ge3A_497 = arith.cmpf oge, %mul3A_494, %ge3A_496 : vector<160x256xf32>
      %mul3A_498 = arith.constant 1.000000e-01 : f32
      %mul3A_499 = vector.broadcast %mul3A_498 : f32 to vector<160x256xf32>
      %mul3A_500 = arith.mulf %mul3A_499, %mul3A_494 : vector<160x256xf32>
      %select_n3A_501 = arith.select %ge3A_497, %mul3A_494, %mul3A_500 : vector<160x256xi1>, vector<160x256xf32>
      %broadcast_in_dim3A_502 = arith.constant 0.000000e+00 : f32
      %broadcast_in_dim3A_503 = vector.broadcast %broadcast_in_dim3A_502 : f32 to vector<48x256xf32>
      %concatenate3A_504 = tpu.concatenate %broadcast_in_dim3A_503, %select_n3A_501, %broadcast_in_dim3A_503 in 0 : vector<48x256xf32>, vector<160x256xf32>, vector<48x256xf32> -> vector<256x256xf32>
      %reshape3A_505 = vector.shape_cast %concatenate3A_504 : vector<256x256xf32> to vector<1x256x256xf32>
      %slice3A_506 = vector.extract_strided_slice %reshape3A_505 {offsets = [0, 48, 0], sizes = [1, 160, 256], strides = [1, 1, 1]} : vector<1x256x256xf32> to vector<1x160x256xf32>
      %reshape3A_507 = vector.shape_cast %slice3A_506 : vector<1x160x256xf32> to vector<160x256xf32>
      %get3A_508 = arith.constant 0 : index
      %get3A_509 = arith.constant 0 : index
      %get3A_510 = vector.load %arg62[%get3A_508, %get3A_509] : memref<256x100xf32, #tpu.memory_space<vmem>>, vector<256x100xf32>
      %dot_general3A_511 = arith.constant dense<0.000000e+00> : vector<160x100xf32>
      %dot_general3A_512 = tpu.matmul %reshape3A_507, %get3A_510, %dot_general3A_511 {dimension_numbers = #tpu.dot_dimension_numbers<[1], [0], [0], [1], [0, 0, 1, 1], [], []>, transpose_lhs_hint = false} : vector<160x256xf32>, vector<256x100xf32>, vector<160x100xf32> -> vector<160x100xf32>
      %ge3A_513 = arith.constant 0.000000e+00 : f32
      %ge3A_514 = vector.broadcast %ge3A_513 : f32 to vector<160x100xf32>
      %ge3A_515 = arith.cmpf oge, %dot_general3A_512, %ge3A_514 : vector<160x100xf32>
      %mul3A_516 = arith.constant 1.000000e-01 : f32
      %mul3A_517 = vector.broadcast %mul3A_516 : f32 to vector<160x100xf32>
      %mul3A_518 = arith.mulf %mul3A_517, %dot_general3A_512 : vector<160x100xf32>
      %select_n3A_519 = arith.select %ge3A_515, %dot_general3A_512, %mul3A_518 : vector<160x100xi1>, vector<160x100xf32>
      %reshape3A_520 = vector.shape_cast %select_n3A_519 : vector<160x100xf32> to vector<1x160x100xf32>
      %reduce_sum3A = arith.constant dense<0.000000e+00> : vector<1x100xf32>
      %reduce_sum3A_521 = vector.multi_reduction <add>, %reshape3A_520, %reduce_sum3A [1] : vector<1x160x100xf32> to vector<1x100xf32>
      %mul3A_522 = arith.constant 1.562500e-02 : f32
      %mul3A_523 = vector.broadcast %mul3A_522 : f32 to vector<1x100xf32>
      %mul3A_524 = arith.mulf %reduce_sum3A_521, %mul3A_523 : vector<1x100xf32>
      %get3A_525 = arith.constant 0 : index
      %get3A_526 = arith.constant 0 : index
      %get3A_527 = arith.constant 0 : index
      %get3A_528 = vector.load %arg63[%get3A_525, %get3A_526, %get3A_527] : memref<1x1x100xf32, #tpu.memory_space<vmem>>, vector<1x1x100xf32>
      %mul3A_529 = vector.broadcast %get3A_74 : f32 to vector<1x100xf32>
      %mul3A_530 = arith.mulf %mul3A_524, %mul3A_529 : vector<1x100xf32>
      %reshape3A_531 = vector.shape_cast %mul3A_530 : vector<1x100xf32> to vector<1x1x100xf32>
      %add3A_532 = arith.addf %get3A_528, %reshape3A_531 : vector<1x1x100xf32>
      %swap3A_533 = arith.constant 0 : index
      %swap3A_534 = arith.constant 0 : index
      %swap3A_535 = arith.constant 0 : index
      %swap3A_536 = vector.load %arg63[%swap3A_533, %swap3A_534, %swap3A_535] : memref<1x1x100xf32, #tpu.memory_space<vmem>>, vector<1x1x100xf32>
      tpu.vector_store %arg63[%swap3A_533, %swap3A_534, %swap3A_535], %add3A_532 {strides = array<i32>} : memref<1x1x100xf32, #tpu.memory_space<vmem>>, vector<1x1x100xf32>,
    } else {
    }
    return
  }
  func.func @transform_0(%arg0: i32) -> (i32, i32, i32) {
    %c0_i32 = arith.constant 0 : i32
    %c0_i32_0 = arith.constant 0 : i32
    %c0_i32_1 = arith.constant 0 : i32
    return %arg0, %c0_i32, %c0_i32_0 : i32, i32, i32
  }
  func.func @transform_1(%arg0: i32) -> (i32, i32, i32) {
    %c0_i32 = arith.constant 0 : i32
    %c0_i32_0 = arith.constant 0 : i32
    %c0_i32_1 = arith.constant 0 : i32
    return %arg0, %c0_i32, %c0_i32_0 : i32, i32, i32
  }
  func.func @transform_2(%arg0: i32) -> (i32, i32) {
    %c0_i32 = arith.constant 0 : i32
    %c0_i32_0 = arith.constant 0 : i32
    %c0_i32_1 = arith.constant 0 : i32
    return %c0_i32, %c0_i32_0 : i32, i32
  }
  func.func @transform_3(%arg0: i32) -> (i32, i32) {
    %c0_i32 = arith.constant 0 : i32
    %c0_i32_0 = arith.constant 0 : i32
    %c0_i32_1 = arith.constant 0 : i32
    return %c0_i32, %c0_i32_0 : i32, i32
  }
  func.func @transform_4(%arg0: i32) -> (i32, i32) {
    %c0_i32 = arith.constant 0 : i32
    %c0_i32_0 = arith.constant 0 : i32
    %c0_i32_1 = arith.constant 0 : i32
    return %c0_i32, %c0_i32_0 : i32, i32
  }
  func.func @transform_5(%arg0: i32) -> (i32, i32) {
    %c0_i32 = arith.constant 0 : i32
    %c0_i32_0 = arith.constant 0 : i32
    %c0_i32_1 = arith.constant 0 : i32
    return %c0_i32, %c0_i32_0 : i32, i32
  }
  func.func @transform_6(%arg0: i32) -> (i32, i32) {
    %c0_i32 = arith.constant 0 : i32
    %c0_i32_0 = arith.constant 0 : i32
    %c0_i32_1 = arith.constant 0 : i32
    return %c0_i32, %c0_i32_0 : i32, i32
  }
  func.func @transform_7(%arg0: i32) -> (i32, i32, i32, i32) {
    %c0_i32 = arith.constant 0 : i32
    %c0_i32_0 = arith.constant 0 : i32
    %c0_i32_1 = arith.constant 0 : i32
    %c0_i32_2 = arith.constant 0 : i32
    %c0_i32_3 = arith.constant 0 : i32
    return %c0_i32, %c0_i32_0, %c0_i32_1, %c0_i32_2 : i32, i32, i32, i32
  }
  func.func @transform_8(%arg0: i32) -> (i32, i32) {
    %c0_i32 = arith.constant 0 : i32
    %c0_i32_0 = arith.constant 0 : i32
    %c0_i32_1 = arith.constant 0 : i32
    return %c0_i32, %c0_i32_0 : i32, i32
  }
  func.func @transform_9(%arg0: i32) -> (i32, i32, i32, i32) {
    %c0_i32 = arith.constant 0 : i32
    %c0_i32_0 = arith.constant 0 : i32
    %c0_i32_1 = arith.constant 0 : i32
    %c0_i32_2 = arith.constant 0 : i32
    %c0_i32_3 = arith.constant 0 : i32
    return %c0_i32, %c0_i32_0, %c0_i32_1, %c0_i32_2 : i32, i32, i32, i32
  }
  func.func @transform_10(%arg0: i32) -> (i32, i32) {
    %c0_i32 = arith.constant 0 : i32
    %c0_i32_0 = arith.constant 0 : i32
    %c0_i32_1 = arith.constant 0 : i32
    return %c0_i32, %c0_i32_0 : i32, i32
  }
  func.func @transform_11(%arg0: i32) -> (i32, i32, i32, i32) {
    %c0_i32 = arith.constant 0 : i32
    %c0_i32_0 = arith.constant 0 : i32
    %c0_i32_1 = arith.constant 0 : i32
    %c0_i32_2 = arith.constant 0 : i32
    %c0_i32_3 = arith.constant 0 : i32
    return %c0_i32, %c0_i32_0, %c0_i32_1, %c0_i32_2 : i32, i32, i32, i32
  }
  func.func @transform_12(%arg0: i32) -> (i32, i32) {
    %c0_i32 = arith.constant 0 : i32
    %c0_i32_0 = arith.constant 0 : i32
    %c0_i32_1 = arith.constant 0 : i32
    return %c0_i32, %c0_i32_0 : i32, i32
  }
  func.func @transform_13(%arg0: i32) -> (i32, i32) {
    %c0_i32 = arith.constant 0 : i32
    %c0_i32_0 = arith.constant 0 : i32
    %c0_i32_1 = arith.constant 0 : i32
    return %c0_i32, %c0_i32_0 : i32, i32
  }
  func.func @transform_14(%arg0: i32) -> (i32, i32, i32, i32) {
    %c0_i32 = arith.constant 0 : i32
    %c0_i32_0 = arith.constant 0 : i32
    %c0_i32_1 = arith.constant 0 : i32
    %c0_i32_2 = arith.constant 0 : i32
    %c0_i32_3 = arith.constant 0 : i32
    return %c0_i32, %c0_i32_0, %c0_i32_1, %c0_i32_2 : i32, i32, i32, i32
  }
  func.func @transform_15(%arg0: i32) -> (i32, i32) {
    %c0_i32 = arith.constant 0 : i32
    %c0_i32_0 = arith.constant 0 : i32
    %c0_i32_1 = arith.constant 0 : i32
    return %c0_i32, %c0_i32_0 : i32, i32
  }
  func.func @transform_16(%arg0: i32) -> (i32, i32, i32, i32) {
    %c0_i32 = arith.constant 0 : i32
    %c0_i32_0 = arith.constant 0 : i32
    %c0_i32_1 = arith.constant 0 : i32
    %c0_i32_2 = arith.constant 0 : i32
    %c0_i32_3 = arith.constant 0 : i32
    return %c0_i32, %c0_i32_0, %c0_i32_1, %c0_i32_2 : i32, i32, i32, i32
  }
  func.func @transform_17(%arg0: i32) -> (i32, i32) {
    %c0_i32 = arith.constant 0 : i32
    %c0_i32_0 = arith.constant 0 : i32
    %c0_i32_1 = arith.constant 0 : i32
    return %c0_i32, %c0_i32_0 : i32, i32
  }
  func.func @transform_18(%arg0: i32) -> (i32, i32, i32, i32) {
    %c0_i32 = arith.constant 0 : i32
    %c0_i32_0 = arith.constant 0 : i32
    %c0_i32_1 = arith.constant 0 : i32
    %c0_i32_2 = arith.constant 0 : i32
    %c0_i32_3 = arith.constant 0 : i32
    return %c0_i32, %c0_i32_0, %c0_i32_1, %c0_i32_2 : i32, i32, i32, i32
  }
  func.func @transform_19(%arg0: i32) -> (i32, i32) {
    %c0_i32 = arith.constant 0 : i32
    %c0_i32_0 = arith.constant 0 : i32
    %c0_i32_1 = arith.constant 0 : i32
    return %c0_i32, %c0_i32_0 : i32, i32
  }
  func.func @transform_20(%arg0: i32) -> (i32, i32) {
    %c0_i32 = arith.constant 0 : i32
    %c0_i32_0 = arith.constant 0 : i32
    %c0_i32_1 = arith.constant 0 : i32
    return %c0_i32, %c0_i32_0 : i32, i32
  }
  func.func @transform_21(%arg0: i32) -> (i32, i32, i32, i32) {
    %c0_i32 = arith.constant 0 : i32
    %c0_i32_0 = arith.constant 0 : i32
    %c0_i32_1 = arith.constant 0 : i32
    %c0_i32_2 = arith.constant 0 : i32
    %c0_i32_3 = arith.constant 0 : i32
    return %c0_i32, %c0_i32_0, %c0_i32_1, %c0_i32_2 : i32, i32, i32, i32
  }
  func.func @transform_22(%arg0: i32) -> (i32, i32) {
    %c0_i32 = arith.constant 0 : i32
    %c0_i32_0 = arith.constant 0 : i32
    %c0_i32_1 = arith.constant 0 : i32
    return %c0_i32, %c0_i32_0 : i32, i32
  }
  func.func @transform_23(%arg0: i32) -> (i32, i32, i32, i32) {
    %c0_i32 = arith.constant 0 : i32
    %c0_i32_0 = arith.constant 0 : i32
    %c0_i32_1 = arith.constant 0 : i32
    %c0_i32_2 = arith.constant 0 : i32
    %c0_i32_3 = arith.constant 0 : i32
    return %c0_i32, %c0_i32_0, %c0_i32_1, %c0_i32_2 : i32, i32, i32, i32
  }
  func.func @transform_24(%arg0: i32) -> (i32, i32) {
    %c0_i32 = arith.constant 0 : i32
    %c0_i32_0 = arith.constant 0 : i32
    %c0_i32_1 = arith.constant 0 : i32
    return %c0_i32, %c0_i32_0 : i32, i32
  }
  func.func @transform_25(%arg0: i32) -> (i32, i32, i32, i32) {
    %c0_i32 = arith.constant 0 : i32
    %c0_i32_0 = arith.constant 0 : i32
    %c0_i32_1 = arith.constant 0 : i32
    %c0_i32_2 = arith.constant 0 : i32
    %c0_i32_3 = arith.constant 0 : i32
    return %c0_i32, %c0_i32_0, %c0_i32_1, %c0_i32_2 : i32, i32, i32, i32
  }
  func.func @transform_26(%arg0: i32) -> (i32, i32) {
    %c0_i32 = arith.constant 0 : i32
    %c0_i32_0 = arith.constant 0 : i32
    %c0_i32_1 = arith.constant 0 : i32
    return %c0_i32, %c0_i32_0 : i32, i32
  }
  func.func @transform_27(%arg0: i32) -> (i32, i32) {
    %c0_i32 = arith.constant 0 : i32
    %c0_i32_0 = arith.constant 0 : i32
    %c0_i32_1 = arith.constant 0 : i32
    return %c0_i32, %c0_i32_0 : i32, i32
  }
  func.func @transform_28(%arg0: i32) -> (i32, i32, i32, i32) {
    %c0_i32 = arith.constant 0 : i32
    %c0_i32_0 = arith.constant 0 : i32
    %c0_i32_1 = arith.constant 0 : i32
    %c0_i32_2 = arith.constant 0 : i32
    %c0_i32_3 = arith.constant 0 : i32
    return %c0_i32, %c0_i32_0, %c0_i32_1, %c0_i32_2 : i32, i32, i32, i32
  }
  func.func @transform_29(%arg0: i32) -> (i32, i32) {
    %c0_i32 = arith.constant 0 : i32
    %c0_i32_0 = arith.constant 0 : i32
    %c0_i32_1 = arith.constant 0 : i32
    return %c0_i32, %c0_i32_0 : i32, i32
  }
  func.func @transform_30(%arg0: i32) -> (i32, i32) {
    %c0_i32 = arith.constant 0 : i32
    %c0_i32_0 = arith.constant 0 : i32
    %c0_i32_1 = arith.constant 0 : i32
    return %c0_i32, %c0_i32_0 : i32, i32
  }
  func.func @transform_31(%arg0: i32) -> (i32, i32, i32, i32) {
    %c0_i32 = arith.constant 0 : i32
    %c0_i32_0 = arith.constant 0 : i32
    %c0_i32_1 = arith.constant 0 : i32
    %c0_i32_2 = arith.constant 0 : i32
    %c0_i32_3 = arith.constant 0 : i32
    return %c0_i32, %c0_i32_0, %c0_i32_1, %c0_i32_2 : i32, i32, i32, i32
  }
  func.func @transform_32(%arg0: i32) -> (i32, i32, i32, i32) {
    %c0_i32 = arith.constant 0 : i32
    %c0_i32_0 = arith.constant 0 : i32
    %c0_i32_1 = arith.constant 0 : i32
    %c0_i32_2 = arith.constant 0 : i32
    %c0_i32_3 = arith.constant 0 : i32
    return %c0_i32, %c0_i32_0, %c0_i32_1, %c0_i32_2 : i32, i32, i32, i32
  }
  func.func @transform_33(%arg0: i32) -> (i32, i32) {
    %c0_i32 = arith.constant 0 : i32
    %c0_i32_0 = arith.constant 0 : i32
    %c0_i32_1 = arith.constant 0 : i32
    return %c0_i32, %c0_i32_0 : i32, i32
  }
  func.func @transform_34(%arg0: i32) -> (i32, i32) {
    %c0_i32 = arith.constant 0 : i32
    %c0_i32_0 = arith.constant 0 : i32
    %c0_i32_1 = arith.constant 0 : i32
    return %c0_i32, %c0_i32_0 : i32, i32
  }
  func.func @transform_35(%arg0: i32) -> (i32, i32, i32, i32) {
    %c0_i32 = arith.constant 0 : i32
    %c0_i32_0 = arith.constant 0 : i32
    %c0_i32_1 = arith.constant 0 : i32
    %c0_i32_2 = arith.constant 0 : i32
    %c0_i32_3 = arith.constant 0 : i32
    return %c0_i32, %c0_i32_0, %c0_i32_1, %c0_i32_2 : i32, i32, i32, i32
  }
  func.func @transform_36(%arg0: i32) -> (i32, i32) {
    %c0_i32 = arith.constant 0 : i32
    %c0_i32_0 = arith.constant 0 : i32
    %c0_i32_1 = arith.constant 0 : i32
    return %c0_i32, %c0_i32_0 : i32, i32
  }
  func.func @transform_37(%arg0: i32) -> (i32, i32, i32, i32) {
    %c0_i32 = arith.constant 0 : i32
    %c0_i32_0 = arith.constant 0 : i32
    %c0_i32_1 = arith.constant 0 : i32
    %c0_i32_2 = arith.constant 0 : i32
    %c0_i32_3 = arith.constant 0 : i32
    return %c0_i32, %c0_i32_0, %c0_i32_1, %c0_i32_2 : i32, i32, i32, i32
  }
  func.func @transform_38(%arg0: i32) -> (i32, i32) {
    %c0_i32 = arith.constant 0 : i32
    %c0_i32_0 = arith.constant 0 : i32
    %c0_i32_1 = arith.constant 0 : i32
    return %c0_i32, %c0_i32_0 : i32, i32
  }
  func.func @transform_39(%arg0: i32) -> (i32, i32, i32, i32) {
    %c0_i32 = arith.constant 0 : i32
    %c0_i32_0 = arith.constant 0 : i32
    %c0_i32_1 = arith.constant 0 : i32
    %c0_i32_2 = arith.constant 0 : i32
    %c0_i32_3 = arith.constant 0 : i32
    return %c0_i32, %c0_i32_0, %c0_i32_1, %c0_i32_2 : i32, i32, i32, i32
  }
  func.func @transform_40(%arg0: i32) -> (i32, i32) {
    %c0_i32 = arith.constant 0 : i32
    %c0_i32_0 = arith.constant 0 : i32
    %c0_i32_1 = arith.constant 0 : i32
    return %c0_i32, %c0_i32_0 : i32, i32
  }
  func.func @transform_41(%arg0: i32) -> (i32, i32, i32, i32) {
    %c0_i32 = arith.constant 0 : i32
    %c0_i32_0 = arith.constant 0 : i32
    %c0_i32_1 = arith.constant 0 : i32
    %c0_i32_2 = arith.constant 0 : i32
    %c0_i32_3 = arith.constant 0 : i32
    return %c0_i32, %c0_i32_0, %c0_i32_1, %c0_i32_2 : i32, i32, i32, i32
  }
  func.func @transform_42(%arg0: i32) -> (i32, i32) {
    %c0_i32 = arith.constant 0 : i32
    %c0_i32_0 = arith.constant 0 : i32
    %c0_i32_1 = arith.constant 0 : i32
    return %c0_i32, %c0_i32_0 : i32, i32
  }
  func.func @transform_43(%arg0: i32) -> (i32, i32, i32, i32) {
    %c0_i32 = arith.constant 0 : i32
    %c0_i32_0 = arith.constant 0 : i32
    %c0_i32_1 = arith.constant 0 : i32
    %c0_i32_2 = arith.constant 0 : i32
    %c0_i32_3 = arith.constant 0 : i32
    return %c0_i32, %c0_i32_0, %c0_i32_1, %c0_i32_2 : i32, i32, i32, i32
  }
  func.func @transform_44(%arg0: i32) -> (i32, i32) {
    %c0_i32 = arith.constant 0 : i32
    %c0_i32_0 = arith.constant 0 : i32
    %c0_i32_1 = arith.constant 0 : i32
    return %c0_i32, %c0_i32_0 : i32, i32
  }
  func.func @transform_45(%arg0: i32) -> (i32, i32) {
    %c0_i32 = arith.constant 0 : i32
    %c0_i32_0 = arith.constant 0 : i32
    %c0_i32_1 = arith.constant 0 : i32
    return %c0_i32, %c0_i32_0 : i32, i32
  }
  func.func @transform_46(%arg0: i32) -> (i32, i32, i32, i32) {
    %c0_i32 = arith.constant 0 : i32
    %c0_i32_0 = arith.constant 0 : i32
    %c0_i32_1 = arith.constant 0 : i32
    %c0_i32_2 = arith.constant 0 : i32
    %c0_i32_3 = arith.constant 0 : i32
    return %c0_i32, %c0_i32_0, %c0_i32_1, %c0_i32_2 : i32, i32, i32, i32
  }
  func.func @transform_47(%arg0: i32) -> (i32, i32) {
    %c0_i32 = arith.constant 0 : i32
    %c0_i32_0 = arith.constant 0 : i32
    %c0_i32_1 = arith.constant 0 : i32
    return %c0_i32, %c0_i32_0 : i32, i32
  }
  func.func @transform_48(%arg0: i32) -> (i32, i32) {
    %c0_i32 = arith.constant 0 : i32
    %c0_i32_0 = arith.constant 0 : i32
    %c0_i32_1 = arith.constant 0 : i32
    return %c0_i32, %c0_i32_0 : i32, i32
  }
  func.func @transform_49(%arg0: i32) -> (i32, i32, i32, i32) {
    %c0_i32 = arith.constant 0 : i32
    %c0_i32_0 = arith.constant 0 : i32
    %c0_i32_1 = arith.constant 0 : i32
    %c0_i32_2 = arith.constant 0 : i32
    %c0_i32_3 = arith.constant 0 : i32
    return %c0_i32, %c0_i32_0, %c0_i32_1, %c0_i32_2 : i32, i32, i32, i32
  }
  func.func @transform_50(%arg0: i32) -> (i32, i32) {
    %c0_i32 = arith.constant 0 : i32
    %c0_i32_0 = arith.constant 0 : i32
    %c0_i32_1 = arith.constant 0 : i32
    return %c0_i32, %c0_i32_0 : i32, i32
  }
  func.func @transform_51(%arg0: i32) -> (i32, i32, i32, i32) {
    %c0_i32 = arith.constant 0 : i32
    %c0_i32_0 = arith.constant 0 : i32
    %c0_i32_1 = arith.constant 0 : i32
    %c0_i32_2 = arith.constant 0 : i32
    %c0_i32_3 = arith.constant 0 : i32
    return %c0_i32, %c0_i32_0, %c0_i32_1, %c0_i32_2 : i32, i32, i32, i32
  }
  func.func @transform_52(%arg0: i32) -> (i32, i32) {
    %c0_i32 = arith.constant 0 : i32
    %c0_i32_0 = arith.constant 0 : i32
    %c0_i32_1 = arith.constant 0 : i32
    return %c0_i32, %c0_i32_0 : i32, i32
  }
  func.func @transform_53(%arg0: i32) -> (i32, i32, i32, i32) {
    %c0_i32 = arith.constant 0 : i32
    %c0_i32_0 = arith.constant 0 : i32
    %c0_i32_1 = arith.constant 0 : i32
    %c0_i32_2 = arith.constant 0 : i32
    %c0_i32_3 = arith.constant 0 : i32
    return %c0_i32, %c0_i32_0, %c0_i32_1, %c0_i32_2 : i32, i32, i32, i32
  }
  func.func @transform_54(%arg0: i32) -> (i32, i32) {
    %c0_i32 = arith.constant 0 : i32
    %c0_i32_0 = arith.constant 0 : i32
    %c0_i32_1 = arith.constant 0 : i32
    return %c0_i32, %c0_i32_0 : i32, i32
  }
  func.func @transform_55(%arg0: i32) -> (i32, i32) {
    %c0_i32 = arith.constant 0 : i32
    %c0_i32_0 = arith.constant 0 : i32
    %c0_i32_1 = arith.constant 0 : i32
    return %c0_i32, %c0_i32_0 : i32, i32
  }
  func.func @transform_56(%arg0: i32) -> (i32, i32, i32, i32) {
    %c0_i32 = arith.constant 0 : i32
    %c0_i32_0 = arith.constant 0 : i32
    %c0_i32_1 = arith.constant 0 : i32
    %c0_i32_2 = arith.constant 0 : i32
    %c0_i32_3 = arith.constant 0 : i32
    return %c0_i32, %c0_i32_0, %c0_i32_1, %c0_i32_2 : i32, i32, i32, i32
  }
  func.func @transform_57(%arg0: i32) -> (i32, i32) {
    %c0_i32 = arith.constant 0 : i32
    %c0_i32_0 = arith.constant 0 : i32
    %c0_i32_1 = arith.constant 0 : i32
    return %c0_i32, %c0_i32_0 : i32, i32
  }
  func.func @transform_58(%arg0: i32) -> (i32, i32, i32, i32) {
    %c0_i32 = arith.constant 0 : i32
    %c0_i32_0 = arith.constant 0 : i32
    %c0_i32_1 = arith.constant 0 : i32
    %c0_i32_2 = arith.constant 0 : i32
    %c0_i32_3 = arith.constant 0 : i32
    return %c0_i32, %c0_i32_0, %c0_i32_1, %c0_i32_2 : i32, i32, i32, i32
  }
  func.func @transform_59(%arg0: i32) -> (i32, i32) {
    %c0_i32 = arith.constant 0 : i32
    %c0_i32_0 = arith.constant 0 : i32
    %c0_i32_1 = arith.constant 0 : i32
    return %c0_i32, %c0_i32_0 : i32, i32
  }
  func.func @transform_60(%arg0: i32) -> (i32, i32, i32, i32) {
    %c0_i32 = arith.constant 0 : i32
    %c0_i32_0 = arith.constant 0 : i32
    %c0_i32_1 = arith.constant 0 : i32
    %c0_i32_2 = arith.constant 0 : i32
    %c0_i32_3 = arith.constant 0 : i32
    return %c0_i32, %c0_i32_0, %c0_i32_1, %c0_i32_2 : i32, i32, i32, i32
  }
  func.func @transform_61(%arg0: i32) -> (i32, i32) {
    %c0_i32 = arith.constant 0 : i32
    %c0_i32_0 = arith.constant 0 : i32
    %c0_i32_1 = arith.constant 0 : i32
    return %c0_i32, %c0_i32_0 : i32, i32
  }
  func.func @transform_62(%arg0: i32) -> (i32, i32, i32) {
    %c0_i32 = arith.constant 0 : i32
    %c0_i32_0 = arith.constant 0 : i32
    %c0_i32_1 = arith.constant 0 : i32
    return %arg0, %c0_i32, %c0_i32_0 : i32, i32, i32
  }
}

</mosaic_0001>

<sc_bundles>
// kernel: kernel.4.cloned.1.call-start
scs
__scs_entry_jumppad:
0x0: {  	(pc) =	sbr.rel $0x88, $3  }
0x1: {  	(tag) =	ssettag $0x0;
	lr =	simm.s32 $0x1  }
0x2: {  	[smem:$0x3F64] =	sst lr;
	_ =	strace $0xD0000000  }
0x3: {  	_ = 	snop  }
0x4: {  	_ = 	snop  }
0x5: {  	_ = 	snop  }
0x6: {  	_ = 	snop  }
0x7: {  	_ = 	snop  }
__scs_overlays_trampoline_lowered:
0x8: {  	[smem:$0x3F73] =	sst s0  }
0x9: {  	[smem:$0x3F74] =	sst s1  }
0xa: {  	[smem:$0x3F75] =	sst s2  }
0xb: {  	[smem:$0x3F76] =	sst s3  }
0xc: {  	[smem:$0x3F77] =	sst s4  }
0xd: {  	[smem:$0x3F78] =	sst s5  }
0xe: {  	[smem:$0x3F79] =	sst s6  }
0xf: {  	[smem:$0x3F7A] =	sst s7  }
0x10: {  	[smem:$0x3F7B] =	sst s8  }
0x11: {  	[smem:$0x3F7C] =	sst s9;
	s0 =	simm.s32 @!p0 $0x0  }
0x12: {  	s1 =	sld [smem:$0x3F62];
	s0 =	simm.s32 @p0 $0x1  }
0x13: {  	[smem:$0x3F7D] =	sst s0;
	s0 =	simm.s32 @!p1 $0x0  }
0x14: {  	s2 =	sld [smem:$0x3F61];
	s0 =	simm.s32 @p1 $0x1  }
0x15: {  	[smem:$0x3F7E] =	sst s0;
	s0 =	simm.s32 @!p2 $0x0  }
0x16: {  	s3 =	sld [smem:$0x3FDB];
	s0 =	simm.s32 @p2 $0x1  }
0x17: {  	s4 =	simm.s32 $0x1BF5;
	[smem:$0x3F80] =	sst s0  }
0x18: {  	s0 =	sld [smem:$0x3F63];
	_ =	swait.ge [sflag:s4], $0x0  }
0x19: {  	s7 =	sld [smem:$0x3F64]  }
0x1a: {  	s8 =	sadd.s32 $0xFFFFE003, lr  }
0x1b: {  	s9 =	sadd.s32 $0xFFFFFEF7, lr;
	s5 =	simm.s32 $0xFFFFFFFF;
	p2 =	slt.u32 s8, $0xFFFFF086  }
0x1c: {  	p1 =	slt.u32 s9, $0xF7A;
	s5 =	simm.s32 @!p2 $0x0  }
0x1d: {  	s5 =	simm.s32 @p1 $0x1;
	p0 =	seq.s32 s7, s2  }
0x1e: {  	s7 =	smul.u32 @!p0 $0xF7A, s2;
	p2 =	seq.s32 @!p0 s5, $0x0  }
0x1f: {  	s9 =	smul.u32 $0xF7A, s1;
	s8 =	simm.s32 @!p0 $0x1BF5;
	p2 =	por !p2, p0  }
0x20: {  	[sflag:s8] =	ssyncset.s32 @!p0 $0xFFFFF086;
	s6 =	sadd.s32 @!p0 s3, s7;
	s7 =	simm.s32 @!p0 $0x108  }
0x21: {  	s3 =	sadd.s32 s3, s9;
	s6 =	sadd.s32 @!p0 $0x88, s6;
	s7 =	simm.s32 @p2 $0x1082  }
0x22: {  	[simem:s7], [sflag:s8] =	dma.local @!p0 [hbm:s6], $0xF7A  }
0x23: {  	s9 =	sor.u32 $0xD0000000, s2;
	s6 =	simm.s32 $0x108;
	_ =	swait.ge @!p0 [sflag:s8], $0x0  }
0x24: {  	s3 =	sadd.s32 $0x88, s3;
	s6 =	simm.s32 @!p1 $0x1082;
	[sflag:s4] =	ssyncset.s32 $0xFFFFF086  }
0x25: {  	[simem:s6], [sflag:s4] =	dma.local [hbm:s3], $0xF7A  }
0x26: {  	[smem:$0x3F64] =	sst s1;
	(tag) =	ssettag s2;
	_ =	strace s9  }
0x27: {  	s1 =	sld [smem:$0x3F74]  }
0x28: {  	s2 =	sld [smem:$0x3F75]  }
0x29: {  	s4 =	sld [smem:$0x3F77]  }
0x2a: {  	p0 =	seq.s32 s5, $0x0;
	s5 =	sld [smem:$0x3F78]  }
0x2b: {  	s6 =	sld [smem:$0x3F79]  }
0x2c: {  	s7 =	sld [smem:$0x3F7A]  }
0x2d: {  	s3 =	simm.s32 $0x108;
	s8 =	sld [smem:$0x3F7B]  }
0x2e: {  	s3 =	simm.s32 @!p0 $0x1082;
	s9 =	sld [smem:$0x3F7C]  }
0x2f: {  	lr =	sadd.s32 s0, s3;
	s0 =	sld [smem:$0x3F73]  }
0x30: {  	s3 =	sld [smem:$0x3F76]  }
0x31: {  	[smem:$0x3F7F] =	sst s10  }
0x32: {  	s10 =	sld [smem:$0x3F7D];
	_ =	sdelay $0x3  }
0x33: {  	p0 =	seq.s32 s10, $0x1;
	s10 =	sld [smem:$0x3F7F];
	_ =	sdelay $0x3  }
0x34: {  	[smem:$0x3F7F] =	sst s10  }
0x35: {  	s10 =	sld [smem:$0x3F7E];
	_ =	sdelay $0x3  }
0x36: {  	p1 =	seq.s32 s10, $0x1;
	s10 =	sld [smem:$0x3F7F];
	_ =	sdelay $0x3  }
0x37: {  	[smem:$0x3F7F] =	sst s10  }
0x38: {  	s10 =	sld [smem:$0x3F80]  }
0x39: {  	_ = 	snop;
	(pc) =	sbr.ind lr, $3  }
0x3a: {  	_ = 	snop  }
0x3b: {  	_ = 	snop  }
0x3c: {  	p2 =	seq.s32 s10, $0x1;
	s10 =	sld [smem:$0x3F7F]  }
0x3d: {  	_ =	shalt  }
0x3e: {  	_ =	shalt  }
0x3f: {  	_ =	shalt  }
0x40: {  	_ =	shalt  }
0x41: {  	_ =	shalt  }
0x42: {  	_ =	shalt  }
0x43: {  	_ =	shalt  }
0x44: {  	_ =	shalt  }
0x45: {  	_ =	shalt  }
0x46: {  	_ =	shalt  }
0x47: {  	_ =	shalt  }
0x48: {  	_ =	shalt  }
0x49: {  	_ =	shalt  }
0x4a: {  	_ =	shalt  }
0x4b: {  	_ =	shalt  }
0x4c: {  	_ =	shalt  }
0x4d: {  	_ =	shalt  }
0x4e: {  	_ =	shalt  }
0x4f: {  	_ =	shalt  }
0x50: {  	_ =	shalt  }
0x51: {  	_ =	shalt  }
0x52: {  	_ =	shalt  }
0x53: {  	_ =	shalt  }
0x54: {  	_ =	shalt  }
0x55: {  	_ =	shalt  }
0x56: {  	_ =	shalt  }
0x57: {  	_ =	shalt  }
0x58: {  	_ =	shalt  }
0x59: {  	_ =	shalt  }
0x5a: {  	_ =	shalt  }
0x5b: {  	_ =	shalt  }
0x5c: {  	_ =	shalt  }
0x5d: {  	_ =	shalt  }
0x5e: {  	_ =	shalt  }
0x5f: {  	_ =	shalt  }
0x60: {  	_ =	shalt  }
0x61: {  	_ =	shalt  }
0x62: {  	_ =	shalt  }
0x63: {  	_ =	shalt  }
0x64: {  	_ =	shalt  }
0x65: {  	_ =	shalt  }
0x66: {  	_ =	shalt  }
0x67: {  	_ =	shalt  }
0x68: {  	_ =	shalt  }
0x69: {  	_ =	shalt  }
0x6a: {  	_ =	shalt  }
0x6b: {  	_ =	shalt  }
0x6c: {  	_ =	shalt  }
0x6d: {  	_ =	shalt  }
0x6e: {  	_ =	shalt  }
0x6f: {  	_ =	shalt  }
0x70: {  	_ =	shalt  }
0x71: {  	_ =	shalt  }
0x72: {  	_ =	shalt  }
0x73: {  	_ =	shalt  }
0x74: {  	_ =	shalt  }
0x75: {  	_ =	shalt  }
0x76: {  	_ =	shalt  }
0x77: {  	_ =	shalt  }
0x78: {  	_ =	shalt  }
0x79: {  	_ =	shalt  }
0x7a: {  	_ =	shalt  }
0x7b: {  	_ =	shalt  }
0x7c: {  	_ =	shalt  }
0x7d: {  	_ =	shalt  }
0x7e: {  	_ =	shalt  }
0x7f: {  	_ =	shalt  }
0x80: {  	_ =	shalt  }
0x81: {  	_ =	shalt  }
0x82: {  	_ =	shalt  }
0x83: {  	_ =	shalt  }
0x84: {  	_ =	shalt  }
0x85: {  	_ =	shalt  }
0x86: {  	_ =	shalt  }
0x87: {  	_ =	shalt  }
.Lfunc_end0:
.L_simem_size_0:
called_computation_lowered:
.L_overlay_start_0:
0x88: {  	s2 =	sld [smem:$0x3FD9]  }
0x89: {  	s3 =	sld [smem:$0x3FFE];
	_ =	sdelay $0x1  }
0x8a: {  	s1 =	srdreg.scid  }
0x8b: {  	s0 =	sand.u32 $0x1, s1  }
0x8c: {  	s17 =	sshll.u32 s0, $0xA;
	s2 =	sadd.s32 s3, s2  }
0x8d: {  	s2 =	sadd.s32 s2, s17  }
0x8e: {  	[smem:$0x3F8B] =	sst s2  }
0x8f: {  	_ = 	snop  }
0x90: {  	s2 =	sld [smem:$0x3FD0];
	(tm) =	ssettm $0x1  }
0x91: {  	s18 =	sld [smem:$0x3FFB];
	_ =	sdelay $0x3  }
0x92: {  	_ =	strace s18  }
0x93: {  	s3 =	sld [smem:$0x3FFC];
	_ =	sdelay $0x3  }
0x94: {  	_ =	strace s3  }
0x95: {  	s3 =	sld [smem:$0x3FFD];
	_ =	sdelay $0x3  }
0x96: {  	_ =	strace s3  }
0x97: {  	_ =	strace $0x8FFFFFFF  }
0x98: {  	s19 =	sld [smem:$0x3FDB];
	_ =	sdelay $0x1  }
0x99: {  	s4 =	simm.s32 $_scs_section_size  }
0x9a: {  	s5 =	simm.s32 $_size__tile_overlayer_lowered;
	s6 =	simm.s32 $_tile_overlayer_lowered  }
0x9b: {  	s22 =	simm.s32 $0x1BFF;
	s21 =	sshll.u32 s6, $0x1;
	s3 =	sadd.s32 s4, s19  }
0x9c: {  	s7 =	simm.s32 $0x0;
	s20 =	sshll.u32 s5, $0x1;
	s5 =	sadd.s32 s21, s3  }
0x9d: {  	[timem:s7], [sflag:s22] =	dma.local [hbm:s5], s20  }
0x9e: {  	_ =	swait.ge [sflag:s22], s20  }
0x9f: {  	s4 =	ssub.s32 $0x0, s20;
	[sflag:s22] =	ssyncset.done $0x0  }
0xa0: {  	[sflag:s22] =	ssyncadd.s32 s4;
	_ =	sdelay $0x1  }
0xa1: {  	s23 =	simm.s32 $0x1B8B  }
0xa2: {  	_ =	swait.ge [sflag:s23], $0x1  }
0xa3: {  	[sflag:s23] =	ssyncset.done $0x0  }
0xa4: {  	s25 =	simm.s32 $0x1B8E;
	s24 =	sld [smem:$0x3FFE];
	[sflag:s23] =	ssyncadd.s32 $0xFFFFFFFF  }
0xa5: {  	s26 =	simm.s32 $execute0_lowered;
	[smem:$0x3FD2] =	sst s25  }
0xa6: {  	s5 =	sshll.u32 s26, $0x1;
	_ =	strace $0x80000046;
	[dreg:$0x1] =	wrdreg $0xFFFFFFFF  }
0xa7: {  	s28 =	simm.s32 $_size_execute0_lowered;
	s3 =	sadd.s32 s3, s5;
	[dreg:$0x0] =	wrdreg $0x0  }
0xa8: {  	s5 =	sshll.u32 s28, $0x1;
	[dreg:$0x2] =	wrdreg s3  }
0xa9: {  	[dreg:$0x3] =	wrdreg s5  }
0xaa: {  	[dreg:$0x4] =	wrdreg $0xC0  }
0xab: {  	_ =	task [dreg:s7], $0x5FFFF  }
0xac: {  	[dreg:$0x1] =	wrdreg $0xFFFFFFFF  }
0xad: {  	[dreg:$0x0] =	wrdreg $0x60  }
0xae: {  	[dreg:$0x2] =	wrdreg s2  }
0xaf: {  	[dreg:$0x3] =	wrdreg s24  }
0xb0: {  	[dreg:$0x4] =	wrdreg $0x9  }
0xb1: {  	_ =	task.clear_ibuf [dreg:s7], $0x5FFFF;
	_ =	strace $0x90000046  }
0xb2: {  	s29 =	simm.s32 $0x9;
	_ =	strace $0x80000048  }
0xb3: {  	_ =	swait.ge [sflag:s29], $0x1  }
0xb4: {  	[sflag:s29] =	ssyncadd.s32 $0xFFFFFFFF  }
0xb5: {  	_ =	strace $0x90000048  }
0xb6: {  	_ =	sfence  }
0xb7: {  	s30 =	sld [smem:$0x0];
	_ =	sdelay $0x2  }
0xb8: {  	s31 =	sshll.u32 s1, $0xD;
	s1 =	sshrl.u32 s1, $0x2  }
0xb9: {  	s3 =	sand.u32 $0x4000, s31;
	s1 =	sadd.s32 s1, s30  }
0xba: {  	s0 =	sor.u32 s3, s0;
	s1 =	sshll.u32 s1, $0x11  }
0xbb: {  	s0 =	sor.u32 s1, s0  }
0xbc: {  	s0 =	sadd.s32 $0x8F2B, s0  }
0xbd: {  	[sflag:s0] =	ssyncadd.remote.s32 $0x1  }
0xbe: {  	_ =	sfence.sel $0xFFFF  }
0xbf: {  	[dreg:$0x0] =	wrdreg $0xFFFFFFFF;
	(pc) =	sbr.abs _section_cstart, $3  }
0xc0: {  	[dreg:$0x1] =	wrdreg $0xFFFFFFFF  }
0xc1: {  	_ =	task.clear_ibuf [dreg:s7], $0x2FFFF;
	_ =	strace $0x9FFFFFFF  }
0xc2: {  	(tm) =	ssettm $0x7FFFFFFF  }
0xc3: {  	_ =	shalt  }
tec
execute0_lowered:
.L_overlay_start_1:
0x0: {  	(tag) =	ssettag $0x1  }
0x1: {  	s1 =	srdreg.scid  }
0x2: {  	s1 =	sand.u32 $0x1, s1  }
0x3: {  	p0 =	seq.s32 s1, $0x1  }
.Ltmp0:
0x4: {  	_ = 	snop;
	(pc) =	sbr.rel @p0 .LBB2_2-.Ltmp0, $4  }
0x5: {  	s4 =	rddreg [dreg:$0x0]  }
0x6: {  	s3 =	rddreg [dreg:$0x1];
	s2 =	simm.s32 $0x0  }
0x7: {  	[smem:$0x7FF] =	sst s2  }
0x8: {  	s0 =	rddreg [dreg:$0x2];
	_ =	strace $0x80000047;
	s1 =	stileid.u32  }
0x9: {  	s5 =	sshll.u32 s1, $0x4  }
0xa: {  	s28 =	simm.s32 $0x1;
	s4 =	sadd.s32 s4, s5  }
0xb: {  	[tilespmem:s2], [sflag:$0x1] =	stream.linear.gather [hbm4b:s4+s2], $0x80, $0x38;
	[tilespmem:$0x100] =	vst v63  }
0xc: {  	_ =	swait.ge [sflag:s28], $0x80  }
0xd: {  	[sflag:s28] =	ssyncset.done $0x0  }
0xe: {  	[sflag:s28] =	ssyncadd.s32 $0xFFFFFF80  }
0xf: {  	v0 =	vld [tilespmem:$0x0];
	_ =	sdelay $0x4  }
0x10: {  	(v2sf) =	vpush v0, $0x0  }
0x11: {  	(v2sf) =	vpush v0, $0x1;
	_ =	sdelay $0x2  }
0x12: {  	(v2sf) =	vpush v0, $0x2;
	_ =	sdelay $0x2  }
0x13: {  	(v2sf) =	vpush v0, $0x3;
	_ =	sdelay $0x2  }
0x14: {  	(v2sf) =	vpush v0, $0x4;
	_ =	sdelay $0x2  }
0x15: {  	(v2sf) =	vpush v0, $0x5;
	_ =	sdelay $0x1  }
0x16: {  	s6 =	spop (v2sf)  }
0x17: {  	(v2sf) =	vpush v0, $0x6;
	s9 =	spop (v2sf)  }
0x18: {  	p0 =	sgt.f32 s9, s6  }
0x19: {  	s8 =	smov.u32 s6  }
0x1a: {  	(v2sf) =	vpush v0, $0x7;
	s10 =	spop (v2sf);
	s8 =	smov.u32 @p0 s9  }
0x1b: {  	p1 =	sgt.f32 s10, s8;
	_ =	sdelay $0x1  }
0x1c: {  	s11 =	spop (v2sf);
	s8 =	smov.u32 @p1 s10  }
0x1d: {  	p2 =	sgt.f32 s11, s8;
	_ =	sdelay $0x1  }
0x1e: {  	s12 =	spop (v2sf);
	s8 =	smov.u32 @p2 s11  }
0x1f: {  	p3 =	sgt.f32 s12, s8;
	_ =	sdelay $0x1  }
0x20: {  	s13 =	spop (v2sf);
	s8 =	smov.u32 @p3 s12  }
0x21: {  	p4 =	sgt.f32 s13, s8  }
0x22: {  	s7 =	simm.s32 $0x1  }
0x23: {  	s7 =	simm.s32 @!p0 $0x0;
	s14 =	spop (v2sf);
	s8 =	smov.u32 @p4 s13  }
0x24: {  	s7 =	simm.s32 @p1 $0x2;
	p0 =	sgt.f32 s14, s8  }
0x25: {  	s7 =	simm.s32 @p2 $0x3  }
0x26: {  	s7 =	simm.s32 @p3 $0x4;
	s15 =	spop (v2sf);
	s8 =	smov.u32 @p0 s14  }
0x27: {  	s7 =	simm.s32 @p4 $0x5;
	p1 =	sgt.f32 s15, s8  }
0x28: {  	s7 =	simm.s32 @p0 $0x6  }
0x29: {  	s7 =	simm.s32 @p1 $0x7  }
0x2a: {  	p0 =	sgt.f32 s6, $-1.000000020e+30;
	p2 =	sne.s32 s7, $0x0  }
0x2b: {  	s6 =	simm.s32 @!p2 $0xF149F2CA  }
0x2c: {  	s6 =	simm.s32 @!p0 $0xF149F2CA  }
0x2d: {  	p0 =	sgt.f32 s9, s6  }
0x2e: {  	p5 =	sne.s32 s7, $0x1  }
0x2f: {  	p0 =	por !p5, !p0  }
0x30: {  	p0 =	por !p0, !p0  }
0x31: {  	s16 =	simm.s32 @!p0 $0x0;
	s6 =	smov.u32 @p0 s9  }
0x32: {  	s16 =	simm.s32 @p0 $0x1;
	p0 =	sgt.f32 s10, s6  }
0x33: {  	p6 =	sne.s32 s7, $0x2  }
0x34: {  	p0 =	por !p6, !p0  }
0x35: {  	p0 =	por !p0, !p0  }
0x36: {  	s9 =	simm.s32 @!p0 $0x0;
	s6 =	smov.u32 @p0 s10  }
0x37: {  	s9 =	simm.s32 @p0 $0x1;
	p0 =	sgt.f32 s11, s6  }
0x38: {  	p2 =	sne.s32 s7, $0x3  }
0x39: {  	p0 =	por !p2, !p0  }
0x3a: {  	p3 =	por !p0, !p0  }
0x3b: {  	s6 =	smov.u32 @p3 s11  }
0x3c: {  	p4 =	sgt.f32 s12, s6  }
0x3d: {  	p5 =	sne.s32 s7, $0x4  }
0x3e: {  	p0 =	por !p5, !p4  }
0x3f: {  	p4 =	por !p0, !p0  }
0x40: {  	s6 =	smov.u32 @p4 s12  }
0x41: {  	p6 =	sgt.f32 s13, s6  }
0x42: {  	p5 =	sne.s32 s7, $0x5  }
0x43: {  	p0 =	por !p5, !p6  }
0x44: {  	p5 =	por !p0, !p0  }
0x45: {  	s6 =	smov.u32 @p5 s13  }
0x46: {  	p2 =	sgt.f32 s14, s6  }
0x47: {  	p6 =	sne.s32 s7, $0x6  }
0x48: {  	p0 =	por !p6, !p2  }
0x49: {  	p6 =	por !p0, !p0  }
0x4a: {  	s6 =	smov.u32 @p6 s14  }
0x4b: {  	p0 =	sgt.f32 s15, s6  }
0x4c: {  	p2 =	por !p1, !p1  }
0x4d: {  	p0 =	por !p2, !p0  }
0x4e: {  	p0 =	por !p0, !p0  }
0x4f: {  	s8 =	smov.u32 @p1 s15;
	s6 =	smov.u32 @p0 s15  }
0x50: {  	s6 =	ssub.f32 s6, s8;
	_ =	sdelay $0x1  }
0x51: {  	v63 =	vmov s6  }
0x52: {  	v0 =	vmul.f32 $1.442695020e+00, v63;
	_ =	sdelay $0x1  }
0x53: {  	v0 =	vbroadcast v0, $0x0;
	_ =	sdelay $0x1  }
0x54: {  	(erf) = vpow2.f32 v0;
	_ =	sdelay $0x8  }
0x55: {  	[smem:$0x7FC] =	sst s16;
	v0 =	vpop (erf)  }
0x56: {  	s29 =	sld [smem:$0x7FC];
	v0 =	vadd.f32 $1.000000000e+00, v0  }
0x57: {  	[smem:$0x7FD] =	sst s9  }
0x58: {  	s30 =	sld [smem:$0x7FD];
	(erf) = vrcp.f32 v0;
	_ =	sdelay $0x1  }
0x59: {  	p1 =	seq.s32 s29, $0x1;
	s6 =	simm.s32 $0x1  }
0x5a: {  	s6 =	simm.s32 @!p1 $0x0;
	p1 =	seq.s32 s30, $0x1  }
0x5b: {  	s6 =	simm.s32 @p1 $0x2  }
0x5c: {  	s6 =	simm.s32 @p3 $0x3  }
0x5d: {  	s6 =	simm.s32 @p4 $0x4  }
0x5e: {  	s6 =	simm.s32 @p5 $0x5  }
0x5f: {  	s6 =	simm.s32 @p6 $0x6  }
0x60: {  	v3 =	vlaneseq.u32;
	s6 =	simm.s32 @p0 $0x7;
	v0 =	vpop (erf)  }
0x61: {  	v2 =	vmov s7;
	v4 =	vmov s6;
	v1 =	vsub.f32 $1.000000000e+00, v0  }
0x62: {  	vm0 =	veq.s32 v2, v3;
	vm1 =	veq.s32 v4, v3  }
0x63: {  	v0 =	vnsel vm0, $0x0, v0;
	v1 =	vnsel vm1, $0x0, v1  }
0x64: {  	v0 =	vadd.f32 v1, v0  }
0x65: {  	s3 =	sadd.s32 $0x9000, s3  }
0x66: {  	s31 =	simm.s32 $0x80;
	s3 =	sadd.s32 s3, s5;
	[tilespmem:$0x80] =	vst v0  }
0x67: {  	[hbm4b:s3+s2] =	stream.linear.scatter [tilespmem:s31], [sflag:$0x1], $0x80, $0x38;
	[tilespmem:$0x100] =	vst v63  }
0x68: {  	_ =	swait.ge [sflag:s28], $0x80  }
0x69: {  	[sflag:s28] =	ssyncset.done $0x0  }
0x6a: {  	[sflag:s28] =	ssyncadd.s32 $0xFFFFFF80  }
.LBB2_2:
0x6b: {  	_ =	sfence.sel $0x180000  }
0x6c: {  	[bflag:$0x0] =	sbarrier.arrive $0xFFFF  }
0x6d: {  	p0 =	sne.s32 s1, $0x0;
	_ =	strace $0x90000047  }
0x6e: {  	s0 =	sadd.s32 @!p0 $0x100000, s0;
	[bflag:$0x2] =	sbarrier.arrive $0xFFFF  }
0x6f: {  	[sflag:s0] =	ssyncadd.tile.s32 @!p0 $0x1;
	_ =	shalt  }
.Lfunc_end2:
_tile_overlayer_lowered:
.L_overlay_start_2:
0x70: {  	(tag) =	ssettag $0x2  }
0x71: {  	s0 =	rddreg [dreg:$0x0];
	s2 =	stileid.u32  }
0x72: {  	s1 =	rddreg [dreg:$0x1];
	p0 =	sne.s32 s2, $0x0  }
0x73: {  	s3 =	rddreg [dreg:$0x2];
	[bflag:$0x3] =	sbarrier.arrive $0xFFFF;
	s2 =	simm.s32 @!p0 $0x1C01  }
0x74: {  	[timem:s3], [sflag:s2] =	dma.local @!p0 [hbm:s0], s1  }
0x75: {  	s0 =	simm.s32 @!p0 $0x1  }
0x76: {  	_ =	swait.ge @!p0 [sflag:s0], s1  }
0x77: {  	s1 =	ssub.s32 @!p0 $0x0, s1;
	[sflag:s0] =	ssyncset.done @!p0 $0x0  }
0x78: {  	[sflag:s0] =	ssyncadd.s32 @!p0 s1  }
0x79: {  	[bflag:$0x3] =	sbarrier.arrive $0xFFFF  }
0x7a: {  	_ =	shalt  }

</sc_bundles>
